<compile_context>
chip_gen: v7x
topology: tpu7x:2x2x1
jax: 0.10.2.dev20260603
libtpu: 0.0.44.dev20260713+nightly
codegen_flags: <defaults>
</compile_context>

<pallas_src>
import functools

import jax
import jax.numpy as jnp
from jax import lax
from jax.experimental import pallas as pl
from jax.experimental.pallas import tpu as pltpu
from jax.experimental.pallas import tpu_sc as plsc

N = 10000
E = 320000
D = 128

NC = 2
NS = 16
NW = NC * NS

E_PER_TILE = E // NW
CHUNK = 125
NCHUNK = E_PER_TILE // CHUNK
N_PAD = 10240
ROWS_PER_TILE = N_PAD // NS
W = 8
NWIN = NCHUNK // W


def _sc_agg(h, ei4, zeros_tile):
  mesh = plsc.VectorSubcoreMesh(
      core_axis_name="c", subcore_axis_name="s", num_cores=NC, num_subcores=NS)

  @functools.partial(
      pl.kernel,
      out_type=jax.ShapeDtypeStruct((NC, N_PAD, D), jnp.float32),
      mesh=mesh,
      scratch_types=[
          pltpu.VMEM((NCHUNK, CHUNK), jnp.int32),
          [pltpu.VMEM((W, CHUNK), jnp.int32) for _ in range(2)],
          [pltpu.VMEM((CHUNK, D), jnp.float32) for _ in range(2)],
          pltpu.VMEM_SHARED((N_PAD, D), jnp.float32),
          [pltpu.SemaphoreType.DMA for _ in range(2)],
          [pltpu.SemaphoreType.DMA for _ in range(2)],
      ],
  )
  def k(h_hbm, ei_hbm, z_hbm, out_hbm, src_v, dws, bufs, agg_s,
        dsems, gsems):
    c = lax.axis_index("c")
    s = lax.axis_index("s")
    wid = s * NC + c

    def fetch_dst(w, slot):
      pltpu.async_copy(
          ei_hbm.at[1, wid, pl.ds(w * W, W)], dws[slot], dsems[slot])

    def fire_gather(j, b):
      pltpu.async_copy(h_hbm.at[src_v.at[j]], bufs[b], gsems[b])

    pltpu.sync_copy(ei_hbm.at[0, wid], src_v)
    fetch_dst(0, 0)
    fire_gather(0, 0)
    fire_gather(1, 1)
    pltpu.sync_copy(z_hbm, agg_s.at[pl.ds(s * ROWS_PER_TILE, ROWS_PER_TILE)])
    plsc.subcore_barrier()

    def process_window(w, slot, fire_ks, drain=False):
      pltpu.make_async_copy(
          ei_hbm.at[1, wid, pl.ds(0, W)], dws[slot], dsems[slot]).wait()
      for k_ in range(W):
        j = w * W + k_
        b = k_ % 2
        pltpu.make_async_copy(
            h_hbm.at[src_v.at[j]], bufs[b], gsems[b]).wait()
        if drain and k_ not in fire_ks:
          pltpu.async_copy(bufs[b], agg_s.at[dws[slot].at[k_]],
                           dsems[slot], add=True)
        else:
          pltpu.sync_copy(bufs[b], agg_s.at[dws[slot].at[k_]], add=True)
        if k_ in fire_ks:
          fire_gather(j + 2, b)
      if drain:
        for k_ in range(fire_ks[-1] + 1, W):
          b = k_ % 2
          pltpu.make_async_copy(
              bufs[b], agg_s.at[dws[slot].at[k_]], dsems[slot]).wait()

    ALL = tuple(range(W))

    def body2(t, _):
      fetch_dst(2 * t + 1, 1)
      process_window(2 * t, 0, ALL)
      fetch_dst(2 * t + 2, 0)
      process_window(2 * t + 1, 1, ALL)
      return ()

    lax.fori_loop(0, NWIN // 2 - 1, body2, ())
    fetch_dst(NWIN - 1, 1)
    process_window(NWIN - 2, 0, ALL)
    process_window(NWIN - 1, 1, tuple(range(W - 2)), drain=True)

    plsc.subcore_barrier()
    pltpu.sync_copy(
        agg_s.at[pl.ds(s * ROWS_PER_TILE, ROWS_PER_TILE)],
        out_hbm.at[c, pl.ds(s * ROWS_PER_TILE, ROWS_PER_TILE)])

  return k(h, ei4, zeros_tile)


BN = 2000


def _mlp1_body(x_ref, p_ref, w1_ref, b1_ref, w2_ref, b2_ref, o_ref):
  z = x_ref[...] + p_ref[0] + p_ref[1]
  t = jnp.dot(z, w1_ref[...], preferred_element_type=jnp.float32) + b1_ref[...]
  t = jnp.maximum(t, 0.0)
  u = jnp.dot(t, w2_ref[...], preferred_element_type=jnp.float32) + b2_ref[...]
  o_ref[...] = jnp.maximum(u, 0.0)


def _mlp2_body(x_ref, p_ref, w1_ref, b1_ref, w2_ref, b2_ref, wl_ref, bl_ref,
               o_ref):
  z = x_ref[...] + p_ref[0] + p_ref[1]
  t = jnp.dot(z, w1_ref[...], preferred_element_type=jnp.float32) + b1_ref[...]
  t = jnp.maximum(t, 0.0)
  u = jnp.dot(t, w2_ref[...], preferred_element_type=jnp.float32) + b2_ref[...]
  u = jnp.maximum(u, 0.0)
  o_ref[...] = jnp.dot(u, wl_ref[...], preferred_element_type=jnp.float32) + bl_ref[...]


def _full(shape):
  return pl.BlockSpec(shape, lambda i: tuple(0 for _ in shape))


def _tc_mlp1(x, parts, W1, b1, W2, b2):
  return pl.pallas_call(
      _mlp1_body,
      grid=(N // BN,),
      in_specs=[
          pl.BlockSpec((BN, D), lambda i: (i, 0)),
          pl.BlockSpec((NC, BN, D), lambda i: (0, i, 0)),
          _full(W1.shape), _full((1, D)), _full(W2.shape), _full((1, D)),
      ],
      out_specs=pl.BlockSpec((BN, D), lambda i: (i, 0)),
      out_shape=jax.ShapeDtypeStruct((N, D), jnp.float32),
  )(x, parts, W1, b1.reshape(1, D), W2, b2.reshape(1, D))


def _tc_mlp2(h, parts, W1, b1, W2, b2, Wlin, blin):
  H2 = W1.shape[1]
  return pl.pallas_call(
      _mlp2_body,
      grid=(N // BN,),
      in_specs=[
          pl.BlockSpec((BN, D), lambda i: (i, 0)),
          pl.BlockSpec((NC, BN, D), lambda i: (0, i, 0)),
          _full(W1.shape), _full((1, H2)), _full(W2.shape), _full((1, H2)),
          _full(Wlin.shape), _full((1, D)),
      ],
      out_specs=pl.BlockSpec((BN, D), lambda i: (i, 0)),
      out_shape=jax.ShapeDtypeStruct((N, D), jnp.float32),
  )(h, parts, W1, b1.reshape(1, H2), W2, b2.reshape(1, H2),
    Wlin, blin.reshape(1, D))


def kernel(x, edge_index, W1a, b1a, W2a, b2a, W1b, b1b, W2b, b2b, Wlin, blin):
  ei4 = edge_index.astype(jnp.int32).reshape(2, NW, NCHUNK, CHUNK)
  zeros_tile = jnp.zeros((ROWS_PER_TILE, D), jnp.float32)

  p1 = _sc_agg(x, ei4, zeros_tile)
  h1 = _tc_mlp1(x, p1, W1a, b1a, W2a, b2a)
  p2 = _sc_agg(h1, ei4, zeros_tile)
  out = _tc_mlp2(h1, p2, W1b, b1b, W2b, b2b, Wlin, blin)
  return out

# --- scband reference (transcript-rebuilt; emitter-appended) ---
"""Pipeline reference for scband-gin-5652176962226 (READ-ONLY COPY).

The authoritative reference and input builder live on the scoring server;
editing this copy changes nothing except your own understanding.
"""

import jax, jax.numpy as jnp
import numpy as np

N_NODES = 10000
N_EDGES = 320000
IN_CH = 128
HID = 128
OUT_CH = 128


def setup_inputs(seed: int = 0) -> dict:
    key = jax.random.key(seed)
    ks = jax.random.split(key, 12)
    x = jax.random.normal(ks[0], (N_NODES, IN_CH), dtype=jnp.float32)
    edge_index = jax.random.randint(ks[1], (2, N_EDGES), 0, N_NODES, dtype=jnp.int64)
    # conv1 MLP: Linear(in, hid), ReLU, Linear(hid, hid)
    W1a = jax.random.normal(ks[2], (IN_CH, HID), dtype=jnp.float32) * (1.0 / np.sqrt(IN_CH))
    b1a = jnp.zeros((HID,), dtype=jnp.float32)
    W2a = jax.random.normal(ks[3], (HID, HID), dtype=jnp.float32) * (1.0 / np.sqrt(HID))
    b2a = jnp.zeros((HID,), dtype=jnp.float32)
    # conv2 MLP: Linear(hid, 2*hid), ReLU, Linear(2*hid, 2*hid)
    W1b = jax.random.normal(ks[4], (HID, 2 * HID), dtype=jnp.float32) * (1.0 / np.sqrt(HID))
    b1b = jnp.zeros((2 * HID,), dtype=jnp.float32)
    W2b = jax.random.normal(ks[5], (2 * HID, 2 * HID), dtype=jnp.float32) * (1.0 / np.sqrt(2 * HID))
    b2b = jnp.zeros((2 * HID,), dtype=jnp.float32)
    # final linear: Linear(2*hid, out)
    Wlin = jax.random.normal(ks[6], (2 * HID, OUT_CH), dtype=jnp.float32) * (1.0 / np.sqrt(2 * HID))
    blin = jnp.zeros((OUT_CH,), dtype=jnp.float32)
    return {
        "x": x, "edge_index": edge_index,
        "W1a": W1a, "b1a": b1a, "W2a": W2a, "b2a": b2a,
        "W1b": W1b, "b1b": b1b, "W2b": W2b, "b2b": b2b,
        "Wlin": Wlin, "blin": blin,
    }


def _gin_conv(h, src, dst, W1, b1, W2, b2):
    # GINConv with eps=0 (PyG default, non-trainable):
    # out = MLP((1 + eps) * x + sum_{j in N(i)} x_j)
    msgs = jnp.take(h, src, axis=0)                       # gather source node feats
    agg = jax.ops.segment_sum(msgs, dst, num_segments=h.shape[0])  # scatter-add to dst
    z = h + agg
    z = jnp.dot(z, W1) + b1
    z = jax.nn.relu(z)
    z = jnp.dot(z, W2) + b2
    return z


def reference(x, edge_index, W1a, b1a, W2a, b2a, W1b, b1b, W2b, b2b, Wlin, blin):
    src = edge_index[0]
    dst = edge_index[1]
    h = _gin_conv(x, src, dst, W1a, b1a, W2a, b2a)
    h = jax.nn.relu(h)
    # dropout p=0.5 only active in training; eval mode -> identity
    h = _gin_conv(h, src, dst, W1b, b1b, W2b, b2b)
    h = jax.nn.relu(h)
    out = jnp.dot(h, Wlin) + blin
    return out

if __name__ == "__main__":
    import jax
    _d = setup_inputs()
    print(jax.jit(kernel)(*tuple(_d.values())))

</pallas_src>

<mosaic_0001>
#map = affine_map<(d0, d1) -> (0, 0)>
#map1 = affine_map<(d0, d1) -> (0, 0, 0, 0)>
#map2 = affine_map<(d0, d1) -> (0, 0, 0)>
module attributes {stable_mosaic.version = 14 : i64} {
  func.func @k(%arg0: i32, %arg1: i32, %arg2: memref<10000x128xf32, #tpu.memory_space<hbm>>, %arg3: memref<2x32x80x125xi32, #tpu.memory_space<hbm>>, %arg4: memref<640x128xf32, #tpu.memory_space<hbm>>, %arg5: memref<2x10240x128xf32, #tpu.memory_space<hbm>>, %arg6: memref<80x125xi32, #tpu.memory_space<vmem>>, %arg7: memref<8x125xi32, #tpu.memory_space<vmem>>, %arg8: memref<8x125xi32, #tpu.memory_space<vmem>>, %arg9: memref<125x128xf32, #tpu.memory_space<vmem>>, %arg10: memref<125x128xf32, #tpu.memory_space<vmem>>, %arg11: memref<10240x128xf32, #tpu.memory_space<vmem_shared>>, %arg12: memref<!tpu.dma_semaphore, #tpu.memory_space<semaphore_mem>>, %arg13: memref<!tpu.dma_semaphore, #tpu.memory_space<semaphore_mem>>, %arg14: memref<!tpu.dma_semaphore, #tpu.memory_space<semaphore_mem>>, %arg15: memref<!tpu.dma_semaphore, #tpu.memory_space<semaphore_mem>>) attributes {dimension_semantics = [#tpu.dimension_semantics<core_parallel>, #tpu.dimension_semantics<subcore_parallel>], iteration_bounds = array<i64: 2, 16>, scalar_prefetch = 0 : i64, scratch_operands = 10 : i64, tpu.core_type = #tpu.core_type<sc_vector_subcore>, window_params = [{transform_indices = #map}, {transform_indices = #map1}, {transform_indices = #map}, {transform_indices = #map2}]} {
    %mul3A = arith.constant 2 : i32
    %mul3A_0 = arith.muli %arg1, %mul3A : i32
    %add3A = arith.addi %mul3A_0, %arg0 : i32
    %run_scoped3A = arith.constant 0 : i32
    "tpu.region"() ({
      %run_scoped3A_312 = tpu.sem_alloc : memref<!tpu.dma_semaphore, #tpu.memory_space<semaphore_mem>>
      %dma_start3A_313 = arith.constant 0 : i32
      %dma_start3A_314 = arith.constant 0 : i32
      %dma_start3A_315 = tpu.memref_slice %arg3[%run_scoped3A, %add3A, %dma_start3A_313, %dma_start3A_314] : memref<2x32x80x125xi32, #tpu.memory_space<hbm>> -> memref<1x1x80x125xi32, #tpu.memory_space<hbm>>
      %dma_start3A_316 = tpu.memref_squeeze %dma_start3A_315 : memref<1x1x80x125xi32, #tpu.memory_space<hbm>> -> memref<80x125xi32, #tpu.memory_space<hbm>>
      %dma_start3A_317 = arith.constant 0 : i32
      %dma_start3A_318 = arith.constant 0 : i32
      %dma_start3A_319 = tpu.memref_slice %arg3[%run_scoped3A, %add3A, %dma_start3A_317, %dma_start3A_318] : memref<2x32x80x125xi32, #tpu.memory_space<hbm>> -> memref<1x1x80x125xi32, #tpu.memory_space<hbm>>
      %dma_start3A_320 = tpu.memref_squeeze %dma_start3A_319 : memref<1x1x80x125xi32, #tpu.memory_space<hbm>> -> memref<80x125xi32, #tpu.memory_space<hbm>>
      tpu.enqueue_dma source(%dma_start3A_320 : memref<80x125xi32, #tpu.memory_space<hbm>>) target(%arg6 : memref<80x125xi32, #tpu.memory_space<vmem>>) target_semaphore(%run_scoped3A_312 : memref<!tpu.dma_semaphore, #tpu.memory_space<semaphore_mem>>)
      %dma_wait3A_321 = arith.constant 0 : i32
      %dma_wait3A_322 = arith.constant 0 : i32
      %dma_wait3A_323 = tpu.memref_slice %arg3[%run_scoped3A, %add3A, %dma_wait3A_321, %dma_wait3A_322] : memref<2x32x80x125xi32, #tpu.memory_space<hbm>> -> memref<1x1x80x125xi32, #tpu.memory_space<hbm>>
      %dma_wait3A_324 = tpu.memref_squeeze %dma_wait3A_323 : memref<1x1x80x125xi32, #tpu.memory_space<hbm>> -> memref<80x125xi32, #tpu.memory_space<hbm>>
      %dma_wait3A_325 = arith.constant 0 : i32
      %dma_wait3A_326 = arith.constant 0 : i32
      %dma_wait3A_327 = tpu.memref_slice %arg3[%run_scoped3A, %add3A, %dma_wait3A_325, %dma_wait3A_326] : memref<2x32x80x125xi32, #tpu.memory_space<hbm>> -> memref<1x1x80x125xi32, #tpu.memory_space<hbm>>
      %dma_wait3A_328 = tpu.memref_squeeze %dma_wait3A_327 : memref<1x1x80x125xi32, #tpu.memory_space<hbm>> -> memref<80x125xi32, #tpu.memory_space<hbm>>
      tpu.wait_dma2 semaphore(%run_scoped3A_312 : memref<!tpu.dma_semaphore, #tpu.memory_space<semaphore_mem>>) src(%dma_wait3A_328 : memref<80x125xi32, #tpu.memory_space<hbm>>) dst(%arg6 : memref<80x125xi32, #tpu.memory_space<vmem>>)
      tpu.yield
    }) : () -> ()
    %dma_start3A = arith.constant 1 : i32
    %dma_start3A_1 = arith.constant 0 : i32
    %dma_start3A_2 = arith.constant 0 : i32
    %dma_start3A_3 = tpu.memref_slice %arg3[%dma_start3A, %add3A, %dma_start3A_1, %dma_start3A_2] : memref<2x32x80x125xi32, #tpu.memory_space<hbm>> -> memref<1x1x8x125xi32, #tpu.memory_space<hbm>>
    %dma_start3A_4 = tpu.memref_squeeze %dma_start3A_3 : memref<1x1x8x125xi32, #tpu.memory_space<hbm>> -> memref<8x125xi32, #tpu.memory_space<hbm>>
    %dma_start3A_5 = arith.constant 0 : i32
    %dma_start3A_6 = arith.constant 0 : i32
    %dma_start3A_7 = tpu.memref_slice %arg3[%dma_start3A, %add3A, %dma_start3A_5, %dma_start3A_6] : memref<2x32x80x125xi32, #tpu.memory_space<hbm>> -> memref<1x1x8x125xi32, #tpu.memory_space<hbm>>
    %dma_start3A_8 = tpu.memref_squeeze %dma_start3A_7 : memref<1x1x8x125xi32, #tpu.memory_space<hbm>> -> memref<8x125xi32, #tpu.memory_space<hbm>>
    tpu.enqueue_dma source(%dma_start3A_8 : memref<8x125xi32, #tpu.memory_space<hbm>>) target(%arg7 : memref<8x125xi32, #tpu.memory_space<vmem>>) target_semaphore(%arg12 : memref<!tpu.dma_semaphore, #tpu.memory_space<semaphore_mem>>)
    %dma_start3A_9 = arith.constant 0 : i32
    %dma_start3A_10 = arith.constant 0 : i32
    %dma_start3A_11 = tpu.memref_slice %arg6[%dma_start3A_9, %dma_start3A_10] : memref<80x125xi32, #tpu.memory_space<vmem>> -> memref<1x125xi32, #tpu.memory_space<vmem>>
    %dma_start3A_12 = tpu.memref_squeeze %dma_start3A_11 : memref<1x125xi32, #tpu.memory_space<vmem>> -> memref<125xi32, #tpu.memory_space<vmem>>
    %dma_start3A_13 = arith.constant 0 : i32
    %dma_start3A_14 = arith.constant 0 : i32
    %dma_start3A_15 = tpu.memref_slice %arg2[%dma_start3A_13, %dma_start3A_14] : memref<10000x128xf32, #tpu.memory_space<hbm>> -> memref<10000x128xf32, #tpu.memory_space<hbm>>
    tpu.enqueue_indirect_dma source(%dma_start3A_15 : memref<10000x128xf32, #tpu.memory_space<hbm>>) target(%arg9 : memref<125x128xf32, #tpu.memory_space<vmem>>) offsets(%dma_start3A_12 : memref<125xi32, #tpu.memory_space<vmem>>) semaphore(%arg14 : memref<!tpu.dma_semaphore, #tpu.memory_space<semaphore_mem>>)
    %dma_start3A_16 = arith.constant 1 : i32
    %dma_start3A_17 = arith.constant 0 : i32
    %dma_start3A_18 = tpu.memref_slice %arg6[%dma_start3A_16, %dma_start3A_17] : memref<80x125xi32, #tpu.memory_space<vmem>> -> memref<1x125xi32, #tpu.memory_space<vmem>>
    %dma_start3A_19 = tpu.memref_squeeze %dma_start3A_18 : memref<1x125xi32, #tpu.memory_space<vmem>> -> memref<125xi32, #tpu.memory_space<vmem>>
    %dma_start3A_20 = arith.constant 0 : i32
    %dma_start3A_21 = arith.constant 0 : i32
    %dma_start3A_22 = tpu.memref_slice %arg2[%dma_start3A_20, %dma_start3A_21] : memref<10000x128xf32, #tpu.memory_space<hbm>> -> memref<10000x128xf32, #tpu.memory_space<hbm>>
    tpu.enqueue_indirect_dma source(%dma_start3A_22 : memref<10000x128xf32, #tpu.memory_space<hbm>>) target(%arg10 : memref<125x128xf32, #tpu.memory_space<vmem>>) offsets(%dma_start3A_19 : memref<125xi32, #tpu.memory_space<vmem>>) semaphore(%arg15 : memref<!tpu.dma_semaphore, #tpu.memory_space<semaphore_mem>>)
    %mul3A_23 = arith.constant 640 : i32
    %mul3A_24 = arith.muli %arg1, %mul3A_23 : i32
    "tpu.region"() ({
      %run_scoped3A_312 = tpu.sem_alloc : memref<!tpu.dma_semaphore, #tpu.memory_space<semaphore_mem>>
      %dma_start3A_313 = arith.constant 0 : i32
      %dma_start3A_314 = tpu.memref_slice %arg11[%mul3A_24, %dma_start3A_313] : memref<10240x128xf32, #tpu.memory_space<vmem_shared>> -> memref<640x128xf32, #tpu.memory_space<vmem_shared>>
      tpu.enqueue_dma source(%arg4 : memref<640x128xf32, #tpu.memory_space<hbm>>) target(%dma_start3A_314 : memref<640x128xf32, #tpu.memory_space<vmem_shared>>) target_semaphore(%run_scoped3A_312 : memref<!tpu.dma_semaphore, #tpu.memory_space<semaphore_mem>>)
      %dma_wait3A_315 = arith.constant 0 : i32
      %dma_wait3A_316 = tpu.memref_slice %arg11[%mul3A_24, %dma_wait3A_315] : memref<10240x128xf32, #tpu.memory_space<vmem_shared>> -> memref<640x128xf32, #tpu.memory_space<vmem_shared>>
      tpu.wait_dma2 semaphore(%run_scoped3A_312 : memref<!tpu.dma_semaphore, #tpu.memory_space<semaphore_mem>>) src(%arg4 : memref<640x128xf32, #tpu.memory_space<hbm>>) dst(%dma_wait3A_316 : memref<640x128xf32, #tpu.memory_space<vmem_shared>>)
      tpu.yield
    }) : () -> ()
    %barrier3A = arith.constant 0 : index
    tpu.barrier barrier_id(%barrier3A)
    %scan3A = arith.constant 0 : i32
    %scan3A_25 = arith.constant 4 : i32
    %scan3A_26 = arith.addi %scan3A, %scan3A_25 : i32
    %scan3A_27 = arith.constant 1 : i32
    scf.for %scan3A_312 = %scan3A to %scan3A_26 step %scan3A_27  : i32 {
      %mul3A_313 = arith.constant 2 : i32
      %mul3A_314 = arith.muli %mul3A_313, %scan3A_312 : i32
      %add3A_315 = arith.constant 1 : i32
      %add3A_316 = arith.addi %mul3A_314, %add3A_315 : i32
      %mul3A_317 = arith.constant 8 : i32
      %mul3A_318 = arith.muli %add3A_316, %mul3A_317 : i32
      %dma_start3A_319 = arith.constant 1 : i32
      %dma_start3A_320 = arith.constant 0 : i32
      %dma_start3A_321 = tpu.memref_slice %arg3[%dma_start3A_319, %add3A, %mul3A_318, %dma_start3A_320] : memref<2x32x80x125xi32, #tpu.memory_space<hbm>> -> memref<1x1x8x125xi32, #tpu.memory_space<hbm>>
      %dma_start3A_322 = tpu.memref_squeeze %dma_start3A_321 : memref<1x1x8x125xi32, #tpu.memory_space<hbm>> -> memref<8x125xi32, #tpu.memory_space<hbm>>
      %dma_start3A_323 = arith.constant 0 : i32
      %dma_start3A_324 = tpu.memref_slice %arg3[%dma_start3A_319, %add3A, %mul3A_318, %dma_start3A_323] : memref<2x32x80x125xi32, #tpu.memory_space<hbm>> -> memref<1x1x8x125xi32, #tpu.memory_space<hbm>>
      %dma_start3A_325 = tpu.memref_squeeze %dma_start3A_324 : memref<1x1x8x125xi32, #tpu.memory_space<hbm>> -> memref<8x125xi32, #tpu.memory_space<hbm>>
      tpu.enqueue_dma source(%dma_start3A_325 : memref<8x125xi32, #tpu.memory_space<hbm>>) target(%arg8 : memref<8x125xi32, #tpu.memory_space<vmem>>) target_semaphore(%arg13 : memref<!tpu.dma_semaphore, #tpu.memory_space<semaphore_mem>>)
      %mul3A_326 = arith.constant 2 : i32
      %mul3A_327 = arith.muli %mul3A_326, %scan3A_312 : i32
      %dma_wait3A_328 = arith.constant 1 : i32
      %dma_wait3A_329 = arith.constant 0 : i32
      %dma_wait3A_330 = arith.constant 0 : i32
      %dma_wait3A_331 = tpu.memref_slice %arg3[%dma_wait3A_328, %add3A, %dma_wait3A_329, %dma_wait3A_330] : memref<2x32x80x125xi32, #tpu.memory_space<hbm>> -> memref<1x1x8x125xi32, #tpu.memory_space<hbm>>
      %dma_wait3A_332 = tpu.memref_squeeze %dma_wait3A_331 : memref<1x1x8x125xi32, #tpu.memory_space<hbm>> -> memref<8x125xi32, #tpu.memory_space<hbm>>
      %dma_wait3A_333 = arith.constant 0 : i32
      %dma_wait3A_334 = arith.constant 0 : i32
      %dma_wait3A_335 = tpu.memref_slice %arg3[%dma_wait3A_328, %add3A, %dma_wait3A_333, %dma_wait3A_334] : memref<2x32x80x125xi32, #tpu.memory_space<hbm>> -> memref<1x1x8x125xi32, #tpu.memory_space<hbm>>
      %dma_wait3A_336 = tpu.memref_squeeze %dma_wait3A_335 : memref<1x1x8x125xi32, #tpu.memory_space<hbm>> -> memref<8x125xi32, #tpu.memory_space<hbm>>
      tpu.wait_dma2 semaphore(%arg12 : memref<!tpu.dma_semaphore, #tpu.memory_space<semaphore_mem>>) src(%dma_wait3A_336 : memref<8x125xi32, #tpu.memory_space<hbm>>) dst(%arg7 : memref<8x125xi32, #tpu.memory_space<vmem>>)
      %mul3A_337 = arith.constant 8 : i32
      %mul3A_338 = arith.muli %mul3A_327, %mul3A_337 : i32
      %add3A_339 = arith.constant 0 : i32
      %add3A_340 = arith.addi %mul3A_338, %add3A_339 : i32
      %dma_wait3A_341 = arith.constant 0 : i32
      %dma_wait3A_342 = tpu.memref_slice %arg6[%add3A_340, %dma_wait3A_341] : memref<80x125xi32, #tpu.memory_space<vmem>> -> memref<1x125xi32, #tpu.memory_space<vmem>>
      %dma_wait3A_343 = tpu.memref_squeeze %dma_wait3A_342 : memref<1x125xi32, #tpu.memory_space<vmem>> -> memref<125xi32, #tpu.memory_space<vmem>>
      %dma_wait3A_344 = arith.constant 0 : i32
      %dma_wait3A_345 = arith.constant 0 : i32
      %dma_wait3A_346 = tpu.memref_slice %arg2[%dma_wait3A_344, %dma_wait3A_345] : memref<10000x128xf32, #tpu.memory_space<hbm>> -> memref<10000x128xf32, #tpu.memory_space<hbm>>
      tpu.wait_indirect_dma semaphore(%arg14 : memref<!tpu.dma_semaphore, #tpu.memory_space<semaphore_mem>>) src(%dma_wait3A_346 : memref<10000x128xf32, #tpu.memory_space<hbm>>) dst(%arg9 : memref<125x128xf32, #tpu.memory_space<vmem>>)
      %run_scoped3A_347 = arith.constant 0 : i32
      "tpu.region"() ({
        %run_scoped3A_667 = tpu.sem_alloc : memref<!tpu.dma_semaphore, #tpu.memory_space<semaphore_mem>>
        %dma_start3A_668 = arith.constant 0 : i32
        %dma_start3A_669 = tpu.memref_slice %arg7[%run_scoped3A_347, %dma_start3A_668] : memref<8x125xi32, #tpu.memory_space<vmem>> -> memref<1x125xi32, #tpu.memory_space<vmem>>
        %dma_start3A_670 = tpu.memref_squeeze %dma_start3A_669 : memref<1x125xi32, #tpu.memory_space<vmem>> -> memref<125xi32, #tpu.memory_space<vmem>>
        %dma_start3A_671 = arith.constant 0 : i32
        %dma_start3A_672 = arith.constant 0 : i32
        %dma_start3A_673 = tpu.memref_slice %arg11[%dma_start3A_671, %dma_start3A_672] : memref<10240x128xf32, #tpu.memory_space<vmem_shared>> -> memref<10240x128xf32, #tpu.memory_space<vmem_shared>>
        tpu.enqueue_indirect_dma source(%arg9 : memref<125x128xf32, #tpu.memory_space<vmem>>) target(%dma_start3A_673 : memref<10240x128xf32, #tpu.memory_space<vmem_shared>>) offsets(%dma_start3A_670 : memref<125xi32, #tpu.memory_space<vmem>>) semaphore(%run_scoped3A_667 : memref<!tpu.dma_semaphore, #tpu.memory_space<semaphore_mem>>) {add = true}
        %dma_wait3A_674 = arith.constant 0 : i32
        %dma_wait3A_675 = tpu.memref_slice %arg7[%run_scoped3A_347, %dma_wait3A_674] : memref<8x125xi32, #tpu.memory_space<vmem>> -> memref<1x125xi32, #tpu.memory_space<vmem>>
        %dma_wait3A_676 = tpu.memref_squeeze %dma_wait3A_675 : memref<1x125xi32, #tpu.memory_space<vmem>> -> memref<125xi32, #tpu.memory_space<vmem>>
        %dma_wait3A_677 = arith.constant 0 : i32
        %dma_wait3A_678 = arith.constant 0 : i32
        %dma_wait3A_679 = tpu.memref_slice %arg11[%dma_wait3A_677, %dma_wait3A_678] : memref<10240x128xf32, #tpu.memory_space<vmem_shared>> -> memref<10240x128xf32, #tpu.memory_space<vmem_shared>>
        tpu.wait_indirect_dma semaphore(%run_scoped3A_667 : memref<!tpu.dma_semaphore, #tpu.memory_space<semaphore_mem>>) src(%arg9 : memref<125x128xf32, #tpu.memory_space<vmem>>) dst(%dma_wait3A_679 : memref<10240x128xf32, #tpu.memory_space<vmem_shared>>)
        tpu.yield
      }) : () -> ()
      %add3A_348 = arith.constant 2 : i32
      %add3A_349 = arith.addi %add3A_340, %add3A_348 : i32
      %dma_start3A_350 = arith.constant 0 : i32
      %dma_start3A_351 = tpu.memref_slice %arg6[%add3A_349, %dma_start3A_350] : memref<80x125xi32, #tpu.memory_space<vmem>> -> memref<1x125xi32, #tpu.memory_space<vmem>>
      %dma_start3A_352 = tpu.memref_squeeze %dma_start3A_351 : memref<1x125xi32, #tpu.memory_space<vmem>> -> memref<125xi32, #tpu.memory_space<vmem>>
      %dma_start3A_353 = arith.constant 0 : i32
      %dma_start3A_354 = arith.constant 0 : i32
      %dma_start3A_355 = tpu.memref_slice %arg2[%dma_start3A_353, %dma_start3A_354] : memref<10000x128xf32, #tpu.memory_space<hbm>> -> memref<10000x128xf32, #tpu.memory_space<hbm>>
      tpu.enqueue_indirect_dma source(%dma_start3A_355 : memref<10000x128xf32, #tpu.memory_space<hbm>>) target(%arg9 : memref<125x128xf32, #tpu.memory_space<vmem>>) offsets(%dma_start3A_352 : memref<125xi32, #tpu.memory_space<vmem>>) semaphore(%arg14 : memref<!tpu.dma_semaphore, #tpu.memory_space<semaphore_mem>>)
      %mul3A_356 = arith.constant 8 : i32
      %mul3A_357 = arith.muli %mul3A_327, %mul3A_356 : i32
      %add3A_358 = arith.constant 1 : i32
      %add3A_359 = arith.addi %mul3A_357, %add3A_358 : i32
      %dma_wait3A_360 = arith.constant 0 : i32
      %dma_wait3A_361 = tpu.memref_slice %arg6[%add3A_359, %dma_wait3A_360] : memref<80x125xi32, #tpu.memory_space<vmem>> -> memref<1x125xi32, #tpu.memory_space<vmem>>
      %dma_wait3A_362 = tpu.memref_squeeze %dma_wait3A_361 : memref<1x125xi32, #tpu.memory_space<vmem>> -> memref<125xi32, #tpu.memory_space<vmem>>
      %dma_wait3A_363 = arith.constant 0 : i32
      %dma_wait3A_364 = arith.constant 0 : i32
      %dma_wait3A_365 = tpu.memref_slice %arg2[%dma_wait3A_363, %dma_wait3A_364] : memref<10000x128xf32, #tpu.memory_space<hbm>> -> memref<10000x128xf32, #tpu.memory_space<hbm>>
      tpu.wait_indirect_dma semaphore(%arg15 : memref<!tpu.dma_semaphore, #tpu.memory_space<semaphore_mem>>) src(%dma_wait3A_365 : memref<10000x128xf32, #tpu.memory_space<hbm>>) dst(%arg10 : memref<125x128xf32, #tpu.memory_space<vmem>>)
      %run_scoped3A_366 = arith.constant 1 : i32
      "tpu.region"() ({
        %run_scoped3A_667 = tpu.sem_alloc : memref<!tpu.dma_semaphore, #tpu.memory_space<semaphore_mem>>
        %dma_start3A_668 = arith.constant 0 : i32
        %dma_start3A_669 = tpu.memref_slice %arg7[%run_scoped3A_366, %dma_start3A_668] : memref<8x125xi32, #tpu.memory_space<vmem>> -> memref<1x125xi32, #tpu.memory_space<vmem>>
        %dma_start3A_670 = tpu.memref_squeeze %dma_start3A_669 : memref<1x125xi32, #tpu.memory_space<vmem>> -> memref<125xi32, #tpu.memory_space<vmem>>
        %dma_start3A_671 = arith.constant 0 : i32
        %dma_start3A_672 = arith.constant 0 : i32
        %dma_start3A_673 = tpu.memref_slice %arg11[%dma_start3A_671, %dma_start3A_672] : memref<10240x128xf32, #tpu.memory_space<vmem_shared>> -> memref<10240x128xf32, #tpu.memory_space<vmem_shared>>
        tpu.enqueue_indirect_dma source(%arg10 : memref<125x128xf32, #tpu.memory_space<vmem>>) target(%dma_start3A_673 : memref<10240x128xf32, #tpu.memory_space<vmem_shared>>) offsets(%dma_start3A_670 : memref<125xi32, #tpu.memory_space<vmem>>) semaphore(%run_scoped3A_667 : memref<!tpu.dma_semaphore, #tpu.memory_space<semaphore_mem>>) {add = true}
        %dma_wait3A_674 = arith.constant 0 : i32
        %dma_wait3A_675 = tpu.memref_slice %arg7[%run_scoped3A_366, %dma_wait3A_674] : memref<8x125xi32, #tpu.memory_space<vmem>> -> memref<1x125xi32, #tpu.memory_space<vmem>>
        %dma_wait3A_676 = tpu.memref_squeeze %dma_wait3A_675 : memref<1x125xi32, #tpu.memory_space<vmem>> -> memref<125xi32, #tpu.memory_space<vmem>>
        %dma_wait3A_677 = arith.constant 0 : i32
        %dma_wait3A_678 = arith.constant 0 : i32
        %dma_wait3A_679 = tpu.memref_slice %arg11[%dma_wait3A_677, %dma_wait3A_678] : memref<10240x128xf32, #tpu.memory_space<vmem_shared>> -> memref<10240x128xf32, #tpu.memory_space<vmem_shared>>
        tpu.wait_indirect_dma semaphore(%run_scoped3A_667 : memref<!tpu.dma_semaphore, #tpu.memory_space<semaphore_mem>>) src(%arg10 : memref<125x128xf32, #tpu.memory_space<vmem>>) dst(%dma_wait3A_679 : memref<10240x128xf32, #tpu.memory_space<vmem_shared>>)
        tpu.yield
      }) : () -> ()
      %add3A_367 = arith.constant 2 : i32
      %add3A_368 = arith.addi %add3A_359, %add3A_367 : i32
      %dma_start3A_369 = arith.constant 0 : i32
      %dma_start3A_370 = tpu.memref_slice %arg6[%add3A_368, %dma_start3A_369] : memref<80x125xi32, #tpu.memory_space<vmem>> -> memref<1x125xi32, #tpu.memory_space<vmem>>
      %dma_start3A_371 = tpu.memref_squeeze %dma_start3A_370 : memref<1x125xi32, #tpu.memory_space<vmem>> -> memref<125xi32, #tpu.memory_space<vmem>>
      %dma_start3A_372 = arith.constant 0 : i32
      %dma_start3A_373 = arith.constant 0 : i32
      %dma_start3A_374 = tpu.memref_slice %arg2[%dma_start3A_372, %dma_start3A_373] : memref<10000x128xf32, #tpu.memory_space<hbm>> -> memref<10000x128xf32, #tpu.memory_space<hbm>>
      tpu.enqueue_indirect_dma source(%dma_start3A_374 : memref<10000x128xf32, #tpu.memory_space<hbm>>) target(%arg10 : memref<125x128xf32, #tpu.memory_space<vmem>>) offsets(%dma_start3A_371 : memref<125xi32, #tpu.memory_space<vmem>>) semaphore(%arg15 : memref<!tpu.dma_semaphore, #tpu.memory_space<semaphore_mem>>)
      %mul3A_375 = arith.constant 8 : i32
      %mul3A_376 = arith.muli %mul3A_327, %mul3A_375 : i32
      %add3A_377 = arith.constant 2 : i32
      %add3A_378 = arith.addi %mul3A_376, %add3A_377 : i32
      %dma_wait3A_379 = arith.constant 0 : i32
      %dma_wait3A_380 = tpu.memref_slice %arg6[%add3A_378, %dma_wait3A_379] : memref<80x125xi32, #tpu.memory_space<vmem>> -> memref<1x125xi32, #tpu.memory_space<vmem>>
      %dma_wait3A_381 = tpu.memref_squeeze %dma_wait3A_380 : memref<1x125xi32, #tpu.memory_space<vmem>> -> memref<125xi32, #tpu.memory_space<vmem>>
      %dma_wait3A_382 = arith.constant 0 : i32
      %dma_wait3A_383 = arith.constant 0 : i32
      %dma_wait3A_384 = tpu.memref_slice %arg2[%dma_wait3A_382, %dma_wait3A_383] : memref<10000x128xf32, #tpu.memory_space<hbm>> -> memref<10000x128xf32, #tpu.memory_space<hbm>>
      tpu.wait_indirect_dma semaphore(%arg14 : memref<!tpu.dma_semaphore, #tpu.memory_space<semaphore_mem>>) src(%dma_wait3A_384 : memref<10000x128xf32, #tpu.memory_space<hbm>>) dst(%arg9 : memref<125x128xf32, #tpu.memory_space<vmem>>)
      %run_scoped3A_385 = arith.constant 2 : i32
      "tpu.region"() ({
        %run_scoped3A_667 = tpu.sem_alloc : memref<!tpu.dma_semaphore, #tpu.memory_space<semaphore_mem>>
        %dma_start3A_668 = arith.constant 0 : i32
        %dma_start3A_669 = tpu.memref_slice %arg7[%run_scoped3A_385, %dma_start3A_668] : memref<8x125xi32, #tpu.memory_space<vmem>> -> memref<1x125xi32, #tpu.memory_space<vmem>>
        %dma_start3A_670 = tpu.memref_squeeze %dma_start3A_669 : memref<1x125xi32, #tpu.memory_space<vmem>> -> memref<125xi32, #tpu.memory_space<vmem>>
        %dma_start3A_671 = arith.constant 0 : i32
        %dma_start3A_672 = arith.constant 0 : i32
        %dma_start3A_673 = tpu.memref_slice %arg11[%dma_start3A_671, %dma_start3A_672] : memref<10240x128xf32, #tpu.memory_space<vmem_shared>> -> memref<10240x128xf32, #tpu.memory_space<vmem_shared>>
        tpu.enqueue_indirect_dma source(%arg9 : memref<125x128xf32, #tpu.memory_space<vmem>>) target(%dma_start3A_673 : memref<10240x128xf32, #tpu.memory_space<vmem_shared>>) offsets(%dma_start3A_670 : memref<125xi32, #tpu.memory_space<vmem>>) semaphore(%run_scoped3A_667 : memref<!tpu.dma_semaphore, #tpu.memory_space<semaphore_mem>>) {add = true}
        %dma_wait3A_674 = arith.constant 0 : i32
        %dma_wait3A_675 = tpu.memref_slice %arg7[%run_scoped3A_385, %dma_wait3A_674] : memref<8x125xi32, #tpu.memory_space<vmem>> -> memref<1x125xi32, #tpu.memory_space<vmem>>
        %dma_wait3A_676 = tpu.memref_squeeze %dma_wait3A_675 : memref<1x125xi32, #tpu.memory_space<vmem>> -> memref<125xi32, #tpu.memory_space<vmem>>
        %dma_wait3A_677 = arith.constant 0 : i32
        %dma_wait3A_678 = arith.constant 0 : i32
        %dma_wait3A_679 = tpu.memref_slice %arg11[%dma_wait3A_677, %dma_wait3A_678] : memref<10240x128xf32, #tpu.memory_space<vmem_shared>> -> memref<10240x128xf32, #tpu.memory_space<vmem_shared>>
        tpu.wait_indirect_dma semaphore(%run_scoped3A_667 : memref<!tpu.dma_semaphore, #tpu.memory_space<semaphore_mem>>) src(%arg9 : memref<125x128xf32, #tpu.memory_space<vmem>>) dst(%dma_wait3A_679 : memref<10240x128xf32, #tpu.memory_space<vmem_shared>>)
        tpu.yield
      }) : () -> ()
      %add3A_386 = arith.constant 2 : i32
      %add3A_387 = arith.addi %add3A_378, %add3A_386 : i32
      %dma_start3A_388 = arith.constant 0 : i32
      %dma_start3A_389 = tpu.memref_slice %arg6[%add3A_387, %dma_start3A_388] : memref<80x125xi32, #tpu.memory_space<vmem>> -> memref<1x125xi32, #tpu.memory_space<vmem>>
      %dma_start3A_390 = tpu.memref_squeeze %dma_start3A_389 : memref<1x125xi32, #tpu.memory_space<vmem>> -> memref<125xi32, #tpu.memory_space<vmem>>
      %dma_start3A_391 = arith.constant 0 : i32
      %dma_start3A_392 = arith.constant 0 : i32
      %dma_start3A_393 = tpu.memref_slice %arg2[%dma_start3A_391, %dma_start3A_392] : memref<10000x128xf32, #tpu.memory_space<hbm>> -> memref<10000x128xf32, #tpu.memory_space<hbm>>
      tpu.enqueue_indirect_dma source(%dma_start3A_393 : memref<10000x128xf32, #tpu.memory_space<hbm>>) target(%arg9 : memref<125x128xf32, #tpu.memory_space<vmem>>) offsets(%dma_start3A_390 : memref<125xi32, #tpu.memory_space<vmem>>) semaphore(%arg14 : memref<!tpu.dma_semaphore, #tpu.memory_space<semaphore_mem>>)
      %mul3A_394 = arith.constant 8 : i32
      %mul3A_395 = arith.muli %mul3A_327, %mul3A_394 : i32
      %add3A_396 = arith.constant 3 : i32
      %add3A_397 = arith.addi %mul3A_395, %add3A_396 : i32
      %dma_wait3A_398 = arith.constant 0 : i32
      %dma_wait3A_399 = tpu.memref_slice %arg6[%add3A_397, %dma_wait3A_398] : memref<80x125xi32, #tpu.memory_space<vmem>> -> memref<1x125xi32, #tpu.memory_space<vmem>>
      %dma_wait3A_400 = tpu.memref_squeeze %dma_wait3A_399 : memref<1x125xi32, #tpu.memory_space<vmem>> -> memref<125xi32, #tpu.memory_space<vmem>>
      %dma_wait3A_401 = arith.constant 0 : i32
      %dma_wait3A_402 = arith.constant 0 : i32
      %dma_wait3A_403 = tpu.memref_slice %arg2[%dma_wait3A_401, %dma_wait3A_402] : memref<10000x128xf32, #tpu.memory_space<hbm>> -> memref<10000x128xf32, #tpu.memory_space<hbm>>
      tpu.wait_indirect_dma semaphore(%arg15 : memref<!tpu.dma_semaphore, #tpu.memory_space<semaphore_mem>>) src(%dma_wait3A_403 : memref<10000x128xf32, #tpu.memory_space<hbm>>) dst(%arg10 : memref<125x128xf32, #tpu.memory_space<vmem>>)
      %run_scoped3A_404 = arith.constant 3 : i32
      "tpu.region"() ({
        %run_scoped3A_667 = tpu.sem_alloc : memref<!tpu.dma_semaphore, #tpu.memory_space<semaphore_mem>>
        %dma_start3A_668 = arith.constant 0 : i32
        %dma_start3A_669 = tpu.memref_slice %arg7[%run_scoped3A_404, %dma_start3A_668] : memref<8x125xi32, #tpu.memory_space<vmem>> -> memref<1x125xi32, #tpu.memory_space<vmem>>
        %dma_start3A_670 = tpu.memref_squeeze %dma_start3A_669 : memref<1x125xi32, #tpu.memory_space<vmem>> -> memref<125xi32, #tpu.memory_space<vmem>>
        %dma_start3A_671 = arith.constant 0 : i32
        %dma_start3A_672 = arith.constant 0 : i32
        %dma_start3A_673 = tpu.memref_slice %arg11[%dma_start3A_671, %dma_start3A_672] : memref<10240x128xf32, #tpu.memory_space<vmem_shared>> -> memref<10240x128xf32, #tpu.memory_space<vmem_shared>>
        tpu.enqueue_indirect_dma source(%arg10 : memref<125x128xf32, #tpu.memory_space<vmem>>) target(%dma_start3A_673 : memref<10240x128xf32, #tpu.memory_space<vmem_shared>>) offsets(%dma_start3A_670 : memref<125xi32, #tpu.memory_space<vmem>>) semaphore(%run_scoped3A_667 : memref<!tpu.dma_semaphore, #tpu.memory_space<semaphore_mem>>) {add = true}
        %dma_wait3A_674 = arith.constant 0 : i32
        %dma_wait3A_675 = tpu.memref_slice %arg7[%run_scoped3A_404, %dma_wait3A_674] : memref<8x125xi32, #tpu.memory_space<vmem>> -> memref<1x125xi32, #tpu.memory_space<vmem>>
        %dma_wait3A_676 = tpu.memref_squeeze %dma_wait3A_675 : memref<1x125xi32, #tpu.memory_space<vmem>> -> memref<125xi32, #tpu.memory_space<vmem>>
        %dma_wait3A_677 = arith.constant 0 : i32
        %dma_wait3A_678 = arith.constant 0 : i32
        %dma_wait3A_679 = tpu.memref_slice %arg11[%dma_wait3A_677, %dma_wait3A_678] : memref<10240x128xf32, #tpu.memory_space<vmem_shared>> -> memref<10240x128xf32, #tpu.memory_space<vmem_shared>>
        tpu.wait_indirect_dma semaphore(%run_scoped3A_667 : memref<!tpu.dma_semaphore, #tpu.memory_space<semaphore_mem>>) src(%arg10 : memref<125x128xf32, #tpu.memory_space<vmem>>) dst(%dma_wait3A_679 : memref<10240x128xf32, #tpu.memory_space<vmem_shared>>)
        tpu.yield
      }) : () -> ()
      %add3A_405 = arith.constant 2 : i32
      %add3A_406 = arith.addi %add3A_397, %add3A_405 : i32
      %dma_start3A_407 = arith.constant 0 : i32
      %dma_start3A_408 = tpu.memref_slice %arg6[%add3A_406, %dma_start3A_407] : memref<80x125xi32, #tpu.memory_space<vmem>> -> memref<1x125xi32, #tpu.memory_space<vmem>>
      %dma_start3A_409 = tpu.memref_squeeze %dma_start3A_408 : memref<1x125xi32, #tpu.memory_space<vmem>> -> memref<125xi32, #tpu.memory_space<vmem>>
      %dma_start3A_410 = arith.constant 0 : i32
      %dma_start3A_411 = arith.constant 0 : i32
      %dma_start3A_412 = tpu.memref_slice %arg2[%dma_start3A_410, %dma_start3A_411] : memref<10000x128xf32, #tpu.memory_space<hbm>> -> memref<10000x128xf32, #tpu.memory_space<hbm>>
      tpu.enqueue_indirect_dma source(%dma_start3A_412 : memref<10000x128xf32, #tpu.memory_space<hbm>>) target(%arg10 : memref<125x128xf32, #tpu.memory_space<vmem>>) offsets(%dma_start3A_409 : memref<125xi32, #tpu.memory_space<vmem>>) semaphore(%arg15 : memref<!tpu.dma_semaphore, #tpu.memory_space<semaphore_mem>>)
      %mul3A_413 = arith.constant 8 : i32
      %mul3A_414 = arith.muli %mul3A_327, %mul3A_413 : i32
      %add3A_415 = arith.constant 4 : i32
      %add3A_416 = arith.addi %mul3A_414, %add3A_415 : i32
      %dma_wait3A_417 = arith.constant 0 : i32
      %dma_wait3A_418 = tpu.memref_slice %arg6[%add3A_416, %dma_wait3A_417] : memref<80x125xi32, #tpu.memory_space<vmem>> -> memref<1x125xi32, #tpu.memory_space<vmem>>
      %dma_wait3A_419 = tpu.memref_squeeze %dma_wait3A_418 : memref<1x125xi32, #tpu.memory_space<vmem>> -> memref<125xi32, #tpu.memory_space<vmem>>
      %dma_wait3A_420 = arith.constant 0 : i32
      %dma_wait3A_421 = arith.constant 0 : i32
      %dma_wait3A_422 = tpu.memref_slice %arg2[%dma_wait3A_420, %dma_wait3A_421] : memref<10000x128xf32, #tpu.memory_space<hbm>> -> memref<10000x128xf32, #tpu.memory_space<hbm>>
      tpu.wait_indirect_dma semaphore(%arg14 : memref<!tpu.dma_semaphore, #tpu.memory_space<semaphore_mem>>) src(%dma_wait3A_422 : memref<10000x128xf32, #tpu.memory_space<hbm>>) dst(%arg9 : memref<125x128xf32, #tpu.memory_space<vmem>>)
      %run_scoped3A_423 = arith.constant 4 : i32
      "tpu.region"() ({
        %run_scoped3A_667 = tpu.sem_alloc : memref<!tpu.dma_semaphore, #tpu.memory_space<semaphore_mem>>
        %dma_start3A_668 = arith.constant 0 : i32
        %dma_start3A_669 = tpu.memref_slice %arg7[%run_scoped3A_423, %dma_start3A_668] : memref<8x125xi32, #tpu.memory_space<vmem>> -> memref<1x125xi32, #tpu.memory_space<vmem>>
        %dma_start3A_670 = tpu.memref_squeeze %dma_start3A_669 : memref<1x125xi32, #tpu.memory_space<vmem>> -> memref<125xi32, #tpu.memory_space<vmem>>
        %dma_start3A_671 = arith.constant 0 : i32
        %dma_start3A_672 = arith.constant 0 : i32
        %dma_start3A_673 = tpu.memref_slice %arg11[%dma_start3A_671, %dma_start3A_672] : memref<10240x128xf32, #tpu.memory_space<vmem_shared>> -> memref<10240x128xf32, #tpu.memory_space<vmem_shared>>
        tpu.enqueue_indirect_dma source(%arg9 : memref<125x128xf32, #tpu.memory_space<vmem>>) target(%dma_start3A_673 : memref<10240x128xf32, #tpu.memory_space<vmem_shared>>) offsets(%dma_start3A_670 : memref<125xi32, #tpu.memory_space<vmem>>) semaphore(%run_scoped3A_667 : memref<!tpu.dma_semaphore, #tpu.memory_space<semaphore_mem>>) {add = true}
        %dma_wait3A_674 = arith.constant 0 : i32
        %dma_wait3A_675 = tpu.memref_slice %arg7[%run_scoped3A_423, %dma_wait3A_674] : memref<8x125xi32, #tpu.memory_space<vmem>> -> memref<1x125xi32, #tpu.memory_space<vmem>>
        %dma_wait3A_676 = tpu.memref_squeeze %dma_wait3A_675 : memref<1x125xi32, #tpu.memory_space<vmem>> -> memref<125xi32, #tpu.memory_space<vmem>>
        %dma_wait3A_677 = arith.constant 0 : i32
        %dma_wait3A_678 = arith.constant 0 : i32
        %dma_wait3A_679 = tpu.memref_slice %arg11[%dma_wait3A_677, %dma_wait3A_678] : memref<10240x128xf32, #tpu.memory_space<vmem_shared>> -> memref<10240x128xf32, #tpu.memory_space<vmem_shared>>
        tpu.wait_indirect_dma semaphore(%run_scoped3A_667 : memref<!tpu.dma_semaphore, #tpu.memory_space<semaphore_mem>>) src(%arg9 : memref<125x128xf32, #tpu.memory_space<vmem>>) dst(%dma_wait3A_679 : memref<10240x128xf32, #tpu.memory_space<vmem_shared>>)
        tpu.yield
      }) : () -> ()
      %add3A_424 = arith.constant 2 : i32
      %add3A_425 = arith.addi %add3A_416, %add3A_424 : i32
      %dma_start3A_426 = arith.constant 0 : i32
      %dma_start3A_427 = tpu.memref_slice %arg6[%add3A_425, %dma_start3A_426] : memref<80x125xi32, #tpu.memory_space<vmem>> -> memref<1x125xi32, #tpu.memory_space<vmem>>
      %dma_start3A_428 = tpu.memref_squeeze %dma_start3A_427 : memref<1x125xi32, #tpu.memory_space<vmem>> -> memref<125xi32, #tpu.memory_space<vmem>>
      %dma_start3A_429 = arith.constant 0 : i32
      %dma_start3A_430 = arith.constant 0 : i32
      %dma_start3A_431 = tpu.memref_slice %arg2[%dma_start3A_429, %dma_start3A_430] : memref<10000x128xf32, #tpu.memory_space<hbm>> -> memref<10000x128xf32, #tpu.memory_space<hbm>>
      tpu.enqueue_indirect_dma source(%dma_start3A_431 : memref<10000x128xf32, #tpu.memory_space<hbm>>) target(%arg9 : memref<125x128xf32, #tpu.memory_space<vmem>>) offsets(%dma_start3A_428 : memref<125xi32, #tpu.memory_space<vmem>>) semaphore(%arg14 : memref<!tpu.dma_semaphore, #tpu.memory_space<semaphore_mem>>)
      %mul3A_432 = arith.constant 8 : i32
      %mul3A_433 = arith.muli %mul3A_327, %mul3A_432 : i32
      %add3A_434 = arith.constant 5 : i32
      %add3A_435 = arith.addi %mul3A_433, %add3A_434 : i32
      %dma_wait3A_436 = arith.constant 0 : i32
      %dma_wait3A_437 = tpu.memref_slice %arg6[%add3A_435, %dma_wait3A_436] : memref<80x125xi32, #tpu.memory_space<vmem>> -> memref<1x125xi32, #tpu.memory_space<vmem>>
      %dma_wait3A_438 = tpu.memref_squeeze %dma_wait3A_437 : memref<1x125xi32, #tpu.memory_space<vmem>> -> memref<125xi32, #tpu.memory_space<vmem>>
      %dma_wait3A_439 = arith.constant 0 : i32
      %dma_wait3A_440 = arith.constant 0 : i32
      %dma_wait3A_441 = tpu.memref_slice %arg2[%dma_wait3A_439, %dma_wait3A_440] : memref<10000x128xf32, #tpu.memory_space<hbm>> -> memref<10000x128xf32, #tpu.memory_space<hbm>>
      tpu.wait_indirect_dma semaphore(%arg15 : memref<!tpu.dma_semaphore, #tpu.memory_space<semaphore_mem>>) src(%dma_wait3A_441 : memref<10000x128xf32, #tpu.memory_space<hbm>>) dst(%arg10 : memref<125x128xf32, #tpu.memory_space<vmem>>)
      %run_scoped3A_442 = arith.constant 5 : i32
      "tpu.region"() ({
        %run_scoped3A_667 = tpu.sem_alloc : memref<!tpu.dma_semaphore, #tpu.memory_space<semaphore_mem>>
        %dma_start3A_668 = arith.constant 0 : i32
        %dma_start3A_669 = tpu.memref_slice %arg7[%run_scoped3A_442, %dma_start3A_668] : memref<8x125xi32, #tpu.memory_space<vmem>> -> memref<1x125xi32, #tpu.memory_space<vmem>>
        %dma_start3A_670 = tpu.memref_squeeze %dma_start3A_669 : memref<1x125xi32, #tpu.memory_space<vmem>> -> memref<125xi32, #tpu.memory_space<vmem>>
        %dma_start3A_671 = arith.constant 0 : i32
        %dma_start3A_672 = arith.constant 0 : i32
        %dma_start3A_673 = tpu.memref_slice %arg11[%dma_start3A_671, %dma_start3A_672] : memref<10240x128xf32, #tpu.memory_space<vmem_shared>> -> memref<10240x128xf32, #tpu.memory_space<vmem_shared>>
        tpu.enqueue_indirect_dma source(%arg10 : memref<125x128xf32, #tpu.memory_space<vmem>>) target(%dma_start3A_673 : memref<10240x128xf32, #tpu.memory_space<vmem_shared>>) offsets(%dma_start3A_670 : memref<125xi32, #tpu.memory_space<vmem>>) semaphore(%run_scoped3A_667 : memref<!tpu.dma_semaphore, #tpu.memory_space<semaphore_mem>>) {add = true}
        %dma_wait3A_674 = arith.constant 0 : i32
        %dma_wait3A_675 = tpu.memref_slice %arg7[%run_scoped3A_442, %dma_wait3A_674] : memref<8x125xi32, #tpu.memory_space<vmem>> -> memref<1x125xi32, #tpu.memory_space<vmem>>
        %dma_wait3A_676 = tpu.memref_squeeze %dma_wait3A_675 : memref<1x125xi32, #tpu.memory_space<vmem>> -> memref<125xi32, #tpu.memory_space<vmem>>
        %dma_wait3A_677 = arith.constant 0 : i32
        %dma_wait3A_678 = arith.constant 0 : i32
        %dma_wait3A_679 = tpu.memref_slice %arg11[%dma_wait3A_677, %dma_wait3A_678] : memref<10240x128xf32, #tpu.memory_space<vmem_shared>> -> memref<10240x128xf32, #tpu.memory_space<vmem_shared>>
        tpu.wait_indirect_dma semaphore(%run_scoped3A_667 : memref<!tpu.dma_semaphore, #tpu.memory_space<semaphore_mem>>) src(%arg10 : memref<125x128xf32, #tpu.memory_space<vmem>>) dst(%dma_wait3A_679 : memref<10240x128xf32, #tpu.memory_space<vmem_shared>>)
        tpu.yield
      }) : () -> ()
      %add3A_443 = arith.constant 2 : i32
      %add3A_444 = arith.addi %add3A_435, %add3A_443 : i32
      %dma_start3A_445 = arith.constant 0 : i32
      %dma_start3A_446 = tpu.memref_slice %arg6[%add3A_444, %dma_start3A_445] : memref<80x125xi32, #tpu.memory_space<vmem>> -> memref<1x125xi32, #tpu.memory_space<vmem>>
      %dma_start3A_447 = tpu.memref_squeeze %dma_start3A_446 : memref<1x125xi32, #tpu.memory_space<vmem>> -> memref<125xi32, #tpu.memory_space<vmem>>
      %dma_start3A_448 = arith.constant 0 : i32
      %dma_start3A_449 = arith.constant 0 : i32
      %dma_start3A_450 = tpu.memref_slice %arg2[%dma_start3A_448, %dma_start3A_449] : memref<10000x128xf32, #tpu.memory_space<hbm>> -> memref<10000x128xf32, #tpu.memory_space<hbm>>
      tpu.enqueue_indirect_dma source(%dma_start3A_450 : memref<10000x128xf32, #tpu.memory_space<hbm>>) target(%arg10 : memref<125x128xf32, #tpu.memory_space<vmem>>) offsets(%dma_start3A_447 : memref<125xi32, #tpu.memory_space<vmem>>) semaphore(%arg15 : memref<!tpu.dma_semaphore, #tpu.memory_space<semaphore_mem>>)
      %mul3A_451 = arith.constant 8 : i32
      %mul3A_452 = arith.muli %mul3A_327, %mul3A_451 : i32
      %add3A_453 = arith.constant 6 : i32
      %add3A_454 = arith.addi %mul3A_452, %add3A_453 : i32
      %dma_wait3A_455 = arith.constant 0 : i32
      %dma_wait3A_456 = tpu.memref_slice %arg6[%add3A_454, %dma_wait3A_455] : memref<80x125xi32, #tpu.memory_space<vmem>> -> memref<1x125xi32, #tpu.memory_space<vmem>>
      %dma_wait3A_457 = tpu.memref_squeeze %dma_wait3A_456 : memref<1x125xi32, #tpu.memory_space<vmem>> -> memref<125xi32, #tpu.memory_space<vmem>>
      %dma_wait3A_458 = arith.constant 0 : i32
      %dma_wait3A_459 = arith.constant 0 : i32
      %dma_wait3A_460 = tpu.memref_slice %arg2[%dma_wait3A_458, %dma_wait3A_459] : memref<10000x128xf32, #tpu.memory_space<hbm>> -> memref<10000x128xf32, #tpu.memory_space<hbm>>
      tpu.wait_indirect_dma semaphore(%arg14 : memref<!tpu.dma_semaphore, #tpu.memory_space<semaphore_mem>>) src(%dma_wait3A_460 : memref<10000x128xf32, #tpu.memory_space<hbm>>) dst(%arg9 : memref<125x128xf32, #tpu.memory_space<vmem>>)
      %run_scoped3A_461 = arith.constant 6 : i32
      "tpu.region"() ({
        %run_scoped3A_667 = tpu.sem_alloc : memref<!tpu.dma_semaphore, #tpu.memory_space<semaphore_mem>>
        %dma_start3A_668 = arith.constant 0 : i32
        %dma_start3A_669 = tpu.memref_slice %arg7[%run_scoped3A_461, %dma_start3A_668] : memref<8x125xi32, #tpu.memory_space<vmem>> -> memref<1x125xi32, #tpu.memory_space<vmem>>
        %dma_start3A_670 = tpu.memref_squeeze %dma_start3A_669 : memref<1x125xi32, #tpu.memory_space<vmem>> -> memref<125xi32, #tpu.memory_space<vmem>>
        %dma_start3A_671 = arith.constant 0 : i32
        %dma_start3A_672 = arith.constant 0 : i32
        %dma_start3A_673 = tpu.memref_slice %arg11[%dma_start3A_671, %dma_start3A_672] : memref<10240x128xf32, #tpu.memory_space<vmem_shared>> -> memref<10240x128xf32, #tpu.memory_space<vmem_shared>>
        tpu.enqueue_indirect_dma source(%arg9 : memref<125x128xf32, #tpu.memory_space<vmem>>) target(%dma_start3A_673 : memref<10240x128xf32, #tpu.memory_space<vmem_shared>>) offsets(%dma_start3A_670 : memref<125xi32, #tpu.memory_space<vmem>>) semaphore(%run_scoped3A_667 : memref<!tpu.dma_semaphore, #tpu.memory_space<semaphore_mem>>) {add = true}
        %dma_wait3A_674 = arith.constant 0 : i32
        %dma_wait3A_675 = tpu.memref_slice %arg7[%run_scoped3A_461, %dma_wait3A_674] : memref<8x125xi32, #tpu.memory_space<vmem>> -> memref<1x125xi32, #tpu.memory_space<vmem>>
        %dma_wait3A_676 = tpu.memref_squeeze %dma_wait3A_675 : memref<1x125xi32, #tpu.memory_space<vmem>> -> memref<125xi32, #tpu.memory_space<vmem>>
        %dma_wait3A_677 = arith.constant 0 : i32
        %dma_wait3A_678 = arith.constant 0 : i32
        %dma_wait3A_679 = tpu.memref_slice %arg11[%dma_wait3A_677, %dma_wait3A_678] : memref<10240x128xf32, #tpu.memory_space<vmem_shared>> -> memref<10240x128xf32, #tpu.memory_space<vmem_shared>>
        tpu.wait_indirect_dma semaphore(%run_scoped3A_667 : memref<!tpu.dma_semaphore, #tpu.memory_space<semaphore_mem>>) src(%arg9 : memref<125x128xf32, #tpu.memory_space<vmem>>) dst(%dma_wait3A_679 : memref<10240x128xf32, #tpu.memory_space<vmem_shared>>)
        tpu.yield
      }) : () -> ()
      %add3A_462 = arith.constant 2 : i32
      %add3A_463 = arith.addi %add3A_454, %add3A_462 : i32
      %dma_start3A_464 = arith.constant 0 : i32
      %dma_start3A_465 = tpu.memref_slice %arg6[%add3A_463, %dma_start3A_464] : memref<80x125xi32, #tpu.memory_space<vmem>> -> memref<1x125xi32, #tpu.memory_space<vmem>>
      %dma_start3A_466 = tpu.memref_squeeze %dma_start3A_465 : memref<1x125xi32, #tpu.memory_space<vmem>> -> memref<125xi32, #tpu.memory_space<vmem>>
      %dma_start3A_467 = arith.constant 0 : i32
      %dma_start3A_468 = arith.constant 0 : i32
      %dma_start3A_469 = tpu.memref_slice %arg2[%dma_start3A_467, %dma_start3A_468] : memref<10000x128xf32, #tpu.memory_space<hbm>> -> memref<10000x128xf32, #tpu.memory_space<hbm>>
      tpu.enqueue_indirect_dma source(%dma_start3A_469 : memref<10000x128xf32, #tpu.memory_space<hbm>>) target(%arg9 : memref<125x128xf32, #tpu.memory_space<vmem>>) offsets(%dma_start3A_466 : memref<125xi32, #tpu.memory_space<vmem>>) semaphore(%arg14 : memref<!tpu.dma_semaphore, #tpu.memory_space<semaphore_mem>>)
      %mul3A_470 = arith.constant 8 : i32
      %mul3A_471 = arith.muli %mul3A_327, %mul3A_470 : i32
      %add3A_472 = arith.constant 7 : i32
      %add3A_473 = arith.addi %mul3A_471, %add3A_472 : i32
      %dma_wait3A_474 = arith.constant 0 : i32
      %dma_wait3A_475 = tpu.memref_slice %arg6[%add3A_473, %dma_wait3A_474] : memref<80x125xi32, #tpu.memory_space<vmem>> -> memref<1x125xi32, #tpu.memory_space<vmem>>
      %dma_wait3A_476 = tpu.memref_squeeze %dma_wait3A_475 : memref<1x125xi32, #tpu.memory_space<vmem>> -> memref<125xi32, #tpu.memory_space<vmem>>
      %dma_wait3A_477 = arith.constant 0 : i32
      %dma_wait3A_478 = arith.constant 0 : i32
      %dma_wait3A_479 = tpu.memref_slice %arg2[%dma_wait3A_477, %dma_wait3A_478] : memref<10000x128xf32, #tpu.memory_space<hbm>> -> memref<10000x128xf32, #tpu.memory_space<hbm>>
      tpu.wait_indirect_dma semaphore(%arg15 : memref<!tpu.dma_semaphore, #tpu.memory_space<semaphore_mem>>) src(%dma_wait3A_479 : memref<10000x128xf32, #tpu.memory_space<hbm>>) dst(%arg10 : memref<125x128xf32, #tpu.memory_space<vmem>>)
      %run_scoped3A_480 = arith.constant 7 : i32
      "tpu.region"() ({
        %run_scoped3A_667 = tpu.sem_alloc : memref<!tpu.dma_semaphore, #tpu.memory_space<semaphore_mem>>
        %dma_start3A_668 = arith.constant 0 : i32
        %dma_start3A_669 = tpu.memref_slice %arg7[%run_scoped3A_480, %dma_start3A_668] : memref<8x125xi32, #tpu.memory_space<vmem>> -> memref<1x125xi32, #tpu.memory_space<vmem>>
        %dma_start3A_670 = tpu.memref_squeeze %dma_start3A_669 : memref<1x125xi32, #tpu.memory_space<vmem>> -> memref<125xi32, #tpu.memory_space<vmem>>
        %dma_start3A_671 = arith.constant 0 : i32
        %dma_start3A_672 = arith.constant 0 : i32
        %dma_start3A_673 = tpu.memref_slice %arg11[%dma_start3A_671, %dma_start3A_672] : memref<10240x128xf32, #tpu.memory_space<vmem_shared>> -> memref<10240x128xf32, #tpu.memory_space<vmem_shared>>
        tpu.enqueue_indirect_dma source(%arg10 : memref<125x128xf32, #tpu.memory_space<vmem>>) target(%dma_start3A_673 : memref<10240x128xf32, #tpu.memory_space<vmem_shared>>) offsets(%dma_start3A_670 : memref<125xi32, #tpu.memory_space<vmem>>) semaphore(%run_scoped3A_667 : memref<!tpu.dma_semaphore, #tpu.memory_space<semaphore_mem>>) {add = true}
        %dma_wait3A_674 = arith.constant 0 : i32
        %dma_wait3A_675 = tpu.memref_slice %arg7[%run_scoped3A_480, %dma_wait3A_674] : memref<8x125xi32, #tpu.memory_space<vmem>> -> memref<1x125xi32, #tpu.memory_space<vmem>>
        %dma_wait3A_676 = tpu.memref_squeeze %dma_wait3A_675 : memref<1x125xi32, #tpu.memory_space<vmem>> -> memref<125xi32, #tpu.memory_space<vmem>>
        %dma_wait3A_677 = arith.constant 0 : i32
        %dma_wait3A_678 = arith.constant 0 : i32
        %dma_wait3A_679 = tpu.memref_slice %arg11[%dma_wait3A_677, %dma_wait3A_678] : memref<10240x128xf32, #tpu.memory_space<vmem_shared>> -> memref<10240x128xf32, #tpu.memory_space<vmem_shared>>
        tpu.wait_indirect_dma semaphore(%run_scoped3A_667 : memref<!tpu.dma_semaphore, #tpu.memory_space<semaphore_mem>>) src(%arg10 : memref<125x128xf32, #tpu.memory_space<vmem>>) dst(%dma_wait3A_679 : memref<10240x128xf32, #tpu.memory_space<vmem_shared>>)
        tpu.yield
      }) : () -> ()
      %add3A_481 = arith.constant 2 : i32
      %add3A_482 = arith.addi %add3A_473, %add3A_481 : i32
      %dma_start3A_483 = arith.constant 0 : i32
      %dma_start3A_484 = tpu.memref_slice %arg6[%add3A_482, %dma_start3A_483] : memref<80x125xi32, #tpu.memory_space<vmem>> -> memref<1x125xi32, #tpu.memory_space<vmem>>
      %dma_start3A_485 = tpu.memref_squeeze %dma_start3A_484 : memref<1x125xi32, #tpu.memory_space<vmem>> -> memref<125xi32, #tpu.memory_space<vmem>>
      %dma_start3A_486 = arith.constant 0 : i32
      %dma_start3A_487 = arith.constant 0 : i32
      %dma_start3A_488 = tpu.memref_slice %arg2[%dma_start3A_486, %dma_start3A_487] : memref<10000x128xf32, #tpu.memory_space<hbm>> -> memref<10000x128xf32, #tpu.memory_space<hbm>>
      tpu.enqueue_indirect_dma source(%dma_start3A_488 : memref<10000x128xf32, #tpu.memory_space<hbm>>) target(%arg10 : memref<125x128xf32, #tpu.memory_space<vmem>>) offsets(%dma_start3A_485 : memref<125xi32, #tpu.memory_space<vmem>>) semaphore(%arg15 : memref<!tpu.dma_semaphore, #tpu.memory_space<semaphore_mem>>)
      %mul3A_489 = arith.constant 2 : i32
      %mul3A_490 = arith.muli %mul3A_489, %scan3A_312 : i32
      %add3A_491 = arith.constant 2 : i32
      %add3A_492 = arith.addi %mul3A_490, %add3A_491 : i32
      %mul3A_493 = arith.constant 8 : i32
      %mul3A_494 = arith.muli %add3A_492, %mul3A_493 : i32
      %dma_start3A_495 = arith.constant 1 : i32
      %dma_start3A_496 = arith.constant 0 : i32
      %dma_start3A_497 = tpu.memref_slice %arg3[%dma_start3A_495, %add3A, %mul3A_494, %dma_start3A_496] : memref<2x32x80x125xi32, #tpu.memory_space<hbm>> -> memref<1x1x8x125xi32, #tpu.memory_space<hbm>>
      %dma_start3A_498 = tpu.memref_squeeze %dma_start3A_497 : memref<1x1x8x125xi32, #tpu.memory_space<hbm>> -> memref<8x125xi32, #tpu.memory_space<hbm>>
      %dma_start3A_499 = arith.constant 0 : i32
      %dma_start3A_500 = tpu.memref_slice %arg3[%dma_start3A_495, %add3A, %mul3A_494, %dma_start3A_499] : memref<2x32x80x125xi32, #tpu.memory_space<hbm>> -> memref<1x1x8x125xi32, #tpu.memory_space<hbm>>
      %dma_start3A_501 = tpu.memref_squeeze %dma_start3A_500 : memref<1x1x8x125xi32, #tpu.memory_space<hbm>> -> memref<8x125xi32, #tpu.memory_space<hbm>>
      tpu.enqueue_dma source(%dma_start3A_501 : memref<8x125xi32, #tpu.memory_space<hbm>>) target(%arg7 : memref<8x125xi32, #tpu.memory_space<vmem>>) target_semaphore(%arg12 : memref<!tpu.dma_semaphore, #tpu.memory_space<semaphore_mem>>)
      %mul3A_502 = arith.constant 2 : i32
      %mul3A_503 = arith.muli %mul3A_502, %scan3A_312 : i32
      %add3A_504 = arith.constant 1 : i32
      %add3A_505 = arith.addi %mul3A_503, %add3A_504 : i32
      %dma_wait3A_506 = arith.constant 1 : i32
      %dma_wait3A_507 = arith.constant 0 : i32
      %dma_wait3A_508 = arith.constant 0 : i32
      %dma_wait3A_509 = tpu.memref_slice %arg3[%dma_wait3A_506, %add3A, %dma_wait3A_507, %dma_wait3A_508] : memref<2x32x80x125xi32, #tpu.memory_space<hbm>> -> memref<1x1x8x125xi32, #tpu.memory_space<hbm>>
      %dma_wait3A_510 = tpu.memref_squeeze %dma_wait3A_509 : memref<1x1x8x125xi32, #tpu.memory_space<hbm>> -> memref<8x125xi32, #tpu.memory_space<hbm>>
      %dma_wait3A_511 = arith.constant 0 : i32
      %dma_wait3A_512 = arith.constant 0 : i32
      %dma_wait3A_513 = tpu.memref_slice %arg3[%dma_wait3A_506, %add3A, %dma_wait3A_511, %dma_wait3A_512] : memref<2x32x80x125xi32, #tpu.memory_space<hbm>> -> memref<1x1x8x125xi32, #tpu.memory_space<hbm>>
      %dma_wait3A_514 = tpu.memref_squeeze %dma_wait3A_513 : memref<1x1x8x125xi32, #tpu.memory_space<hbm>> -> memref<8x125xi32, #tpu.memory_space<hbm>>
      tpu.wait_dma2 semaphore(%arg13 : memref<!tpu.dma_semaphore, #tpu.memory_space<semaphore_mem>>) src(%dma_wait3A_514 : memref<8x125xi32, #tpu.memory_space<hbm>>) dst(%arg8 : memref<8x125xi32, #tpu.memory_space<vmem>>)
      %mul3A_515 = arith.constant 8 : i32
      %mul3A_516 = arith.muli %add3A_505, %mul3A_515 : i32
      %add3A_517 = arith.constant 0 : i32
      %add3A_518 = arith.addi %mul3A_516, %add3A_517 : i32
      %dma_wait3A_519 = arith.constant 0 : i32
      %dma_wait3A_520 = tpu.memref_slice %arg6[%add3A_518, %dma_wait3A_519] : memref<80x125xi32, #tpu.memory_space<vmem>> -> memref<1x125xi32, #tpu.memory_space<vmem>>
      %dma_wait3A_521 = tpu.memref_squeeze %dma_wait3A_520 : memref<1x125xi32, #tpu.memory_space<vmem>> -> memref<125xi32, #tpu.memory_space<vmem>>
      %dma_wait3A_522 = arith.constant 0 : i32
      %dma_wait3A_523 = arith.constant 0 : i32
      %dma_wait3A_524 = tpu.memref_slice %arg2[%dma_wait3A_522, %dma_wait3A_523] : memref<10000x128xf32, #tpu.memory_space<hbm>> -> memref<10000x128xf32, #tpu.memory_space<hbm>>
      tpu.wait_indirect_dma semaphore(%arg14 : memref<!tpu.dma_semaphore, #tpu.memory_space<semaphore_mem>>) src(%dma_wait3A_524 : memref<10000x128xf32, #tpu.memory_space<hbm>>) dst(%arg9 : memref<125x128xf32, #tpu.memory_space<vmem>>)
      %run_scoped3A_525 = arith.constant 0 : i32
      "tpu.region"() ({
        %run_scoped3A_667 = tpu.sem_alloc : memref<!tpu.dma_semaphore, #tpu.memory_space<semaphore_mem>>
        %dma_start3A_668 = arith.constant 0 : i32
        %dma_start3A_669 = tpu.memref_slice %arg8[%run_scoped3A_525, %dma_start3A_668] : memref<8x125xi32, #tpu.memory_space<vmem>> -> memref<1x125xi32, #tpu.memory_space<vmem>>
        %dma_start3A_670 = tpu.memref_squeeze %dma_start3A_669 : memref<1x125xi32, #tpu.memory_space<vmem>> -> memref<125xi32, #tpu.memory_space<vmem>>
        %dma_start3A_671 = arith.constant 0 : i32
        %dma_start3A_672 = arith.constant 0 : i32
        %dma_start3A_673 = tpu.memref_slice %arg11[%dma_start3A_671, %dma_start3A_672] : memref<10240x128xf32, #tpu.memory_space<vmem_shared>> -> memref<10240x128xf32, #tpu.memory_space<vmem_shared>>
        tpu.enqueue_indirect_dma source(%arg9 : memref<125x128xf32, #tpu.memory_space<vmem>>) target(%dma_start3A_673 : memref<10240x128xf32, #tpu.memory_space<vmem_shared>>) offsets(%dma_start3A_670 : memref<125xi32, #tpu.memory_space<vmem>>) semaphore(%run_scoped3A_667 : memref<!tpu.dma_semaphore, #tpu.memory_space<semaphore_mem>>) {add = true}
        %dma_wait3A_674 = arith.constant 0 : i32
        %dma_wait3A_675 = tpu.memref_slice %arg8[%run_scoped3A_525, %dma_wait3A_674] : memref<8x125xi32, #tpu.memory_space<vmem>> -> memref<1x125xi32, #tpu.memory_space<vmem>>
        %dma_wait3A_676 = tpu.memref_squeeze %dma_wait3A_675 : memref<1x125xi32, #tpu.memory_space<vmem>> -> memref<125xi32, #tpu.memory_space<vmem>>
        %dma_wait3A_677 = arith.constant 0 : i32
        %dma_wait3A_678 = arith.constant 0 : i32
        %dma_wait3A_679 = tpu.memref_slice %arg11[%dma_wait3A_677, %dma_wait3A_678] : memref<10240x128xf32, #tpu.memory_space<vmem_shared>> -> memref<10240x128xf32, #tpu.memory_space<vmem_shared>>
        tpu.wait_indirect_dma semaphore(%run_scoped3A_667 : memref<!tpu.dma_semaphore, #tpu.memory_space<semaphore_mem>>) src(%arg9 : memref<125x128xf32, #tpu.memory_space<vmem>>) dst(%dma_wait3A_679 : memref<10240x128xf32, #tpu.memory_space<vmem_shared>>)
        tpu.yield
      }) : () -> ()
      %add3A_526 = arith.constant 2 : i32
      %add3A_527 = arith.addi %add3A_518, %add3A_526 : i32
      %dma_start3A_528 = arith.constant 0 : i32
      %dma_start3A_529 = tpu.memref_slice %arg6[%add3A_527, %dma_start3A_528] : memref<80x125xi32, #tpu.memory_space<vmem>> -> memref<1x125xi32, #tpu.memory_space<vmem>>
      %dma_start3A_530 = tpu.memref_squeeze %dma_start3A_529 : memref<1x125xi32, #tpu.memory_space<vmem>> -> memref<125xi32, #tpu.memory_space<vmem>>
      %dma_start3A_531 = arith.constant 0 : i32
      %dma_start3A_532 = arith.constant 0 : i32
      %dma_start3A_533 = tpu.memref_slice %arg2[%dma_start3A_531, %dma_start3A_532] : memref<10000x128xf32, #tpu.memory_space<hbm>> -> memref<10000x128xf32, #tpu.memory_space<hbm>>
      tpu.enqueue_indirect_dma source(%dma_start3A_533 : memref<10000x128xf32, #tpu.memory_space<hbm>>) target(%arg9 : memref<125x128xf32, #tpu.memory_space<vmem>>) offsets(%dma_start3A_530 : memref<125xi32, #tpu.memory_space<vmem>>) semaphore(%arg14 : memref<!tpu.dma_semaphore, #tpu.memory_space<semaphore_mem>>)
      %mul3A_534 = arith.constant 8 : i32
      %mul3A_535 = arith.muli %add3A_505, %mul3A_534 : i32
      %add3A_536 = arith.constant 1 : i32
      %add3A_537 = arith.addi %mul3A_535, %add3A_536 : i32
      %dma_wait3A_538 = arith.constant 0 : i32
      %dma_wait3A_539 = tpu.memref_slice %arg6[%add3A_537, %dma_wait3A_538] : memref<80x125xi32, #tpu.memory_space<vmem>> -> memref<1x125xi32, #tpu.memory_space<vmem>>
      %dma_wait3A_540 = tpu.memref_squeeze %dma_wait3A_539 : memref<1x125xi32, #tpu.memory_space<vmem>> -> memref<125xi32, #tpu.memory_space<vmem>>
      %dma_wait3A_541 = arith.constant 0 : i32
      %dma_wait3A_542 = arith.constant 0 : i32
      %dma_wait3A_543 = tpu.memref_slice %arg2[%dma_wait3A_541, %dma_wait3A_542] : memref<10000x128xf32, #tpu.memory_space<hbm>> -> memref<10000x128xf32, #tpu.memory_space<hbm>>
      tpu.wait_indirect_dma semaphore(%arg15 : memref<!tpu.dma_semaphore, #tpu.memory_space<semaphore_mem>>) src(%dma_wait3A_543 : memref<10000x128xf32, #tpu.memory_space<hbm>>) dst(%arg10 : memref<125x128xf32, #tpu.memory_space<vmem>>)
      %run_scoped3A_544 = arith.constant 1 : i32
      "tpu.region"() ({
        %run_scoped3A_667 = tpu.sem_alloc : memref<!tpu.dma_semaphore, #tpu.memory_space<semaphore_mem>>
        %dma_start3A_668 = arith.constant 0 : i32
        %dma_start3A_669 = tpu.memref_slice %arg8[%run_scoped3A_544, %dma_start3A_668] : memref<8x125xi32, #tpu.memory_space<vmem>> -> memref<1x125xi32, #tpu.memory_space<vmem>>
        %dma_start3A_670 = tpu.memref_squeeze %dma_start3A_669 : memref<1x125xi32, #tpu.memory_space<vmem>> -> memref<125xi32, #tpu.memory_space<vmem>>
        %dma_start3A_671 = arith.constant 0 : i32
        %dma_start3A_672 = arith.constant 0 : i32
        %dma_start3A_673 = tpu.memref_slice %arg11[%dma_start3A_671, %dma_start3A_672] : memref<10240x128xf32, #tpu.memory_space<vmem_shared>> -> memref<10240x128xf32, #tpu.memory_space<vmem_shared>>
        tpu.enqueue_indirect_dma source(%arg10 : memref<125x128xf32, #tpu.memory_space<vmem>>) target(%dma_start3A_673 : memref<10240x128xf32, #tpu.memory_space<vmem_shared>>) offsets(%dma_start3A_670 : memref<125xi32, #tpu.memory_space<vmem>>) semaphore(%run_scoped3A_667 : memref<!tpu.dma_semaphore, #tpu.memory_space<semaphore_mem>>) {add = true}
        %dma_wait3A_674 = arith.constant 0 : i32
        %dma_wait3A_675 = tpu.memref_slice %arg8[%run_scoped3A_544, %dma_wait3A_674] : memref<8x125xi32, #tpu.memory_space<vmem>> -> memref<1x125xi32, #tpu.memory_space<vmem>>
        %dma_wait3A_676 = tpu.memref_squeeze %dma_wait3A_675 : memref<1x125xi32, #tpu.memory_space<vmem>> -> memref<125xi32, #tpu.memory_space<vmem>>
        %dma_wait3A_677 = arith.constant 0 : i32
        %dma_wait3A_678 = arith.constant 0 : i32
        %dma_wait3A_679 = tpu.memref_slice %arg11[%dma_wait3A_677, %dma_wait3A_678] : memref<10240x128xf32, #tpu.memory_space<vmem_shared>> -> memref<10240x128xf32, #tpu.memory_space<vmem_shared>>
        tpu.wait_indirect_dma semaphore(%run_scoped3A_667 : memref<!tpu.dma_semaphore, #tpu.memory_space<semaphore_mem>>) src(%arg10 : memref<125x128xf32, #tpu.memory_space<vmem>>) dst(%dma_wait3A_679 : memref<10240x128xf32, #tpu.memory_space<vmem_shared>>)
        tpu.yield
      }) : () -> ()
      %add3A_545 = arith.constant 2 : i32
      %add3A_546 = arith.addi %add3A_537, %add3A_545 : i32
      %dma_start3A_547 = arith.constant 0 : i32
      %dma_start3A_548 = tpu.memref_slice %arg6[%add3A_546, %dma_start3A_547] : memref<80x125xi32, #tpu.memory_space<vmem>> -> memref<1x125xi32, #tpu.memory_space<vmem>>
      %dma_start3A_549 = tpu.memref_squeeze %dma_start3A_548 : memref<1x125xi32, #tpu.memory_space<vmem>> -> memref<125xi32, #tpu.memory_space<vmem>>
      %dma_start3A_550 = arith.constant 0 : i32
      %dma_start3A_551 = arith.constant 0 : i32
      %dma_start3A_552 = tpu.memref_slice %arg2[%dma_start3A_550, %dma_start3A_551] : memref<10000x128xf32, #tpu.memory_space<hbm>> -> memref<10000x128xf32, #tpu.memory_space<hbm>>
      tpu.enqueue_indirect_dma source(%dma_start3A_552 : memref<10000x128xf32, #tpu.memory_space<hbm>>) target(%arg10 : memref<125x128xf32, #tpu.memory_space<vmem>>) offsets(%dma_start3A_549 : memref<125xi32, #tpu.memory_space<vmem>>) semaphore(%arg15 : memref<!tpu.dma_semaphore, #tpu.memory_space<semaphore_mem>>)
      %mul3A_553 = arith.constant 8 : i32
      %mul3A_554 = arith.muli %add3A_505, %mul3A_553 : i32
      %add3A_555 = arith.constant 2 : i32
      %add3A_556 = arith.addi %mul3A_554, %add3A_555 : i32
      %dma_wait3A_557 = arith.constant 0 : i32
      %dma_wait3A_558 = tpu.memref_slice %arg6[%add3A_556, %dma_wait3A_557] : memref<80x125xi32, #tpu.memory_space<vmem>> -> memref<1x125xi32, #tpu.memory_space<vmem>>
      %dma_wait3A_559 = tpu.memref_squeeze %dma_wait3A_558 : memref<1x125xi32, #tpu.memory_space<vmem>> -> memref<125xi32, #tpu.memory_space<vmem>>
      %dma_wait3A_560 = arith.constant 0 : i32
      %dma_wait3A_561 = arith.constant 0 : i32
      %dma_wait3A_562 = tpu.memref_slice %arg2[%dma_wait3A_560, %dma_wait3A_561] : memref<10000x128xf32, #tpu.memory_space<hbm>> -> memref<10000x128xf32, #tpu.memory_space<hbm>>
      tpu.wait_indirect_dma semaphore(%arg14 : memref<!tpu.dma_semaphore, #tpu.memory_space<semaphore_mem>>) src(%dma_wait3A_562 : memref<10000x128xf32, #tpu.memory_space<hbm>>) dst(%arg9 : memref<125x128xf32, #tpu.memory_space<vmem>>)
      %run_scoped3A_563 = arith.constant 2 : i32
      "tpu.region"() ({
        %run_scoped3A_667 = tpu.sem_alloc : memref<!tpu.dma_semaphore, #tpu.memory_space<semaphore_mem>>
        %dma_start3A_668 = arith.constant 0 : i32
        %dma_start3A_669 = tpu.memref_slice %arg8[%run_scoped3A_563, %dma_start3A_668] : memref<8x125xi32, #tpu.memory_space<vmem>> -> memref<1x125xi32, #tpu.memory_space<vmem>>
        %dma_start3A_670 = tpu.memref_squeeze %dma_start3A_669 : memref<1x125xi32, #tpu.memory_space<vmem>> -> memref<125xi32, #tpu.memory_space<vmem>>
        %dma_start3A_671 = arith.constant 0 : i32
        %dma_start3A_672 = arith.constant 0 : i32
        %dma_start3A_673 = tpu.memref_slice %arg11[%dma_start3A_671, %dma_start3A_672] : memref<10240x128xf32, #tpu.memory_space<vmem_shared>> -> memref<10240x128xf32, #tpu.memory_space<vmem_shared>>
        tpu.enqueue_indirect_dma source(%arg9 : memref<125x128xf32, #tpu.memory_space<vmem>>) target(%dma_start3A_673 : memref<10240x128xf32, #tpu.memory_space<vmem_shared>>) offsets(%dma_start3A_670 : memref<125xi32, #tpu.memory_space<vmem>>) semaphore(%run_scoped3A_667 : memref<!tpu.dma_semaphore, #tpu.memory_space<semaphore_mem>>) {add = true}
        %dma_wait3A_674 = arith.constant 0 : i32
        %dma_wait3A_675 = tpu.memref_slice %arg8[%run_scoped3A_563, %dma_wait3A_674] : memref<8x125xi32, #tpu.memory_space<vmem>> -> memref<1x125xi32, #tpu.memory_space<vmem>>
        %dma_wait3A_676 = tpu.memref_squeeze %dma_wait3A_675 : memref<1x125xi32, #tpu.memory_space<vmem>> -> memref<125xi32, #tpu.memory_space<vmem>>
        %dma_wait3A_677 = arith.constant 0 : i32
        %dma_wait3A_678 = arith.constant 0 : i32
        %dma_wait3A_679 = tpu.memref_slice %arg11[%dma_wait3A_677, %dma_wait3A_678] : memref<10240x128xf32, #tpu.memory_space<vmem_shared>> -> memref<10240x128xf32, #tpu.memory_space<vmem_shared>>
        tpu.wait_indirect_dma semaphore(%run_scoped3A_667 : memref<!tpu.dma_semaphore, #tpu.memory_space<semaphore_mem>>) src(%arg9 : memref<125x128xf32, #tpu.memory_space<vmem>>) dst(%dma_wait3A_679 : memref<10240x128xf32, #tpu.memory_space<vmem_shared>>)
        tpu.yield
      }) : () -> ()
      %add3A_564 = arith.constant 2 : i32
      %add3A_565 = arith.addi %add3A_556, %add3A_564 : i32
      %dma_start3A_566 = arith.constant 0 : i32
      %dma_start3A_567 = tpu.memref_slice %arg6[%add3A_565, %dma_start3A_566] : memref<80x125xi32, #tpu.memory_space<vmem>> -> memref<1x125xi32, #tpu.memory_space<vmem>>
      %dma_start3A_568 = tpu.memref_squeeze %dma_start3A_567 : memref<1x125xi32, #tpu.memory_space<vmem>> -> memref<125xi32, #tpu.memory_space<vmem>>
      %dma_start3A_569 = arith.constant 0 : i32
      %dma_start3A_570 = arith.constant 0 : i32
      %dma_start3A_571 = tpu.memref_slice %arg2[%dma_start3A_569, %dma_start3A_570] : memref<10000x128xf32, #tpu.memory_space<hbm>> -> memref<10000x128xf32, #tpu.memory_space<hbm>>
      tpu.enqueue_indirect_dma source(%dma_start3A_571 : memref<10000x128xf32, #tpu.memory_space<hbm>>) target(%arg9 : memref<125x128xf32, #tpu.memory_space<vmem>>) offsets(%dma_start3A_568 : memref<125xi32, #tpu.memory_space<vmem>>) semaphore(%arg14 : memref<!tpu.dma_semaphore, #tpu.memory_space<semaphore_mem>>)
      %mul3A_572 = arith.constant 8 : i32
      %mul3A_573 = arith.muli %add3A_505, %mul3A_572 : i32
      %add3A_574 = arith.constant 3 : i32
      %add3A_575 = arith.addi %mul3A_573, %add3A_574 : i32
      %dma_wait3A_576 = arith.constant 0 : i32
      %dma_wait3A_577 = tpu.memref_slice %arg6[%add3A_575, %dma_wait3A_576] : memref<80x125xi32, #tpu.memory_space<vmem>> -> memref<1x125xi32, #tpu.memory_space<vmem>>
      %dma_wait3A_578 = tpu.memref_squeeze %dma_wait3A_577 : memref<1x125xi32, #tpu.memory_space<vmem>> -> memref<125xi32, #tpu.memory_space<vmem>>
      %dma_wait3A_579 = arith.constant 0 : i32
      %dma_wait3A_580 = arith.constant 0 : i32
      %dma_wait3A_581 = tpu.memref_slice %arg2[%dma_wait3A_579, %dma_wait3A_580] : memref<10000x128xf32, #tpu.memory_space<hbm>> -> memref<10000x128xf32, #tpu.memory_space<hbm>>
      tpu.wait_indirect_dma semaphore(%arg15 : memref<!tpu.dma_semaphore, #tpu.memory_space<semaphore_mem>>) src(%dma_wait3A_581 : memref<10000x128xf32, #tpu.memory_space<hbm>>) dst(%arg10 : memref<125x128xf32, #tpu.memory_space<vmem>>)
      %run_scoped3A_582 = arith.constant 3 : i32
      "tpu.region"() ({
        %run_scoped3A_667 = tpu.sem_alloc : memref<!tpu.dma_semaphore, #tpu.memory_space<semaphore_mem>>
        %dma_start3A_668 = arith.constant 0 : i32
        %dma_start3A_669 = tpu.memref_slice %arg8[%run_scoped3A_582, %dma_start3A_668] : memref<8x125xi32, #tpu.memory_space<vmem>> -> memref<1x125xi32, #tpu.memory_space<vmem>>
        %dma_start3A_670 = tpu.memref_squeeze %dma_start3A_669 : memref<1x125xi32, #tpu.memory_space<vmem>> -> memref<125xi32, #tpu.memory_space<vmem>>
        %dma_start3A_671 = arith.constant 0 : i32
        %dma_start3A_672 = arith.constant 0 : i32
        %dma_start3A_673 = tpu.memref_slice %arg11[%dma_start3A_671, %dma_start3A_672] : memref<10240x128xf32, #tpu.memory_space<vmem_shared>> -> memref<10240x128xf32, #tpu.memory_space<vmem_shared>>
        tpu.enqueue_indirect_dma source(%arg10 : memref<125x128xf32, #tpu.memory_space<vmem>>) target(%dma_start3A_673 : memref<10240x128xf32, #tpu.memory_space<vmem_shared>>) offsets(%dma_start3A_670 : memref<125xi32, #tpu.memory_space<vmem>>) semaphore(%run_scoped3A_667 : memref<!tpu.dma_semaphore, #tpu.memory_space<semaphore_mem>>) {add = true}
        %dma_wait3A_674 = arith.constant 0 : i32
        %dma_wait3A_675 = tpu.memref_slice %arg8[%run_scoped3A_582, %dma_wait3A_674] : memref<8x125xi32, #tpu.memory_space<vmem>> -> memref<1x125xi32, #tpu.memory_space<vmem>>
        %dma_wait3A_676 = tpu.memref_squeeze %dma_wait3A_675 : memref<1x125xi32, #tpu.memory_space<vmem>> -> memref<125xi32, #tpu.memory_space<vmem>>
        %dma_wait3A_677 = arith.constant 0 : i32
        %dma_wait3A_678 = arith.constant 0 : i32
        %dma_wait3A_679 = tpu.memref_slice %arg11[%dma_wait3A_677, %dma_wait3A_678] : memref<10240x128xf32, #tpu.memory_space<vmem_shared>> -> memref<10240x128xf32, #tpu.memory_space<vmem_shared>>
        tpu.wait_indirect_dma semaphore(%run_scoped3A_667 : memref<!tpu.dma_semaphore, #tpu.memory_space<semaphore_mem>>) src(%arg10 : memref<125x128xf32, #tpu.memory_space<vmem>>) dst(%dma_wait3A_679 : memref<10240x128xf32, #tpu.memory_space<vmem_shared>>)
        tpu.yield
      }) : () -> ()
      %add3A_583 = arith.constant 2 : i32
      %add3A_584 = arith.addi %add3A_575, %add3A_583 : i32
      %dma_start3A_585 = arith.constant 0 : i32
      %dma_start3A_586 = tpu.memref_slice %arg6[%add3A_584, %dma_start3A_585] : memref<80x125xi32, #tpu.memory_space<vmem>> -> memref<1x125xi32, #tpu.memory_space<vmem>>
      %dma_start3A_587 = tpu.memref_squeeze %dma_start3A_586 : memref<1x125xi32, #tpu.memory_space<vmem>> -> memref<125xi32, #tpu.memory_space<vmem>>
      %dma_start3A_588 = arith.constant 0 : i32
      %dma_start3A_589 = arith.constant 0 : i32
      %dma_start3A_590 = tpu.memref_slice %arg2[%dma_start3A_588, %dma_start3A_589] : memref<10000x128xf32, #tpu.memory_space<hbm>> -> memref<10000x128xf32, #tpu.memory_space<hbm>>
      tpu.enqueue_indirect_dma source(%dma_start3A_590 : memref<10000x128xf32, #tpu.memory_space<hbm>>) target(%arg10 : memref<125x128xf32, #tpu.memory_space<vmem>>) offsets(%dma_start3A_587 : memref<125xi32, #tpu.memory_space<vmem>>) semaphore(%arg15 : memref<!tpu.dma_semaphore, #tpu.memory_space<semaphore_mem>>)
      %mul3A_591 = arith.constant 8 : i32
      %mul3A_592 = arith.muli %add3A_505, %mul3A_591 : i32
      %add3A_593 = arith.constant 4 : i32
      %add3A_594 = arith.addi %mul3A_592, %add3A_593 : i32
      %dma_wait3A_595 = arith.constant 0 : i32
      %dma_wait3A_596 = tpu.memref_slice %arg6[%add3A_594, %dma_wait3A_595] : memref<80x125xi32, #tpu.memory_space<vmem>> -> memref<1x125xi32, #tpu.memory_space<vmem>>
      %dma_wait3A_597 = tpu.memref_squeeze %dma_wait3A_596 : memref<1x125xi32, #tpu.memory_space<vmem>> -> memref<125xi32, #tpu.memory_space<vmem>>
      %dma_wait3A_598 = arith.constant 0 : i32
      %dma_wait3A_599 = arith.constant 0 : i32
      %dma_wait3A_600 = tpu.memref_slice %arg2[%dma_wait3A_598, %dma_wait3A_599] : memref<10000x128xf32, #tpu.memory_space<hbm>> -> memref<10000x128xf32, #tpu.memory_space<hbm>>
      tpu.wait_indirect_dma semaphore(%arg14 : memref<!tpu.dma_semaphore, #tpu.memory_space<semaphore_mem>>) src(%dma_wait3A_600 : memref<10000x128xf32, #tpu.memory_space<hbm>>) dst(%arg9 : memref<125x128xf32, #tpu.memory_space<vmem>>)
      %run_scoped3A_601 = arith.constant 4 : i32
      "tpu.region"() ({
        %run_scoped3A_667 = tpu.sem_alloc : memref<!tpu.dma_semaphore, #tpu.memory_space<semaphore_mem>>
        %dma_start3A_668 = arith.constant 0 : i32
        %dma_start3A_669 = tpu.memref_slice %arg8[%run_scoped3A_601, %dma_start3A_668] : memref<8x125xi32, #tpu.memory_space<vmem>> -> memref<1x125xi32, #tpu.memory_space<vmem>>
        %dma_start3A_670 = tpu.memref_squeeze %dma_start3A_669 : memref<1x125xi32, #tpu.memory_space<vmem>> -> memref<125xi32, #tpu.memory_space<vmem>>
        %dma_start3A_671 = arith.constant 0 : i32
        %dma_start3A_672 = arith.constant 0 : i32
        %dma_start3A_673 = tpu.memref_slice %arg11[%dma_start3A_671, %dma_start3A_672] : memref<10240x128xf32, #tpu.memory_space<vmem_shared>> -> memref<10240x128xf32, #tpu.memory_space<vmem_shared>>
        tpu.enqueue_indirect_dma source(%arg9 : memref<125x128xf32, #tpu.memory_space<vmem>>) target(%dma_start3A_673 : memref<10240x128xf32, #tpu.memory_space<vmem_shared>>) offsets(%dma_start3A_670 : memref<125xi32, #tpu.memory_space<vmem>>) semaphore(%run_scoped3A_667 : memref<!tpu.dma_semaphore, #tpu.memory_space<semaphore_mem>>) {add = true}
        %dma_wait3A_674 = arith.constant 0 : i32
        %dma_wait3A_675 = tpu.memref_slice %arg8[%run_scoped3A_601, %dma_wait3A_674] : memref<8x125xi32, #tpu.memory_space<vmem>> -> memref<1x125xi32, #tpu.memory_space<vmem>>
        %dma_wait3A_676 = tpu.memref_squeeze %dma_wait3A_675 : memref<1x125xi32, #tpu.memory_space<vmem>> -> memref<125xi32, #tpu.memory_space<vmem>>
        %dma_wait3A_677 = arith.constant 0 : i32
        %dma_wait3A_678 = arith.constant 0 : i32
        %dma_wait3A_679 = tpu.memref_slice %arg11[%dma_wait3A_677, %dma_wait3A_678] : memref<10240x128xf32, #tpu.memory_space<vmem_shared>> -> memref<10240x128xf32, #tpu.memory_space<vmem_shared>>
        tpu.wait_indirect_dma semaphore(%run_scoped3A_667 : memref<!tpu.dma_semaphore, #tpu.memory_space<semaphore_mem>>) src(%arg9 : memref<125x128xf32, #tpu.memory_space<vmem>>) dst(%dma_wait3A_679 : memref<10240x128xf32, #tpu.memory_space<vmem_shared>>)
        tpu.yield
      }) : () -> ()
      %add3A_602 = arith.constant 2 : i32
      %add3A_603 = arith.addi %add3A_594, %add3A_602 : i32
      %dma_start3A_604 = arith.constant 0 : i32
      %dma_start3A_605 = tpu.memref_slice %arg6[%add3A_603, %dma_start3A_604] : memref<80x125xi32, #tpu.memory_space<vmem>> -> memref<1x125xi32, #tpu.memory_space<vmem>>
      %dma_start3A_606 = tpu.memref_squeeze %dma_start3A_605 : memref<1x125xi32, #tpu.memory_space<vmem>> -> memref<125xi32, #tpu.memory_space<vmem>>
      %dma_start3A_607 = arith.constant 0 : i32
      %dma_start3A_608 = arith.constant 0 : i32
      %dma_start3A_609 = tpu.memref_slice %arg2[%dma_start3A_607, %dma_start3A_608] : memref<10000x128xf32, #tpu.memory_space<hbm>> -> memref<10000x128xf32, #tpu.memory_space<hbm>>
      tpu.enqueue_indirect_dma source(%dma_start3A_609 : memref<10000x128xf32, #tpu.memory_space<hbm>>) target(%arg9 : memref<125x128xf32, #tpu.memory_space<vmem>>) offsets(%dma_start3A_606 : memref<125xi32, #tpu.memory_space<vmem>>) semaphore(%arg14 : memref<!tpu.dma_semaphore, #tpu.memory_space<semaphore_mem>>)
      %mul3A_610 = arith.constant 8 : i32
      %mul3A_611 = arith.muli %add3A_505, %mul3A_610 : i32
      %add3A_612 = arith.constant 5 : i32
      %add3A_613 = arith.addi %mul3A_611, %add3A_612 : i32
      %dma_wait3A_614 = arith.constant 0 : i32
      %dma_wait3A_615 = tpu.memref_slice %arg6[%add3A_613, %dma_wait3A_614] : memref<80x125xi32, #tpu.memory_space<vmem>> -> memref<1x125xi32, #tpu.memory_space<vmem>>
      %dma_wait3A_616 = tpu.memref_squeeze %dma_wait3A_615 : memref<1x125xi32, #tpu.memory_space<vmem>> -> memref<125xi32, #tpu.memory_space<vmem>>
      %dma_wait3A_617 = arith.constant 0 : i32
      %dma_wait3A_618 = arith.constant 0 : i32
      %dma_wait3A_619 = tpu.memref_slice %arg2[%dma_wait3A_617, %dma_wait3A_618] : memref<10000x128xf32, #tpu.memory_space<hbm>> -> memref<10000x128xf32, #tpu.memory_space<hbm>>
      tpu.wait_indirect_dma semaphore(%arg15 : memref<!tpu.dma_semaphore, #tpu.memory_space<semaphore_mem>>) src(%dma_wait3A_619 : memref<10000x128xf32, #tpu.memory_space<hbm>>) dst(%arg10 : memref<125x128xf32, #tpu.memory_space<vmem>>)
      %run_scoped3A_620 = arith.constant 5 : i32
      "tpu.region"() ({
        %run_scoped3A_667 = tpu.sem_alloc : memref<!tpu.dma_semaphore, #tpu.memory_space<semaphore_mem>>
        %dma_start3A_668 = arith.constant 0 : i32
        %dma_start3A_669 = tpu.memref_slice %arg8[%run_scoped3A_620, %dma_start3A_668] : memref<8x125xi32, #tpu.memory_space<vmem>> -> memref<1x125xi32, #tpu.memory_space<vmem>>
        %dma_start3A_670 = tpu.memref_squeeze %dma_start3A_669 : memref<1x125xi32, #tpu.memory_space<vmem>> -> memref<125xi32, #tpu.memory_space<vmem>>
        %dma_start3A_671 = arith.constant 0 : i32
        %dma_start3A_672 = arith.constant 0 : i32
        %dma_start3A_673 = tpu.memref_slice %arg11[%dma_start3A_671, %dma_start3A_672] : memref<10240x128xf32, #tpu.memory_space<vmem_shared>> -> memref<10240x128xf32, #tpu.memory_space<vmem_shared>>
        tpu.enqueue_indirect_dma source(%arg10 : memref<125x128xf32, #tpu.memory_space<vmem>>) target(%dma_start3A_673 : memref<10240x128xf32, #tpu.memory_space<vmem_shared>>) offsets(%dma_start3A_670 : memref<125xi32, #tpu.memory_space<vmem>>) semaphore(%run_scoped3A_667 : memref<!tpu.dma_semaphore, #tpu.memory_space<semaphore_mem>>) {add = true}
        %dma_wait3A_674 = arith.constant 0 : i32
        %dma_wait3A_675 = tpu.memref_slice %arg8[%run_scoped3A_620, %dma_wait3A_674] : memref<8x125xi32, #tpu.memory_space<vmem>> -> memref<1x125xi32, #tpu.memory_space<vmem>>
        %dma_wait3A_676 = tpu.memref_squeeze %dma_wait3A_675 : memref<1x125xi32, #tpu.memory_space<vmem>> -> memref<125xi32, #tpu.memory_space<vmem>>
        %dma_wait3A_677 = arith.constant 0 : i32
        %dma_wait3A_678 = arith.constant 0 : i32
        %dma_wait3A_679 = tpu.memref_slice %arg11[%dma_wait3A_677, %dma_wait3A_678] : memref<10240x128xf32, #tpu.memory_space<vmem_shared>> -> memref<10240x128xf32, #tpu.memory_space<vmem_shared>>
        tpu.wait_indirect_dma semaphore(%run_scoped3A_667 : memref<!tpu.dma_semaphore, #tpu.memory_space<semaphore_mem>>) src(%arg10 : memref<125x128xf32, #tpu.memory_space<vmem>>) dst(%dma_wait3A_679 : memref<10240x128xf32, #tpu.memory_space<vmem_shared>>)
        tpu.yield
      }) : () -> ()
      %add3A_621 = arith.constant 2 : i32
      %add3A_622 = arith.addi %add3A_613, %add3A_621 : i32
      %dma_start3A_623 = arith.constant 0 : i32
      %dma_start3A_624 = tpu.memref_slice %arg6[%add3A_622, %dma_start3A_623] : memref<80x125xi32, #tpu.memory_space<vmem>> -> memref<1x125xi32, #tpu.memory_space<vmem>>
      %dma_start3A_625 = tpu.memref_squeeze %dma_start3A_624 : memref<1x125xi32, #tpu.memory_space<vmem>> -> memref<125xi32, #tpu.memory_space<vmem>>
      %dma_start3A_626 = arith.constant 0 : i32
      %dma_start3A_627 = arith.constant 0 : i32
      %dma_start3A_628 = tpu.memref_slice %arg2[%dma_start3A_626, %dma_start3A_627] : memref<10000x128xf32, #tpu.memory_space<hbm>> -> memref<10000x128xf32, #tpu.memory_space<hbm>>
      tpu.enqueue_indirect_dma source(%dma_start3A_628 : memref<10000x128xf32, #tpu.memory_space<hbm>>) target(%arg10 : memref<125x128xf32, #tpu.memory_space<vmem>>) offsets(%dma_start3A_625 : memref<125xi32, #tpu.memory_space<vmem>>) semaphore(%arg15 : memref<!tpu.dma_semaphore, #tpu.memory_space<semaphore_mem>>)
      %mul3A_629 = arith.constant 8 : i32
      %mul3A_630 = arith.muli %add3A_505, %mul3A_629 : i32
      %add3A_631 = arith.constant 6 : i32
      %add3A_632 = arith.addi %mul3A_630, %add3A_631 : i32
      %dma_wait3A_633 = arith.constant 0 : i32
      %dma_wait3A_634 = tpu.memref_slice %arg6[%add3A_632, %dma_wait3A_633] : memref<80x125xi32, #tpu.memory_space<vmem>> -> memref<1x125xi32, #tpu.memory_space<vmem>>
      %dma_wait3A_635 = tpu.memref_squeeze %dma_wait3A_634 : memref<1x125xi32, #tpu.memory_space<vmem>> -> memref<125xi32, #tpu.memory_space<vmem>>
      %dma_wait3A_636 = arith.constant 0 : i32
      %dma_wait3A_637 = arith.constant 0 : i32
      %dma_wait3A_638 = tpu.memref_slice %arg2[%dma_wait3A_636, %dma_wait3A_637] : memref<10000x128xf32, #tpu.memory_space<hbm>> -> memref<10000x128xf32, #tpu.memory_space<hbm>>
      tpu.wait_indirect_dma semaphore(%arg14 : memref<!tpu.dma_semaphore, #tpu.memory_space<semaphore_mem>>) src(%dma_wait3A_638 : memref<10000x128xf32, #tpu.memory_space<hbm>>) dst(%arg9 : memref<125x128xf32, #tpu.memory_space<vmem>>)
      %run_scoped3A_639 = arith.constant 6 : i32
      "tpu.region"() ({
        %run_scoped3A_667 = tpu.sem_alloc : memref<!tpu.dma_semaphore, #tpu.memory_space<semaphore_mem>>
        %dma_start3A_668 = arith.constant 0 : i32
        %dma_start3A_669 = tpu.memref_slice %arg8[%run_scoped3A_639, %dma_start3A_668] : memref<8x125xi32, #tpu.memory_space<vmem>> -> memref<1x125xi32, #tpu.memory_space<vmem>>
        %dma_start3A_670 = tpu.memref_squeeze %dma_start3A_669 : memref<1x125xi32, #tpu.memory_space<vmem>> -> memref<125xi32, #tpu.memory_space<vmem>>
        %dma_start3A_671 = arith.constant 0 : i32
        %dma_start3A_672 = arith.constant 0 : i32
        %dma_start3A_673 = tpu.memref_slice %arg11[%dma_start3A_671, %dma_start3A_672] : memref<10240x128xf32, #tpu.memory_space<vmem_shared>> -> memref<10240x128xf32, #tpu.memory_space<vmem_shared>>
        tpu.enqueue_indirect_dma source(%arg9 : memref<125x128xf32, #tpu.memory_space<vmem>>) target(%dma_start3A_673 : memref<10240x128xf32, #tpu.memory_space<vmem_shared>>) offsets(%dma_start3A_670 : memref<125xi32, #tpu.memory_space<vmem>>) semaphore(%run_scoped3A_667 : memref<!tpu.dma_semaphore, #tpu.memory_space<semaphore_mem>>) {add = true}
        %dma_wait3A_674 = arith.constant 0 : i32
        %dma_wait3A_675 = tpu.memref_slice %arg8[%run_scoped3A_639, %dma_wait3A_674] : memref<8x125xi32, #tpu.memory_space<vmem>> -> memref<1x125xi32, #tpu.memory_space<vmem>>
        %dma_wait3A_676 = tpu.memref_squeeze %dma_wait3A_675 : memref<1x125xi32, #tpu.memory_space<vmem>> -> memref<125xi32, #tpu.memory_space<vmem>>
        %dma_wait3A_677 = arith.constant 0 : i32
        %dma_wait3A_678 = arith.constant 0 : i32
        %dma_wait3A_679 = tpu.memref_slice %arg11[%dma_wait3A_677, %dma_wait3A_678] : memref<10240x128xf32, #tpu.memory_space<vmem_shared>> -> memref<10240x128xf32, #tpu.memory_space<vmem_shared>>
        tpu.wait_indirect_dma semaphore(%run_scoped3A_667 : memref<!tpu.dma_semaphore, #tpu.memory_space<semaphore_mem>>) src(%arg9 : memref<125x128xf32, #tpu.memory_space<vmem>>) dst(%dma_wait3A_679 : memref<10240x128xf32, #tpu.memory_space<vmem_shared>>)
        tpu.yield
      }) : () -> ()
      %add3A_640 = arith.constant 2 : i32
      %add3A_641 = arith.addi %add3A_632, %add3A_640 : i32
      %dma_start3A_642 = arith.constant 0 : i32
      %dma_start3A_643 = tpu.memref_slice %arg6[%add3A_641, %dma_start3A_642] : memref<80x125xi32, #tpu.memory_space<vmem>> -> memref<1x125xi32, #tpu.memory_space<vmem>>
      %dma_start3A_644 = tpu.memref_squeeze %dma_start3A_643 : memref<1x125xi32, #tpu.memory_space<vmem>> -> memref<125xi32, #tpu.memory_space<vmem>>
      %dma_start3A_645 = arith.constant 0 : i32
      %dma_start3A_646 = arith.constant 0 : i32
      %dma_start3A_647 = tpu.memref_slice %arg2[%dma_start3A_645, %dma_start3A_646] : memref<10000x128xf32, #tpu.memory_space<hbm>> -> memref<10000x128xf32, #tpu.memory_space<hbm>>
      tpu.enqueue_indirect_dma source(%dma_start3A_647 : memref<10000x128xf32, #tpu.memory_space<hbm>>) target(%arg9 : memref<125x128xf32, #tpu.memory_space<vmem>>) offsets(%dma_start3A_644 : memref<125xi32, #tpu.memory_space<vmem>>) semaphore(%arg14 : memref<!tpu.dma_semaphore, #tpu.memory_space<semaphore_mem>>)
      %mul3A_648 = arith.constant 8 : i32
      %mul3A_649 = arith.muli %add3A_505, %mul3A_648 : i32
      %add3A_650 = arith.constant 7 : i32
      %add3A_651 = arith.addi %mul3A_649, %add3A_650 : i32
      %dma_wait3A_652 = arith.constant 0 : i32
      %dma_wait3A_653 = tpu.memref_slice %arg6[%add3A_651, %dma_wait3A_652] : memref<80x125xi32, #tpu.memory_space<vmem>> -> memref<1x125xi32, #tpu.memory_space<vmem>>
      %dma_wait3A_654 = tpu.memref_squeeze %dma_wait3A_653 : memref<1x125xi32, #tpu.memory_space<vmem>> -> memref<125xi32, #tpu.memory_space<vmem>>
      %dma_wait3A_655 = arith.constant 0 : i32
      %dma_wait3A_656 = arith.constant 0 : i32
      %dma_wait3A_657 = tpu.memref_slice %arg2[%dma_wait3A_655, %dma_wait3A_656] : memref<10000x128xf32, #tpu.memory_space<hbm>> -> memref<10000x128xf32, #tpu.memory_space<hbm>>
      tpu.wait_indirect_dma semaphore(%arg15 : memref<!tpu.dma_semaphore, #tpu.memory_space<semaphore_mem>>) src(%dma_wait3A_657 : memref<10000x128xf32, #tpu.memory_space<hbm>>) dst(%arg10 : memref<125x128xf32, #tpu.memory_space<vmem>>)
      %run_scoped3A_658 = arith.constant 7 : i32
      "tpu.region"() ({
        %run_scoped3A_667 = tpu.sem_alloc : memref<!tpu.dma_semaphore, #tpu.memory_space<semaphore_mem>>
        %dma_start3A_668 = arith.constant 0 : i32
        %dma_start3A_669 = tpu.memref_slice %arg8[%run_scoped3A_658, %dma_start3A_668] : memref<8x125xi32, #tpu.memory_space<vmem>> -> memref<1x125xi32, #tpu.memory_space<vmem>>
        %dma_start3A_670 = tpu.memref_squeeze %dma_start3A_669 : memref<1x125xi32, #tpu.memory_space<vmem>> -> memref<125xi32, #tpu.memory_space<vmem>>
        %dma_start3A_671 = arith.constant 0 : i32
        %dma_start3A_672 = arith.constant 0 : i32
        %dma_start3A_673 = tpu.memref_slice %arg11[%dma_start3A_671, %dma_start3A_672] : memref<10240x128xf32, #tpu.memory_space<vmem_shared>> -> memref<10240x128xf32, #tpu.memory_space<vmem_shared>>
        tpu.enqueue_indirect_dma source(%arg10 : memref<125x128xf32, #tpu.memory_space<vmem>>) target(%dma_start3A_673 : memref<10240x128xf32, #tpu.memory_space<vmem_shared>>) offsets(%dma_start3A_670 : memref<125xi32, #tpu.memory_space<vmem>>) semaphore(%run_scoped3A_667 : memref<!tpu.dma_semaphore, #tpu.memory_space<semaphore_mem>>) {add = true}
        %dma_wait3A_674 = arith.constant 0 : i32
        %dma_wait3A_675 = tpu.memref_slice %arg8[%run_scoped3A_658, %dma_wait3A_674] : memref<8x125xi32, #tpu.memory_space<vmem>> -> memref<1x125xi32, #tpu.memory_space<vmem>>
        %dma_wait3A_676 = tpu.memref_squeeze %dma_wait3A_675 : memref<1x125xi32, #tpu.memory_space<vmem>> -> memref<125xi32, #tpu.memory_space<vmem>>
        %dma_wait3A_677 = arith.constant 0 : i32
        %dma_wait3A_678 = arith.constant 0 : i32
        %dma_wait3A_679 = tpu.memref_slice %arg11[%dma_wait3A_677, %dma_wait3A_678] : memref<10240x128xf32, #tpu.memory_space<vmem_shared>> -> memref<10240x128xf32, #tpu.memory_space<vmem_shared>>
        tpu.wait_indirect_dma semaphore(%run_scoped3A_667 : memref<!tpu.dma_semaphore, #tpu.memory_space<semaphore_mem>>) src(%arg10 : memref<125x128xf32, #tpu.memory_space<vmem>>) dst(%dma_wait3A_679 : memref<10240x128xf32, #tpu.memory_space<vmem_shared>>)
        tpu.yield
      }) : () -> ()
      %add3A_659 = arith.constant 2 : i32
      %add3A_660 = arith.addi %add3A_651, %add3A_659 : i32
      %dma_start3A_661 = arith.constant 0 : i32
      %dma_start3A_662 = tpu.memref_slice %arg6[%add3A_660, %dma_start3A_661] : memref<80x125xi32, #tpu.memory_space<vmem>> -> memref<1x125xi32, #tpu.memory_space<vmem>>
      %dma_start3A_663 = tpu.memref_squeeze %dma_start3A_662 : memref<1x125xi32, #tpu.memory_space<vmem>> -> memref<125xi32, #tpu.memory_space<vmem>>
      %dma_start3A_664 = arith.constant 0 : i32
      %dma_start3A_665 = arith.constant 0 : i32
      %dma_start3A_666 = tpu.memref_slice %arg2[%dma_start3A_664, %dma_start3A_665] : memref<10000x128xf32, #tpu.memory_space<hbm>> -> memref<10000x128xf32, #tpu.memory_space<hbm>>
      tpu.enqueue_indirect_dma source(%dma_start3A_666 : memref<10000x128xf32, #tpu.memory_space<hbm>>) target(%arg10 : memref<125x128xf32, #tpu.memory_space<vmem>>) offsets(%dma_start3A_663 : memref<125xi32, #tpu.memory_space<vmem>>) semaphore(%arg15 : memref<!tpu.dma_semaphore, #tpu.memory_space<semaphore_mem>>)
    }
    %scan3A_28 = arith.constant 4 : i32
    %dma_start3A_29 = arith.constant 1 : i32
    %dma_start3A_30 = arith.constant 72 : i32
    %dma_start3A_31 = arith.constant 0 : i32
    %dma_start3A_32 = tpu.memref_slice %arg3[%dma_start3A_29, %add3A, %dma_start3A_30, %dma_start3A_31] : memref<2x32x80x125xi32, #tpu.memory_space<hbm>> -> memref<1x1x8x125xi32, #tpu.memory_space<hbm>>
    %dma_start3A_33 = tpu.memref_squeeze %dma_start3A_32 : memref<1x1x8x125xi32, #tpu.memory_space<hbm>> -> memref<8x125xi32, #tpu.memory_space<hbm>>
    %dma_start3A_34 = arith.constant 72 : i32
    %dma_start3A_35 = arith.constant 0 : i32
    %dma_start3A_36 = tpu.memref_slice %arg3[%dma_start3A_29, %add3A, %dma_start3A_34, %dma_start3A_35] : memref<2x32x80x125xi32, #tpu.memory_space<hbm>> -> memref<1x1x8x125xi32, #tpu.memory_space<hbm>>
    %dma_start3A_37 = tpu.memref_squeeze %dma_start3A_36 : memref<1x1x8x125xi32, #tpu.memory_space<hbm>> -> memref<8x125xi32, #tpu.memory_space<hbm>>
    tpu.enqueue_dma source(%dma_start3A_37 : memref<8x125xi32, #tpu.memory_space<hbm>>) target(%arg8 : memref<8x125xi32, #tpu.memory_space<vmem>>) target_semaphore(%arg13 : memref<!tpu.dma_semaphore, #tpu.memory_space<semaphore_mem>>)
    %dma_wait3A = arith.constant 1 : i32
    %dma_wait3A_38 = arith.constant 0 : i32
    %dma_wait3A_39 = arith.constant 0 : i32
    %dma_wait3A_40 = tpu.memref_slice %arg3[%dma_wait3A, %add3A, %dma_wait3A_38, %dma_wait3A_39] : memref<2x32x80x125xi32, #tpu.memory_space<hbm>> -> memref<1x1x8x125xi32, #tpu.memory_space<hbm>>
    %dma_wait3A_41 = tpu.memref_squeeze %dma_wait3A_40 : memref<1x1x8x125xi32, #tpu.memory_space<hbm>> -> memref<8x125xi32, #tpu.memory_space<hbm>>
    %dma_wait3A_42 = arith.constant 0 : i32
    %dma_wait3A_43 = arith.constant 0 : i32
    %dma_wait3A_44 = tpu.memref_slice %arg3[%dma_wait3A, %add3A, %dma_wait3A_42, %dma_wait3A_43] : memref<2x32x80x125xi32, #tpu.memory_space<hbm>> -> memref<1x1x8x125xi32, #tpu.memory_space<hbm>>
    %dma_wait3A_45 = tpu.memref_squeeze %dma_wait3A_44 : memref<1x1x8x125xi32, #tpu.memory_space<hbm>> -> memref<8x125xi32, #tpu.memory_space<hbm>>
    tpu.wait_dma2 semaphore(%arg12 : memref<!tpu.dma_semaphore, #tpu.memory_space<semaphore_mem>>) src(%dma_wait3A_45 : memref<8x125xi32, #tpu.memory_space<hbm>>) dst(%arg7 : memref<8x125xi32, #tpu.memory_space<vmem>>)
    %dma_wait3A_46 = arith.constant 64 : i32
    %dma_wait3A_47 = arith.constant 0 : i32
    %dma_wait3A_48 = tpu.memref_slice %arg6[%dma_wait3A_46, %dma_wait3A_47] : memref<80x125xi32, #tpu.memory_space<vmem>> -> memref<1x125xi32, #tpu.memory_space<vmem>>
    %dma_wait3A_49 = tpu.memref_squeeze %dma_wait3A_48 : memref<1x125xi32, #tpu.memory_space<vmem>> -> memref<125xi32, #tpu.memory_space<vmem>>
    %dma_wait3A_50 = arith.constant 0 : i32
    %dma_wait3A_51 = arith.constant 0 : i32
    %dma_wait3A_52 = tpu.memref_slice %arg2[%dma_wait3A_50, %dma_wait3A_51] : memref<10000x128xf32, #tpu.memory_space<hbm>> -> memref<10000x128xf32, #tpu.memory_space<hbm>>
    tpu.wait_indirect_dma semaphore(%arg14 : memref<!tpu.dma_semaphore, #tpu.memory_space<semaphore_mem>>) src(%dma_wait3A_52 : memref<10000x128xf32, #tpu.memory_space<hbm>>) dst(%arg9 : memref<125x128xf32, #tpu.memory_space<vmem>>)
    %run_scoped3A_53 = arith.constant 0 : i32
    "tpu.region"() ({
      %run_scoped3A_312 = tpu.sem_alloc : memref<!tpu.dma_semaphore, #tpu.memory_space<semaphore_mem>>
      %dma_start3A_313 = arith.constant 0 : i32
      %dma_start3A_314 = tpu.memref_slice %arg7[%run_scoped3A_53, %dma_start3A_313] : memref<8x125xi32, #tpu.memory_space<vmem>> -> memref<1x125xi32, #tpu.memory_space<vmem>>
      %dma_start3A_315 = tpu.memref_squeeze %dma_start3A_314 : memref<1x125xi32, #tpu.memory_space<vmem>> -> memref<125xi32, #tpu.memory_space<vmem>>
      %dma_start3A_316 = arith.constant 0 : i32
      %dma_start3A_317 = arith.constant 0 : i32
      %dma_start3A_318 = tpu.memref_slice %arg11[%dma_start3A_316, %dma_start3A_317] : memref<10240x128xf32, #tpu.memory_space<vmem_shared>> -> memref<10240x128xf32, #tpu.memory_space<vmem_shared>>
      tpu.enqueue_indirect_dma source(%arg9 : memref<125x128xf32, #tpu.memory_space<vmem>>) target(%dma_start3A_318 : memref<10240x128xf32, #tpu.memory_space<vmem_shared>>) offsets(%dma_start3A_315 : memref<125xi32, #tpu.memory_space<vmem>>) semaphore(%run_scoped3A_312 : memref<!tpu.dma_semaphore, #tpu.memory_space<semaphore_mem>>) {add = true}
      %dma_wait3A_319 = arith.constant 0 : i32
      %dma_wait3A_320 = tpu.memref_slice %arg7[%run_scoped3A_53, %dma_wait3A_319] : memref<8x125xi32, #tpu.memory_space<vmem>> -> memref<1x125xi32, #tpu.memory_space<vmem>>
      %dma_wait3A_321 = tpu.memref_squeeze %dma_wait3A_320 : memref<1x125xi32, #tpu.memory_space<vmem>> -> memref<125xi32, #tpu.memory_space<vmem>>
      %dma_wait3A_322 = arith.constant 0 : i32
      %dma_wait3A_323 = arith.constant 0 : i32
      %dma_wait3A_324 = tpu.memref_slice %arg11[%dma_wait3A_322, %dma_wait3A_323] : memref<10240x128xf32, #tpu.memory_space<vmem_shared>> -> memref<10240x128xf32, #tpu.memory_space<vmem_shared>>
      tpu.wait_indirect_dma semaphore(%run_scoped3A_312 : memref<!tpu.dma_semaphore, #tpu.memory_space<semaphore_mem>>) src(%arg9 : memref<125x128xf32, #tpu.memory_space<vmem>>) dst(%dma_wait3A_324 : memref<10240x128xf32, #tpu.memory_space<vmem_shared>>)
      tpu.yield
    }) : () -> ()
    %dma_start3A_54 = arith.constant 66 : i32
    %dma_start3A_55 = arith.constant 0 : i32
    %dma_start3A_56 = tpu.memref_slice %arg6[%dma_start3A_54, %dma_start3A_55] : memref<80x125xi32, #tpu.memory_space<vmem>> -> memref<1x125xi32, #tpu.memory_space<vmem>>
    %dma_start3A_57 = tpu.memref_squeeze %dma_start3A_56 : memref<1x125xi32, #tpu.memory_space<vmem>> -> memref<125xi32, #tpu.memory_space<vmem>>
    %dma_start3A_58 = arith.constant 0 : i32
    %dma_start3A_59 = arith.constant 0 : i32
    %dma_start3A_60 = tpu.memref_slice %arg2[%dma_start3A_58, %dma_start3A_59] : memref<10000x128xf32, #tpu.memory_space<hbm>> -> memref<10000x128xf32, #tpu.memory_space<hbm>>
    tpu.enqueue_indirect_dma source(%dma_start3A_60 : memref<10000x128xf32, #tpu.memory_space<hbm>>) target(%arg9 : memref<125x128xf32, #tpu.memory_space<vmem>>) offsets(%dma_start3A_57 : memref<125xi32, #tpu.memory_space<vmem>>) semaphore(%arg14 : memref<!tpu.dma_semaphore, #tpu.memory_space<semaphore_mem>>)
    %dma_wait3A_61 = arith.constant 65 : i32
    %dma_wait3A_62 = arith.constant 0 : i32
    %dma_wait3A_63 = tpu.memref_slice %arg6[%dma_wait3A_61, %dma_wait3A_62] : memref<80x125xi32, #tpu.memory_space<vmem>> -> memref<1x125xi32, #tpu.memory_space<vmem>>
    %dma_wait3A_64 = tpu.memref_squeeze %dma_wait3A_63 : memref<1x125xi32, #tpu.memory_space<vmem>> -> memref<125xi32, #tpu.memory_space<vmem>>
    %dma_wait3A_65 = arith.constant 0 : i32
    %dma_wait3A_66 = arith.constant 0 : i32
    %dma_wait3A_67 = tpu.memref_slice %arg2[%dma_wait3A_65, %dma_wait3A_66] : memref<10000x128xf32, #tpu.memory_space<hbm>> -> memref<10000x128xf32, #tpu.memory_space<hbm>>
    tpu.wait_indirect_dma semaphore(%arg15 : memref<!tpu.dma_semaphore, #tpu.memory_space<semaphore_mem>>) src(%dma_wait3A_67 : memref<10000x128xf32, #tpu.memory_space<hbm>>) dst(%arg10 : memref<125x128xf32, #tpu.memory_space<vmem>>)
    %run_scoped3A_68 = arith.constant 1 : i32
    "tpu.region"() ({
      %run_scoped3A_312 = tpu.sem_alloc : memref<!tpu.dma_semaphore, #tpu.memory_space<semaphore_mem>>
      %dma_start3A_313 = arith.constant 0 : i32
      %dma_start3A_314 = tpu.memref_slice %arg7[%run_scoped3A_68, %dma_start3A_313] : memref<8x125xi32, #tpu.memory_space<vmem>> -> memref<1x125xi32, #tpu.memory_space<vmem>>
      %dma_start3A_315 = tpu.memref_squeeze %dma_start3A_314 : memref<1x125xi32, #tpu.memory_space<vmem>> -> memref<125xi32, #tpu.memory_space<vmem>>
      %dma_start3A_316 = arith.constant 0 : i32
      %dma_start3A_317 = arith.constant 0 : i32
      %dma_start3A_318 = tpu.memref_slice %arg11[%dma_start3A_316, %dma_start3A_317] : memref<10240x128xf32, #tpu.memory_space<vmem_shared>> -> memref<10240x128xf32, #tpu.memory_space<vmem_shared>>
      tpu.enqueue_indirect_dma source(%arg10 : memref<125x128xf32, #tpu.memory_space<vmem>>) target(%dma_start3A_318 : memref<10240x128xf32, #tpu.memory_space<vmem_shared>>) offsets(%dma_start3A_315 : memref<125xi32, #tpu.memory_space<vmem>>) semaphore(%run_scoped3A_312 : memref<!tpu.dma_semaphore, #tpu.memory_space<semaphore_mem>>) {add = true}
      %dma_wait3A_319 = arith.constant 0 : i32
      %dma_wait3A_320 = tpu.memref_slice %arg7[%run_scoped3A_68, %dma_wait3A_319] : memref<8x125xi32, #tpu.memory_space<vmem>> -> memref<1x125xi32, #tpu.memory_space<vmem>>
      %dma_wait3A_321 = tpu.memref_squeeze %dma_wait3A_320 : memref<1x125xi32, #tpu.memory_space<vmem>> -> memref<125xi32, #tpu.memory_space<vmem>>
      %dma_wait3A_322 = arith.constant 0 : i32
      %dma_wait3A_323 = arith.constant 0 : i32
      %dma_wait3A_324 = tpu.memref_slice %arg11[%dma_wait3A_322, %dma_wait3A_323] : memref<10240x128xf32, #tpu.memory_space<vmem_shared>> -> memref<10240x128xf32, #tpu.memory_space<vmem_shared>>
      tpu.wait_indirect_dma semaphore(%run_scoped3A_312 : memref<!tpu.dma_semaphore, #tpu.memory_space<semaphore_mem>>) src(%arg10 : memref<125x128xf32, #tpu.memory_space<vmem>>) dst(%dma_wait3A_324 : memref<10240x128xf32, #tpu.memory_space<vmem_shared>>)
      tpu.yield
    }) : () -> ()
    %dma_start3A_69 = arith.constant 67 : i32
    %dma_start3A_70 = arith.constant 0 : i32
    %dma_start3A_71 = tpu.memref_slice %arg6[%dma_start3A_69, %dma_start3A_70] : memref<80x125xi32, #tpu.memory_space<vmem>> -> memref<1x125xi32, #tpu.memory_space<vmem>>
    %dma_start3A_72 = tpu.memref_squeeze %dma_start3A_71 : memref<1x125xi32, #tpu.memory_space<vmem>> -> memref<125xi32, #tpu.memory_space<vmem>>
    %dma_start3A_73 = arith.constant 0 : i32
    %dma_start3A_74 = arith.constant 0 : i32
    %dma_start3A_75 = tpu.memref_slice %arg2[%dma_start3A_73, %dma_start3A_74] : memref<10000x128xf32, #tpu.memory_space<hbm>> -> memref<10000x128xf32, #tpu.memory_space<hbm>>
    tpu.enqueue_indirect_dma source(%dma_start3A_75 : memref<10000x128xf32, #tpu.memory_space<hbm>>) target(%arg10 : memref<125x128xf32, #tpu.memory_space<vmem>>) offsets(%dma_start3A_72 : memref<125xi32, #tpu.memory_space<vmem>>) semaphore(%arg15 : memref<!tpu.dma_semaphore, #tpu.memory_space<semaphore_mem>>)
    %dma_wait3A_76 = arith.constant 66 : i32
    %dma_wait3A_77 = arith.constant 0 : i32
    %dma_wait3A_78 = tpu.memref_slice %arg6[%dma_wait3A_76, %dma_wait3A_77] : memref<80x125xi32, #tpu.memory_space<vmem>> -> memref<1x125xi32, #tpu.memory_space<vmem>>
    %dma_wait3A_79 = tpu.memref_squeeze %dma_wait3A_78 : memref<1x125xi32, #tpu.memory_space<vmem>> -> memref<125xi32, #tpu.memory_space<vmem>>
    %dma_wait3A_80 = arith.constant 0 : i32
    %dma_wait3A_81 = arith.constant 0 : i32
    %dma_wait3A_82 = tpu.memref_slice %arg2[%dma_wait3A_80, %dma_wait3A_81] : memref<10000x128xf32, #tpu.memory_space<hbm>> -> memref<10000x128xf32, #tpu.memory_space<hbm>>
    tpu.wait_indirect_dma semaphore(%arg14 : memref<!tpu.dma_semaphore, #tpu.memory_space<semaphore_mem>>) src(%dma_wait3A_82 : memref<10000x128xf32, #tpu.memory_space<hbm>>) dst(%arg9 : memref<125x128xf32, #tpu.memory_space<vmem>>)
    %run_scoped3A_83 = arith.constant 2 : i32
    "tpu.region"() ({
      %run_scoped3A_312 = tpu.sem_alloc : memref<!tpu.dma_semaphore, #tpu.memory_space<semaphore_mem>>
      %dma_start3A_313 = arith.constant 0 : i32
      %dma_start3A_314 = tpu.memref_slice %arg7[%run_scoped3A_83, %dma_start3A_313] : memref<8x125xi32, #tpu.memory_space<vmem>> -> memref<1x125xi32, #tpu.memory_space<vmem>>
      %dma_start3A_315 = tpu.memref_squeeze %dma_start3A_314 : memref<1x125xi32, #tpu.memory_space<vmem>> -> memref<125xi32, #tpu.memory_space<vmem>>
      %dma_start3A_316 = arith.constant 0 : i32
      %dma_start3A_317 = arith.constant 0 : i32
      %dma_start3A_318 = tpu.memref_slice %arg11[%dma_start3A_316, %dma_start3A_317] : memref<10240x128xf32, #tpu.memory_space<vmem_shared>> -> memref<10240x128xf32, #tpu.memory_space<vmem_shared>>
      tpu.enqueue_indirect_dma source(%arg9 : memref<125x128xf32, #tpu.memory_space<vmem>>) target(%dma_start3A_318 : memref<10240x128xf32, #tpu.memory_space<vmem_shared>>) offsets(%dma_start3A_315 : memref<125xi32, #tpu.memory_space<vmem>>) semaphore(%run_scoped3A_312 : memref<!tpu.dma_semaphore, #tpu.memory_space<semaphore_mem>>) {add = true}
      %dma_wait3A_319 = arith.constant 0 : i32
      %dma_wait3A_320 = tpu.memref_slice %arg7[%run_scoped3A_83, %dma_wait3A_319] : memref<8x125xi32, #tpu.memory_space<vmem>> -> memref<1x125xi32, #tpu.memory_space<vmem>>
      %dma_wait3A_321 = tpu.memref_squeeze %dma_wait3A_320 : memref<1x125xi32, #tpu.memory_space<vmem>> -> memref<125xi32, #tpu.memory_space<vmem>>
      %dma_wait3A_322 = arith.constant 0 : i32
      %dma_wait3A_323 = arith.constant 0 : i32
      %dma_wait3A_324 = tpu.memref_slice %arg11[%dma_wait3A_322, %dma_wait3A_323] : memref<10240x128xf32, #tpu.memory_space<vmem_shared>> -> memref<10240x128xf32, #tpu.memory_space<vmem_shared>>
      tpu.wait_indirect_dma semaphore(%run_scoped3A_312 : memref<!tpu.dma_semaphore, #tpu.memory_space<semaphore_mem>>) src(%arg9 : memref<125x128xf32, #tpu.memory_space<vmem>>) dst(%dma_wait3A_324 : memref<10240x128xf32, #tpu.memory_space<vmem_shared>>)
      tpu.yield
    }) : () -> ()
    %dma_start3A_84 = arith.constant 68 : i32
    %dma_start3A_85 = arith.constant 0 : i32
    %dma_start3A_86 = tpu.memref_slice %arg6[%dma_start3A_84, %dma_start3A_85] : memref<80x125xi32, #tpu.memory_space<vmem>> -> memref<1x125xi32, #tpu.memory_space<vmem>>
    %dma_start3A_87 = tpu.memref_squeeze %dma_start3A_86 : memref<1x125xi32, #tpu.memory_space<vmem>> -> memref<125xi32, #tpu.memory_space<vmem>>
    %dma_start3A_88 = arith.constant 0 : i32
    %dma_start3A_89 = arith.constant 0 : i32
    %dma_start3A_90 = tpu.memref_slice %arg2[%dma_start3A_88, %dma_start3A_89] : memref<10000x128xf32, #tpu.memory_space<hbm>> -> memref<10000x128xf32, #tpu.memory_space<hbm>>
    tpu.enqueue_indirect_dma source(%dma_start3A_90 : memref<10000x128xf32, #tpu.memory_space<hbm>>) target(%arg9 : memref<125x128xf32, #tpu.memory_space<vmem>>) offsets(%dma_start3A_87 : memref<125xi32, #tpu.memory_space<vmem>>) semaphore(%arg14 : memref<!tpu.dma_semaphore, #tpu.memory_space<semaphore_mem>>)
    %dma_wait3A_91 = arith.constant 67 : i32
    %dma_wait3A_92 = arith.constant 0 : i32
    %dma_wait3A_93 = tpu.memref_slice %arg6[%dma_wait3A_91, %dma_wait3A_92] : memref<80x125xi32, #tpu.memory_space<vmem>> -> memref<1x125xi32, #tpu.memory_space<vmem>>
    %dma_wait3A_94 = tpu.memref_squeeze %dma_wait3A_93 : memref<1x125xi32, #tpu.memory_space<vmem>> -> memref<125xi32, #tpu.memory_space<vmem>>
    %dma_wait3A_95 = arith.constant 0 : i32
    %dma_wait3A_96 = arith.constant 0 : i32
    %dma_wait3A_97 = tpu.memref_slice %arg2[%dma_wait3A_95, %dma_wait3A_96] : memref<10000x128xf32, #tpu.memory_space<hbm>> -> memref<10000x128xf32, #tpu.memory_space<hbm>>
    tpu.wait_indirect_dma semaphore(%arg15 : memref<!tpu.dma_semaphore, #tpu.memory_space<semaphore_mem>>) src(%dma_wait3A_97 : memref<10000x128xf32, #tpu.memory_space<hbm>>) dst(%arg10 : memref<125x128xf32, #tpu.memory_space<vmem>>)
    %run_scoped3A_98 = arith.constant 3 : i32
    "tpu.region"() ({
      %run_scoped3A_312 = tpu.sem_alloc : memref<!tpu.dma_semaphore, #tpu.memory_space<semaphore_mem>>
      %dma_start3A_313 = arith.constant 0 : i32
      %dma_start3A_314 = tpu.memref_slice %arg7[%run_scoped3A_98, %dma_start3A_313] : memref<8x125xi32, #tpu.memory_space<vmem>> -> memref<1x125xi32, #tpu.memory_space<vmem>>
      %dma_start3A_315 = tpu.memref_squeeze %dma_start3A_314 : memref<1x125xi32, #tpu.memory_space<vmem>> -> memref<125xi32, #tpu.memory_space<vmem>>
      %dma_start3A_316 = arith.constant 0 : i32
      %dma_start3A_317 = arith.constant 0 : i32
      %dma_start3A_318 = tpu.memref_slice %arg11[%dma_start3A_316, %dma_start3A_317] : memref<10240x128xf32, #tpu.memory_space<vmem_shared>> -> memref<10240x128xf32, #tpu.memory_space<vmem_shared>>
      tpu.enqueue_indirect_dma source(%arg10 : memref<125x128xf32, #tpu.memory_space<vmem>>) target(%dma_start3A_318 : memref<10240x128xf32, #tpu.memory_space<vmem_shared>>) offsets(%dma_start3A_315 : memref<125xi32, #tpu.memory_space<vmem>>) semaphore(%run_scoped3A_312 : memref<!tpu.dma_semaphore, #tpu.memory_space<semaphore_mem>>) {add = true}
      %dma_wait3A_319 = arith.constant 0 : i32
      %dma_wait3A_320 = tpu.memref_slice %arg7[%run_scoped3A_98, %dma_wait3A_319] : memref<8x125xi32, #tpu.memory_space<vmem>> -> memref<1x125xi32, #tpu.memory_space<vmem>>
      %dma_wait3A_321 = tpu.memref_squeeze %dma_wait3A_320 : memref<1x125xi32, #tpu.memory_space<vmem>> -> memref<125xi32, #tpu.memory_space<vmem>>
      %dma_wait3A_322 = arith.constant 0 : i32
      %dma_wait3A_323 = arith.constant 0 : i32
      %dma_wait3A_324 = tpu.memref_slice %arg11[%dma_wait3A_322, %dma_wait3A_323] : memref<10240x128xf32, #tpu.memory_space<vmem_shared>> -> memref<10240x128xf32, #tpu.memory_space<vmem_shared>>
      tpu.wait_indirect_dma semaphore(%run_scoped3A_312 : memref<!tpu.dma_semaphore, #tpu.memory_space<semaphore_mem>>) src(%arg10 : memref<125x128xf32, #tpu.memory_space<vmem>>) dst(%dma_wait3A_324 : memref<10240x128xf32, #tpu.memory_space<vmem_shared>>)
      tpu.yield
    }) : () -> ()
    %dma_start3A_99 = arith.constant 69 : i32
    %dma_start3A_100 = arith.constant 0 : i32
    %dma_start3A_101 = tpu.memref_slice %arg6[%dma_start3A_99, %dma_start3A_100] : memref<80x125xi32, #tpu.memory_space<vmem>> -> memref<1x125xi32, #tpu.memory_space<vmem>>
    %dma_start3A_102 = tpu.memref_squeeze %dma_start3A_101 : memref<1x125xi32, #tpu.memory_space<vmem>> -> memref<125xi32, #tpu.memory_space<vmem>>
    %dma_start3A_103 = arith.constant 0 : i32
    %dma_start3A_104 = arith.constant 0 : i32
    %dma_start3A_105 = tpu.memref_slice %arg2[%dma_start3A_103, %dma_start3A_104] : memref<10000x128xf32, #tpu.memory_space<hbm>> -> memref<10000x128xf32, #tpu.memory_space<hbm>>
    tpu.enqueue_indirect_dma source(%dma_start3A_105 : memref<10000x128xf32, #tpu.memory_space<hbm>>) target(%arg10 : memref<125x128xf32, #tpu.memory_space<vmem>>) offsets(%dma_start3A_102 : memref<125xi32, #tpu.memory_space<vmem>>) semaphore(%arg15 : memref<!tpu.dma_semaphore, #tpu.memory_space<semaphore_mem>>)
    %dma_wait3A_106 = arith.constant 68 : i32
    %dma_wait3A_107 = arith.constant 0 : i32
    %dma_wait3A_108 = tpu.memref_slice %arg6[%dma_wait3A_106, %dma_wait3A_107] : memref<80x125xi32, #tpu.memory_space<vmem>> -> memref<1x125xi32, #tpu.memory_space<vmem>>
    %dma_wait3A_109 = tpu.memref_squeeze %dma_wait3A_108 : memref<1x125xi32, #tpu.memory_space<vmem>> -> memref<125xi32, #tpu.memory_space<vmem>>
    %dma_wait3A_110 = arith.constant 0 : i32
    %dma_wait3A_111 = arith.constant 0 : i32
    %dma_wait3A_112 = tpu.memref_slice %arg2[%dma_wait3A_110, %dma_wait3A_111] : memref<10000x128xf32, #tpu.memory_space<hbm>> -> memref<10000x128xf32, #tpu.memory_space<hbm>>
    tpu.wait_indirect_dma semaphore(%arg14 : memref<!tpu.dma_semaphore, #tpu.memory_space<semaphore_mem>>) src(%dma_wait3A_112 : memref<10000x128xf32, #tpu.memory_space<hbm>>) dst(%arg9 : memref<125x128xf32, #tpu.memory_space<vmem>>)
    %run_scoped3A_113 = arith.constant 4 : i32
    "tpu.region"() ({
      %run_scoped3A_312 = tpu.sem_alloc : memref<!tpu.dma_semaphore, #tpu.memory_space<semaphore_mem>>
      %dma_start3A_313 = arith.constant 0 : i32
      %dma_start3A_314 = tpu.memref_slice %arg7[%run_scoped3A_113, %dma_start3A_313] : memref<8x125xi32, #tpu.memory_space<vmem>> -> memref<1x125xi32, #tpu.memory_space<vmem>>
      %dma_start3A_315 = tpu.memref_squeeze %dma_start3A_314 : memref<1x125xi32, #tpu.memory_space<vmem>> -> memref<125xi32, #tpu.memory_space<vmem>>
      %dma_start3A_316 = arith.constant 0 : i32
      %dma_start3A_317 = arith.constant 0 : i32
      %dma_start3A_318 = tpu.memref_slice %arg11[%dma_start3A_316, %dma_start3A_317] : memref<10240x128xf32, #tpu.memory_space<vmem_shared>> -> memref<10240x128xf32, #tpu.memory_space<vmem_shared>>
      tpu.enqueue_indirect_dma source(%arg9 : memref<125x128xf32, #tpu.memory_space<vmem>>) target(%dma_start3A_318 : memref<10240x128xf32, #tpu.memory_space<vmem_shared>>) offsets(%dma_start3A_315 : memref<125xi32, #tpu.memory_space<vmem>>) semaphore(%run_scoped3A_312 : memref<!tpu.dma_semaphore, #tpu.memory_space<semaphore_mem>>) {add = true}
      %dma_wait3A_319 = arith.constant 0 : i32
      %dma_wait3A_320 = tpu.memref_slice %arg7[%run_scoped3A_113, %dma_wait3A_319] : memref<8x125xi32, #tpu.memory_space<vmem>> -> memref<1x125xi32, #tpu.memory_space<vmem>>
      %dma_wait3A_321 = tpu.memref_squeeze %dma_wait3A_320 : memref<1x125xi32, #tpu.memory_space<vmem>> -> memref<125xi32, #tpu.memory_space<vmem>>
      %dma_wait3A_322 = arith.constant 0 : i32
      %dma_wait3A_323 = arith.constant 0 : i32
      %dma_wait3A_324 = tpu.memref_slice %arg11[%dma_wait3A_322, %dma_wait3A_323] : memref<10240x128xf32, #tpu.memory_space<vmem_shared>> -> memref<10240x128xf32, #tpu.memory_space<vmem_shared>>
      tpu.wait_indirect_dma semaphore(%run_scoped3A_312 : memref<!tpu.dma_semaphore, #tpu.memory_space<semaphore_mem>>) src(%arg9 : memref<125x128xf32, #tpu.memory_space<vmem>>) dst(%dma_wait3A_324 : memref<10240x128xf32, #tpu.memory_space<vmem_shared>>)
      tpu.yield
    }) : () -> ()
    %dma_start3A_114 = arith.constant 70 : i32
    %dma_start3A_115 = arith.constant 0 : i32
    %dma_start3A_116 = tpu.memref_slice %arg6[%dma_start3A_114, %dma_start3A_115] : memref<80x125xi32, #tpu.memory_space<vmem>> -> memref<1x125xi32, #tpu.memory_space<vmem>>
    %dma_start3A_117 = tpu.memref_squeeze %dma_start3A_116 : memref<1x125xi32, #tpu.memory_space<vmem>> -> memref<125xi32, #tpu.memory_space<vmem>>
    %dma_start3A_118 = arith.constant 0 : i32
    %dma_start3A_119 = arith.constant 0 : i32
    %dma_start3A_120 = tpu.memref_slice %arg2[%dma_start3A_118, %dma_start3A_119] : memref<10000x128xf32, #tpu.memory_space<hbm>> -> memref<10000x128xf32, #tpu.memory_space<hbm>>
    tpu.enqueue_indirect_dma source(%dma_start3A_120 : memref<10000x128xf32, #tpu.memory_space<hbm>>) target(%arg9 : memref<125x128xf32, #tpu.memory_space<vmem>>) offsets(%dma_start3A_117 : memref<125xi32, #tpu.memory_space<vmem>>) semaphore(%arg14 : memref<!tpu.dma_semaphore, #tpu.memory_space<semaphore_mem>>)
    %dma_wait3A_121 = arith.constant 69 : i32
    %dma_wait3A_122 = arith.constant 0 : i32
    %dma_wait3A_123 = tpu.memref_slice %arg6[%dma_wait3A_121, %dma_wait3A_122] : memref<80x125xi32, #tpu.memory_space<vmem>> -> memref<1x125xi32, #tpu.memory_space<vmem>>
    %dma_wait3A_124 = tpu.memref_squeeze %dma_wait3A_123 : memref<1x125xi32, #tpu.memory_space<vmem>> -> memref<125xi32, #tpu.memory_space<vmem>>
    %dma_wait3A_125 = arith.constant 0 : i32
    %dma_wait3A_126 = arith.constant 0 : i32
    %dma_wait3A_127 = tpu.memref_slice %arg2[%dma_wait3A_125, %dma_wait3A_126] : memref<10000x128xf32, #tpu.memory_space<hbm>> -> memref<10000x128xf32, #tpu.memory_space<hbm>>
    tpu.wait_indirect_dma semaphore(%arg15 : memref<!tpu.dma_semaphore, #tpu.memory_space<semaphore_mem>>) src(%dma_wait3A_127 : memref<10000x128xf32, #tpu.memory_space<hbm>>) dst(%arg10 : memref<125x128xf32, #tpu.memory_space<vmem>>)
    %run_scoped3A_128 = arith.constant 5 : i32
    "tpu.region"() ({
      %run_scoped3A_312 = tpu.sem_alloc : memref<!tpu.dma_semaphore, #tpu.memory_space<semaphore_mem>>
      %dma_start3A_313 = arith.constant 0 : i32
      %dma_start3A_314 = tpu.memref_slice %arg7[%run_scoped3A_128, %dma_start3A_313] : memref<8x125xi32, #tpu.memory_space<vmem>> -> memref<1x125xi32, #tpu.memory_space<vmem>>
      %dma_start3A_315 = tpu.memref_squeeze %dma_start3A_314 : memref<1x125xi32, #tpu.memory_space<vmem>> -> memref<125xi32, #tpu.memory_space<vmem>>
      %dma_start3A_316 = arith.constant 0 : i32
      %dma_start3A_317 = arith.constant 0 : i32
      %dma_start3A_318 = tpu.memref_slice %arg11[%dma_start3A_316, %dma_start3A_317] : memref<10240x128xf32, #tpu.memory_space<vmem_shared>> -> memref<10240x128xf32, #tpu.memory_space<vmem_shared>>
      tpu.enqueue_indirect_dma source(%arg10 : memref<125x128xf32, #tpu.memory_space<vmem>>) target(%dma_start3A_318 : memref<10240x128xf32, #tpu.memory_space<vmem_shared>>) offsets(%dma_start3A_315 : memref<125xi32, #tpu.memory_space<vmem>>) semaphore(%run_scoped3A_312 : memref<!tpu.dma_semaphore, #tpu.memory_space<semaphore_mem>>) {add = true}
      %dma_wait3A_319 = arith.constant 0 : i32
      %dma_wait3A_320 = tpu.memref_slice %arg7[%run_scoped3A_128, %dma_wait3A_319] : memref<8x125xi32, #tpu.memory_space<vmem>> -> memref<1x125xi32, #tpu.memory_space<vmem>>
      %dma_wait3A_321 = tpu.memref_squeeze %dma_wait3A_320 : memref<1x125xi32, #tpu.memory_space<vmem>> -> memref<125xi32, #tpu.memory_space<vmem>>
      %dma_wait3A_322 = arith.constant 0 : i32
      %dma_wait3A_323 = arith.constant 0 : i32
      %dma_wait3A_324 = tpu.memref_slice %arg11[%dma_wait3A_322, %dma_wait3A_323] : memref<10240x128xf32, #tpu.memory_space<vmem_shared>> -> memref<10240x128xf32, #tpu.memory_space<vmem_shared>>
      tpu.wait_indirect_dma semaphore(%run_scoped3A_312 : memref<!tpu.dma_semaphore, #tpu.memory_space<semaphore_mem>>) src(%arg10 : memref<125x128xf32, #tpu.memory_space<vmem>>) dst(%dma_wait3A_324 : memref<10240x128xf32, #tpu.memory_space<vmem_shared>>)
      tpu.yield
    }) : () -> ()
    %dma_start3A_129 = arith.constant 71 : i32
    %dma_start3A_130 = arith.constant 0 : i32
    %dma_start3A_131 = tpu.memref_slice %arg6[%dma_start3A_129, %dma_start3A_130] : memref<80x125xi32, #tpu.memory_space<vmem>> -> memref<1x125xi32, #tpu.memory_space<vmem>>
    %dma_start3A_132 = tpu.memref_squeeze %dma_start3A_131 : memref<1x125xi32, #tpu.memory_space<vmem>> -> memref<125xi32, #tpu.memory_space<vmem>>
    %dma_start3A_133 = arith.constant 0 : i32
    %dma_start3A_134 = arith.constant 0 : i32
    %dma_start3A_135 = tpu.memref_slice %arg2[%dma_start3A_133, %dma_start3A_134] : memref<10000x128xf32, #tpu.memory_space<hbm>> -> memref<10000x128xf32, #tpu.memory_space<hbm>>
    tpu.enqueue_indirect_dma source(%dma_start3A_135 : memref<10000x128xf32, #tpu.memory_space<hbm>>) target(%arg10 : memref<125x128xf32, #tpu.memory_space<vmem>>) offsets(%dma_start3A_132 : memref<125xi32, #tpu.memory_space<vmem>>) semaphore(%arg15 : memref<!tpu.dma_semaphore, #tpu.memory_space<semaphore_mem>>)
    %dma_wait3A_136 = arith.constant 70 : i32
    %dma_wait3A_137 = arith.constant 0 : i32
    %dma_wait3A_138 = tpu.memref_slice %arg6[%dma_wait3A_136, %dma_wait3A_137] : memref<80x125xi32, #tpu.memory_space<vmem>> -> memref<1x125xi32, #tpu.memory_space<vmem>>
    %dma_wait3A_139 = tpu.memref_squeeze %dma_wait3A_138 : memref<1x125xi32, #tpu.memory_space<vmem>> -> memref<125xi32, #tpu.memory_space<vmem>>
    %dma_wait3A_140 = arith.constant 0 : i32
    %dma_wait3A_141 = arith.constant 0 : i32
    %dma_wait3A_142 = tpu.memref_slice %arg2[%dma_wait3A_140, %dma_wait3A_141] : memref<10000x128xf32, #tpu.memory_space<hbm>> -> memref<10000x128xf32, #tpu.memory_space<hbm>>
    tpu.wait_indirect_dma semaphore(%arg14 : memref<!tpu.dma_semaphore, #tpu.memory_space<semaphore_mem>>) src(%dma_wait3A_142 : memref<10000x128xf32, #tpu.memory_space<hbm>>) dst(%arg9 : memref<125x128xf32, #tpu.memory_space<vmem>>)
    %run_scoped3A_143 = arith.constant 6 : i32
    "tpu.region"() ({
      %run_scoped3A_312 = tpu.sem_alloc : memref<!tpu.dma_semaphore, #tpu.memory_space<semaphore_mem>>
      %dma_start3A_313 = arith.constant 0 : i32
      %dma_start3A_314 = tpu.memref_slice %arg7[%run_scoped3A_143, %dma_start3A_313] : memref<8x125xi32, #tpu.memory_space<vmem>> -> memref<1x125xi32, #tpu.memory_space<vmem>>
      %dma_start3A_315 = tpu.memref_squeeze %dma_start3A_314 : memref<1x125xi32, #tpu.memory_space<vmem>> -> memref<125xi32, #tpu.memory_space<vmem>>
      %dma_start3A_316 = arith.constant 0 : i32
      %dma_start3A_317 = arith.constant 0 : i32
      %dma_start3A_318 = tpu.memref_slice %arg11[%dma_start3A_316, %dma_start3A_317] : memref<10240x128xf32, #tpu.memory_space<vmem_shared>> -> memref<10240x128xf32, #tpu.memory_space<vmem_shared>>
      tpu.enqueue_indirect_dma source(%arg9 : memref<125x128xf32, #tpu.memory_space<vmem>>) target(%dma_start3A_318 : memref<10240x128xf32, #tpu.memory_space<vmem_shared>>) offsets(%dma_start3A_315 : memref<125xi32, #tpu.memory_space<vmem>>) semaphore(%run_scoped3A_312 : memref<!tpu.dma_semaphore, #tpu.memory_space<semaphore_mem>>) {add = true}
      %dma_wait3A_319 = arith.constant 0 : i32
      %dma_wait3A_320 = tpu.memref_slice %arg7[%run_scoped3A_143, %dma_wait3A_319] : memref<8x125xi32, #tpu.memory_space<vmem>> -> memref<1x125xi32, #tpu.memory_space<vmem>>
      %dma_wait3A_321 = tpu.memref_squeeze %dma_wait3A_320 : memref<1x125xi32, #tpu.memory_space<vmem>> -> memref<125xi32, #tpu.memory_space<vmem>>
      %dma_wait3A_322 = arith.constant 0 : i32
      %dma_wait3A_323 = arith.constant 0 : i32
      %dma_wait3A_324 = tpu.memref_slice %arg11[%dma_wait3A_322, %dma_wait3A_323] : memref<10240x128xf32, #tpu.memory_space<vmem_shared>> -> memref<10240x128xf32, #tpu.memory_space<vmem_shared>>
      tpu.wait_indirect_dma semaphore(%run_scoped3A_312 : memref<!tpu.dma_semaphore, #tpu.memory_space<semaphore_mem>>) src(%arg9 : memref<125x128xf32, #tpu.memory_space<vmem>>) dst(%dma_wait3A_324 : memref<10240x128xf32, #tpu.memory_space<vmem_shared>>)
      tpu.yield
    }) : () -> ()
    %dma_start3A_144 = arith.constant 72 : i32
    %dma_start3A_145 = arith.constant 0 : i32
    %dma_start3A_146 = tpu.memref_slice %arg6[%dma_start3A_144, %dma_start3A_145] : memref<80x125xi32, #tpu.memory_space<vmem>> -> memref<1x125xi32, #tpu.memory_space<vmem>>
    %dma_start3A_147 = tpu.memref_squeeze %dma_start3A_146 : memref<1x125xi32, #tpu.memory_space<vmem>> -> memref<125xi32, #tpu.memory_space<vmem>>
    %dma_start3A_148 = arith.constant 0 : i32
    %dma_start3A_149 = arith.constant 0 : i32
    %dma_start3A_150 = tpu.memref_slice %arg2[%dma_start3A_148, %dma_start3A_149] : memref<10000x128xf32, #tpu.memory_space<hbm>> -> memref<10000x128xf32, #tpu.memory_space<hbm>>
    tpu.enqueue_indirect_dma source(%dma_start3A_150 : memref<10000x128xf32, #tpu.memory_space<hbm>>) target(%arg9 : memref<125x128xf32, #tpu.memory_space<vmem>>) offsets(%dma_start3A_147 : memref<125xi32, #tpu.memory_space<vmem>>) semaphore(%arg14 : memref<!tpu.dma_semaphore, #tpu.memory_space<semaphore_mem>>)
    %dma_wait3A_151 = arith.constant 71 : i32
    %dma_wait3A_152 = arith.constant 0 : i32
    %dma_wait3A_153 = tpu.memref_slice %arg6[%dma_wait3A_151, %dma_wait3A_152] : memref<80x125xi32, #tpu.memory_space<vmem>> -> memref<1x125xi32, #tpu.memory_space<vmem>>
    %dma_wait3A_154 = tpu.memref_squeeze %dma_wait3A_153 : memref<1x125xi32, #tpu.memory_space<vmem>> -> memref<125xi32, #tpu.memory_space<vmem>>
    %dma_wait3A_155 = arith.constant 0 : i32
    %dma_wait3A_156 = arith.constant 0 : i32
    %dma_wait3A_157 = tpu.memref_slice %arg2[%dma_wait3A_155, %dma_wait3A_156] : memref<10000x128xf32, #tpu.memory_space<hbm>> -> memref<10000x128xf32, #tpu.memory_space<hbm>>
    tpu.wait_indirect_dma semaphore(%arg15 : memref<!tpu.dma_semaphore, #tpu.memory_space<semaphore_mem>>) src(%dma_wait3A_157 : memref<10000x128xf32, #tpu.memory_space<hbm>>) dst(%arg10 : memref<125x128xf32, #tpu.memory_space<vmem>>)
    %run_scoped3A_158 = arith.constant 7 : i32
    "tpu.region"() ({
      %run_scoped3A_312 = tpu.sem_alloc : memref<!tpu.dma_semaphore, #tpu.memory_space<semaphore_mem>>
      %dma_start3A_313 = arith.constant 0 : i32
      %dma_start3A_314 = tpu.memref_slice %arg7[%run_scoped3A_158, %dma_start3A_313] : memref<8x125xi32, #tpu.memory_space<vmem>> -> memref<1x125xi32, #tpu.memory_space<vmem>>
      %dma_start3A_315 = tpu.memref_squeeze %dma_start3A_314 : memref<1x125xi32, #tpu.memory_space<vmem>> -> memref<125xi32, #tpu.memory_space<vmem>>
      %dma_start3A_316 = arith.constant 0 : i32
      %dma_start3A_317 = arith.constant 0 : i32
      %dma_start3A_318 = tpu.memref_slice %arg11[%dma_start3A_316, %dma_start3A_317] : memref<10240x128xf32, #tpu.memory_space<vmem_shared>> -> memref<10240x128xf32, #tpu.memory_space<vmem_shared>>
      tpu.enqueue_indirect_dma source(%arg10 : memref<125x128xf32, #tpu.memory_space<vmem>>) target(%dma_start3A_318 : memref<10240x128xf32, #tpu.memory_space<vmem_shared>>) offsets(%dma_start3A_315 : memref<125xi32, #tpu.memory_space<vmem>>) semaphore(%run_scoped3A_312 : memref<!tpu.dma_semaphore, #tpu.memory_space<semaphore_mem>>) {add = true}
      %dma_wait3A_319 = arith.constant 0 : i32
      %dma_wait3A_320 = tpu.memref_slice %arg7[%run_scoped3A_158, %dma_wait3A_319] : memref<8x125xi32, #tpu.memory_space<vmem>> -> memref<1x125xi32, #tpu.memory_space<vmem>>
      %dma_wait3A_321 = tpu.memref_squeeze %dma_wait3A_320 : memref<1x125xi32, #tpu.memory_space<vmem>> -> memref<125xi32, #tpu.memory_space<vmem>>
      %dma_wait3A_322 = arith.constant 0 : i32
      %dma_wait3A_323 = arith.constant 0 : i32
      %dma_wait3A_324 = tpu.memref_slice %arg11[%dma_wait3A_322, %dma_wait3A_323] : memref<10240x128xf32, #tpu.memory_space<vmem_shared>> -> memref<10240x128xf32, #tpu.memory_space<vmem_shared>>
      tpu.wait_indirect_dma semaphore(%run_scoped3A_312 : memref<!tpu.dma_semaphore, #tpu.memory_space<semaphore_mem>>) src(%arg10 : memref<125x128xf32, #tpu.memory_space<vmem>>) dst(%dma_wait3A_324 : memref<10240x128xf32, #tpu.memory_space<vmem_shared>>)
      tpu.yield
    }) : () -> ()
    %dma_start3A_159 = arith.constant 73 : i32
    %dma_start3A_160 = arith.constant 0 : i32
    %dma_start3A_161 = tpu.memref_slice %arg6[%dma_start3A_159, %dma_start3A_160] : memref<80x125xi32, #tpu.memory_space<vmem>> -> memref<1x125xi32, #tpu.memory_space<vmem>>
    %dma_start3A_162 = tpu.memref_squeeze %dma_start3A_161 : memref<1x125xi32, #tpu.memory_space<vmem>> -> memref<125xi32, #tpu.memory_space<vmem>>
    %dma_start3A_163 = arith.constant 0 : i32
    %dma_start3A_164 = arith.constant 0 : i32
    %dma_start3A_165 = tpu.memref_slice %arg2[%dma_start3A_163, %dma_start3A_164] : memref<10000x128xf32, #tpu.memory_space<hbm>> -> memref<10000x128xf32, #tpu.memory_space<hbm>>
    tpu.enqueue_indirect_dma source(%dma_start3A_165 : memref<10000x128xf32, #tpu.memory_space<hbm>>) target(%arg10 : memref<125x128xf32, #tpu.memory_space<vmem>>) offsets(%dma_start3A_162 : memref<125xi32, #tpu.memory_space<vmem>>) semaphore(%arg15 : memref<!tpu.dma_semaphore, #tpu.memory_space<semaphore_mem>>)
    %dma_wait3A_166 = arith.constant 1 : i32
    %dma_wait3A_167 = arith.constant 0 : i32
    %dma_wait3A_168 = arith.constant 0 : i32
    %dma_wait3A_169 = tpu.memref_slice %arg3[%dma_wait3A_166, %add3A, %dma_wait3A_167, %dma_wait3A_168] : memref<2x32x80x125xi32, #tpu.memory_space<hbm>> -> memref<1x1x8x125xi32, #tpu.memory_space<hbm>>
    %dma_wait3A_170 = tpu.memref_squeeze %dma_wait3A_169 : memref<1x1x8x125xi32, #tpu.memory_space<hbm>> -> memref<8x125xi32, #tpu.memory_space<hbm>>
    %dma_wait3A_171 = arith.constant 0 : i32
    %dma_wait3A_172 = arith.constant 0 : i32
    %dma_wait3A_173 = tpu.memref_slice %arg3[%dma_wait3A_166, %add3A, %dma_wait3A_171, %dma_wait3A_172] : memref<2x32x80x125xi32, #tpu.memory_space<hbm>> -> memref<1x1x8x125xi32, #tpu.memory_space<hbm>>
    %dma_wait3A_174 = tpu.memref_squeeze %dma_wait3A_173 : memref<1x1x8x125xi32, #tpu.memory_space<hbm>> -> memref<8x125xi32, #tpu.memory_space<hbm>>
    tpu.wait_dma2 semaphore(%arg13 : memref<!tpu.dma_semaphore, #tpu.memory_space<semaphore_mem>>) src(%dma_wait3A_174 : memref<8x125xi32, #tpu.memory_space<hbm>>) dst(%arg8 : memref<8x125xi32, #tpu.memory_space<vmem>>)
    %dma_wait3A_175 = arith.constant 72 : i32
    %dma_wait3A_176 = arith.constant 0 : i32
    %dma_wait3A_177 = tpu.memref_slice %arg6[%dma_wait3A_175, %dma_wait3A_176] : memref<80x125xi32, #tpu.memory_space<vmem>> -> memref<1x125xi32, #tpu.memory_space<vmem>>
    %dma_wait3A_178 = tpu.memref_squeeze %dma_wait3A_177 : memref<1x125xi32, #tpu.memory_space<vmem>> -> memref<125xi32, #tpu.memory_space<vmem>>
    %dma_wait3A_179 = arith.constant 0 : i32
    %dma_wait3A_180 = arith.constant 0 : i32
    %dma_wait3A_181 = tpu.memref_slice %arg2[%dma_wait3A_179, %dma_wait3A_180] : memref<10000x128xf32, #tpu.memory_space<hbm>> -> memref<10000x128xf32, #tpu.memory_space<hbm>>
    tpu.wait_indirect_dma semaphore(%arg14 : memref<!tpu.dma_semaphore, #tpu.memory_space<semaphore_mem>>) src(%dma_wait3A_181 : memref<10000x128xf32, #tpu.memory_space<hbm>>) dst(%arg9 : memref<125x128xf32, #tpu.memory_space<vmem>>)
    %run_scoped3A_182 = arith.constant 0 : i32
    "tpu.region"() ({
      %run_scoped3A_312 = tpu.sem_alloc : memref<!tpu.dma_semaphore, #tpu.memory_space<semaphore_mem>>
      %dma_start3A_313 = arith.constant 0 : i32
      %dma_start3A_314 = tpu.memref_slice %arg8[%run_scoped3A_182, %dma_start3A_313] : memref<8x125xi32, #tpu.memory_space<vmem>> -> memref<1x125xi32, #tpu.memory_space<vmem>>
      %dma_start3A_315 = tpu.memref_squeeze %dma_start3A_314 : memref<1x125xi32, #tpu.memory_space<vmem>> -> memref<125xi32, #tpu.memory_space<vmem>>
      %dma_start3A_316 = arith.constant 0 : i32
      %dma_start3A_317 = arith.constant 0 : i32
      %dma_start3A_318 = tpu.memref_slice %arg11[%dma_start3A_316, %dma_start3A_317] : memref<10240x128xf32, #tpu.memory_space<vmem_shared>> -> memref<10240x128xf32, #tpu.memory_space<vmem_shared>>
      tpu.enqueue_indirect_dma source(%arg9 : memref<125x128xf32, #tpu.memory_space<vmem>>) target(%dma_start3A_318 : memref<10240x128xf32, #tpu.memory_space<vmem_shared>>) offsets(%dma_start3A_315 : memref<125xi32, #tpu.memory_space<vmem>>) semaphore(%run_scoped3A_312 : memref<!tpu.dma_semaphore, #tpu.memory_space<semaphore_mem>>) {add = true}
      %dma_wait3A_319 = arith.constant 0 : i32
      %dma_wait3A_320 = tpu.memref_slice %arg8[%run_scoped3A_182, %dma_wait3A_319] : memref<8x125xi32, #tpu.memory_space<vmem>> -> memref<1x125xi32, #tpu.memory_space<vmem>>
      %dma_wait3A_321 = tpu.memref_squeeze %dma_wait3A_320 : memref<1x125xi32, #tpu.memory_space<vmem>> -> memref<125xi32, #tpu.memory_space<vmem>>
      %dma_wait3A_322 = arith.constant 0 : i32
      %dma_wait3A_323 = arith.constant 0 : i32
      %dma_wait3A_324 = tpu.memref_slice %arg11[%dma_wait3A_322, %dma_wait3A_323] : memref<10240x128xf32, #tpu.memory_space<vmem_shared>> -> memref<10240x128xf32, #tpu.memory_space<vmem_shared>>
      tpu.wait_indirect_dma semaphore(%run_scoped3A_312 : memref<!tpu.dma_semaphore, #tpu.memory_space<semaphore_mem>>) src(%arg9 : memref<125x128xf32, #tpu.memory_space<vmem>>) dst(%dma_wait3A_324 : memref<10240x128xf32, #tpu.memory_space<vmem_shared>>)
      tpu.yield
    }) : () -> ()
    %dma_start3A_183 = arith.constant 74 : i32
    %dma_start3A_184 = arith.constant 0 : i32
    %dma_start3A_185 = tpu.memref_slice %arg6[%dma_start3A_183, %dma_start3A_184] : memref<80x125xi32, #tpu.memory_space<vmem>> -> memref<1x125xi32, #tpu.memory_space<vmem>>
    %dma_start3A_186 = tpu.memref_squeeze %dma_start3A_185 : memref<1x125xi32, #tpu.memory_space<vmem>> -> memref<125xi32, #tpu.memory_space<vmem>>
    %dma_start3A_187 = arith.constant 0 : i32
    %dma_start3A_188 = arith.constant 0 : i32
    %dma_start3A_189 = tpu.memref_slice %arg2[%dma_start3A_187, %dma_start3A_188] : memref<10000x128xf32, #tpu.memory_space<hbm>> -> memref<10000x128xf32, #tpu.memory_space<hbm>>
    tpu.enqueue_indirect_dma source(%dma_start3A_189 : memref<10000x128xf32, #tpu.memory_space<hbm>>) target(%arg9 : memref<125x128xf32, #tpu.memory_space<vmem>>) offsets(%dma_start3A_186 : memref<125xi32, #tpu.memory_space<vmem>>) semaphore(%arg14 : memref<!tpu.dma_semaphore, #tpu.memory_space<semaphore_mem>>)
    %dma_wait3A_190 = arith.constant 73 : i32
    %dma_wait3A_191 = arith.constant 0 : i32
    %dma_wait3A_192 = tpu.memref_slice %arg6[%dma_wait3A_190, %dma_wait3A_191] : memref<80x125xi32, #tpu.memory_space<vmem>> -> memref<1x125xi32, #tpu.memory_space<vmem>>
    %dma_wait3A_193 = tpu.memref_squeeze %dma_wait3A_192 : memref<1x125xi32, #tpu.memory_space<vmem>> -> memref<125xi32, #tpu.memory_space<vmem>>
    %dma_wait3A_194 = arith.constant 0 : i32
    %dma_wait3A_195 = arith.constant 0 : i32
    %dma_wait3A_196 = tpu.memref_slice %arg2[%dma_wait3A_194, %dma_wait3A_195] : memref<10000x128xf32, #tpu.memory_space<hbm>> -> memref<10000x128xf32, #tpu.memory_space<hbm>>
    tpu.wait_indirect_dma semaphore(%arg15 : memref<!tpu.dma_semaphore, #tpu.memory_space<semaphore_mem>>) src(%dma_wait3A_196 : memref<10000x128xf32, #tpu.memory_space<hbm>>) dst(%arg10 : memref<125x128xf32, #tpu.memory_space<vmem>>)
    %run_scoped3A_197 = arith.constant 1 : i32
    "tpu.region"() ({
      %run_scoped3A_312 = tpu.sem_alloc : memref<!tpu.dma_semaphore, #tpu.memory_space<semaphore_mem>>
      %dma_start3A_313 = arith.constant 0 : i32
      %dma_start3A_314 = tpu.memref_slice %arg8[%run_scoped3A_197, %dma_start3A_313] : memref<8x125xi32, #tpu.memory_space<vmem>> -> memref<1x125xi32, #tpu.memory_space<vmem>>
      %dma_start3A_315 = tpu.memref_squeeze %dma_start3A_314 : memref<1x125xi32, #tpu.memory_space<vmem>> -> memref<125xi32, #tpu.memory_space<vmem>>
      %dma_start3A_316 = arith.constant 0 : i32
      %dma_start3A_317 = arith.constant 0 : i32
      %dma_start3A_318 = tpu.memref_slice %arg11[%dma_start3A_316, %dma_start3A_317] : memref<10240x128xf32, #tpu.memory_space<vmem_shared>> -> memref<10240x128xf32, #tpu.memory_space<vmem_shared>>
      tpu.enqueue_indirect_dma source(%arg10 : memref<125x128xf32, #tpu.memory_space<vmem>>) target(%dma_start3A_318 : memref<10240x128xf32, #tpu.memory_space<vmem_shared>>) offsets(%dma_start3A_315 : memref<125xi32, #tpu.memory_space<vmem>>) semaphore(%run_scoped3A_312 : memref<!tpu.dma_semaphore, #tpu.memory_space<semaphore_mem>>) {add = true}
      %dma_wait3A_319 = arith.constant 0 : i32
      %dma_wait3A_320 = tpu.memref_slice %arg8[%run_scoped3A_197, %dma_wait3A_319] : memref<8x125xi32, #tpu.memory_space<vmem>> -> memref<1x125xi32, #tpu.memory_space<vmem>>
      %dma_wait3A_321 = tpu.memref_squeeze %dma_wait3A_320 : memref<1x125xi32, #tpu.memory_space<vmem>> -> memref<125xi32, #tpu.memory_space<vmem>>
      %dma_wait3A_322 = arith.constant 0 : i32
      %dma_wait3A_323 = arith.constant 0 : i32
      %dma_wait3A_324 = tpu.memref_slice %arg11[%dma_wait3A_322, %dma_wait3A_323] : memref<10240x128xf32, #tpu.memory_space<vmem_shared>> -> memref<10240x128xf32, #tpu.memory_space<vmem_shared>>
      tpu.wait_indirect_dma semaphore(%run_scoped3A_312 : memref<!tpu.dma_semaphore, #tpu.memory_space<semaphore_mem>>) src(%arg10 : memref<125x128xf32, #tpu.memory_space<vmem>>) dst(%dma_wait3A_324 : memref<10240x128xf32, #tpu.memory_space<vmem_shared>>)
      tpu.yield
    }) : () -> ()
    %dma_start3A_198 = arith.constant 75 : i32
    %dma_start3A_199 = arith.constant 0 : i32
    %dma_start3A_200 = tpu.memref_slice %arg6[%dma_start3A_198, %dma_start3A_199] : memref<80x125xi32, #tpu.memory_space<vmem>> -> memref<1x125xi32, #tpu.memory_space<vmem>>
    %dma_start3A_201 = tpu.memref_squeeze %dma_start3A_200 : memref<1x125xi32, #tpu.memory_space<vmem>> -> memref<125xi32, #tpu.memory_space<vmem>>
    %dma_start3A_202 = arith.constant 0 : i32
    %dma_start3A_203 = arith.constant 0 : i32
    %dma_start3A_204 = tpu.memref_slice %arg2[%dma_start3A_202, %dma_start3A_203] : memref<10000x128xf32, #tpu.memory_space<hbm>> -> memref<10000x128xf32, #tpu.memory_space<hbm>>
    tpu.enqueue_indirect_dma source(%dma_start3A_204 : memref<10000x128xf32, #tpu.memory_space<hbm>>) target(%arg10 : memref<125x128xf32, #tpu.memory_space<vmem>>) offsets(%dma_start3A_201 : memref<125xi32, #tpu.memory_space<vmem>>) semaphore(%arg15 : memref<!tpu.dma_semaphore, #tpu.memory_space<semaphore_mem>>)
    %dma_wait3A_205 = arith.constant 74 : i32
    %dma_wait3A_206 = arith.constant 0 : i32
    %dma_wait3A_207 = tpu.memref_slice %arg6[%dma_wait3A_205, %dma_wait3A_206] : memref<80x125xi32, #tpu.memory_space<vmem>> -> memref<1x125xi32, #tpu.memory_space<vmem>>
    %dma_wait3A_208 = tpu.memref_squeeze %dma_wait3A_207 : memref<1x125xi32, #tpu.memory_space<vmem>> -> memref<125xi32, #tpu.memory_space<vmem>>
    %dma_wait3A_209 = arith.constant 0 : i32
    %dma_wait3A_210 = arith.constant 0 : i32
    %dma_wait3A_211 = tpu.memref_slice %arg2[%dma_wait3A_209, %dma_wait3A_210] : memref<10000x128xf32, #tpu.memory_space<hbm>> -> memref<10000x128xf32, #tpu.memory_space<hbm>>
    tpu.wait_indirect_dma semaphore(%arg14 : memref<!tpu.dma_semaphore, #tpu.memory_space<semaphore_mem>>) src(%dma_wait3A_211 : memref<10000x128xf32, #tpu.memory_space<hbm>>) dst(%arg9 : memref<125x128xf32, #tpu.memory_space<vmem>>)
    %run_scoped3A_212 = arith.constant 2 : i32
    "tpu.region"() ({
      %run_scoped3A_312 = tpu.sem_alloc : memref<!tpu.dma_semaphore, #tpu.memory_space<semaphore_mem>>
      %dma_start3A_313 = arith.constant 0 : i32
      %dma_start3A_314 = tpu.memref_slice %arg8[%run_scoped3A_212, %dma_start3A_313] : memref<8x125xi32, #tpu.memory_space<vmem>> -> memref<1x125xi32, #tpu.memory_space<vmem>>
      %dma_start3A_315 = tpu.memref_squeeze %dma_start3A_314 : memref<1x125xi32, #tpu.memory_space<vmem>> -> memref<125xi32, #tpu.memory_space<vmem>>
      %dma_start3A_316 = arith.constant 0 : i32
      %dma_start3A_317 = arith.constant 0 : i32
      %dma_start3A_318 = tpu.memref_slice %arg11[%dma_start3A_316, %dma_start3A_317] : memref<10240x128xf32, #tpu.memory_space<vmem_shared>> -> memref<10240x128xf32, #tpu.memory_space<vmem_shared>>
      tpu.enqueue_indirect_dma source(%arg9 : memref<125x128xf32, #tpu.memory_space<vmem>>) target(%dma_start3A_318 : memref<10240x128xf32, #tpu.memory_space<vmem_shared>>) offsets(%dma_start3A_315 : memref<125xi32, #tpu.memory_space<vmem>>) semaphore(%run_scoped3A_312 : memref<!tpu.dma_semaphore, #tpu.memory_space<semaphore_mem>>) {add = true}
      %dma_wait3A_319 = arith.constant 0 : i32
      %dma_wait3A_320 = tpu.memref_slice %arg8[%run_scoped3A_212, %dma_wait3A_319] : memref<8x125xi32, #tpu.memory_space<vmem>> -> memref<1x125xi32, #tpu.memory_space<vmem>>
      %dma_wait3A_321 = tpu.memref_squeeze %dma_wait3A_320 : memref<1x125xi32, #tpu.memory_space<vmem>> -> memref<125xi32, #tpu.memory_space<vmem>>
      %dma_wait3A_322 = arith.constant 0 : i32
      %dma_wait3A_323 = arith.constant 0 : i32
      %dma_wait3A_324 = tpu.memref_slice %arg11[%dma_wait3A_322, %dma_wait3A_323] : memref<10240x128xf32, #tpu.memory_space<vmem_shared>> -> memref<10240x128xf32, #tpu.memory_space<vmem_shared>>
      tpu.wait_indirect_dma semaphore(%run_scoped3A_312 : memref<!tpu.dma_semaphore, #tpu.memory_space<semaphore_mem>>) src(%arg9 : memref<125x128xf32, #tpu.memory_space<vmem>>) dst(%dma_wait3A_324 : memref<10240x128xf32, #tpu.memory_space<vmem_shared>>)
      tpu.yield
    }) : () -> ()
    %dma_start3A_213 = arith.constant 76 : i32
    %dma_start3A_214 = arith.constant 0 : i32
    %dma_start3A_215 = tpu.memref_slice %arg6[%dma_start3A_213, %dma_start3A_214] : memref<80x125xi32, #tpu.memory_space<vmem>> -> memref<1x125xi32, #tpu.memory_space<vmem>>
    %dma_start3A_216 = tpu.memref_squeeze %dma_start3A_215 : memref<1x125xi32, #tpu.memory_space<vmem>> -> memref<125xi32, #tpu.memory_space<vmem>>
    %dma_start3A_217 = arith.constant 0 : i32
    %dma_start3A_218 = arith.constant 0 : i32
    %dma_start3A_219 = tpu.memref_slice %arg2[%dma_start3A_217, %dma_start3A_218] : memref<10000x128xf32, #tpu.memory_space<hbm>> -> memref<10000x128xf32, #tpu.memory_space<hbm>>
    tpu.enqueue_indirect_dma source(%dma_start3A_219 : memref<10000x128xf32, #tpu.memory_space<hbm>>) target(%arg9 : memref<125x128xf32, #tpu.memory_space<vmem>>) offsets(%dma_start3A_216 : memref<125xi32, #tpu.memory_space<vmem>>) semaphore(%arg14 : memref<!tpu.dma_semaphore, #tpu.memory_space<semaphore_mem>>)
    %dma_wait3A_220 = arith.constant 75 : i32
    %dma_wait3A_221 = arith.constant 0 : i32
    %dma_wait3A_222 = tpu.memref_slice %arg6[%dma_wait3A_220, %dma_wait3A_221] : memref<80x125xi32, #tpu.memory_space<vmem>> -> memref<1x125xi32, #tpu.memory_space<vmem>>
    %dma_wait3A_223 = tpu.memref_squeeze %dma_wait3A_222 : memref<1x125xi32, #tpu.memory_space<vmem>> -> memref<125xi32, #tpu.memory_space<vmem>>
    %dma_wait3A_224 = arith.constant 0 : i32
    %dma_wait3A_225 = arith.constant 0 : i32
    %dma_wait3A_226 = tpu.memref_slice %arg2[%dma_wait3A_224, %dma_wait3A_225] : memref<10000x128xf32, #tpu.memory_space<hbm>> -> memref<10000x128xf32, #tpu.memory_space<hbm>>
    tpu.wait_indirect_dma semaphore(%arg15 : memref<!tpu.dma_semaphore, #tpu.memory_space<semaphore_mem>>) src(%dma_wait3A_226 : memref<10000x128xf32, #tpu.memory_space<hbm>>) dst(%arg10 : memref<125x128xf32, #tpu.memory_space<vmem>>)
    %run_scoped3A_227 = arith.constant 3 : i32
    "tpu.region"() ({
      %run_scoped3A_312 = tpu.sem_alloc : memref<!tpu.dma_semaphore, #tpu.memory_space<semaphore_mem>>
      %dma_start3A_313 = arith.constant 0 : i32
      %dma_start3A_314 = tpu.memref_slice %arg8[%run_scoped3A_227, %dma_start3A_313] : memref<8x125xi32, #tpu.memory_space<vmem>> -> memref<1x125xi32, #tpu.memory_space<vmem>>
      %dma_start3A_315 = tpu.memref_squeeze %dma_start3A_314 : memref<1x125xi32, #tpu.memory_space<vmem>> -> memref<125xi32, #tpu.memory_space<vmem>>
      %dma_start3A_316 = arith.constant 0 : i32
      %dma_start3A_317 = arith.constant 0 : i32
      %dma_start3A_318 = tpu.memref_slice %arg11[%dma_start3A_316, %dma_start3A_317] : memref<10240x128xf32, #tpu.memory_space<vmem_shared>> -> memref<10240x128xf32, #tpu.memory_space<vmem_shared>>
      tpu.enqueue_indirect_dma source(%arg10 : memref<125x128xf32, #tpu.memory_space<vmem>>) target(%dma_start3A_318 : memref<10240x128xf32, #tpu.memory_space<vmem_shared>>) offsets(%dma_start3A_315 : memref<125xi32, #tpu.memory_space<vmem>>) semaphore(%run_scoped3A_312 : memref<!tpu.dma_semaphore, #tpu.memory_space<semaphore_mem>>) {add = true}
      %dma_wait3A_319 = arith.constant 0 : i32
      %dma_wait3A_320 = tpu.memref_slice %arg8[%run_scoped3A_227, %dma_wait3A_319] : memref<8x125xi32, #tpu.memory_space<vmem>> -> memref<1x125xi32, #tpu.memory_space<vmem>>
      %dma_wait3A_321 = tpu.memref_squeeze %dma_wait3A_320 : memref<1x125xi32, #tpu.memory_space<vmem>> -> memref<125xi32, #tpu.memory_space<vmem>>
      %dma_wait3A_322 = arith.constant 0 : i32
      %dma_wait3A_323 = arith.constant 0 : i32
      %dma_wait3A_324 = tpu.memref_slice %arg11[%dma_wait3A_322, %dma_wait3A_323] : memref<10240x128xf32, #tpu.memory_space<vmem_shared>> -> memref<10240x128xf32, #tpu.memory_space<vmem_shared>>
      tpu.wait_indirect_dma semaphore(%run_scoped3A_312 : memref<!tpu.dma_semaphore, #tpu.memory_space<semaphore_mem>>) src(%arg10 : memref<125x128xf32, #tpu.memory_space<vmem>>) dst(%dma_wait3A_324 : memref<10240x128xf32, #tpu.memory_space<vmem_shared>>)
      tpu.yield
    }) : () -> ()
    %dma_start3A_228 = arith.constant 77 : i32
    %dma_start3A_229 = arith.constant 0 : i32
    %dma_start3A_230 = tpu.memref_slice %arg6[%dma_start3A_228, %dma_start3A_229] : memref<80x125xi32, #tpu.memory_space<vmem>> -> memref<1x125xi32, #tpu.memory_space<vmem>>
    %dma_start3A_231 = tpu.memref_squeeze %dma_start3A_230 : memref<1x125xi32, #tpu.memory_space<vmem>> -> memref<125xi32, #tpu.memory_space<vmem>>
    %dma_start3A_232 = arith.constant 0 : i32
    %dma_start3A_233 = arith.constant 0 : i32
    %dma_start3A_234 = tpu.memref_slice %arg2[%dma_start3A_232, %dma_start3A_233] : memref<10000x128xf32, #tpu.memory_space<hbm>> -> memref<10000x128xf32, #tpu.memory_space<hbm>>
    tpu.enqueue_indirect_dma source(%dma_start3A_234 : memref<10000x128xf32, #tpu.memory_space<hbm>>) target(%arg10 : memref<125x128xf32, #tpu.memory_space<vmem>>) offsets(%dma_start3A_231 : memref<125xi32, #tpu.memory_space<vmem>>) semaphore(%arg15 : memref<!tpu.dma_semaphore, #tpu.memory_space<semaphore_mem>>)
    %dma_wait3A_235 = arith.constant 76 : i32
    %dma_wait3A_236 = arith.constant 0 : i32
    %dma_wait3A_237 = tpu.memref_slice %arg6[%dma_wait3A_235, %dma_wait3A_236] : memref<80x125xi32, #tpu.memory_space<vmem>> -> memref<1x125xi32, #tpu.memory_space<vmem>>
    %dma_wait3A_238 = tpu.memref_squeeze %dma_wait3A_237 : memref<1x125xi32, #tpu.memory_space<vmem>> -> memref<125xi32, #tpu.memory_space<vmem>>
    %dma_wait3A_239 = arith.constant 0 : i32
    %dma_wait3A_240 = arith.constant 0 : i32
    %dma_wait3A_241 = tpu.memref_slice %arg2[%dma_wait3A_239, %dma_wait3A_240] : memref<10000x128xf32, #tpu.memory_space<hbm>> -> memref<10000x128xf32, #tpu.memory_space<hbm>>
    tpu.wait_indirect_dma semaphore(%arg14 : memref<!tpu.dma_semaphore, #tpu.memory_space<semaphore_mem>>) src(%dma_wait3A_241 : memref<10000x128xf32, #tpu.memory_space<hbm>>) dst(%arg9 : memref<125x128xf32, #tpu.memory_space<vmem>>)
    %run_scoped3A_242 = arith.constant 4 : i32
    "tpu.region"() ({
      %run_scoped3A_312 = tpu.sem_alloc : memref<!tpu.dma_semaphore, #tpu.memory_space<semaphore_mem>>
      %dma_start3A_313 = arith.constant 0 : i32
      %dma_start3A_314 = tpu.memref_slice %arg8[%run_scoped3A_242, %dma_start3A_313] : memref<8x125xi32, #tpu.memory_space<vmem>> -> memref<1x125xi32, #tpu.memory_space<vmem>>
      %dma_start3A_315 = tpu.memref_squeeze %dma_start3A_314 : memref<1x125xi32, #tpu.memory_space<vmem>> -> memref<125xi32, #tpu.memory_space<vmem>>
      %dma_start3A_316 = arith.constant 0 : i32
      %dma_start3A_317 = arith.constant 0 : i32
      %dma_start3A_318 = tpu.memref_slice %arg11[%dma_start3A_316, %dma_start3A_317] : memref<10240x128xf32, #tpu.memory_space<vmem_shared>> -> memref<10240x128xf32, #tpu.memory_space<vmem_shared>>
      tpu.enqueue_indirect_dma source(%arg9 : memref<125x128xf32, #tpu.memory_space<vmem>>) target(%dma_start3A_318 : memref<10240x128xf32, #tpu.memory_space<vmem_shared>>) offsets(%dma_start3A_315 : memref<125xi32, #tpu.memory_space<vmem>>) semaphore(%run_scoped3A_312 : memref<!tpu.dma_semaphore, #tpu.memory_space<semaphore_mem>>) {add = true}
      %dma_wait3A_319 = arith.constant 0 : i32
      %dma_wait3A_320 = tpu.memref_slice %arg8[%run_scoped3A_242, %dma_wait3A_319] : memref<8x125xi32, #tpu.memory_space<vmem>> -> memref<1x125xi32, #tpu.memory_space<vmem>>
      %dma_wait3A_321 = tpu.memref_squeeze %dma_wait3A_320 : memref<1x125xi32, #tpu.memory_space<vmem>> -> memref<125xi32, #tpu.memory_space<vmem>>
      %dma_wait3A_322 = arith.constant 0 : i32
      %dma_wait3A_323 = arith.constant 0 : i32
      %dma_wait3A_324 = tpu.memref_slice %arg11[%dma_wait3A_322, %dma_wait3A_323] : memref<10240x128xf32, #tpu.memory_space<vmem_shared>> -> memref<10240x128xf32, #tpu.memory_space<vmem_shared>>
      tpu.wait_indirect_dma semaphore(%run_scoped3A_312 : memref<!tpu.dma_semaphore, #tpu.memory_space<semaphore_mem>>) src(%arg9 : memref<125x128xf32, #tpu.memory_space<vmem>>) dst(%dma_wait3A_324 : memref<10240x128xf32, #tpu.memory_space<vmem_shared>>)
      tpu.yield
    }) : () -> ()
    %dma_start3A_243 = arith.constant 78 : i32
    %dma_start3A_244 = arith.constant 0 : i32
    %dma_start3A_245 = tpu.memref_slice %arg6[%dma_start3A_243, %dma_start3A_244] : memref<80x125xi32, #tpu.memory_space<vmem>> -> memref<1x125xi32, #tpu.memory_space<vmem>>
    %dma_start3A_246 = tpu.memref_squeeze %dma_start3A_245 : memref<1x125xi32, #tpu.memory_space<vmem>> -> memref<125xi32, #tpu.memory_space<vmem>>
    %dma_start3A_247 = arith.constant 0 : i32
    %dma_start3A_248 = arith.constant 0 : i32
    %dma_start3A_249 = tpu.memref_slice %arg2[%dma_start3A_247, %dma_start3A_248] : memref<10000x128xf32, #tpu.memory_space<hbm>> -> memref<10000x128xf32, #tpu.memory_space<hbm>>
    tpu.enqueue_indirect_dma source(%dma_start3A_249 : memref<10000x128xf32, #tpu.memory_space<hbm>>) target(%arg9 : memref<125x128xf32, #tpu.memory_space<vmem>>) offsets(%dma_start3A_246 : memref<125xi32, #tpu.memory_space<vmem>>) semaphore(%arg14 : memref<!tpu.dma_semaphore, #tpu.memory_space<semaphore_mem>>)
    %dma_wait3A_250 = arith.constant 77 : i32
    %dma_wait3A_251 = arith.constant 0 : i32
    %dma_wait3A_252 = tpu.memref_slice %arg6[%dma_wait3A_250, %dma_wait3A_251] : memref<80x125xi32, #tpu.memory_space<vmem>> -> memref<1x125xi32, #tpu.memory_space<vmem>>
    %dma_wait3A_253 = tpu.memref_squeeze %dma_wait3A_252 : memref<1x125xi32, #tpu.memory_space<vmem>> -> memref<125xi32, #tpu.memory_space<vmem>>
    %dma_wait3A_254 = arith.constant 0 : i32
    %dma_wait3A_255 = arith.constant 0 : i32
    %dma_wait3A_256 = tpu.memref_slice %arg2[%dma_wait3A_254, %dma_wait3A_255] : memref<10000x128xf32, #tpu.memory_space<hbm>> -> memref<10000x128xf32, #tpu.memory_space<hbm>>
    tpu.wait_indirect_dma semaphore(%arg15 : memref<!tpu.dma_semaphore, #tpu.memory_space<semaphore_mem>>) src(%dma_wait3A_256 : memref<10000x128xf32, #tpu.memory_space<hbm>>) dst(%arg10 : memref<125x128xf32, #tpu.memory_space<vmem>>)
    %run_scoped3A_257 = arith.constant 5 : i32
    "tpu.region"() ({
      %run_scoped3A_312 = tpu.sem_alloc : memref<!tpu.dma_semaphore, #tpu.memory_space<semaphore_mem>>
      %dma_start3A_313 = arith.constant 0 : i32
      %dma_start3A_314 = tpu.memref_slice %arg8[%run_scoped3A_257, %dma_start3A_313] : memref<8x125xi32, #tpu.memory_space<vmem>> -> memref<1x125xi32, #tpu.memory_space<vmem>>
      %dma_start3A_315 = tpu.memref_squeeze %dma_start3A_314 : memref<1x125xi32, #tpu.memory_space<vmem>> -> memref<125xi32, #tpu.memory_space<vmem>>
      %dma_start3A_316 = arith.constant 0 : i32
      %dma_start3A_317 = arith.constant 0 : i32
      %dma_start3A_318 = tpu.memref_slice %arg11[%dma_start3A_316, %dma_start3A_317] : memref<10240x128xf32, #tpu.memory_space<vmem_shared>> -> memref<10240x128xf32, #tpu.memory_space<vmem_shared>>
      tpu.enqueue_indirect_dma source(%arg10 : memref<125x128xf32, #tpu.memory_space<vmem>>) target(%dma_start3A_318 : memref<10240x128xf32, #tpu.memory_space<vmem_shared>>) offsets(%dma_start3A_315 : memref<125xi32, #tpu.memory_space<vmem>>) semaphore(%run_scoped3A_312 : memref<!tpu.dma_semaphore, #tpu.memory_space<semaphore_mem>>) {add = true}
      %dma_wait3A_319 = arith.constant 0 : i32
      %dma_wait3A_320 = tpu.memref_slice %arg8[%run_scoped3A_257, %dma_wait3A_319] : memref<8x125xi32, #tpu.memory_space<vmem>> -> memref<1x125xi32, #tpu.memory_space<vmem>>
      %dma_wait3A_321 = tpu.memref_squeeze %dma_wait3A_320 : memref<1x125xi32, #tpu.memory_space<vmem>> -> memref<125xi32, #tpu.memory_space<vmem>>
      %dma_wait3A_322 = arith.constant 0 : i32
      %dma_wait3A_323 = arith.constant 0 : i32
      %dma_wait3A_324 = tpu.memref_slice %arg11[%dma_wait3A_322, %dma_wait3A_323] : memref<10240x128xf32, #tpu.memory_space<vmem_shared>> -> memref<10240x128xf32, #tpu.memory_space<vmem_shared>>
      tpu.wait_indirect_dma semaphore(%run_scoped3A_312 : memref<!tpu.dma_semaphore, #tpu.memory_space<semaphore_mem>>) src(%arg10 : memref<125x128xf32, #tpu.memory_space<vmem>>) dst(%dma_wait3A_324 : memref<10240x128xf32, #tpu.memory_space<vmem_shared>>)
      tpu.yield
    }) : () -> ()
    %dma_start3A_258 = arith.constant 79 : i32
    %dma_start3A_259 = arith.constant 0 : i32
    %dma_start3A_260 = tpu.memref_slice %arg6[%dma_start3A_258, %dma_start3A_259] : memref<80x125xi32, #tpu.memory_space<vmem>> -> memref<1x125xi32, #tpu.memory_space<vmem>>
    %dma_start3A_261 = tpu.memref_squeeze %dma_start3A_260 : memref<1x125xi32, #tpu.memory_space<vmem>> -> memref<125xi32, #tpu.memory_space<vmem>>
    %dma_start3A_262 = arith.constant 0 : i32
    %dma_start3A_263 = arith.constant 0 : i32
    %dma_start3A_264 = tpu.memref_slice %arg2[%dma_start3A_262, %dma_start3A_263] : memref<10000x128xf32, #tpu.memory_space<hbm>> -> memref<10000x128xf32, #tpu.memory_space<hbm>>
    tpu.enqueue_indirect_dma source(%dma_start3A_264 : memref<10000x128xf32, #tpu.memory_space<hbm>>) target(%arg10 : memref<125x128xf32, #tpu.memory_space<vmem>>) offsets(%dma_start3A_261 : memref<125xi32, #tpu.memory_space<vmem>>) semaphore(%arg15 : memref<!tpu.dma_semaphore, #tpu.memory_space<semaphore_mem>>)
    %dma_wait3A_265 = arith.constant 78 : i32
    %dma_wait3A_266 = arith.constant 0 : i32
    %dma_wait3A_267 = tpu.memref_slice %arg6[%dma_wait3A_265, %dma_wait3A_266] : memref<80x125xi32, #tpu.memory_space<vmem>> -> memref<1x125xi32, #tpu.memory_space<vmem>>
    %dma_wait3A_268 = tpu.memref_squeeze %dma_wait3A_267 : memref<1x125xi32, #tpu.memory_space<vmem>> -> memref<125xi32, #tpu.memory_space<vmem>>
    %dma_wait3A_269 = arith.constant 0 : i32
    %dma_wait3A_270 = arith.constant 0 : i32
    %dma_wait3A_271 = tpu.memref_slice %arg2[%dma_wait3A_269, %dma_wait3A_270] : memref<10000x128xf32, #tpu.memory_space<hbm>> -> memref<10000x128xf32, #tpu.memory_space<hbm>>
    tpu.wait_indirect_dma semaphore(%arg14 : memref<!tpu.dma_semaphore, #tpu.memory_space<semaphore_mem>>) src(%dma_wait3A_271 : memref<10000x128xf32, #tpu.memory_space<hbm>>) dst(%arg9 : memref<125x128xf32, #tpu.memory_space<vmem>>)
    %dma_start3A_272 = arith.constant 6 : i32
    %dma_start3A_273 = arith.constant 0 : i32
    %dma_start3A_274 = tpu.memref_slice %arg8[%dma_start3A_272, %dma_start3A_273] : memref<8x125xi32, #tpu.memory_space<vmem>> -> memref<1x125xi32, #tpu.memory_space<vmem>>
    %dma_start3A_275 = tpu.memref_squeeze %dma_start3A_274 : memref<1x125xi32, #tpu.memory_space<vmem>> -> memref<125xi32, #tpu.memory_space<vmem>>
    %dma_start3A_276 = arith.constant 0 : i32
    %dma_start3A_277 = arith.constant 0 : i32
    %dma_start3A_278 = tpu.memref_slice %arg11[%dma_start3A_276, %dma_start3A_277] : memref<10240x128xf32, #tpu.memory_space<vmem_shared>> -> memref<10240x128xf32, #tpu.memory_space<vmem_shared>>
    tpu.enqueue_indirect_dma source(%arg9 : memref<125x128xf32, #tpu.memory_space<vmem>>) target(%dma_start3A_278 : memref<10240x128xf32, #tpu.memory_space<vmem_shared>>) offsets(%dma_start3A_275 : memref<125xi32, #tpu.memory_space<vmem>>) semaphore(%arg13 : memref<!tpu.dma_semaphore, #tpu.memory_space<semaphore_mem>>) {add = true}
    %dma_wait3A_279 = arith.constant 79 : i32
    %dma_wait3A_280 = arith.constant 0 : i32
    %dma_wait3A_281 = tpu.memref_slice %arg6[%dma_wait3A_279, %dma_wait3A_280] : memref<80x125xi32, #tpu.memory_space<vmem>> -> memref<1x125xi32, #tpu.memory_space<vmem>>
    %dma_wait3A_282 = tpu.memref_squeeze %dma_wait3A_281 : memref<1x125xi32, #tpu.memory_space<vmem>> -> memref<125xi32, #tpu.memory_space<vmem>>
    %dma_wait3A_283 = arith.constant 0 : i32
    %dma_wait3A_284 = arith.constant 0 : i32
    %dma_wait3A_285 = tpu.memref_slice %arg2[%dma_wait3A_283, %dma_wait3A_284] : memref<10000x128xf32, #tpu.memory_space<hbm>> -> memref<10000x128xf32, #tpu.memory_space<hbm>>
    tpu.wait_indirect_dma semaphore(%arg15 : memref<!tpu.dma_semaphore, #tpu.memory_space<semaphore_mem>>) src(%dma_wait3A_285 : memref<10000x128xf32, #tpu.memory_space<hbm>>) dst(%arg10 : memref<125x128xf32, #tpu.memory_space<vmem>>)
    %dma_start3A_286 = arith.constant 7 : i32
    %dma_start3A_287 = arith.constant 0 : i32
    %dma_start3A_288 = tpu.memref_slice %arg8[%dma_start3A_286, %dma_start3A_287] : memref<8x125xi32, #tpu.memory_space<vmem>> -> memref<1x125xi32, #tpu.memory_space<vmem>>
    %dma_start3A_289 = tpu.memref_squeeze %dma_start3A_288 : memref<1x125xi32, #tpu.memory_space<vmem>> -> memref<125xi32, #tpu.memory_space<vmem>>
    %dma_start3A_290 = arith.constant 0 : i32
    %dma_start3A_291 = arith.constant 0 : i32
    %dma_start3A_292 = tpu.memref_slice %arg11[%dma_start3A_290, %dma_start3A_291] : memref<10240x128xf32, #tpu.memory_space<vmem_shared>> -> memref<10240x128xf32, #tpu.memory_space<vmem_shared>>
    tpu.enqueue_indirect_dma source(%arg10 : memref<125x128xf32, #tpu.memory_space<vmem>>) target(%dma_start3A_292 : memref<10240x128xf32, #tpu.memory_space<vmem_shared>>) offsets(%dma_start3A_289 : memref<125xi32, #tpu.memory_space<vmem>>) semaphore(%arg13 : memref<!tpu.dma_semaphore, #tpu.memory_space<semaphore_mem>>) {add = true}
    %dma_wait3A_293 = arith.constant 6 : i32
    %dma_wait3A_294 = arith.constant 0 : i32
    %dma_wait3A_295 = tpu.memref_slice %arg8[%dma_wait3A_293, %dma_wait3A_294] : memref<8x125xi32, #tpu.memory_space<vmem>> -> memref<1x125xi32, #tpu.memory_space<vmem>>
    %dma_wait3A_296 = tpu.memref_squeeze %dma_wait3A_295 : memref<1x125xi32, #tpu.memory_space<vmem>> -> memref<125xi32, #tpu.memory_space<vmem>>
    %dma_wait3A_297 = arith.constant 0 : i32
    %dma_wait3A_298 = arith.constant 0 : i32
    %dma_wait3A_299 = tpu.memref_slice %arg11[%dma_wait3A_297, %dma_wait3A_298] : memref<10240x128xf32, #tpu.memory_space<vmem_shared>> -> memref<10240x128xf32, #tpu.memory_space<vmem_shared>>
    tpu.wait_indirect_dma semaphore(%arg13 : memref<!tpu.dma_semaphore, #tpu.memory_space<semaphore_mem>>) src(%arg9 : memref<125x128xf32, #tpu.memory_space<vmem>>) dst(%dma_wait3A_299 : memref<10240x128xf32, #tpu.memory_space<vmem_shared>>)
    %dma_wait3A_300 = arith.constant 7 : i32
    %dma_wait3A_301 = arith.constant 0 : i32
    %dma_wait3A_302 = tpu.memref_slice %arg8[%dma_wait3A_300, %dma_wait3A_301] : memref<8x125xi32, #tpu.memory_space<vmem>> -> memref<1x125xi32, #tpu.memory_space<vmem>>
    %dma_wait3A_303 = tpu.memref_squeeze %dma_wait3A_302 : memref<1x125xi32, #tpu.memory_space<vmem>> -> memref<125xi32, #tpu.memory_space<vmem>>
    %dma_wait3A_304 = arith.constant 0 : i32
    %dma_wait3A_305 = arith.constant 0 : i32
    %dma_wait3A_306 = tpu.memref_slice %arg11[%dma_wait3A_304, %dma_wait3A_305] : memref<10240x128xf32, #tpu.memory_space<vmem_shared>> -> memref<10240x128xf32, #tpu.memory_space<vmem_shared>>
    tpu.wait_indirect_dma semaphore(%arg13 : memref<!tpu.dma_semaphore, #tpu.memory_space<semaphore_mem>>) src(%arg10 : memref<125x128xf32, #tpu.memory_space<vmem>>) dst(%dma_wait3A_306 : memref<10240x128xf32, #tpu.memory_space<vmem_shared>>)
    %barrier3A_307 = arith.constant 0 : index
    tpu.barrier barrier_id(%barrier3A_307)
    %mul3A_308 = arith.constant 640 : i32
    %mul3A_309 = arith.muli %arg1, %mul3A_308 : i32
    %mul3A_310 = arith.constant 640 : i32
    %mul3A_311 = arith.muli %arg1, %mul3A_310 : i32
    "tpu.region"() ({
      %run_scoped3A_312 = tpu.sem_alloc : memref<!tpu.dma_semaphore, #tpu.memory_space<semaphore_mem>>
      %dma_start3A_313 = arith.constant 0 : i32
      %dma_start3A_314 = tpu.memref_slice %arg5[%arg0, %mul3A_311, %dma_start3A_313] : memref<2x10240x128xf32, #tpu.memory_space<hbm>> -> memref<1x640x128xf32, #tpu.memory_space<hbm>>
      %dma_start3A_315 = tpu.memref_squeeze %dma_start3A_314 : memref<1x640x128xf32, #tpu.memory_space<hbm>> -> memref<640x128xf32, #tpu.memory_space<hbm>>
      %dma_start3A_316 = arith.constant 0 : i32
      %dma_start3A_317 = tpu.memref_slice %arg11[%mul3A_309, %dma_start3A_316] : memref<10240x128xf32, #tpu.memory_space<vmem_shared>> -> memref<640x128xf32, #tpu.memory_space<vmem_shared>>
      tpu.enqueue_dma source(%dma_start3A_317 : memref<640x128xf32, #tpu.memory_space<vmem_shared>>) target(%dma_start3A_315 : memref<640x128xf32, #tpu.memory_space<hbm>>) target_semaphore(%run_scoped3A_312 : memref<!tpu.dma_semaphore, #tpu.memory_space<semaphore_mem>>)
      %dma_wait3A_318 = arith.constant 0 : i32
      %dma_wait3A_319 = tpu.memref_slice %arg5[%arg0, %mul3A_311, %dma_wait3A_318] : memref<2x10240x128xf32, #tpu.memory_space<hbm>> -> memref<1x640x128xf32, #tpu.memory_space<hbm>>
      %dma_wait3A_320 = tpu.memref_squeeze %dma_wait3A_319 : memref<1x640x128xf32, #tpu.memory_space<hbm>> -> memref<640x128xf32, #tpu.memory_space<hbm>>
      %dma_wait3A_321 = arith.constant 0 : i32
      %dma_wait3A_322 = tpu.memref_slice %arg11[%mul3A_309, %dma_wait3A_321] : memref<10240x128xf32, #tpu.memory_space<vmem_shared>> -> memref<640x128xf32, #tpu.memory_space<vmem_shared>>
      tpu.wait_dma2 semaphore(%run_scoped3A_312 : memref<!tpu.dma_semaphore, #tpu.memory_space<semaphore_mem>>) src(%dma_wait3A_322 : memref<640x128xf32, #tpu.memory_space<vmem_shared>>) dst(%dma_wait3A_320 : memref<640x128xf32, #tpu.memory_space<hbm>>)
      tpu.yield
    }) : () -> ()
    return
  }
}

#map = affine_map<(d0, d1) -> (0, 0)>
#map1 = affine_map<(d0, d1) -> (0, 0, 0, 0)>
#map2 = affine_map<(d0, d1) -> (0, 0, 0)>
module attributes {stable_mosaic.version = 14 : i64} {
  func.func @k(%arg0: i32, %arg1: i32, %arg2: memref<10000x128xf32, #tpu.memory_space<hbm>>, %arg3: memref<2x32x80x125xi32, #tpu.memory_space<hbm>>, %arg4: memref<640x128xf32, #tpu.memory_space<hbm>>, %arg5: memref<2x10240x128xf32, #tpu.memory_space<hbm>>, %arg6: memref<80x125xi32, #tpu.memory_space<vmem>>, %arg7: memref<8x125xi32, #tpu.memory_space<vmem>>, %arg8: memref<8x125xi32, #tpu.memory_space<vmem>>, %arg9: memref<125x128xf32, #tpu.memory_space<vmem>>, %arg10: memref<125x128xf32, #tpu.memory_space<vmem>>, %arg11: memref<10240x128xf32, #tpu.memory_space<vmem_shared>>, %arg12: memref<!tpu.dma_semaphore, #tpu.memory_space<semaphore_mem>>, %arg13: memref<!tpu.dma_semaphore, #tpu.memory_space<semaphore_mem>>, %arg14: memref<!tpu.dma_semaphore, #tpu.memory_space<semaphore_mem>>, %arg15: memref<!tpu.dma_semaphore, #tpu.memory_space<semaphore_mem>>) attributes {dimension_semantics = [#tpu.dimension_semantics<core_parallel>, #tpu.dimension_semantics<subcore_parallel>], iteration_bounds = array<i64: 2, 16>, scalar_prefetch = 0 : i64, scratch_operands = 10 : i64, tpu.core_type = #tpu.core_type<sc_vector_subcore>, window_params = [{transform_indices = #map}, {transform_indices = #map1}, {transform_indices = #map}, {transform_indices = #map2}]} {
    %mul3A = arith.constant 2 : i32
    %mul3A_0 = arith.muli %arg1, %mul3A : i32
    %add3A = arith.addi %mul3A_0, %arg0 : i32
    %run_scoped3A = arith.constant 0 : i32
    "tpu.region"() ({
      %run_scoped3A_312 = tpu.sem_alloc : memref<!tpu.dma_semaphore, #tpu.memory_space<semaphore_mem>>
      %dma_start3A_313 = arith.constant 0 : i32
      %dma_start3A_314 = arith.constant 0 : i32
      %dma_start3A_315 = tpu.memref_slice %arg3[%run_scoped3A, %add3A, %dma_start3A_313, %dma_start3A_314] : memref<2x32x80x125xi32, #tpu.memory_space<hbm>> -> memref<1x1x80x125xi32, #tpu.memory_space<hbm>>
      %dma_start3A_316 = tpu.memref_squeeze %dma_start3A_315 : memref<1x1x80x125xi32, #tpu.memory_space<hbm>> -> memref<80x125xi32, #tpu.memory_space<hbm>>
      %dma_start3A_317 = arith.constant 0 : i32
      %dma_start3A_318 = arith.constant 0 : i32
      %dma_start3A_319 = tpu.memref_slice %arg3[%run_scoped3A, %add3A, %dma_start3A_317, %dma_start3A_318] : memref<2x32x80x125xi32, #tpu.memory_space<hbm>> -> memref<1x1x80x125xi32, #tpu.memory_space<hbm>>
      %dma_start3A_320 = tpu.memref_squeeze %dma_start3A_319 : memref<1x1x80x125xi32, #tpu.memory_space<hbm>> -> memref<80x125xi32, #tpu.memory_space<hbm>>
      tpu.enqueue_dma source(%dma_start3A_320 : memref<80x125xi32, #tpu.memory_space<hbm>>) target(%arg6 : memref<80x125xi32, #tpu.memory_space<vmem>>) target_semaphore(%run_scoped3A_312 : memref<!tpu.dma_semaphore, #tpu.memory_space<semaphore_mem>>)
      %dma_wait3A_321 = arith.constant 0 : i32
      %dma_wait3A_322 = arith.constant 0 : i32
      %dma_wait3A_323 = tpu.memref_slice %arg3[%run_scoped3A, %add3A, %dma_wait3A_321, %dma_wait3A_322] : memref<2x32x80x125xi32, #tpu.memory_space<hbm>> -> memref<1x1x80x125xi32, #tpu.memory_space<hbm>>
      %dma_wait3A_324 = tpu.memref_squeeze %dma_wait3A_323 : memref<1x1x80x125xi32, #tpu.memory_space<hbm>> -> memref<80x125xi32, #tpu.memory_space<hbm>>
      %dma_wait3A_325 = arith.constant 0 : i32
      %dma_wait3A_326 = arith.constant 0 : i32
      %dma_wait3A_327 = tpu.memref_slice %arg3[%run_scoped3A, %add3A, %dma_wait3A_325, %dma_wait3A_326] : memref<2x32x80x125xi32, #tpu.memory_space<hbm>> -> memref<1x1x80x125xi32, #tpu.memory_space<hbm>>
      %dma_wait3A_328 = tpu.memref_squeeze %dma_wait3A_327 : memref<1x1x80x125xi32, #tpu.memory_space<hbm>> -> memref<80x125xi32, #tpu.memory_space<hbm>>
      tpu.wait_dma2 semaphore(%run_scoped3A_312 : memref<!tpu.dma_semaphore, #tpu.memory_space<semaphore_mem>>) src(%dma_wait3A_328 : memref<80x125xi32, #tpu.memory_space<hbm>>) dst(%arg6 : memref<80x125xi32, #tpu.memory_space<vmem>>)
      tpu.yield
    }) : () -> ()
    %dma_start3A = arith.constant 1 : i32
    %dma_start3A_1 = arith.constant 0 : i32
    %dma_start3A_2 = arith.constant 0 : i32
    %dma_start3A_3 = tpu.memref_slice %arg3[%dma_start3A, %add3A, %dma_start3A_1, %dma_start3A_2] : memref<2x32x80x125xi32, #tpu.memory_space<hbm>> -> memref<1x1x8x125xi32, #tpu.memory_space<hbm>>
    %dma_start3A_4 = tpu.memref_squeeze %dma_start3A_3 : memref<1x1x8x125xi32, #tpu.memory_space<hbm>> -> memref<8x125xi32, #tpu.memory_space<hbm>>
    %dma_start3A_5 = arith.constant 0 : i32
    %dma_start3A_6 = arith.constant 0 : i32
    %dma_start3A_7 = tpu.memref_slice %arg3[%dma_start3A, %add3A, %dma_start3A_5, %dma_start3A_6] : memref<2x32x80x125xi32, #tpu.memory_space<hbm>> -> memref<1x1x8x125xi32, #tpu.memory_space<hbm>>
    %dma_start3A_8 = tpu.memref_squeeze %dma_start3A_7 : memref<1x1x8x125xi32, #tpu.memory_space<hbm>> -> memref<8x125xi32, #tpu.memory_space<hbm>>
    tpu.enqueue_dma source(%dma_start3A_8 : memref<8x125xi32, #tpu.memory_space<hbm>>) target(%arg7 : memref<8x125xi32, #tpu.memory_space<vmem>>) target_semaphore(%arg12 : memref<!tpu.dma_semaphore, #tpu.memory_space<semaphore_mem>>)
    %dma_start3A_9 = arith.constant 0 : i32
    %dma_start3A_10 = arith.constant 0 : i32
    %dma_start3A_11 = tpu.memref_slice %arg6[%dma_start3A_9, %dma_start3A_10] : memref<80x125xi32, #tpu.memory_space<vmem>> -> memref<1x125xi32, #tpu.memory_space<vmem>>
    %dma_start3A_12 = tpu.memref_squeeze %dma_start3A_11 : memref<1x125xi32, #tpu.memory_space<vmem>> -> memref<125xi32, #tpu.memory_space<vmem>>
    %dma_start3A_13 = arith.constant 0 : i32
    %dma_start3A_14 = arith.constant 0 : i32
    %dma_start3A_15 = tpu.memref_slice %arg2[%dma_start3A_13, %dma_start3A_14] : memref<10000x128xf32, #tpu.memory_space<hbm>> -> memref<10000x128xf32, #tpu.memory_space<hbm>>
    tpu.enqueue_indirect_dma source(%dma_start3A_15 : memref<10000x128xf32, #tpu.memory_space<hbm>>) target(%arg9 : memref<125x128xf32, #tpu.memory_space<vmem>>) offsets(%dma_start3A_12 : memref<125xi32, #tpu.memory_space<vmem>>) semaphore(%arg14 : memref<!tpu.dma_semaphore, #tpu.memory_space<semaphore_mem>>)
    %dma_start3A_16 = arith.constant 1 : i32
    %dma_start3A_17 = arith.constant 0 : i32
    %dma_start3A_18 = tpu.memref_slice %arg6[%dma_start3A_16, %dma_start3A_17] : memref<80x125xi32, #tpu.memory_space<vmem>> -> memref<1x125xi32, #tpu.memory_space<vmem>>
    %dma_start3A_19 = tpu.memref_squeeze %dma_start3A_18 : memref<1x125xi32, #tpu.memory_space<vmem>> -> memref<125xi32, #tpu.memory_space<vmem>>
    %dma_start3A_20 = arith.constant 0 : i32
    %dma_start3A_21 = arith.constant 0 : i32
    %dma_start3A_22 = tpu.memref_slice %arg2[%dma_start3A_20, %dma_start3A_21] : memref<10000x128xf32, #tpu.memory_space<hbm>> -> memref<10000x128xf32, #tpu.memory_space<hbm>>
    tpu.enqueue_indirect_dma source(%dma_start3A_22 : memref<10000x128xf32, #tpu.memory_space<hbm>>) target(%arg10 : memref<125x128xf32, #tpu.memory_space<vmem>>) offsets(%dma_start3A_19 : memref<125xi32, #tpu.memory_space<vmem>>) semaphore(%arg15 : memref<!tpu.dma_semaphore, #tpu.memory_space<semaphore_mem>>)
    %mul3A_23 = arith.constant 640 : i32
    %mul3A_24 = arith.muli %arg1, %mul3A_23 : i32
    "tpu.region"() ({
      %run_scoped3A_312 = tpu.sem_alloc : memref<!tpu.dma_semaphore, #tpu.memory_space<semaphore_mem>>
      %dma_start3A_313 = arith.constant 0 : i32
      %dma_start3A_314 = tpu.memref_slice %arg11[%mul3A_24, %dma_start3A_313] : memref<10240x128xf32, #tpu.memory_space<vmem_shared>> -> memref<640x128xf32, #tpu.memory_space<vmem_shared>>
      tpu.enqueue_dma source(%arg4 : memref<640x128xf32, #tpu.memory_space<hbm>>) target(%dma_start3A_314 : memref<640x128xf32, #tpu.memory_space<vmem_shared>>) target_semaphore(%run_scoped3A_312 : memref<!tpu.dma_semaphore, #tpu.memory_space<semaphore_mem>>)
      %dma_wait3A_315 = arith.constant 0 : i32
      %dma_wait3A_316 = tpu.memref_slice %arg11[%mul3A_24, %dma_wait3A_315] : memref<10240x128xf32, #tpu.memory_space<vmem_shared>> -> memref<640x128xf32, #tpu.memory_space<vmem_shared>>
      tpu.wait_dma2 semaphore(%run_scoped3A_312 : memref<!tpu.dma_semaphore, #tpu.memory_space<semaphore_mem>>) src(%arg4 : memref<640x128xf32, #tpu.memory_space<hbm>>) dst(%dma_wait3A_316 : memref<640x128xf32, #tpu.memory_space<vmem_shared>>)
      tpu.yield
    }) : () -> ()
    %barrier3A = arith.constant 0 : index
    tpu.barrier barrier_id(%barrier3A)
    %scan3A = arith.constant 0 : i32
    %scan3A_25 = arith.constant 4 : i32
    %scan3A_26 = arith.addi %scan3A, %scan3A_25 : i32
    %scan3A_27 = arith.constant 1 : i32
    scf.for %scan3A_312 = %scan3A to %scan3A_26 step %scan3A_27  : i32 {
      %mul3A_313 = arith.constant 2 : i32
      %mul3A_314 = arith.muli %mul3A_313, %scan3A_312 : i32
      %add3A_315 = arith.constant 1 : i32
      %add3A_316 = arith.addi %mul3A_314, %add3A_315 : i32
      %mul3A_317 = arith.constant 8 : i32
      %mul3A_318 = arith.muli %add3A_316, %mul3A_317 : i32
      %dma_start3A_319 = arith.constant 1 : i32
      %dma_start3A_320 = arith.constant 0 : i32
      %dma_start3A_321 = tpu.memref_slice %arg3[%dma_start3A_319, %add3A, %mul3A_318, %dma_start3A_320] : memref<2x32x80x125xi32, #tpu.memory_space<hbm>> -> memref<1x1x8x125xi32, #tpu.memory_space<hbm>>
      %dma_start3A_322 = tpu.memref_squeeze %dma_start3A_321 : memref<1x1x8x125xi32, #tpu.memory_space<hbm>> -> memref<8x125xi32, #tpu.memory_space<hbm>>
      %dma_start3A_323 = arith.constant 0 : i32
      %dma_start3A_324 = tpu.memref_slice %arg3[%dma_start3A_319, %add3A, %mul3A_318, %dma_start3A_323] : memref<2x32x80x125xi32, #tpu.memory_space<hbm>> -> memref<1x1x8x125xi32, #tpu.memory_space<hbm>>
      %dma_start3A_325 = tpu.memref_squeeze %dma_start3A_324 : memref<1x1x8x125xi32, #tpu.memory_space<hbm>> -> memref<8x125xi32, #tpu.memory_space<hbm>>
      tpu.enqueue_dma source(%dma_start3A_325 : memref<8x125xi32, #tpu.memory_space<hbm>>) target(%arg8 : memref<8x125xi32, #tpu.memory_space<vmem>>) target_semaphore(%arg13 : memref<!tpu.dma_semaphore, #tpu.memory_space<semaphore_mem>>)
      %mul3A_326 = arith.constant 2 : i32
      %mul3A_327 = arith.muli %mul3A_326, %scan3A_312 : i32
      %dma_wait3A_328 = arith.constant 1 : i32
      %dma_wait3A_329 = arith.constant 0 : i32
      %dma_wait3A_330 = arith.constant 0 : i32
      %dma_wait3A_331 = tpu.memref_slice %arg3[%dma_wait3A_328, %add3A, %dma_wait3A_329, %dma_wait3A_330] : memref<2x32x80x125xi32, #tpu.memory_space<hbm>> -> memref<1x1x8x125xi32, #tpu.memory_space<hbm>>
      %dma_wait3A_332 = tpu.memref_squeeze %dma_wait3A_331 : memref<1x1x8x125xi32, #tpu.memory_space<hbm>> -> memref<8x125xi32, #tpu.memory_space<hbm>>
      %dma_wait3A_333 = arith.constant 0 : i32
      %dma_wait3A_334 = arith.constant 0 : i32
      %dma_wait3A_335 = tpu.memref_slice %arg3[%dma_wait3A_328, %add3A, %dma_wait3A_333, %dma_wait3A_334] : memref<2x32x80x125xi32, #tpu.memory_space<hbm>> -> memref<1x1x8x125xi32, #tpu.memory_space<hbm>>
      %dma_wait3A_336 = tpu.memref_squeeze %dma_wait3A_335 : memref<1x1x8x125xi32, #tpu.memory_space<hbm>> -> memref<8x125xi32, #tpu.memory_space<hbm>>
      tpu.wait_dma2 semaphore(%arg12 : memref<!tpu.dma_semaphore, #tpu.memory_space<semaphore_mem>>) src(%dma_wait3A_336 : memref<8x125xi32, #tpu.memory_space<hbm>>) dst(%arg7 : memref<8x125xi32, #tpu.memory_space<vmem>>)
      %mul3A_337 = arith.constant 8 : i32
      %mul3A_338 = arith.muli %mul3A_327, %mul3A_337 : i32
      %add3A_339 = arith.constant 0 : i32
      %add3A_340 = arith.addi %mul3A_338, %add3A_339 : i32
      %dma_wait3A_341 = arith.constant 0 : i32
      %dma_wait3A_342 = tpu.memref_slice %arg6[%add3A_340, %dma_wait3A_341] : memref<80x125xi32, #tpu.memory_space<vmem>> -> memref<1x125xi32, #tpu.memory_space<vmem>>
      %dma_wait3A_343 = tpu.memref_squeeze %dma_wait3A_342 : memref<1x125xi32, #tpu.memory_space<vmem>> -> memref<125xi32, #tpu.memory_space<vmem>>
      %dma_wait3A_344 = arith.constant 0 : i32
      %dma_wait3A_345 = arith.constant 0 : i32
      %dma_wait3A_346 = tpu.memref_slice %arg2[%dma_wait3A_344, %dma_wait3A_345] : memref<10000x128xf32, #tpu.memory_space<hbm>> -> memref<10000x128xf32, #tpu.memory_space<hbm>>
      tpu.wait_indirect_dma semaphore(%arg14 : memref<!tpu.dma_semaphore, #tpu.memory_space<semaphore_mem>>) src(%dma_wait3A_346 : memref<10000x128xf32, #tpu.memory_space<hbm>>) dst(%arg9 : memref<125x128xf32, #tpu.memory_space<vmem>>)
      %run_scoped3A_347 = arith.constant 0 : i32
      "tpu.region"() ({
        %run_scoped3A_667 = tpu.sem_alloc : memref<!tpu.dma_semaphore, #tpu.memory_space<semaphore_mem>>
        %dma_start3A_668 = arith.constant 0 : i32
        %dma_start3A_669 = tpu.memref_slice %arg7[%run_scoped3A_347, %dma_start3A_668] : memref<8x125xi32, #tpu.memory_space<vmem>> -> memref<1x125xi32, #tpu.memory_space<vmem>>
        %dma_start3A_670 = tpu.memref_squeeze %dma_start3A_669 : memref<1x125xi32, #tpu.memory_space<vmem>> -> memref<125xi32, #tpu.memory_space<vmem>>
        %dma_start3A_671 = arith.constant 0 : i32
        %dma_start3A_672 = arith.constant 0 : i32
        %dma_start3A_673 = tpu.memref_slice %arg11[%dma_start3A_671, %dma_start3A_672] : memref<10240x128xf32, #tpu.memory_space<vmem_shared>> -> memref<10240x128xf32, #tpu.memory_space<vmem_shared>>
        tpu.enqueue_indirect_dma source(%arg9 : memref<125x128xf32, #tpu.memory_space<vmem>>) target(%dma_start3A_673 : memref<10240x128xf32, #tpu.memory_space<vmem_shared>>) offsets(%dma_start3A_670 : memref<125xi32, #tpu.memory_space<vmem>>) semaphore(%run_scoped3A_667 : memref<!tpu.dma_semaphore, #tpu.memory_space<semaphore_mem>>) {add = true}
        %dma_wait3A_674 = arith.constant 0 : i32
        %dma_wait3A_675 = tpu.memref_slice %arg7[%run_scoped3A_347, %dma_wait3A_674] : memref<8x125xi32, #tpu.memory_space<vmem>> -> memref<1x125xi32, #tpu.memory_space<vmem>>
        %dma_wait3A_676 = tpu.memref_squeeze %dma_wait3A_675 : memref<1x125xi32, #tpu.memory_space<vmem>> -> memref<125xi32, #tpu.memory_space<vmem>>
        %dma_wait3A_677 = arith.constant 0 : i32
        %dma_wait3A_678 = arith.constant 0 : i32
        %dma_wait3A_679 = tpu.memref_slice %arg11[%dma_wait3A_677, %dma_wait3A_678] : memref<10240x128xf32, #tpu.memory_space<vmem_shared>> -> memref<10240x128xf32, #tpu.memory_space<vmem_shared>>
        tpu.wait_indirect_dma semaphore(%run_scoped3A_667 : memref<!tpu.dma_semaphore, #tpu.memory_space<semaphore_mem>>) src(%arg9 : memref<125x128xf32, #tpu.memory_space<vmem>>) dst(%dma_wait3A_679 : memref<10240x128xf32, #tpu.memory_space<vmem_shared>>)
        tpu.yield
      }) : () -> ()
      %add3A_348 = arith.constant 2 : i32
      %add3A_349 = arith.addi %add3A_340, %add3A_348 : i32
      %dma_start3A_350 = arith.constant 0 : i32
      %dma_start3A_351 = tpu.memref_slice %arg6[%add3A_349, %dma_start3A_350] : memref<80x125xi32, #tpu.memory_space<vmem>> -> memref<1x125xi32, #tpu.memory_space<vmem>>
      %dma_start3A_352 = tpu.memref_squeeze %dma_start3A_351 : memref<1x125xi32, #tpu.memory_space<vmem>> -> memref<125xi32, #tpu.memory_space<vmem>>
      %dma_start3A_353 = arith.constant 0 : i32
      %dma_start3A_354 = arith.constant 0 : i32
      %dma_start3A_355 = tpu.memref_slice %arg2[%dma_start3A_353, %dma_start3A_354] : memref<10000x128xf32, #tpu.memory_space<hbm>> -> memref<10000x128xf32, #tpu.memory_space<hbm>>
      tpu.enqueue_indirect_dma source(%dma_start3A_355 : memref<10000x128xf32, #tpu.memory_space<hbm>>) target(%arg9 : memref<125x128xf32, #tpu.memory_space<vmem>>) offsets(%dma_start3A_352 : memref<125xi32, #tpu.memory_space<vmem>>) semaphore(%arg14 : memref<!tpu.dma_semaphore, #tpu.memory_space<semaphore_mem>>)
      %mul3A_356 = arith.constant 8 : i32
      %mul3A_357 = arith.muli %mul3A_327, %mul3A_356 : i32
      %add3A_358 = arith.constant 1 : i32
      %add3A_359 = arith.addi %mul3A_357, %add3A_358 : i32
      %dma_wait3A_360 = arith.constant 0 : i32
      %dma_wait3A_361 = tpu.memref_slice %arg6[%add3A_359, %dma_wait3A_360] : memref<80x125xi32, #tpu.memory_space<vmem>> -> memref<1x125xi32, #tpu.memory_space<vmem>>
      %dma_wait3A_362 = tpu.memref_squeeze %dma_wait3A_361 : memref<1x125xi32, #tpu.memory_space<vmem>> -> memref<125xi32, #tpu.memory_space<vmem>>
      %dma_wait3A_363 = arith.constant 0 : i32
      %dma_wait3A_364 = arith.constant 0 : i32
      %dma_wait3A_365 = tpu.memref_slice %arg2[%dma_wait3A_363, %dma_wait3A_364] : memref<10000x128xf32, #tpu.memory_space<hbm>> -> memref<10000x128xf32, #tpu.memory_space<hbm>>
      tpu.wait_indirect_dma semaphore(%arg15 : memref<!tpu.dma_semaphore, #tpu.memory_space<semaphore_mem>>) src(%dma_wait3A_365 : memref<10000x128xf32, #tpu.memory_space<hbm>>) dst(%arg10 : memref<125x128xf32, #tpu.memory_space<vmem>>)
      %run_scoped3A_366 = arith.constant 1 : i32
      "tpu.region"() ({
        %run_scoped3A_667 = tpu.sem_alloc : memref<!tpu.dma_semaphore, #tpu.memory_space<semaphore_mem>>
        %dma_start3A_668 = arith.constant 0 : i32
        %dma_start3A_669 = tpu.memref_slice %arg7[%run_scoped3A_366, %dma_start3A_668] : memref<8x125xi32, #tpu.memory_space<vmem>> -> memref<1x125xi32, #tpu.memory_space<vmem>>
        %dma_start3A_670 = tpu.memref_squeeze %dma_start3A_669 : memref<1x125xi32, #tpu.memory_space<vmem>> -> memref<125xi32, #tpu.memory_space<vmem>>
        %dma_start3A_671 = arith.constant 0 : i32
        %dma_start3A_672 = arith.constant 0 : i32
        %dma_start3A_673 = tpu.memref_slice %arg11[%dma_start3A_671, %dma_start3A_672] : memref<10240x128xf32, #tpu.memory_space<vmem_shared>> -> memref<10240x128xf32, #tpu.memory_space<vmem_shared>>
        tpu.enqueue_indirect_dma source(%arg10 : memref<125x128xf32, #tpu.memory_space<vmem>>) target(%dma_start3A_673 : memref<10240x128xf32, #tpu.memory_space<vmem_shared>>) offsets(%dma_start3A_670 : memref<125xi32, #tpu.memory_space<vmem>>) semaphore(%run_scoped3A_667 : memref<!tpu.dma_semaphore, #tpu.memory_space<semaphore_mem>>) {add = true}
        %dma_wait3A_674 = arith.constant 0 : i32
        %dma_wait3A_675 = tpu.memref_slice %arg7[%run_scoped3A_366, %dma_wait3A_674] : memref<8x125xi32, #tpu.memory_space<vmem>> -> memref<1x125xi32, #tpu.memory_space<vmem>>
        %dma_wait3A_676 = tpu.memref_squeeze %dma_wait3A_675 : memref<1x125xi32, #tpu.memory_space<vmem>> -> memref<125xi32, #tpu.memory_space<vmem>>
        %dma_wait3A_677 = arith.constant 0 : i32
        %dma_wait3A_678 = arith.constant 0 : i32
        %dma_wait3A_679 = tpu.memref_slice %arg11[%dma_wait3A_677, %dma_wait3A_678] : memref<10240x128xf32, #tpu.memory_space<vmem_shared>> -> memref<10240x128xf32, #tpu.memory_space<vmem_shared>>
        tpu.wait_indirect_dma semaphore(%run_scoped3A_667 : memref<!tpu.dma_semaphore, #tpu.memory_space<semaphore_mem>>) src(%arg10 : memref<125x128xf32, #tpu.memory_space<vmem>>) dst(%dma_wait3A_679 : memref<10240x128xf32, #tpu.memory_space<vmem_shared>>)
        tpu.yield
      }) : () -> ()
      %add3A_367 = arith.constant 2 : i32
      %add3A_368 = arith.addi %add3A_359, %add3A_367 : i32
      %dma_start3A_369 = arith.constant 0 : i32
      %dma_start3A_370 = tpu.memref_slice %arg6[%add3A_368, %dma_start3A_369] : memref<80x125xi32, #tpu.memory_space<vmem>> -> memref<1x125xi32, #tpu.memory_space<vmem>>
      %dma_start3A_371 = tpu.memref_squeeze %dma_start3A_370 : memref<1x125xi32, #tpu.memory_space<vmem>> -> memref<125xi32, #tpu.memory_space<vmem>>
      %dma_start3A_372 = arith.constant 0 : i32
      %dma_start3A_373 = arith.constant 0 : i32
      %dma_start3A_374 = tpu.memref_slice %arg2[%dma_start3A_372, %dma_start3A_373] : memref<10000x128xf32, #tpu.memory_space<hbm>> -> memref<10000x128xf32, #tpu.memory_space<hbm>>
      tpu.enqueue_indirect_dma source(%dma_start3A_374 : memref<10000x128xf32, #tpu.memory_space<hbm>>) target(%arg10 : memref<125x128xf32, #tpu.memory_space<vmem>>) offsets(%dma_start3A_371 : memref<125xi32, #tpu.memory_space<vmem>>) semaphore(%arg15 : memref<!tpu.dma_semaphore, #tpu.memory_space<semaphore_mem>>)
      %mul3A_375 = arith.constant 8 : i32
      %mul3A_376 = arith.muli %mul3A_327, %mul3A_375 : i32
      %add3A_377 = arith.constant 2 : i32
      %add3A_378 = arith.addi %mul3A_376, %add3A_377 : i32
      %dma_wait3A_379 = arith.constant 0 : i32
      %dma_wait3A_380 = tpu.memref_slice %arg6[%add3A_378, %dma_wait3A_379] : memref<80x125xi32, #tpu.memory_space<vmem>> -> memref<1x125xi32, #tpu.memory_space<vmem>>
      %dma_wait3A_381 = tpu.memref_squeeze %dma_wait3A_380 : memref<1x125xi32, #tpu.memory_space<vmem>> -> memref<125xi32, #tpu.memory_space<vmem>>
      %dma_wait3A_382 = arith.constant 0 : i32
      %dma_wait3A_383 = arith.constant 0 : i32
      %dma_wait3A_384 = tpu.memref_slice %arg2[%dma_wait3A_382, %dma_wait3A_383] : memref<10000x128xf32, #tpu.memory_space<hbm>> -> memref<10000x128xf32, #tpu.memory_space<hbm>>
      tpu.wait_indirect_dma semaphore(%arg14 : memref<!tpu.dma_semaphore, #tpu.memory_space<semaphore_mem>>) src(%dma_wait3A_384 : memref<10000x128xf32, #tpu.memory_space<hbm>>) dst(%arg9 : memref<125x128xf32, #tpu.memory_space<vmem>>)
      %run_scoped3A_385 = arith.constant 2 : i32
      "tpu.region"() ({
        %run_scoped3A_667 = tpu.sem_alloc : memref<!tpu.dma_semaphore, #tpu.memory_space<semaphore_mem>>
        %dma_start3A_668 = arith.constant 0 : i32
        %dma_start3A_669 = tpu.memref_slice %arg7[%run_scoped3A_385, %dma_start3A_668] : memref<8x125xi32, #tpu.memory_space<vmem>> -> memref<1x125xi32, #tpu.memory_space<vmem>>
        %dma_start3A_670 = tpu.memref_squeeze %dma_start3A_669 : memref<1x125xi32, #tpu.memory_space<vmem>> -> memref<125xi32, #tpu.memory_space<vmem>>
        %dma_start3A_671 = arith.constant 0 : i32
        %dma_start3A_672 = arith.constant 0 : i32
        %dma_start3A_673 = tpu.memref_slice %arg11[%dma_start3A_671, %dma_start3A_672] : memref<10240x128xf32, #tpu.memory_space<vmem_shared>> -> memref<10240x128xf32, #tpu.memory_space<vmem_shared>>
        tpu.enqueue_indirect_dma source(%arg9 : memref<125x128xf32, #tpu.memory_space<vmem>>) target(%dma_start3A_673 : memref<10240x128xf32, #tpu.memory_space<vmem_shared>>) offsets(%dma_start3A_670 : memref<125xi32, #tpu.memory_space<vmem>>) semaphore(%run_scoped3A_667 : memref<!tpu.dma_semaphore, #tpu.memory_space<semaphore_mem>>) {add = true}
        %dma_wait3A_674 = arith.constant 0 : i32
        %dma_wait3A_675 = tpu.memref_slice %arg7[%run_scoped3A_385, %dma_wait3A_674] : memref<8x125xi32, #tpu.memory_space<vmem>> -> memref<1x125xi32, #tpu.memory_space<vmem>>
        %dma_wait3A_676 = tpu.memref_squeeze %dma_wait3A_675 : memref<1x125xi32, #tpu.memory_space<vmem>> -> memref<125xi32, #tpu.memory_space<vmem>>
        %dma_wait3A_677 = arith.constant 0 : i32
        %dma_wait3A_678 = arith.constant 0 : i32
        %dma_wait3A_679 = tpu.memref_slice %arg11[%dma_wait3A_677, %dma_wait3A_678] : memref<10240x128xf32, #tpu.memory_space<vmem_shared>> -> memref<10240x128xf32, #tpu.memory_space<vmem_shared>>
        tpu.wait_indirect_dma semaphore(%run_scoped3A_667 : memref<!tpu.dma_semaphore, #tpu.memory_space<semaphore_mem>>) src(%arg9 : memref<125x128xf32, #tpu.memory_space<vmem>>) dst(%dma_wait3A_679 : memref<10240x128xf32, #tpu.memory_space<vmem_shared>>)
        tpu.yield
      }) : () -> ()
      %add3A_386 = arith.constant 2 : i32
      %add3A_387 = arith.addi %add3A_378, %add3A_386 : i32
      %dma_start3A_388 = arith.constant 0 : i32
      %dma_start3A_389 = tpu.memref_slice %arg6[%add3A_387, %dma_start3A_388] : memref<80x125xi32, #tpu.memory_space<vmem>> -> memref<1x125xi32, #tpu.memory_space<vmem>>
      %dma_start3A_390 = tpu.memref_squeeze %dma_start3A_389 : memref<1x125xi32, #tpu.memory_space<vmem>> -> memref<125xi32, #tpu.memory_space<vmem>>
      %dma_start3A_391 = arith.constant 0 : i32
      %dma_start3A_392 = arith.constant 0 : i32
      %dma_start3A_393 = tpu.memref_slice %arg2[%dma_start3A_391, %dma_start3A_392] : memref<10000x128xf32, #tpu.memory_space<hbm>> -> memref<10000x128xf32, #tpu.memory_space<hbm>>
      tpu.enqueue_indirect_dma source(%dma_start3A_393 : memref<10000x128xf32, #tpu.memory_space<hbm>>) target(%arg9 : memref<125x128xf32, #tpu.memory_space<vmem>>) offsets(%dma_start3A_390 : memref<125xi32, #tpu.memory_space<vmem>>) semaphore(%arg14 : memref<!tpu.dma_semaphore, #tpu.memory_space<semaphore_mem>>)
      %mul3A_394 = arith.constant 8 : i32
      %mul3A_395 = arith.muli %mul3A_327, %mul3A_394 : i32
      %add3A_396 = arith.constant 3 : i32
      %add3A_397 = arith.addi %mul3A_395, %add3A_396 : i32
      %dma_wait3A_398 = arith.constant 0 : i32
      %dma_wait3A_399 = tpu.memref_slice %arg6[%add3A_397, %dma_wait3A_398] : memref<80x125xi32, #tpu.memory_space<vmem>> -> memref<1x125xi32, #tpu.memory_space<vmem>>
      %dma_wait3A_400 = tpu.memref_squeeze %dma_wait3A_399 : memref<1x125xi32, #tpu.memory_space<vmem>> -> memref<125xi32, #tpu.memory_space<vmem>>
      %dma_wait3A_401 = arith.constant 0 : i32
      %dma_wait3A_402 = arith.constant 0 : i32
      %dma_wait3A_403 = tpu.memref_slice %arg2[%dma_wait3A_401, %dma_wait3A_402] : memref<10000x128xf32, #tpu.memory_space<hbm>> -> memref<10000x128xf32, #tpu.memory_space<hbm>>
      tpu.wait_indirect_dma semaphore(%arg15 : memref<!tpu.dma_semaphore, #tpu.memory_space<semaphore_mem>>) src(%dma_wait3A_403 : memref<10000x128xf32, #tpu.memory_space<hbm>>) dst(%arg10 : memref<125x128xf32, #tpu.memory_space<vmem>>)
      %run_scoped3A_404 = arith.constant 3 : i32
      "tpu.region"() ({
        %run_scoped3A_667 = tpu.sem_alloc : memref<!tpu.dma_semaphore, #tpu.memory_space<semaphore_mem>>
        %dma_start3A_668 = arith.constant 0 : i32
        %dma_start3A_669 = tpu.memref_slice %arg7[%run_scoped3A_404, %dma_start3A_668] : memref<8x125xi32, #tpu.memory_space<vmem>> -> memref<1x125xi32, #tpu.memory_space<vmem>>
        %dma_start3A_670 = tpu.memref_squeeze %dma_start3A_669 : memref<1x125xi32, #tpu.memory_space<vmem>> -> memref<125xi32, #tpu.memory_space<vmem>>
        %dma_start3A_671 = arith.constant 0 : i32
        %dma_start3A_672 = arith.constant 0 : i32
        %dma_start3A_673 = tpu.memref_slice %arg11[%dma_start3A_671, %dma_start3A_672] : memref<10240x128xf32, #tpu.memory_space<vmem_shared>> -> memref<10240x128xf32, #tpu.memory_space<vmem_shared>>
        tpu.enqueue_indirect_dma source(%arg10 : memref<125x128xf32, #tpu.memory_space<vmem>>) target(%dma_start3A_673 : memref<10240x128xf32, #tpu.memory_space<vmem_shared>>) offsets(%dma_start3A_670 : memref<125xi32, #tpu.memory_space<vmem>>) semaphore(%run_scoped3A_667 : memref<!tpu.dma_semaphore, #tpu.memory_space<semaphore_mem>>) {add = true}
        %dma_wait3A_674 = arith.constant 0 : i32
        %dma_wait3A_675 = tpu.memref_slice %arg7[%run_scoped3A_404, %dma_wait3A_674] : memref<8x125xi32, #tpu.memory_space<vmem>> -> memref<1x125xi32, #tpu.memory_space<vmem>>
        %dma_wait3A_676 = tpu.memref_squeeze %dma_wait3A_675 : memref<1x125xi32, #tpu.memory_space<vmem>> -> memref<125xi32, #tpu.memory_space<vmem>>
        %dma_wait3A_677 = arith.constant 0 : i32
        %dma_wait3A_678 = arith.constant 0 : i32
        %dma_wait3A_679 = tpu.memref_slice %arg11[%dma_wait3A_677, %dma_wait3A_678] : memref<10240x128xf32, #tpu.memory_space<vmem_shared>> -> memref<10240x128xf32, #tpu.memory_space<vmem_shared>>
        tpu.wait_indirect_dma semaphore(%run_scoped3A_667 : memref<!tpu.dma_semaphore, #tpu.memory_space<semaphore_mem>>) src(%arg10 : memref<125x128xf32, #tpu.memory_space<vmem>>) dst(%dma_wait3A_679 : memref<10240x128xf32, #tpu.memory_space<vmem_shared>>)
        tpu.yield
      }) : () -> ()
      %add3A_405 = arith.constant 2 : i32
      %add3A_406 = arith.addi %add3A_397, %add3A_405 : i32
      %dma_start3A_407 = arith.constant 0 : i32
      %dma_start3A_408 = tpu.memref_slice %arg6[%add3A_406, %dma_start3A_407] : memref<80x125xi32, #tpu.memory_space<vmem>> -> memref<1x125xi32, #tpu.memory_space<vmem>>
      %dma_start3A_409 = tpu.memref_squeeze %dma_start3A_408 : memref<1x125xi32, #tpu.memory_space<vmem>> -> memref<125xi32, #tpu.memory_space<vmem>>
      %dma_start3A_410 = arith.constant 0 : i32
      %dma_start3A_411 = arith.constant 0 : i32
      %dma_start3A_412 = tpu.memref_slice %arg2[%dma_start3A_410, %dma_start3A_411] : memref<10000x128xf32, #tpu.memory_space<hbm>> -> memref<10000x128xf32, #tpu.memory_space<hbm>>
      tpu.enqueue_indirect_dma source(%dma_start3A_412 : memref<10000x128xf32, #tpu.memory_space<hbm>>) target(%arg10 : memref<125x128xf32, #tpu.memory_space<vmem>>) offsets(%dma_start3A_409 : memref<125xi32, #tpu.memory_space<vmem>>) semaphore(%arg15 : memref<!tpu.dma_semaphore, #tpu.memory_space<semaphore_mem>>)
      %mul3A_413 = arith.constant 8 : i32
      %mul3A_414 = arith.muli %mul3A_327, %mul3A_413 : i32
      %add3A_415 = arith.constant 4 : i32
      %add3A_416 = arith.addi %mul3A_414, %add3A_415 : i32
      %dma_wait3A_417 = arith.constant 0 : i32
      %dma_wait3A_418 = tpu.memref_slice %arg6[%add3A_416, %dma_wait3A_417] : memref<80x125xi32, #tpu.memory_space<vmem>> -> memref<1x125xi32, #tpu.memory_space<vmem>>
      %dma_wait3A_419 = tpu.memref_squeeze %dma_wait3A_418 : memref<1x125xi32, #tpu.memory_space<vmem>> -> memref<125xi32, #tpu.memory_space<vmem>>
      %dma_wait3A_420 = arith.constant 0 : i32
      %dma_wait3A_421 = arith.constant 0 : i32
      %dma_wait3A_422 = tpu.memref_slice %arg2[%dma_wait3A_420, %dma_wait3A_421] : memref<10000x128xf32, #tpu.memory_space<hbm>> -> memref<10000x128xf32, #tpu.memory_space<hbm>>
      tpu.wait_indirect_dma semaphore(%arg14 : memref<!tpu.dma_semaphore, #tpu.memory_space<semaphore_mem>>) src(%dma_wait3A_422 : memref<10000x128xf32, #tpu.memory_space<hbm>>) dst(%arg9 : memref<125x128xf32, #tpu.memory_space<vmem>>)
      %run_scoped3A_423 = arith.constant 4 : i32
      "tpu.region"() ({
        %run_scoped3A_667 = tpu.sem_alloc : memref<!tpu.dma_semaphore, #tpu.memory_space<semaphore_mem>>
        %dma_start3A_668 = arith.constant 0 : i32
        %dma_start3A_669 = tpu.memref_slice %arg7[%run_scoped3A_423, %dma_start3A_668] : memref<8x125xi32, #tpu.memory_space<vmem>> -> memref<1x125xi32, #tpu.memory_space<vmem>>
        %dma_start3A_670 = tpu.memref_squeeze %dma_start3A_669 : memref<1x125xi32, #tpu.memory_space<vmem>> -> memref<125xi32, #tpu.memory_space<vmem>>
        %dma_start3A_671 = arith.constant 0 : i32
        %dma_start3A_672 = arith.constant 0 : i32
        %dma_start3A_673 = tpu.memref_slice %arg11[%dma_start3A_671, %dma_start3A_672] : memref<10240x128xf32, #tpu.memory_space<vmem_shared>> -> memref<10240x128xf32, #tpu.memory_space<vmem_shared>>
        tpu.enqueue_indirect_dma source(%arg9 : memref<125x128xf32, #tpu.memory_space<vmem>>) target(%dma_start3A_673 : memref<10240x128xf32, #tpu.memory_space<vmem_shared>>) offsets(%dma_start3A_670 : memref<125xi32, #tpu.memory_space<vmem>>) semaphore(%run_scoped3A_667 : memref<!tpu.dma_semaphore, #tpu.memory_space<semaphore_mem>>) {add = true}
        %dma_wait3A_674 = arith.constant 0 : i32
        %dma_wait3A_675 = tpu.memref_slice %arg7[%run_scoped3A_423, %dma_wait3A_674] : memref<8x125xi32, #tpu.memory_space<vmem>> -> memref<1x125xi32, #tpu.memory_space<vmem>>
        %dma_wait3A_676 = tpu.memref_squeeze %dma_wait3A_675 : memref<1x125xi32, #tpu.memory_space<vmem>> -> memref<125xi32, #tpu.memory_space<vmem>>
        %dma_wait3A_677 = arith.constant 0 : i32
        %dma_wait3A_678 = arith.constant 0 : i32
        %dma_wait3A_679 = tpu.memref_slice %arg11[%dma_wait3A_677, %dma_wait3A_678] : memref<10240x128xf32, #tpu.memory_space<vmem_shared>> -> memref<10240x128xf32, #tpu.memory_space<vmem_shared>>
        tpu.wait_indirect_dma semaphore(%run_scoped3A_667 : memref<!tpu.dma_semaphore, #tpu.memory_space<semaphore_mem>>) src(%arg9 : memref<125x128xf32, #tpu.memory_space<vmem>>) dst(%dma_wait3A_679 : memref<10240x128xf32, #tpu.memory_space<vmem_shared>>)
        tpu.yield
      }) : () -> ()
      %add3A_424 = arith.constant 2 : i32
      %add3A_425 = arith.addi %add3A_416, %add3A_424 : i32
      %dma_start3A_426 = arith.constant 0 : i32
      %dma_start3A_427 = tpu.memref_slice %arg6[%add3A_425, %dma_start3A_426] : memref<80x125xi32, #tpu.memory_space<vmem>> -> memref<1x125xi32, #tpu.memory_space<vmem>>
      %dma_start3A_428 = tpu.memref_squeeze %dma_start3A_427 : memref<1x125xi32, #tpu.memory_space<vmem>> -> memref<125xi32, #tpu.memory_space<vmem>>
      %dma_start3A_429 = arith.constant 0 : i32
      %dma_start3A_430 = arith.constant 0 : i32
      %dma_start3A_431 = tpu.memref_slice %arg2[%dma_start3A_429, %dma_start3A_430] : memref<10000x128xf32, #tpu.memory_space<hbm>> -> memref<10000x128xf32, #tpu.memory_space<hbm>>
      tpu.enqueue_indirect_dma source(%dma_start3A_431 : memref<10000x128xf32, #tpu.memory_space<hbm>>) target(%arg9 : memref<125x128xf32, #tpu.memory_space<vmem>>) offsets(%dma_start3A_428 : memref<125xi32, #tpu.memory_space<vmem>>) semaphore(%arg14 : memref<!tpu.dma_semaphore, #tpu.memory_space<semaphore_mem>>)
      %mul3A_432 = arith.constant 8 : i32
      %mul3A_433 = arith.muli %mul3A_327, %mul3A_432 : i32
      %add3A_434 = arith.constant 5 : i32
      %add3A_435 = arith.addi %mul3A_433, %add3A_434 : i32
      %dma_wait3A_436 = arith.constant 0 : i32
      %dma_wait3A_437 = tpu.memref_slice %arg6[%add3A_435, %dma_wait3A_436] : memref<80x125xi32, #tpu.memory_space<vmem>> -> memref<1x125xi32, #tpu.memory_space<vmem>>
      %dma_wait3A_438 = tpu.memref_squeeze %dma_wait3A_437 : memref<1x125xi32, #tpu.memory_space<vmem>> -> memref<125xi32, #tpu.memory_space<vmem>>
      %dma_wait3A_439 = arith.constant 0 : i32
      %dma_wait3A_440 = arith.constant 0 : i32
      %dma_wait3A_441 = tpu.memref_slice %arg2[%dma_wait3A_439, %dma_wait3A_440] : memref<10000x128xf32, #tpu.memory_space<hbm>> -> memref<10000x128xf32, #tpu.memory_space<hbm>>
      tpu.wait_indirect_dma semaphore(%arg15 : memref<!tpu.dma_semaphore, #tpu.memory_space<semaphore_mem>>) src(%dma_wait3A_441 : memref<10000x128xf32, #tpu.memory_space<hbm>>) dst(%arg10 : memref<125x128xf32, #tpu.memory_space<vmem>>)
      %run_scoped3A_442 = arith.constant 5 : i32
      "tpu.region"() ({
        %run_scoped3A_667 = tpu.sem_alloc : memref<!tpu.dma_semaphore, #tpu.memory_space<semaphore_mem>>
        %dma_start3A_668 = arith.constant 0 : i32
        %dma_start3A_669 = tpu.memref_slice %arg7[%run_scoped3A_442, %dma_start3A_668] : memref<8x125xi32, #tpu.memory_space<vmem>> -> memref<1x125xi32, #tpu.memory_space<vmem>>
        %dma_start3A_670 = tpu.memref_squeeze %dma_start3A_669 : memref<1x125xi32, #tpu.memory_space<vmem>> -> memref<125xi32, #tpu.memory_space<vmem>>
        %dma_start3A_671 = arith.constant 0 : i32
        %dma_start3A_672 = arith.constant 0 : i32
        %dma_start3A_673 = tpu.memref_slice %arg11[%dma_start3A_671, %dma_start3A_672] : memref<10240x128xf32, #tpu.memory_space<vmem_shared>> -> memref<10240x128xf32, #tpu.memory_space<vmem_shared>>
        tpu.enqueue_indirect_dma source(%arg10 : memref<125x128xf32, #tpu.memory_space<vmem>>) target(%dma_start3A_673 : memref<10240x128xf32, #tpu.memory_space<vmem_shared>>) offsets(%dma_start3A_670 : memref<125xi32, #tpu.memory_space<vmem>>) semaphore(%run_scoped3A_667 : memref<!tpu.dma_semaphore, #tpu.memory_space<semaphore_mem>>) {add = true}
        %dma_wait3A_674 = arith.constant 0 : i32
        %dma_wait3A_675 = tpu.memref_slice %arg7[%run_scoped3A_442, %dma_wait3A_674] : memref<8x125xi32, #tpu.memory_space<vmem>> -> memref<1x125xi32, #tpu.memory_space<vmem>>
        %dma_wait3A_676 = tpu.memref_squeeze %dma_wait3A_675 : memref<1x125xi32, #tpu.memory_space<vmem>> -> memref<125xi32, #tpu.memory_space<vmem>>
        %dma_wait3A_677 = arith.constant 0 : i32
        %dma_wait3A_678 = arith.constant 0 : i32
        %dma_wait3A_679 = tpu.memref_slice %arg11[%dma_wait3A_677, %dma_wait3A_678] : memref<10240x128xf32, #tpu.memory_space<vmem_shared>> -> memref<10240x128xf32, #tpu.memory_space<vmem_shared>>
        tpu.wait_indirect_dma semaphore(%run_scoped3A_667 : memref<!tpu.dma_semaphore, #tpu.memory_space<semaphore_mem>>) src(%arg10 : memref<125x128xf32, #tpu.memory_space<vmem>>) dst(%dma_wait3A_679 : memref<10240x128xf32, #tpu.memory_space<vmem_shared>>)
        tpu.yield
      }) : () -> ()
      %add3A_443 = arith.constant 2 : i32
      %add3A_444 = arith.addi %add3A_435, %add3A_443 : i32
      %dma_start3A_445 = arith.constant 0 : i32
      %dma_start3A_446 = tpu.memref_slice %arg6[%add3A_444, %dma_start3A_445] : memref<80x125xi32, #tpu.memory_space<vmem>> -> memref<1x125xi32, #tpu.memory_space<vmem>>
      %dma_start3A_447 = tpu.memref_squeeze %dma_start3A_446 : memref<1x125xi32, #tpu.memory_space<vmem>> -> memref<125xi32, #tpu.memory_space<vmem>>
      %dma_start3A_448 = arith.constant 0 : i32
      %dma_start3A_449 = arith.constant 0 : i32
      %dma_start3A_450 = tpu.memref_slice %arg2[%dma_start3A_448, %dma_start3A_449] : memref<10000x128xf32, #tpu.memory_space<hbm>> -> memref<10000x128xf32, #tpu.memory_space<hbm>>
      tpu.enqueue_indirect_dma source(%dma_start3A_450 : memref<10000x128xf32, #tpu.memory_space<hbm>>) target(%arg10 : memref<125x128xf32, #tpu.memory_space<vmem>>) offsets(%dma_start3A_447 : memref<125xi32, #tpu.memory_space<vmem>>) semaphore(%arg15 : memref<!tpu.dma_semaphore, #tpu.memory_space<semaphore_mem>>)
      %mul3A_451 = arith.constant 8 : i32
      %mul3A_452 = arith.muli %mul3A_327, %mul3A_451 : i32
      %add3A_453 = arith.constant 6 : i32
      %add3A_454 = arith.addi %mul3A_452, %add3A_453 : i32
      %dma_wait3A_455 = arith.constant 0 : i32
      %dma_wait3A_456 = tpu.memref_slice %arg6[%add3A_454, %dma_wait3A_455] : memref<80x125xi32, #tpu.memory_space<vmem>> -> memref<1x125xi32, #tpu.memory_space<vmem>>
      %dma_wait3A_457 = tpu.memref_squeeze %dma_wait3A_456 : memref<1x125xi32, #tpu.memory_space<vmem>> -> memref<125xi32, #tpu.memory_space<vmem>>
      %dma_wait3A_458 = arith.constant 0 : i32
      %dma_wait3A_459 = arith.constant 0 : i32
      %dma_wait3A_460 = tpu.memref_slice %arg2[%dma_wait3A_458, %dma_wait3A_459] : memref<10000x128xf32, #tpu.memory_space<hbm>> -> memref<10000x128xf32, #tpu.memory_space<hbm>>
      tpu.wait_indirect_dma semaphore(%arg14 : memref<!tpu.dma_semaphore, #tpu.memory_space<semaphore_mem>>) src(%dma_wait3A_460 : memref<10000x128xf32, #tpu.memory_space<hbm>>) dst(%arg9 : memref<125x128xf32, #tpu.memory_space<vmem>>)
      %run_scoped3A_461 = arith.constant 6 : i32
      "tpu.region"() ({
        %run_scoped3A_667 = tpu.sem_alloc : memref<!tpu.dma_semaphore, #tpu.memory_space<semaphore_mem>>
        %dma_start3A_668 = arith.constant 0 : i32
        %dma_start3A_669 = tpu.memref_slice %arg7[%run_scoped3A_461, %dma_start3A_668] : memref<8x125xi32, #tpu.memory_space<vmem>> -> memref<1x125xi32, #tpu.memory_space<vmem>>
        %dma_start3A_670 = tpu.memref_squeeze %dma_start3A_669 : memref<1x125xi32, #tpu.memory_space<vmem>> -> memref<125xi32, #tpu.memory_space<vmem>>
        %dma_start3A_671 = arith.constant 0 : i32
        %dma_start3A_672 = arith.constant 0 : i32
        %dma_start3A_673 = tpu.memref_slice %arg11[%dma_start3A_671, %dma_start3A_672] : memref<10240x128xf32, #tpu.memory_space<vmem_shared>> -> memref<10240x128xf32, #tpu.memory_space<vmem_shared>>
        tpu.enqueue_indirect_dma source(%arg9 : memref<125x128xf32, #tpu.memory_space<vmem>>) target(%dma_start3A_673 : memref<10240x128xf32, #tpu.memory_space<vmem_shared>>) offsets(%dma_start3A_670 : memref<125xi32, #tpu.memory_space<vmem>>) semaphore(%run_scoped3A_667 : memref<!tpu.dma_semaphore, #tpu.memory_space<semaphore_mem>>) {add = true}
        %dma_wait3A_674 = arith.constant 0 : i32
        %dma_wait3A_675 = tpu.memref_slice %arg7[%run_scoped3A_461, %dma_wait3A_674] : memref<8x125xi32, #tpu.memory_space<vmem>> -> memref<1x125xi32, #tpu.memory_space<vmem>>
        %dma_wait3A_676 = tpu.memref_squeeze %dma_wait3A_675 : memref<1x125xi32, #tpu.memory_space<vmem>> -> memref<125xi32, #tpu.memory_space<vmem>>
        %dma_wait3A_677 = arith.constant 0 : i32
        %dma_wait3A_678 = arith.constant 0 : i32
        %dma_wait3A_679 = tpu.memref_slice %arg11[%dma_wait3A_677, %dma_wait3A_678] : memref<10240x128xf32, #tpu.memory_space<vmem_shared>> -> memref<10240x128xf32, #tpu.memory_space<vmem_shared>>
        tpu.wait_indirect_dma semaphore(%run_scoped3A_667 : memref<!tpu.dma_semaphore, #tpu.memory_space<semaphore_mem>>) src(%arg9 : memref<125x128xf32, #tpu.memory_space<vmem>>) dst(%dma_wait3A_679 : memref<10240x128xf32, #tpu.memory_space<vmem_shared>>)
        tpu.yield
      }) : () -> ()
      %add3A_462 = arith.constant 2 : i32
      %add3A_463 = arith.addi %add3A_454, %add3A_462 : i32
      %dma_start3A_464 = arith.constant 0 : i32
      %dma_start3A_465 = tpu.memref_slice %arg6[%add3A_463, %dma_start3A_464] : memref<80x125xi32, #tpu.memory_space<vmem>> -> memref<1x125xi32, #tpu.memory_space<vmem>>
      %dma_start3A_466 = tpu.memref_squeeze %dma_start3A_465 : memref<1x125xi32, #tpu.memory_space<vmem>> -> memref<125xi32, #tpu.memory_space<vmem>>
      %dma_start3A_467 = arith.constant 0 : i32
      %dma_start3A_468 = arith.constant 0 : i32
      %dma_start3A_469 = tpu.memref_slice %arg2[%dma_start3A_467, %dma_start3A_468] : memref<10000x128xf32, #tpu.memory_space<hbm>> -> memref<10000x128xf32, #tpu.memory_space<hbm>>
      tpu.enqueue_indirect_dma source(%dma_start3A_469 : memref<10000x128xf32, #tpu.memory_space<hbm>>) target(%arg9 : memref<125x128xf32, #tpu.memory_space<vmem>>) offsets(%dma_start3A_466 : memref<125xi32, #tpu.memory_space<vmem>>) semaphore(%arg14 : memref<!tpu.dma_semaphore, #tpu.memory_space<semaphore_mem>>)
      %mul3A_470 = arith.constant 8 : i32
      %mul3A_471 = arith.muli %mul3A_327, %mul3A_470 : i32
      %add3A_472 = arith.constant 7 : i32
      %add3A_473 = arith.addi %mul3A_471, %add3A_472 : i32
      %dma_wait3A_474 = arith.constant 0 : i32
      %dma_wait3A_475 = tpu.memref_slice %arg6[%add3A_473, %dma_wait3A_474] : memref<80x125xi32, #tpu.memory_space<vmem>> -> memref<1x125xi32, #tpu.memory_space<vmem>>
      %dma_wait3A_476 = tpu.memref_squeeze %dma_wait3A_475 : memref<1x125xi32, #tpu.memory_space<vmem>> -> memref<125xi32, #tpu.memory_space<vmem>>
      %dma_wait3A_477 = arith.constant 0 : i32
      %dma_wait3A_478 = arith.constant 0 : i32
      %dma_wait3A_479 = tpu.memref_slice %arg2[%dma_wait3A_477, %dma_wait3A_478] : memref<10000x128xf32, #tpu.memory_space<hbm>> -> memref<10000x128xf32, #tpu.memory_space<hbm>>
      tpu.wait_indirect_dma semaphore(%arg15 : memref<!tpu.dma_semaphore, #tpu.memory_space<semaphore_mem>>) src(%dma_wait3A_479 : memref<10000x128xf32, #tpu.memory_space<hbm>>) dst(%arg10 : memref<125x128xf32, #tpu.memory_space<vmem>>)
      %run_scoped3A_480 = arith.constant 7 : i32
      "tpu.region"() ({
        %run_scoped3A_667 = tpu.sem_alloc : memref<!tpu.dma_semaphore, #tpu.memory_space<semaphore_mem>>
        %dma_start3A_668 = arith.constant 0 : i32
        %dma_start3A_669 = tpu.memref_slice %arg7[%run_scoped3A_480, %dma_start3A_668] : memref<8x125xi32, #tpu.memory_space<vmem>> -> memref<1x125xi32, #tpu.memory_space<vmem>>
        %dma_start3A_670 = tpu.memref_squeeze %dma_start3A_669 : memref<1x125xi32, #tpu.memory_space<vmem>> -> memref<125xi32, #tpu.memory_space<vmem>>
        %dma_start3A_671 = arith.constant 0 : i32
        %dma_start3A_672 = arith.constant 0 : i32
        %dma_start3A_673 = tpu.memref_slice %arg11[%dma_start3A_671, %dma_start3A_672] : memref<10240x128xf32, #tpu.memory_space<vmem_shared>> -> memref<10240x128xf32, #tpu.memory_space<vmem_shared>>
        tpu.enqueue_indirect_dma source(%arg10 : memref<125x128xf32, #tpu.memory_space<vmem>>) target(%dma_start3A_673 : memref<10240x128xf32, #tpu.memory_space<vmem_shared>>) offsets(%dma_start3A_670 : memref<125xi32, #tpu.memory_space<vmem>>) semaphore(%run_scoped3A_667 : memref<!tpu.dma_semaphore, #tpu.memory_space<semaphore_mem>>) {add = true}
        %dma_wait3A_674 = arith.constant 0 : i32
        %dma_wait3A_675 = tpu.memref_slice %arg7[%run_scoped3A_480, %dma_wait3A_674] : memref<8x125xi32, #tpu.memory_space<vmem>> -> memref<1x125xi32, #tpu.memory_space<vmem>>
        %dma_wait3A_676 = tpu.memref_squeeze %dma_wait3A_675 : memref<1x125xi32, #tpu.memory_space<vmem>> -> memref<125xi32, #tpu.memory_space<vmem>>
        %dma_wait3A_677 = arith.constant 0 : i32
        %dma_wait3A_678 = arith.constant 0 : i32
        %dma_wait3A_679 = tpu.memref_slice %arg11[%dma_wait3A_677, %dma_wait3A_678] : memref<10240x128xf32, #tpu.memory_space<vmem_shared>> -> memref<10240x128xf32, #tpu.memory_space<vmem_shared>>
        tpu.wait_indirect_dma semaphore(%run_scoped3A_667 : memref<!tpu.dma_semaphore, #tpu.memory_space<semaphore_mem>>) src(%arg10 : memref<125x128xf32, #tpu.memory_space<vmem>>) dst(%dma_wait3A_679 : memref<10240x128xf32, #tpu.memory_space<vmem_shared>>)
        tpu.yield
      }) : () -> ()
      %add3A_481 = arith.constant 2 : i32
      %add3A_482 = arith.addi %add3A_473, %add3A_481 : i32
      %dma_start3A_483 = arith.constant 0 : i32
      %dma_start3A_484 = tpu.memref_slice %arg6[%add3A_482, %dma_start3A_483] : memref<80x125xi32, #tpu.memory_space<vmem>> -> memref<1x125xi32, #tpu.memory_space<vmem>>
      %dma_start3A_485 = tpu.memref_squeeze %dma_start3A_484 : memref<1x125xi32, #tpu.memory_space<vmem>> -> memref<125xi32, #tpu.memory_space<vmem>>
      %dma_start3A_486 = arith.constant 0 : i32
      %dma_start3A_487 = arith.constant 0 : i32
      %dma_start3A_488 = tpu.memref_slice %arg2[%dma_start3A_486, %dma_start3A_487] : memref<10000x128xf32, #tpu.memory_space<hbm>> -> memref<10000x128xf32, #tpu.memory_space<hbm>>
      tpu.enqueue_indirect_dma source(%dma_start3A_488 : memref<10000x128xf32, #tpu.memory_space<hbm>>) target(%arg10 : memref<125x128xf32, #tpu.memory_space<vmem>>) offsets(%dma_start3A_485 : memref<125xi32, #tpu.memory_space<vmem>>) semaphore(%arg15 : memref<!tpu.dma_semaphore, #tpu.memory_space<semaphore_mem>>)
      %mul3A_489 = arith.constant 2 : i32
      %mul3A_490 = arith.muli %mul3A_489, %scan3A_312 : i32
      %add3A_491 = arith.constant 2 : i32
      %add3A_492 = arith.addi %mul3A_490, %add3A_491 : i32
      %mul3A_493 = arith.constant 8 : i32
      %mul3A_494 = arith.muli %add3A_492, %mul3A_493 : i32
      %dma_start3A_495 = arith.constant 1 : i32
      %dma_start3A_496 = arith.constant 0 : i32
      %dma_start3A_497 = tpu.memref_slice %arg3[%dma_start3A_495, %add3A, %mul3A_494, %dma_start3A_496] : memref<2x32x80x125xi32, #tpu.memory_space<hbm>> -> memref<1x1x8x125xi32, #tpu.memory_space<hbm>>
      %dma_start3A_498 = tpu.memref_squeeze %dma_start3A_497 : memref<1x1x8x125xi32, #tpu.memory_space<hbm>> -> memref<8x125xi32, #tpu.memory_space<hbm>>
      %dma_start3A_499 = arith.constant 0 : i32
      %dma_start3A_500 = tpu.memref_slice %arg3[%dma_start3A_495, %add3A, %mul3A_494, %dma_start3A_499] : memref<2x32x80x125xi32, #tpu.memory_space<hbm>> -> memref<1x1x8x125xi32, #tpu.memory_space<hbm>>
      %dma_start3A_501 = tpu.memref_squeeze %dma_start3A_500 : memref<1x1x8x125xi32, #tpu.memory_space<hbm>> -> memref<8x125xi32, #tpu.memory_space<hbm>>
      tpu.enqueue_dma source(%dma_start3A_501 : memref<8x125xi32, #tpu.memory_space<hbm>>) target(%arg7 : memref<8x125xi32, #tpu.memory_space<vmem>>) target_semaphore(%arg12 : memref<!tpu.dma_semaphore, #tpu.memory_space<semaphore_mem>>)
      %mul3A_502 = arith.constant 2 : i32
      %mul3A_503 = arith.muli %mul3A_502, %scan3A_312 : i32
      %add3A_504 = arith.constant 1 : i32
      %add3A_505 = arith.addi %mul3A_503, %add3A_504 : i32
      %dma_wait3A_506 = arith.constant 1 : i32
      %dma_wait3A_507 = arith.constant 0 : i32
      %dma_wait3A_508 = arith.constant 0 : i32
      %dma_wait3A_509 = tpu.memref_slice %arg3[%dma_wait3A_506, %add3A, %dma_wait3A_507, %dma_wait3A_508] : memref<2x32x80x125xi32, #tpu.memory_space<hbm>> -> memref<1x1x8x125xi32, #tpu.memory_space<hbm>>
      %dma_wait3A_510 = tpu.memref_squeeze %dma_wait3A_509 : memref<1x1x8x125xi32, #tpu.memory_space<hbm>> -> memref<8x125xi32, #tpu.memory_space<hbm>>
      %dma_wait3A_511 = arith.constant 0 : i32
      %dma_wait3A_512 = arith.constant 0 : i32
      %dma_wait3A_513 = tpu.memref_slice %arg3[%dma_wait3A_506, %add3A, %dma_wait3A_511, %dma_wait3A_512] : memref<2x32x80x125xi32, #tpu.memory_space<hbm>> -> memref<1x1x8x125xi32, #tpu.memory_space<hbm>>
      %dma_wait3A_514 = tpu.memref_squeeze %dma_wait3A_513 : memref<1x1x8x125xi32, #tpu.memory_space<hbm>> -> memref<8x125xi32, #tpu.memory_space<hbm>>
      tpu.wait_dma2 semaphore(%arg13 : memref<!tpu.dma_semaphore, #tpu.memory_space<semaphore_mem>>) src(%dma_wait3A_514 : memref<8x125xi32, #tpu.memory_space<hbm>>) dst(%arg8 : memref<8x125xi32, #tpu.memory_space<vmem>>)
      %mul3A_515 = arith.constant 8 : i32
      %mul3A_516 = arith.muli %add3A_505, %mul3A_515 : i32
      %add3A_517 = arith.constant 0 : i32
      %add3A_518 = arith.addi %mul3A_516, %add3A_517 : i32
      %dma_wait3A_519 = arith.constant 0 : i32
      %dma_wait3A_520 = tpu.memref_slice %arg6[%add3A_518, %dma_wait3A_519] : memref<80x125xi32, #tpu.memory_space<vmem>> -> memref<1x125xi32, #tpu.memory_space<vmem>>
      %dma_wait3A_521 = tpu.memref_squeeze %dma_wait3A_520 : memref<1x125xi32, #tpu.memory_space<vmem>> -> memref<125xi32, #tpu.memory_space<vmem>>
      %dma_wait3A_522 = arith.constant 0 : i32
      %dma_wait3A_523 = arith.constant 0 : i32
      %dma_wait3A_524 = tpu.memref_slice %arg2[%dma_wait3A_522, %dma_wait3A_523] : memref<10000x128xf32, #tpu.memory_space<hbm>> -> memref<10000x128xf32, #tpu.memory_space<hbm>>
      tpu.wait_indirect_dma semaphore(%arg14 : memref<!tpu.dma_semaphore, #tpu.memory_space<semaphore_mem>>) src(%dma_wait3A_524 : memref<10000x128xf32, #tpu.memory_space<hbm>>) dst(%arg9 : memref<125x128xf32, #tpu.memory_space<vmem>>)
      %run_scoped3A_525 = arith.constant 0 : i32
      "tpu.region"() ({
        %run_scoped3A_667 = tpu.sem_alloc : memref<!tpu.dma_semaphore, #tpu.memory_space<semaphore_mem>>
        %dma_start3A_668 = arith.constant 0 : i32
        %dma_start3A_669 = tpu.memref_slice %arg8[%run_scoped3A_525, %dma_start3A_668] : memref<8x125xi32, #tpu.memory_space<vmem>> -> memref<1x125xi32, #tpu.memory_space<vmem>>
        %dma_start3A_670 = tpu.memref_squeeze %dma_start3A_669 : memref<1x125xi32, #tpu.memory_space<vmem>> -> memref<125xi32, #tpu.memory_space<vmem>>
        %dma_start3A_671 = arith.constant 0 : i32
        %dma_start3A_672 = arith.constant 0 : i32
        %dma_start3A_673 = tpu.memref_slice %arg11[%dma_start3A_671, %dma_start3A_672] : memref<10240x128xf32, #tpu.memory_space<vmem_shared>> -> memref<10240x128xf32, #tpu.memory_space<vmem_shared>>
        tpu.enqueue_indirect_dma source(%arg9 : memref<125x128xf32, #tpu.memory_space<vmem>>) target(%dma_start3A_673 : memref<10240x128xf32, #tpu.memory_space<vmem_shared>>) offsets(%dma_start3A_670 : memref<125xi32, #tpu.memory_space<vmem>>) semaphore(%run_scoped3A_667 : memref<!tpu.dma_semaphore, #tpu.memory_space<semaphore_mem>>) {add = true}
        %dma_wait3A_674 = arith.constant 0 : i32
        %dma_wait3A_675 = tpu.memref_slice %arg8[%run_scoped3A_525, %dma_wait3A_674] : memref<8x125xi32, #tpu.memory_space<vmem>> -> memref<1x125xi32, #tpu.memory_space<vmem>>
        %dma_wait3A_676 = tpu.memref_squeeze %dma_wait3A_675 : memref<1x125xi32, #tpu.memory_space<vmem>> -> memref<125xi32, #tpu.memory_space<vmem>>
        %dma_wait3A_677 = arith.constant 0 : i32
        %dma_wait3A_678 = arith.constant 0 : i32
        %dma_wait3A_679 = tpu.memref_slice %arg11[%dma_wait3A_677, %dma_wait3A_678] : memref<10240x128xf32, #tpu.memory_space<vmem_shared>> -> memref<10240x128xf32, #tpu.memory_space<vmem_shared>>
        tpu.wait_indirect_dma semaphore(%run_scoped3A_667 : memref<!tpu.dma_semaphore, #tpu.memory_space<semaphore_mem>>) src(%arg9 : memref<125x128xf32, #tpu.memory_space<vmem>>) dst(%dma_wait3A_679 : memref<10240x128xf32, #tpu.memory_space<vmem_shared>>)
        tpu.yield
      }) : () -> ()
      %add3A_526 = arith.constant 2 : i32
      %add3A_527 = arith.addi %add3A_518, %add3A_526 : i32
      %dma_start3A_528 = arith.constant 0 : i32
      %dma_start3A_529 = tpu.memref_slice %arg6[%add3A_527, %dma_start3A_528] : memref<80x125xi32, #tpu.memory_space<vmem>> -> memref<1x125xi32, #tpu.memory_space<vmem>>
      %dma_start3A_530 = tpu.memref_squeeze %dma_start3A_529 : memref<1x125xi32, #tpu.memory_space<vmem>> -> memref<125xi32, #tpu.memory_space<vmem>>
      %dma_start3A_531 = arith.constant 0 : i32
      %dma_start3A_532 = arith.constant 0 : i32
      %dma_start3A_533 = tpu.memref_slice %arg2[%dma_start3A_531, %dma_start3A_532] : memref<10000x128xf32, #tpu.memory_space<hbm>> -> memref<10000x128xf32, #tpu.memory_space<hbm>>
      tpu.enqueue_indirect_dma source(%dma_start3A_533 : memref<10000x128xf32, #tpu.memory_space<hbm>>) target(%arg9 : memref<125x128xf32, #tpu.memory_space<vmem>>) offsets(%dma_start3A_530 : memref<125xi32, #tpu.memory_space<vmem>>) semaphore(%arg14 : memref<!tpu.dma_semaphore, #tpu.memory_space<semaphore_mem>>)
      %mul3A_534 = arith.constant 8 : i32
      %mul3A_535 = arith.muli %add3A_505, %mul3A_534 : i32
      %add3A_536 = arith.constant 1 : i32
      %add3A_537 = arith.addi %mul3A_535, %add3A_536 : i32
      %dma_wait3A_538 = arith.constant 0 : i32
      %dma_wait3A_539 = tpu.memref_slice %arg6[%add3A_537, %dma_wait3A_538] : memref<80x125xi32, #tpu.memory_space<vmem>> -> memref<1x125xi32, #tpu.memory_space<vmem>>
      %dma_wait3A_540 = tpu.memref_squeeze %dma_wait3A_539 : memref<1x125xi32, #tpu.memory_space<vmem>> -> memref<125xi32, #tpu.memory_space<vmem>>
      %dma_wait3A_541 = arith.constant 0 : i32
      %dma_wait3A_542 = arith.constant 0 : i32
      %dma_wait3A_543 = tpu.memref_slice %arg2[%dma_wait3A_541, %dma_wait3A_542] : memref<10000x128xf32, #tpu.memory_space<hbm>> -> memref<10000x128xf32, #tpu.memory_space<hbm>>
      tpu.wait_indirect_dma semaphore(%arg15 : memref<!tpu.dma_semaphore, #tpu.memory_space<semaphore_mem>>) src(%dma_wait3A_543 : memref<10000x128xf32, #tpu.memory_space<hbm>>) dst(%arg10 : memref<125x128xf32, #tpu.memory_space<vmem>>)
      %run_scoped3A_544 = arith.constant 1 : i32
      "tpu.region"() ({
        %run_scoped3A_667 = tpu.sem_alloc : memref<!tpu.dma_semaphore, #tpu.memory_space<semaphore_mem>>
        %dma_start3A_668 = arith.constant 0 : i32
        %dma_start3A_669 = tpu.memref_slice %arg8[%run_scoped3A_544, %dma_start3A_668] : memref<8x125xi32, #tpu.memory_space<vmem>> -> memref<1x125xi32, #tpu.memory_space<vmem>>
        %dma_start3A_670 = tpu.memref_squeeze %dma_start3A_669 : memref<1x125xi32, #tpu.memory_space<vmem>> -> memref<125xi32, #tpu.memory_space<vmem>>
        %dma_start3A_671 = arith.constant 0 : i32
        %dma_start3A_672 = arith.constant 0 : i32
        %dma_start3A_673 = tpu.memref_slice %arg11[%dma_start3A_671, %dma_start3A_672] : memref<10240x128xf32, #tpu.memory_space<vmem_shared>> -> memref<10240x128xf32, #tpu.memory_space<vmem_shared>>
        tpu.enqueue_indirect_dma source(%arg10 : memref<125x128xf32, #tpu.memory_space<vmem>>) target(%dma_start3A_673 : memref<10240x128xf32, #tpu.memory_space<vmem_shared>>) offsets(%dma_start3A_670 : memref<125xi32, #tpu.memory_space<vmem>>) semaphore(%run_scoped3A_667 : memref<!tpu.dma_semaphore, #tpu.memory_space<semaphore_mem>>) {add = true}
        %dma_wait3A_674 = arith.constant 0 : i32
        %dma_wait3A_675 = tpu.memref_slice %arg8[%run_scoped3A_544, %dma_wait3A_674] : memref<8x125xi32, #tpu.memory_space<vmem>> -> memref<1x125xi32, #tpu.memory_space<vmem>>
        %dma_wait3A_676 = tpu.memref_squeeze %dma_wait3A_675 : memref<1x125xi32, #tpu.memory_space<vmem>> -> memref<125xi32, #tpu.memory_space<vmem>>
        %dma_wait3A_677 = arith.constant 0 : i32
        %dma_wait3A_678 = arith.constant 0 : i32
        %dma_wait3A_679 = tpu.memref_slice %arg11[%dma_wait3A_677, %dma_wait3A_678] : memref<10240x128xf32, #tpu.memory_space<vmem_shared>> -> memref<10240x128xf32, #tpu.memory_space<vmem_shared>>
        tpu.wait_indirect_dma semaphore(%run_scoped3A_667 : memref<!tpu.dma_semaphore, #tpu.memory_space<semaphore_mem>>) src(%arg10 : memref<125x128xf32, #tpu.memory_space<vmem>>) dst(%dma_wait3A_679 : memref<10240x128xf32, #tpu.memory_space<vmem_shared>>)
        tpu.yield
      }) : () -> ()
      %add3A_545 = arith.constant 2 : i32
      %add3A_546 = arith.addi %add3A_537, %add3A_545 : i32
      %dma_start3A_547 = arith.constant 0 : i32
      %dma_start3A_548 = tpu.memref_slice %arg6[%add3A_546, %dma_start3A_547] : memref<80x125xi32, #tpu.memory_space<vmem>> -> memref<1x125xi32, #tpu.memory_space<vmem>>
      %dma_start3A_549 = tpu.memref_squeeze %dma_start3A_548 : memref<1x125xi32, #tpu.memory_space<vmem>> -> memref<125xi32, #tpu.memory_space<vmem>>
      %dma_start3A_550 = arith.constant 0 : i32
      %dma_start3A_551 = arith.constant 0 : i32
      %dma_start3A_552 = tpu.memref_slice %arg2[%dma_start3A_550, %dma_start3A_551] : memref<10000x128xf32, #tpu.memory_space<hbm>> -> memref<10000x128xf32, #tpu.memory_space<hbm>>
      tpu.enqueue_indirect_dma source(%dma_start3A_552 : memref<10000x128xf32, #tpu.memory_space<hbm>>) target(%arg10 : memref<125x128xf32, #tpu.memory_space<vmem>>) offsets(%dma_start3A_549 : memref<125xi32, #tpu.memory_space<vmem>>) semaphore(%arg15 : memref<!tpu.dma_semaphore, #tpu.memory_space<semaphore_mem>>)
      %mul3A_553 = arith.constant 8 : i32
      %mul3A_554 = arith.muli %add3A_505, %mul3A_553 : i32
      %add3A_555 = arith.constant 2 : i32
      %add3A_556 = arith.addi %mul3A_554, %add3A_555 : i32
      %dma_wait3A_557 = arith.constant 0 : i32
      %dma_wait3A_558 = tpu.memref_slice %arg6[%add3A_556, %dma_wait3A_557] : memref<80x125xi32, #tpu.memory_space<vmem>> -> memref<1x125xi32, #tpu.memory_space<vmem>>
      %dma_wait3A_559 = tpu.memref_squeeze %dma_wait3A_558 : memref<1x125xi32, #tpu.memory_space<vmem>> -> memref<125xi32, #tpu.memory_space<vmem>>
      %dma_wait3A_560 = arith.constant 0 : i32
      %dma_wait3A_561 = arith.constant 0 : i32
      %dma_wait3A_562 = tpu.memref_slice %arg2[%dma_wait3A_560, %dma_wait3A_561] : memref<10000x128xf32, #tpu.memory_space<hbm>> -> memref<10000x128xf32, #tpu.memory_space<hbm>>
      tpu.wait_indirect_dma semaphore(%arg14 : memref<!tpu.dma_semaphore, #tpu.memory_space<semaphore_mem>>) src(%dma_wait3A_562 : memref<10000x128xf32, #tpu.memory_space<hbm>>) dst(%arg9 : memref<125x128xf32, #tpu.memory_space<vmem>>)
      %run_scoped3A_563 = arith.constant 2 : i32
      "tpu.region"() ({
        %run_scoped3A_667 = tpu.sem_alloc : memref<!tpu.dma_semaphore, #tpu.memory_space<semaphore_mem>>
        %dma_start3A_668 = arith.constant 0 : i32
        %dma_start3A_669 = tpu.memref_slice %arg8[%run_scoped3A_563, %dma_start3A_668] : memref<8x125xi32, #tpu.memory_space<vmem>> -> memref<1x125xi32, #tpu.memory_space<vmem>>
        %dma_start3A_670 = tpu.memref_squeeze %dma_start3A_669 : memref<1x125xi32, #tpu.memory_space<vmem>> -> memref<125xi32, #tpu.memory_space<vmem>>
        %dma_start3A_671 = arith.constant 0 : i32
        %dma_start3A_672 = arith.constant 0 : i32
        %dma_start3A_673 = tpu.memref_slice %arg11[%dma_start3A_671, %dma_start3A_672] : memref<10240x128xf32, #tpu.memory_space<vmem_shared>> -> memref<10240x128xf32, #tpu.memory_space<vmem_shared>>
        tpu.enqueue_indirect_dma source(%arg9 : memref<125x128xf32, #tpu.memory_space<vmem>>) target(%dma_start3A_673 : memref<10240x128xf32, #tpu.memory_space<vmem_shared>>) offsets(%dma_start3A_670 : memref<125xi32, #tpu.memory_space<vmem>>) semaphore(%run_scoped3A_667 : memref<!tpu.dma_semaphore, #tpu.memory_space<semaphore_mem>>) {add = true}
        %dma_wait3A_674 = arith.constant 0 : i32
        %dma_wait3A_675 = tpu.memref_slice %arg8[%run_scoped3A_563, %dma_wait3A_674] : memref<8x125xi32, #tpu.memory_space<vmem>> -> memref<1x125xi32, #tpu.memory_space<vmem>>
        %dma_wait3A_676 = tpu.memref_squeeze %dma_wait3A_675 : memref<1x125xi32, #tpu.memory_space<vmem>> -> memref<125xi32, #tpu.memory_space<vmem>>
        %dma_wait3A_677 = arith.constant 0 : i32
        %dma_wait3A_678 = arith.constant 0 : i32
        %dma_wait3A_679 = tpu.memref_slice %arg11[%dma_wait3A_677, %dma_wait3A_678] : memref<10240x128xf32, #tpu.memory_space<vmem_shared>> -> memref<10240x128xf32, #tpu.memory_space<vmem_shared>>
        tpu.wait_indirect_dma semaphore(%run_scoped3A_667 : memref<!tpu.dma_semaphore, #tpu.memory_space<semaphore_mem>>) src(%arg9 : memref<125x128xf32, #tpu.memory_space<vmem>>) dst(%dma_wait3A_679 : memref<10240x128xf32, #tpu.memory_space<vmem_shared>>)
        tpu.yield
      }) : () -> ()
      %add3A_564 = arith.constant 2 : i32
      %add3A_565 = arith.addi %add3A_556, %add3A_564 : i32
      %dma_start3A_566 = arith.constant 0 : i32
      %dma_start3A_567 = tpu.memref_slice %arg6[%add3A_565, %dma_start3A_566] : memref<80x125xi32, #tpu.memory_space<vmem>> -> memref<1x125xi32, #tpu.memory_space<vmem>>
      %dma_start3A_568 = tpu.memref_squeeze %dma_start3A_567 : memref<1x125xi32, #tpu.memory_space<vmem>> -> memref<125xi32, #tpu.memory_space<vmem>>
      %dma_start3A_569 = arith.constant 0 : i32
      %dma_start3A_570 = arith.constant 0 : i32
      %dma_start3A_571 = tpu.memref_slice %arg2[%dma_start3A_569, %dma_start3A_570] : memref<10000x128xf32, #tpu.memory_space<hbm>> -> memref<10000x128xf32, #tpu.memory_space<hbm>>
      tpu.enqueue_indirect_dma source(%dma_start3A_571 : memref<10000x128xf32, #tpu.memory_space<hbm>>) target(%arg9 : memref<125x128xf32, #tpu.memory_space<vmem>>) offsets(%dma_start3A_568 : memref<125xi32, #tpu.memory_space<vmem>>) semaphore(%arg14 : memref<!tpu.dma_semaphore, #tpu.memory_space<semaphore_mem>>)
      %mul3A_572 = arith.constant 8 : i32
      %mul3A_573 = arith.muli %add3A_505, %mul3A_572 : i32
      %add3A_574 = arith.constant 3 : i32
      %add3A_575 = arith.addi %mul3A_573, %add3A_574 : i32
      %dma_wait3A_576 = arith.constant 0 : i32
      %dma_wait3A_577 = tpu.memref_slice %arg6[%add3A_575, %dma_wait3A_576] : memref<80x125xi32, #tpu.memory_space<vmem>> -> memref<1x125xi32, #tpu.memory_space<vmem>>
      %dma_wait3A_578 = tpu.memref_squeeze %dma_wait3A_577 : memref<1x125xi32, #tpu.memory_space<vmem>> -> memref<125xi32, #tpu.memory_space<vmem>>
      %dma_wait3A_579 = arith.constant 0 : i32
      %dma_wait3A_580 = arith.constant 0 : i32
      %dma_wait3A_581 = tpu.memref_slice %arg2[%dma_wait3A_579, %dma_wait3A_580] : memref<10000x128xf32, #tpu.memory_space<hbm>> -> memref<10000x128xf32, #tpu.memory_space<hbm>>
      tpu.wait_indirect_dma semaphore(%arg15 : memref<!tpu.dma_semaphore, #tpu.memory_space<semaphore_mem>>) src(%dma_wait3A_581 : memref<10000x128xf32, #tpu.memory_space<hbm>>) dst(%arg10 : memref<125x128xf32, #tpu.memory_space<vmem>>)
      %run_scoped3A_582 = arith.constant 3 : i32
      "tpu.region"() ({
        %run_scoped3A_667 = tpu.sem_alloc : memref<!tpu.dma_semaphore, #tpu.memory_space<semaphore_mem>>
        %dma_start3A_668 = arith.constant 0 : i32
        %dma_start3A_669 = tpu.memref_slice %arg8[%run_scoped3A_582, %dma_start3A_668] : memref<8x125xi32, #tpu.memory_space<vmem>> -> memref<1x125xi32, #tpu.memory_space<vmem>>
        %dma_start3A_670 = tpu.memref_squeeze %dma_start3A_669 : memref<1x125xi32, #tpu.memory_space<vmem>> -> memref<125xi32, #tpu.memory_space<vmem>>
        %dma_start3A_671 = arith.constant 0 : i32
        %dma_start3A_672 = arith.constant 0 : i32
        %dma_start3A_673 = tpu.memref_slice %arg11[%dma_start3A_671, %dma_start3A_672] : memref<10240x128xf32, #tpu.memory_space<vmem_shared>> -> memref<10240x128xf32, #tpu.memory_space<vmem_shared>>
        tpu.enqueue_indirect_dma source(%arg10 : memref<125x128xf32, #tpu.memory_space<vmem>>) target(%dma_start3A_673 : memref<10240x128xf32, #tpu.memory_space<vmem_shared>>) offsets(%dma_start3A_670 : memref<125xi32, #tpu.memory_space<vmem>>) semaphore(%run_scoped3A_667 : memref<!tpu.dma_semaphore, #tpu.memory_space<semaphore_mem>>) {add = true}
        %dma_wait3A_674 = arith.constant 0 : i32
        %dma_wait3A_675 = tpu.memref_slice %arg8[%run_scoped3A_582, %dma_wait3A_674] : memref<8x125xi32, #tpu.memory_space<vmem>> -> memref<1x125xi32, #tpu.memory_space<vmem>>
        %dma_wait3A_676 = tpu.memref_squeeze %dma_wait3A_675 : memref<1x125xi32, #tpu.memory_space<vmem>> -> memref<125xi32, #tpu.memory_space<vmem>>
        %dma_wait3A_677 = arith.constant 0 : i32
        %dma_wait3A_678 = arith.constant 0 : i32
        %dma_wait3A_679 = tpu.memref_slice %arg11[%dma_wait3A_677, %dma_wait3A_678] : memref<10240x128xf32, #tpu.memory_space<vmem_shared>> -> memref<10240x128xf32, #tpu.memory_space<vmem_shared>>
        tpu.wait_indirect_dma semaphore(%run_scoped3A_667 : memref<!tpu.dma_semaphore, #tpu.memory_space<semaphore_mem>>) src(%arg10 : memref<125x128xf32, #tpu.memory_space<vmem>>) dst(%dma_wait3A_679 : memref<10240x128xf32, #tpu.memory_space<vmem_shared>>)
        tpu.yield
      }) : () -> ()
      %add3A_583 = arith.constant 2 : i32
      %add3A_584 = arith.addi %add3A_575, %add3A_583 : i32
      %dma_start3A_585 = arith.constant 0 : i32
      %dma_start3A_586 = tpu.memref_slice %arg6[%add3A_584, %dma_start3A_585] : memref<80x125xi32, #tpu.memory_space<vmem>> -> memref<1x125xi32, #tpu.memory_space<vmem>>
      %dma_start3A_587 = tpu.memref_squeeze %dma_start3A_586 : memref<1x125xi32, #tpu.memory_space<vmem>> -> memref<125xi32, #tpu.memory_space<vmem>>
      %dma_start3A_588 = arith.constant 0 : i32
      %dma_start3A_589 = arith.constant 0 : i32
      %dma_start3A_590 = tpu.memref_slice %arg2[%dma_start3A_588, %dma_start3A_589] : memref<10000x128xf32, #tpu.memory_space<hbm>> -> memref<10000x128xf32, #tpu.memory_space<hbm>>
      tpu.enqueue_indirect_dma source(%dma_start3A_590 : memref<10000x128xf32, #tpu.memory_space<hbm>>) target(%arg10 : memref<125x128xf32, #tpu.memory_space<vmem>>) offsets(%dma_start3A_587 : memref<125xi32, #tpu.memory_space<vmem>>) semaphore(%arg15 : memref<!tpu.dma_semaphore, #tpu.memory_space<semaphore_mem>>)
      %mul3A_591 = arith.constant 8 : i32
      %mul3A_592 = arith.muli %add3A_505, %mul3A_591 : i32
      %add3A_593 = arith.constant 4 : i32
      %add3A_594 = arith.addi %mul3A_592, %add3A_593 : i32
      %dma_wait3A_595 = arith.constant 0 : i32
      %dma_wait3A_596 = tpu.memref_slice %arg6[%add3A_594, %dma_wait3A_595] : memref<80x125xi32, #tpu.memory_space<vmem>> -> memref<1x125xi32, #tpu.memory_space<vmem>>
      %dma_wait3A_597 = tpu.memref_squeeze %dma_wait3A_596 : memref<1x125xi32, #tpu.memory_space<vmem>> -> memref<125xi32, #tpu.memory_space<vmem>>
      %dma_wait3A_598 = arith.constant 0 : i32
      %dma_wait3A_599 = arith.constant 0 : i32
      %dma_wait3A_600 = tpu.memref_slice %arg2[%dma_wait3A_598, %dma_wait3A_599] : memref<10000x128xf32, #tpu.memory_space<hbm>> -> memref<10000x128xf32, #tpu.memory_space<hbm>>
      tpu.wait_indirect_dma semaphore(%arg14 : memref<!tpu.dma_semaphore, #tpu.memory_space<semaphore_mem>>) src(%dma_wait3A_600 : memref<10000x128xf32, #tpu.memory_space<hbm>>) dst(%arg9 : memref<125x128xf32, #tpu.memory_space<vmem>>)
      %run_scoped3A_601 = arith.constant 4 : i32
      "tpu.region"() ({
        %run_scoped3A_667 = tpu.sem_alloc : memref<!tpu.dma_semaphore, #tpu.memory_space<semaphore_mem>>
        %dma_start3A_668 = arith.constant 0 : i32
        %dma_start3A_669 = tpu.memref_slice %arg8[%run_scoped3A_601, %dma_start3A_668] : memref<8x125xi32, #tpu.memory_space<vmem>> -> memref<1x125xi32, #tpu.memory_space<vmem>>
        %dma_start3A_670 = tpu.memref_squeeze %dma_start3A_669 : memref<1x125xi32, #tpu.memory_space<vmem>> -> memref<125xi32, #tpu.memory_space<vmem>>
        %dma_start3A_671 = arith.constant 0 : i32
        %dma_start3A_672 = arith.constant 0 : i32
        %dma_start3A_673 = tpu.memref_slice %arg11[%dma_start3A_671, %dma_start3A_672] : memref<10240x128xf32, #tpu.memory_space<vmem_shared>> -> memref<10240x128xf32, #tpu.memory_space<vmem_shared>>
        tpu.enqueue_indirect_dma source(%arg9 : memref<125x128xf32, #tpu.memory_space<vmem>>) target(%dma_start3A_673 : memref<10240x128xf32, #tpu.memory_space<vmem_shared>>) offsets(%dma_start3A_670 : memref<125xi32, #tpu.memory_space<vmem>>) semaphore(%run_scoped3A_667 : memref<!tpu.dma_semaphore, #tpu.memory_space<semaphore_mem>>) {add = true}
        %dma_wait3A_674 = arith.constant 0 : i32
        %dma_wait3A_675 = tpu.memref_slice %arg8[%run_scoped3A_601, %dma_wait3A_674] : memref<8x125xi32, #tpu.memory_space<vmem>> -> memref<1x125xi32, #tpu.memory_space<vmem>>
        %dma_wait3A_676 = tpu.memref_squeeze %dma_wait3A_675 : memref<1x125xi32, #tpu.memory_space<vmem>> -> memref<125xi32, #tpu.memory_space<vmem>>
        %dma_wait3A_677 = arith.constant 0 : i32
        %dma_wait3A_678 = arith.constant 0 : i32
        %dma_wait3A_679 = tpu.memref_slice %arg11[%dma_wait3A_677, %dma_wait3A_678] : memref<10240x128xf32, #tpu.memory_space<vmem_shared>> -> memref<10240x128xf32, #tpu.memory_space<vmem_shared>>
        tpu.wait_indirect_dma semaphore(%run_scoped3A_667 : memref<!tpu.dma_semaphore, #tpu.memory_space<semaphore_mem>>) src(%arg9 : memref<125x128xf32, #tpu.memory_space<vmem>>) dst(%dma_wait3A_679 : memref<10240x128xf32, #tpu.memory_space<vmem_shared>>)
        tpu.yield
      }) : () -> ()
      %add3A_602 = arith.constant 2 : i32
      %add3A_603 = arith.addi %add3A_594, %add3A_602 : i32
      %dma_start3A_604 = arith.constant 0 : i32
      %dma_start3A_605 = tpu.memref_slice %arg6[%add3A_603, %dma_start3A_604] : memref<80x125xi32, #tpu.memory_space<vmem>> -> memref<1x125xi32, #tpu.memory_space<vmem>>
      %dma_start3A_606 = tpu.memref_squeeze %dma_start3A_605 : memref<1x125xi32, #tpu.memory_space<vmem>> -> memref<125xi32, #tpu.memory_space<vmem>>
      %dma_start3A_607 = arith.constant 0 : i32
      %dma_start3A_608 = arith.constant 0 : i32
      %dma_start3A_609 = tpu.memref_slice %arg2[%dma_start3A_607, %dma_start3A_608] : memref<10000x128xf32, #tpu.memory_space<hbm>> -> memref<10000x128xf32, #tpu.memory_space<hbm>>
      tpu.enqueue_indirect_dma source(%dma_start3A_609 : memref<10000x128xf32, #tpu.memory_space<hbm>>) target(%arg9 : memref<125x128xf32, #tpu.memory_space<vmem>>) offsets(%dma_start3A_606 : memref<125xi32, #tpu.memory_space<vmem>>) semaphore(%arg14 : memref<!tpu.dma_semaphore, #tpu.memory_space<semaphore_mem>>)
      %mul3A_610 = arith.constant 8 : i32
      %mul3A_611 = arith.muli %add3A_505, %mul3A_610 : i32
      %add3A_612 = arith.constant 5 : i32
      %add3A_613 = arith.addi %mul3A_611, %add3A_612 : i32
      %dma_wait3A_614 = arith.constant 0 : i32
      %dma_wait3A_615 = tpu.memref_slice %arg6[%add3A_613, %dma_wait3A_614] : memref<80x125xi32, #tpu.memory_space<vmem>> -> memref<1x125xi32, #tpu.memory_space<vmem>>
      %dma_wait3A_616 = tpu.memref_squeeze %dma_wait3A_615 : memref<1x125xi32, #tpu.memory_space<vmem>> -> memref<125xi32, #tpu.memory_space<vmem>>
      %dma_wait3A_617 = arith.constant 0 : i32
      %dma_wait3A_618 = arith.constant 0 : i32
      %dma_wait3A_619 = tpu.memref_slice %arg2[%dma_wait3A_617, %dma_wait3A_618] : memref<10000x128xf32, #tpu.memory_space<hbm>> -> memref<10000x128xf32, #tpu.memory_space<hbm>>
      tpu.wait_indirect_dma semaphore(%arg15 : memref<!tpu.dma_semaphore, #tpu.memory_space<semaphore_mem>>) src(%dma_wait3A_619 : memref<10000x128xf32, #tpu.memory_space<hbm>>) dst(%arg10 : memref<125x128xf32, #tpu.memory_space<vmem>>)
      %run_scoped3A_620 = arith.constant 5 : i32
      "tpu.region"() ({
        %run_scoped3A_667 = tpu.sem_alloc : memref<!tpu.dma_semaphore, #tpu.memory_space<semaphore_mem>>
        %dma_start3A_668 = arith.constant 0 : i32
        %dma_start3A_669 = tpu.memref_slice %arg8[%run_scoped3A_620, %dma_start3A_668] : memref<8x125xi32, #tpu.memory_space<vmem>> -> memref<1x125xi32, #tpu.memory_space<vmem>>
        %dma_start3A_670 = tpu.memref_squeeze %dma_start3A_669 : memref<1x125xi32, #tpu.memory_space<vmem>> -> memref<125xi32, #tpu.memory_space<vmem>>
        %dma_start3A_671 = arith.constant 0 : i32
        %dma_start3A_672 = arith.constant 0 : i32
        %dma_start3A_673 = tpu.memref_slice %arg11[%dma_start3A_671, %dma_start3A_672] : memref<10240x128xf32, #tpu.memory_space<vmem_shared>> -> memref<10240x128xf32, #tpu.memory_space<vmem_shared>>
        tpu.enqueue_indirect_dma source(%arg10 : memref<125x128xf32, #tpu.memory_space<vmem>>) target(%dma_start3A_673 : memref<10240x128xf32, #tpu.memory_space<vmem_shared>>) offsets(%dma_start3A_670 : memref<125xi32, #tpu.memory_space<vmem>>) semaphore(%run_scoped3A_667 : memref<!tpu.dma_semaphore, #tpu.memory_space<semaphore_mem>>) {add = true}
        %dma_wait3A_674 = arith.constant 0 : i32
        %dma_wait3A_675 = tpu.memref_slice %arg8[%run_scoped3A_620, %dma_wait3A_674] : memref<8x125xi32, #tpu.memory_space<vmem>> -> memref<1x125xi32, #tpu.memory_space<vmem>>
        %dma_wait3A_676 = tpu.memref_squeeze %dma_wait3A_675 : memref<1x125xi32, #tpu.memory_space<vmem>> -> memref<125xi32, #tpu.memory_space<vmem>>
        %dma_wait3A_677 = arith.constant 0 : i32
        %dma_wait3A_678 = arith.constant 0 : i32
        %dma_wait3A_679 = tpu.memref_slice %arg11[%dma_wait3A_677, %dma_wait3A_678] : memref<10240x128xf32, #tpu.memory_space<vmem_shared>> -> memref<10240x128xf32, #tpu.memory_space<vmem_shared>>
        tpu.wait_indirect_dma semaphore(%run_scoped3A_667 : memref<!tpu.dma_semaphore, #tpu.memory_space<semaphore_mem>>) src(%arg10 : memref<125x128xf32, #tpu.memory_space<vmem>>) dst(%dma_wait3A_679 : memref<10240x128xf32, #tpu.memory_space<vmem_shared>>)
        tpu.yield
      }) : () -> ()
      %add3A_621 = arith.constant 2 : i32
      %add3A_622 = arith.addi %add3A_613, %add3A_621 : i32
      %dma_start3A_623 = arith.constant 0 : i32
      %dma_start3A_624 = tpu.memref_slice %arg6[%add3A_622, %dma_start3A_623] : memref<80x125xi32, #tpu.memory_space<vmem>> -> memref<1x125xi32, #tpu.memory_space<vmem>>
      %dma_start3A_625 = tpu.memref_squeeze %dma_start3A_624 : memref<1x125xi32, #tpu.memory_space<vmem>> -> memref<125xi32, #tpu.memory_space<vmem>>
      %dma_start3A_626 = arith.constant 0 : i32
      %dma_start3A_627 = arith.constant 0 : i32
      %dma_start3A_628 = tpu.memref_slice %arg2[%dma_start3A_626, %dma_start3A_627] : memref<10000x128xf32, #tpu.memory_space<hbm>> -> memref<10000x128xf32, #tpu.memory_space<hbm>>
      tpu.enqueue_indirect_dma source(%dma_start3A_628 : memref<10000x128xf32, #tpu.memory_space<hbm>>) target(%arg10 : memref<125x128xf32, #tpu.memory_space<vmem>>) offsets(%dma_start3A_625 : memref<125xi32, #tpu.memory_space<vmem>>) semaphore(%arg15 : memref<!tpu.dma_semaphore, #tpu.memory_space<semaphore_mem>>)
      %mul3A_629 = arith.constant 8 : i32
      %mul3A_630 = arith.muli %add3A_505, %mul3A_629 : i32
      %add3A_631 = arith.constant 6 : i32
      %add3A_632 = arith.addi %mul3A_630, %add3A_631 : i32
      %dma_wait3A_633 = arith.constant 0 : i32
      %dma_wait3A_634 = tpu.memref_slice %arg6[%add3A_632, %dma_wait3A_633] : memref<80x125xi32, #tpu.memory_space<vmem>> -> memref<1x125xi32, #tpu.memory_space<vmem>>
      %dma_wait3A_635 = tpu.memref_squeeze %dma_wait3A_634 : memref<1x125xi32, #tpu.memory_space<vmem>> -> memref<125xi32, #tpu.memory_space<vmem>>
      %dma_wait3A_636 = arith.constant 0 : i32
      %dma_wait3A_637 = arith.constant 0 : i32
      %dma_wait3A_638 = tpu.memref_slice %arg2[%dma_wait3A_636, %dma_wait3A_637] : memref<10000x128xf32, #tpu.memory_space<hbm>> -> memref<10000x128xf32, #tpu.memory_space<hbm>>
      tpu.wait_indirect_dma semaphore(%arg14 : memref<!tpu.dma_semaphore, #tpu.memory_space<semaphore_mem>>) src(%dma_wait3A_638 : memref<10000x128xf32, #tpu.memory_space<hbm>>) dst(%arg9 : memref<125x128xf32, #tpu.memory_space<vmem>>)
      %run_scoped3A_639 = arith.constant 6 : i32
      "tpu.region"() ({
        %run_scoped3A_667 = tpu.sem_alloc : memref<!tpu.dma_semaphore, #tpu.memory_space<semaphore_mem>>
        %dma_start3A_668 = arith.constant 0 : i32
        %dma_start3A_669 = tpu.memref_slice %arg8[%run_scoped3A_639, %dma_start3A_668] : memref<8x125xi32, #tpu.memory_space<vmem>> -> memref<1x125xi32, #tpu.memory_space<vmem>>
        %dma_start3A_670 = tpu.memref_squeeze %dma_start3A_669 : memref<1x125xi32, #tpu.memory_space<vmem>> -> memref<125xi32, #tpu.memory_space<vmem>>
        %dma_start3A_671 = arith.constant 0 : i32
        %dma_start3A_672 = arith.constant 0 : i32
        %dma_start3A_673 = tpu.memref_slice %arg11[%dma_start3A_671, %dma_start3A_672] : memref<10240x128xf32, #tpu.memory_space<vmem_shared>> -> memref<10240x128xf32, #tpu.memory_space<vmem_shared>>
        tpu.enqueue_indirect_dma source(%arg9 : memref<125x128xf32, #tpu.memory_space<vmem>>) target(%dma_start3A_673 : memref<10240x128xf32, #tpu.memory_space<vmem_shared>>) offsets(%dma_start3A_670 : memref<125xi32, #tpu.memory_space<vmem>>) semaphore(%run_scoped3A_667 : memref<!tpu.dma_semaphore, #tpu.memory_space<semaphore_mem>>) {add = true}
        %dma_wait3A_674 = arith.constant 0 : i32
        %dma_wait3A_675 = tpu.memref_slice %arg8[%run_scoped3A_639, %dma_wait3A_674] : memref<8x125xi32, #tpu.memory_space<vmem>> -> memref<1x125xi32, #tpu.memory_space<vmem>>
        %dma_wait3A_676 = tpu.memref_squeeze %dma_wait3A_675 : memref<1x125xi32, #tpu.memory_space<vmem>> -> memref<125xi32, #tpu.memory_space<vmem>>
        %dma_wait3A_677 = arith.constant 0 : i32
        %dma_wait3A_678 = arith.constant 0 : i32
        %dma_wait3A_679 = tpu.memref_slice %arg11[%dma_wait3A_677, %dma_wait3A_678] : memref<10240x128xf32, #tpu.memory_space<vmem_shared>> -> memref<10240x128xf32, #tpu.memory_space<vmem_shared>>
        tpu.wait_indirect_dma semaphore(%run_scoped3A_667 : memref<!tpu.dma_semaphore, #tpu.memory_space<semaphore_mem>>) src(%arg9 : memref<125x128xf32, #tpu.memory_space<vmem>>) dst(%dma_wait3A_679 : memref<10240x128xf32, #tpu.memory_space<vmem_shared>>)
        tpu.yield
      }) : () -> ()
      %add3A_640 = arith.constant 2 : i32
      %add3A_641 = arith.addi %add3A_632, %add3A_640 : i32
      %dma_start3A_642 = arith.constant 0 : i32
      %dma_start3A_643 = tpu.memref_slice %arg6[%add3A_641, %dma_start3A_642] : memref<80x125xi32, #tpu.memory_space<vmem>> -> memref<1x125xi32, #tpu.memory_space<vmem>>
      %dma_start3A_644 = tpu.memref_squeeze %dma_start3A_643 : memref<1x125xi32, #tpu.memory_space<vmem>> -> memref<125xi32, #tpu.memory_space<vmem>>
      %dma_start3A_645 = arith.constant 0 : i32
      %dma_start3A_646 = arith.constant 0 : i32
      %dma_start3A_647 = tpu.memref_slice %arg2[%dma_start3A_645, %dma_start3A_646] : memref<10000x128xf32, #tpu.memory_space<hbm>> -> memref<10000x128xf32, #tpu.memory_space<hbm>>
      tpu.enqueue_indirect_dma source(%dma_start3A_647 : memref<10000x128xf32, #tpu.memory_space<hbm>>) target(%arg9 : memref<125x128xf32, #tpu.memory_space<vmem>>) offsets(%dma_start3A_644 : memref<125xi32, #tpu.memory_space<vmem>>) semaphore(%arg14 : memref<!tpu.dma_semaphore, #tpu.memory_space<semaphore_mem>>)
      %mul3A_648 = arith.constant 8 : i32
      %mul3A_649 = arith.muli %add3A_505, %mul3A_648 : i32
      %add3A_650 = arith.constant 7 : i32
      %add3A_651 = arith.addi %mul3A_649, %add3A_650 : i32
      %dma_wait3A_652 = arith.constant 0 : i32
      %dma_wait3A_653 = tpu.memref_slice %arg6[%add3A_651, %dma_wait3A_652] : memref<80x125xi32, #tpu.memory_space<vmem>> -> memref<1x125xi32, #tpu.memory_space<vmem>>
      %dma_wait3A_654 = tpu.memref_squeeze %dma_wait3A_653 : memref<1x125xi32, #tpu.memory_space<vmem>> -> memref<125xi32, #tpu.memory_space<vmem>>
      %dma_wait3A_655 = arith.constant 0 : i32
      %dma_wait3A_656 = arith.constant 0 : i32
      %dma_wait3A_657 = tpu.memref_slice %arg2[%dma_wait3A_655, %dma_wait3A_656] : memref<10000x128xf32, #tpu.memory_space<hbm>> -> memref<10000x128xf32, #tpu.memory_space<hbm>>
      tpu.wait_indirect_dma semaphore(%arg15 : memref<!tpu.dma_semaphore, #tpu.memory_space<semaphore_mem>>) src(%dma_wait3A_657 : memref<10000x128xf32, #tpu.memory_space<hbm>>) dst(%arg10 : memref<125x128xf32, #tpu.memory_space<vmem>>)
      %run_scoped3A_658 = arith.constant 7 : i32
      "tpu.region"() ({
        %run_scoped3A_667 = tpu.sem_alloc : memref<!tpu.dma_semaphore, #tpu.memory_space<semaphore_mem>>
        %dma_start3A_668 = arith.constant 0 : i32
        %dma_start3A_669 = tpu.memref_slice %arg8[%run_scoped3A_658, %dma_start3A_668] : memref<8x125xi32, #tpu.memory_space<vmem>> -> memref<1x125xi32, #tpu.memory_space<vmem>>
        %dma_start3A_670 = tpu.memref_squeeze %dma_start3A_669 : memref<1x125xi32, #tpu.memory_space<vmem>> -> memref<125xi32, #tpu.memory_space<vmem>>
        %dma_start3A_671 = arith.constant 0 : i32
        %dma_start3A_672 = arith.constant 0 : i32
        %dma_start3A_673 = tpu.memref_slice %arg11[%dma_start3A_671, %dma_start3A_672] : memref<10240x128xf32, #tpu.memory_space<vmem_shared>> -> memref<10240x128xf32, #tpu.memory_space<vmem_shared>>
        tpu.enqueue_indirect_dma source(%arg10 : memref<125x128xf32, #tpu.memory_space<vmem>>) target(%dma_start3A_673 : memref<10240x128xf32, #tpu.memory_space<vmem_shared>>) offsets(%dma_start3A_670 : memref<125xi32, #tpu.memory_space<vmem>>) semaphore(%run_scoped3A_667 : memref<!tpu.dma_semaphore, #tpu.memory_space<semaphore_mem>>) {add = true}
        %dma_wait3A_674 = arith.constant 0 : i32
        %dma_wait3A_675 = tpu.memref_slice %arg8[%run_scoped3A_658, %dma_wait3A_674] : memref<8x125xi32, #tpu.memory_space<vmem>> -> memref<1x125xi32, #tpu.memory_space<vmem>>
        %dma_wait3A_676 = tpu.memref_squeeze %dma_wait3A_675 : memref<1x125xi32, #tpu.memory_space<vmem>> -> memref<125xi32, #tpu.memory_space<vmem>>
        %dma_wait3A_677 = arith.constant 0 : i32
        %dma_wait3A_678 = arith.constant 0 : i32
        %dma_wait3A_679 = tpu.memref_slice %arg11[%dma_wait3A_677, %dma_wait3A_678] : memref<10240x128xf32, #tpu.memory_space<vmem_shared>> -> memref<10240x128xf32, #tpu.memory_space<vmem_shared>>
        tpu.wait_indirect_dma semaphore(%run_scoped3A_667 : memref<!tpu.dma_semaphore, #tpu.memory_space<semaphore_mem>>) src(%arg10 : memref<125x128xf32, #tpu.memory_space<vmem>>) dst(%dma_wait3A_679 : memref<10240x128xf32, #tpu.memory_space<vmem_shared>>)
        tpu.yield
      }) : () -> ()
      %add3A_659 = arith.constant 2 : i32
      %add3A_660 = arith.addi %add3A_651, %add3A_659 : i32
      %dma_start3A_661 = arith.constant 0 : i32
      %dma_start3A_662 = tpu.memref_slice %arg6[%add3A_660, %dma_start3A_661] : memref<80x125xi32, #tpu.memory_space<vmem>> -> memref<1x125xi32, #tpu.memory_space<vmem>>
      %dma_start3A_663 = tpu.memref_squeeze %dma_start3A_662 : memref<1x125xi32, #tpu.memory_space<vmem>> -> memref<125xi32, #tpu.memory_space<vmem>>
      %dma_start3A_664 = arith.constant 0 : i32
      %dma_start3A_665 = arith.constant 0 : i32
      %dma_start3A_666 = tpu.memref_slice %arg2[%dma_start3A_664, %dma_start3A_665] : memref<10000x128xf32, #tpu.memory_space<hbm>> -> memref<10000x128xf32, #tpu.memory_space<hbm>>
      tpu.enqueue_indirect_dma source(%dma_start3A_666 : memref<10000x128xf32, #tpu.memory_space<hbm>>) target(%arg10 : memref<125x128xf32, #tpu.memory_space<vmem>>) offsets(%dma_start3A_663 : memref<125xi32, #tpu.memory_space<vmem>>) semaphore(%arg15 : memref<!tpu.dma_semaphore, #tpu.memory_space<semaphore_mem>>)
    }
    %scan3A_28 = arith.constant 4 : i32
    %dma_start3A_29 = arith.constant 1 : i32
    %dma_start3A_30 = arith.constant 72 : i32
    %dma_start3A_31 = arith.constant 0 : i32
    %dma_start3A_32 = tpu.memref_slice %arg3[%dma_start3A_29, %add3A, %dma_start3A_30, %dma_start3A_31] : memref<2x32x80x125xi32, #tpu.memory_space<hbm>> -> memref<1x1x8x125xi32, #tpu.memory_space<hbm>>
    %dma_start3A_33 = tpu.memref_squeeze %dma_start3A_32 : memref<1x1x8x125xi32, #tpu.memory_space<hbm>> -> memref<8x125xi32, #tpu.memory_space<hbm>>
    %dma_start3A_34 = arith.constant 72 : i32
    %dma_start3A_35 = arith.constant 0 : i32
    %dma_start3A_36 = tpu.memref_slice %arg3[%dma_start3A_29, %add3A, %dma_start3A_34, %dma_start3A_35] : memref<2x32x80x125xi32, #tpu.memory_space<hbm>> -> memref<1x1x8x125xi32, #tpu.memory_space<hbm>>
    %dma_start3A_37 = tpu.memref_squeeze %dma_start3A_36 : memref<1x1x8x125xi32, #tpu.memory_space<hbm>> -> memref<8x125xi32, #tpu.memory_space<hbm>>
    tpu.enqueue_dma source(%dma_start3A_37 : memref<8x125xi32, #tpu.memory_space<hbm>>) target(%arg8 : memref<8x125xi32, #tpu.memory_space<vmem>>) target_semaphore(%arg13 : memref<!tpu.dma_semaphore, #tpu.memory_space<semaphore_mem>>)
    %dma_wait3A = arith.constant 1 : i32
    %dma_wait3A_38 = arith.constant 0 : i32
    %dma_wait3A_39 = arith.constant 0 : i32
    %dma_wait3A_40 = tpu.memref_slice %arg3[%dma_wait3A, %add3A, %dma_wait3A_38, %dma_wait3A_39] : memref<2x32x80x125xi32, #tpu.memory_space<hbm>> -> memref<1x1x8x125xi32, #tpu.memory_space<hbm>>
    %dma_wait3A_41 = tpu.memref_squeeze %dma_wait3A_40 : memref<1x1x8x125xi32, #tpu.memory_space<hbm>> -> memref<8x125xi32, #tpu.memory_space<hbm>>
    %dma_wait3A_42 = arith.constant 0 : i32
    %dma_wait3A_43 = arith.constant 0 : i32
    %dma_wait3A_44 = tpu.memref_slice %arg3[%dma_wait3A, %add3A, %dma_wait3A_42, %dma_wait3A_43] : memref<2x32x80x125xi32, #tpu.memory_space<hbm>> -> memref<1x1x8x125xi32, #tpu.memory_space<hbm>>
    %dma_wait3A_45 = tpu.memref_squeeze %dma_wait3A_44 : memref<1x1x8x125xi32, #tpu.memory_space<hbm>> -> memref<8x125xi32, #tpu.memory_space<hbm>>
    tpu.wait_dma2 semaphore(%arg12 : memref<!tpu.dma_semaphore, #tpu.memory_space<semaphore_mem>>) src(%dma_wait3A_45 : memref<8x125xi32, #tpu.memory_space<hbm>>) dst(%arg7 : memref<8x125xi32, #tpu.memory_space<vmem>>)
    %dma_wait3A_46 = arith.constant 64 : i32
    %dma_wait3A_47 = arith.constant 0 : i32
    %dma_wait3A_48 = tpu.memref_slice %arg6[%dma_wait3A_46, %dma_wait3A_47] : memref<80x125xi32, #tpu.memory_space<vmem>> -> memref<1x125xi32, #tpu.memory_space<vmem>>
    %dma_wait3A_49 = tpu.memref_squeeze %dma_wait3A_48 : memref<1x125xi32, #tpu.memory_space<vmem>> -> memref<125xi32, #tpu.memory_space<vmem>>
    %dma_wait3A_50 = arith.constant 0 : i32
    %dma_wait3A_51 = arith.constant 0 : i32
    %dma_wait3A_52 = tpu.memref_slice %arg2[%dma_wait3A_50, %dma_wait3A_51] : memref<10000x128xf32, #tpu.memory_space<hbm>> -> memref<10000x128xf32, #tpu.memory_space<hbm>>
    tpu.wait_indirect_dma semaphore(%arg14 : memref<!tpu.dma_semaphore, #tpu.memory_space<semaphore_mem>>) src(%dma_wait3A_52 : memref<10000x128xf32, #tpu.memory_space<hbm>>) dst(%arg9 : memref<125x128xf32, #tpu.memory_space<vmem>>)
    %run_scoped3A_53 = arith.constant 0 : i32
    "tpu.region"() ({
      %run_scoped3A_312 = tpu.sem_alloc : memref<!tpu.dma_semaphore, #tpu.memory_space<semaphore_mem>>
      %dma_start3A_313 = arith.constant 0 : i32
      %dma_start3A_314 = tpu.memref_slice %arg7[%run_scoped3A_53, %dma_start3A_313] : memref<8x125xi32, #tpu.memory_space<vmem>> -> memref<1x125xi32, #tpu.memory_space<vmem>>
      %dma_start3A_315 = tpu.memref_squeeze %dma_start3A_314 : memref<1x125xi32, #tpu.memory_space<vmem>> -> memref<125xi32, #tpu.memory_space<vmem>>
      %dma_start3A_316 = arith.constant 0 : i32
      %dma_start3A_317 = arith.constant 0 : i32
      %dma_start3A_318 = tpu.memref_slice %arg11[%dma_start3A_316, %dma_start3A_317] : memref<10240x128xf32, #tpu.memory_space<vmem_shared>> -> memref<10240x128xf32, #tpu.memory_space<vmem_shared>>
      tpu.enqueue_indirect_dma source(%arg9 : memref<125x128xf32, #tpu.memory_space<vmem>>) target(%dma_start3A_318 : memref<10240x128xf32, #tpu.memory_space<vmem_shared>>) offsets(%dma_start3A_315 : memref<125xi32, #tpu.memory_space<vmem>>) semaphore(%run_scoped3A_312 : memref<!tpu.dma_semaphore, #tpu.memory_space<semaphore_mem>>) {add = true}
      %dma_wait3A_319 = arith.constant 0 : i32
      %dma_wait3A_320 = tpu.memref_slice %arg7[%run_scoped3A_53, %dma_wait3A_319] : memref<8x125xi32, #tpu.memory_space<vmem>> -> memref<1x125xi32, #tpu.memory_space<vmem>>
      %dma_wait3A_321 = tpu.memref_squeeze %dma_wait3A_320 : memref<1x125xi32, #tpu.memory_space<vmem>> -> memref<125xi32, #tpu.memory_space<vmem>>
      %dma_wait3A_322 = arith.constant 0 : i32
      %dma_wait3A_323 = arith.constant 0 : i32
      %dma_wait3A_324 = tpu.memref_slice %arg11[%dma_wait3A_322, %dma_wait3A_323] : memref<10240x128xf32, #tpu.memory_space<vmem_shared>> -> memref<10240x128xf32, #tpu.memory_space<vmem_shared>>
      tpu.wait_indirect_dma semaphore(%run_scoped3A_312 : memref<!tpu.dma_semaphore, #tpu.memory_space<semaphore_mem>>) src(%arg9 : memref<125x128xf32, #tpu.memory_space<vmem>>) dst(%dma_wait3A_324 : memref<10240x128xf32, #tpu.memory_space<vmem_shared>>)
      tpu.yield
    }) : () -> ()
    %dma_start3A_54 = arith.constant 66 : i32
    %dma_start3A_55 = arith.constant 0 : i32
    %dma_start3A_56 = tpu.memref_slice %arg6[%dma_start3A_54, %dma_start3A_55] : memref<80x125xi32, #tpu.memory_space<vmem>> -> memref<1x125xi32, #tpu.memory_space<vmem>>
    %dma_start3A_57 = tpu.memref_squeeze %dma_start3A_56 : memref<1x125xi32, #tpu.memory_space<vmem>> -> memref<125xi32, #tpu.memory_space<vmem>>
    %dma_start3A_58 = arith.constant 0 : i32
    %dma_start3A_59 = arith.constant 0 : i32
    %dma_start3A_60 = tpu.memref_slice %arg2[%dma_start3A_58, %dma_start3A_59] : memref<10000x128xf32, #tpu.memory_space<hbm>> -> memref<10000x128xf32, #tpu.memory_space<hbm>>
    tpu.enqueue_indirect_dma source(%dma_start3A_60 : memref<10000x128xf32, #tpu.memory_space<hbm>>) target(%arg9 : memref<125x128xf32, #tpu.memory_space<vmem>>) offsets(%dma_start3A_57 : memref<125xi32, #tpu.memory_space<vmem>>) semaphore(%arg14 : memref<!tpu.dma_semaphore, #tpu.memory_space<semaphore_mem>>)
    %dma_wait3A_61 = arith.constant 65 : i32
    %dma_wait3A_62 = arith.constant 0 : i32
    %dma_wait3A_63 = tpu.memref_slice %arg6[%dma_wait3A_61, %dma_wait3A_62] : memref<80x125xi32, #tpu.memory_space<vmem>> -> memref<1x125xi32, #tpu.memory_space<vmem>>
    %dma_wait3A_64 = tpu.memref_squeeze %dma_wait3A_63 : memref<1x125xi32, #tpu.memory_space<vmem>> -> memref<125xi32, #tpu.memory_space<vmem>>
    %dma_wait3A_65 = arith.constant 0 : i32
    %dma_wait3A_66 = arith.constant 0 : i32
    %dma_wait3A_67 = tpu.memref_slice %arg2[%dma_wait3A_65, %dma_wait3A_66] : memref<10000x128xf32, #tpu.memory_space<hbm>> -> memref<10000x128xf32, #tpu.memory_space<hbm>>
    tpu.wait_indirect_dma semaphore(%arg15 : memref<!tpu.dma_semaphore, #tpu.memory_space<semaphore_mem>>) src(%dma_wait3A_67 : memref<10000x128xf32, #tpu.memory_space<hbm>>) dst(%arg10 : memref<125x128xf32, #tpu.memory_space<vmem>>)
    %run_scoped3A_68 = arith.constant 1 : i32
    "tpu.region"() ({
      %run_scoped3A_312 = tpu.sem_alloc : memref<!tpu.dma_semaphore, #tpu.memory_space<semaphore_mem>>
      %dma_start3A_313 = arith.constant 0 : i32
      %dma_start3A_314 = tpu.memref_slice %arg7[%run_scoped3A_68, %dma_start3A_313] : memref<8x125xi32, #tpu.memory_space<vmem>> -> memref<1x125xi32, #tpu.memory_space<vmem>>
      %dma_start3A_315 = tpu.memref_squeeze %dma_start3A_314 : memref<1x125xi32, #tpu.memory_space<vmem>> -> memref<125xi32, #tpu.memory_space<vmem>>
      %dma_start3A_316 = arith.constant 0 : i32
      %dma_start3A_317 = arith.constant 0 : i32
      %dma_start3A_318 = tpu.memref_slice %arg11[%dma_start3A_316, %dma_start3A_317] : memref<10240x128xf32, #tpu.memory_space<vmem_shared>> -> memref<10240x128xf32, #tpu.memory_space<vmem_shared>>
      tpu.enqueue_indirect_dma source(%arg10 : memref<125x128xf32, #tpu.memory_space<vmem>>) target(%dma_start3A_318 : memref<10240x128xf32, #tpu.memory_space<vmem_shared>>) offsets(%dma_start3A_315 : memref<125xi32, #tpu.memory_space<vmem>>) semaphore(%run_scoped3A_312 : memref<!tpu.dma_semaphore, #tpu.memory_space<semaphore_mem>>) {add = true}
      %dma_wait3A_319 = arith.constant 0 : i32
      %dma_wait3A_320 = tpu.memref_slice %arg7[%run_scoped3A_68, %dma_wait3A_319] : memref<8x125xi32, #tpu.memory_space<vmem>> -> memref<1x125xi32, #tpu.memory_space<vmem>>
      %dma_wait3A_321 = tpu.memref_squeeze %dma_wait3A_320 : memref<1x125xi32, #tpu.memory_space<vmem>> -> memref<125xi32, #tpu.memory_space<vmem>>
      %dma_wait3A_322 = arith.constant 0 : i32
      %dma_wait3A_323 = arith.constant 0 : i32
      %dma_wait3A_324 = tpu.memref_slice %arg11[%dma_wait3A_322, %dma_wait3A_323] : memref<10240x128xf32, #tpu.memory_space<vmem_shared>> -> memref<10240x128xf32, #tpu.memory_space<vmem_shared>>
      tpu.wait_indirect_dma semaphore(%run_scoped3A_312 : memref<!tpu.dma_semaphore, #tpu.memory_space<semaphore_mem>>) src(%arg10 : memref<125x128xf32, #tpu.memory_space<vmem>>) dst(%dma_wait3A_324 : memref<10240x128xf32, #tpu.memory_space<vmem_shared>>)
      tpu.yield
    }) : () -> ()
    %dma_start3A_69 = arith.constant 67 : i32
    %dma_start3A_70 = arith.constant 0 : i32
    %dma_start3A_71 = tpu.memref_slice %arg6[%dma_start3A_69, %dma_start3A_70] : memref<80x125xi32, #tpu.memory_space<vmem>> -> memref<1x125xi32, #tpu.memory_space<vmem>>
    %dma_start3A_72 = tpu.memref_squeeze %dma_start3A_71 : memref<1x125xi32, #tpu.memory_space<vmem>> -> memref<125xi32, #tpu.memory_space<vmem>>
    %dma_start3A_73 = arith.constant 0 : i32
    %dma_start3A_74 = arith.constant 0 : i32
    %dma_start3A_75 = tpu.memref_slice %arg2[%dma_start3A_73, %dma_start3A_74] : memref<10000x128xf32, #tpu.memory_space<hbm>> -> memref<10000x128xf32, #tpu.memory_space<hbm>>
    tpu.enqueue_indirect_dma source(%dma_start3A_75 : memref<10000x128xf32, #tpu.memory_space<hbm>>) target(%arg10 : memref<125x128xf32, #tpu.memory_space<vmem>>) offsets(%dma_start3A_72 : memref<125xi32, #tpu.memory_space<vmem>>) semaphore(%arg15 : memref<!tpu.dma_semaphore, #tpu.memory_space<semaphore_mem>>)
    %dma_wait3A_76 = arith.constant 66 : i32
    %dma_wait3A_77 = arith.constant 0 : i32
    %dma_wait3A_78 = tpu.memref_slice %arg6[%dma_wait3A_76, %dma_wait3A_77] : memref<80x125xi32, #tpu.memory_space<vmem>> -> memref<1x125xi32, #tpu.memory_space<vmem>>
    %dma_wait3A_79 = tpu.memref_squeeze %dma_wait3A_78 : memref<1x125xi32, #tpu.memory_space<vmem>> -> memref<125xi32, #tpu.memory_space<vmem>>
    %dma_wait3A_80 = arith.constant 0 : i32
    %dma_wait3A_81 = arith.constant 0 : i32
    %dma_wait3A_82 = tpu.memref_slice %arg2[%dma_wait3A_80, %dma_wait3A_81] : memref<10000x128xf32, #tpu.memory_space<hbm>> -> memref<10000x128xf32, #tpu.memory_space<hbm>>
    tpu.wait_indirect_dma semaphore(%arg14 : memref<!tpu.dma_semaphore, #tpu.memory_space<semaphore_mem>>) src(%dma_wait3A_82 : memref<10000x128xf32, #tpu.memory_space<hbm>>) dst(%arg9 : memref<125x128xf32, #tpu.memory_space<vmem>>)
    %run_scoped3A_83 = arith.constant 2 : i32
    "tpu.region"() ({
      %run_scoped3A_312 = tpu.sem_alloc : memref<!tpu.dma_semaphore, #tpu.memory_space<semaphore_mem>>
      %dma_start3A_313 = arith.constant 0 : i32
      %dma_start3A_314 = tpu.memref_slice %arg7[%run_scoped3A_83, %dma_start3A_313] : memref<8x125xi32, #tpu.memory_space<vmem>> -> memref<1x125xi32, #tpu.memory_space<vmem>>
      %dma_start3A_315 = tpu.memref_squeeze %dma_start3A_314 : memref<1x125xi32, #tpu.memory_space<vmem>> -> memref<125xi32, #tpu.memory_space<vmem>>
      %dma_start3A_316 = arith.constant 0 : i32
      %dma_start3A_317 = arith.constant 0 : i32
      %dma_start3A_318 = tpu.memref_slice %arg11[%dma_start3A_316, %dma_start3A_317] : memref<10240x128xf32, #tpu.memory_space<vmem_shared>> -> memref<10240x128xf32, #tpu.memory_space<vmem_shared>>
      tpu.enqueue_indirect_dma source(%arg9 : memref<125x128xf32, #tpu.memory_space<vmem>>) target(%dma_start3A_318 : memref<10240x128xf32, #tpu.memory_space<vmem_shared>>) offsets(%dma_start3A_315 : memref<125xi32, #tpu.memory_space<vmem>>) semaphore(%run_scoped3A_312 : memref<!tpu.dma_semaphore, #tpu.memory_space<semaphore_mem>>) {add = true}
      %dma_wait3A_319 = arith.constant 0 : i32
      %dma_wait3A_320 = tpu.memref_slice %arg7[%run_scoped3A_83, %dma_wait3A_319] : memref<8x125xi32, #tpu.memory_space<vmem>> -> memref<1x125xi32, #tpu.memory_space<vmem>>
      %dma_wait3A_321 = tpu.memref_squeeze %dma_wait3A_320 : memref<1x125xi32, #tpu.memory_space<vmem>> -> memref<125xi32, #tpu.memory_space<vmem>>
      %dma_wait3A_322 = arith.constant 0 : i32
      %dma_wait3A_323 = arith.constant 0 : i32
      %dma_wait3A_324 = tpu.memref_slice %arg11[%dma_wait3A_322, %dma_wait3A_323] : memref<10240x128xf32, #tpu.memory_space<vmem_shared>> -> memref<10240x128xf32, #tpu.memory_space<vmem_shared>>
      tpu.wait_indirect_dma semaphore(%run_scoped3A_312 : memref<!tpu.dma_semaphore, #tpu.memory_space<semaphore_mem>>) src(%arg9 : memref<125x128xf32, #tpu.memory_space<vmem>>) dst(%dma_wait3A_324 : memref<10240x128xf32, #tpu.memory_space<vmem_shared>>)
      tpu.yield
    }) : () -> ()
    %dma_start3A_84 = arith.constant 68 : i32
    %dma_start3A_85 = arith.constant 0 : i32
    %dma_start3A_86 = tpu.memref_slice %arg6[%dma_start3A_84, %dma_start3A_85] : memref<80x125xi32, #tpu.memory_space<vmem>> -> memref<1x125xi32, #tpu.memory_space<vmem>>
    %dma_start3A_87 = tpu.memref_squeeze %dma_start3A_86 : memref<1x125xi32, #tpu.memory_space<vmem>> -> memref<125xi32, #tpu.memory_space<vmem>>
    %dma_start3A_88 = arith.constant 0 : i32
    %dma_start3A_89 = arith.constant 0 : i32
    %dma_start3A_90 = tpu.memref_slice %arg2[%dma_start3A_88, %dma_start3A_89] : memref<10000x128xf32, #tpu.memory_space<hbm>> -> memref<10000x128xf32, #tpu.memory_space<hbm>>
    tpu.enqueue_indirect_dma source(%dma_start3A_90 : memref<10000x128xf32, #tpu.memory_space<hbm>>) target(%arg9 : memref<125x128xf32, #tpu.memory_space<vmem>>) offsets(%dma_start3A_87 : memref<125xi32, #tpu.memory_space<vmem>>) semaphore(%arg14 : memref<!tpu.dma_semaphore, #tpu.memory_space<semaphore_mem>>)
    %dma_wait3A_91 = arith.constant 67 : i32
    %dma_wait3A_92 = arith.constant 0 : i32
    %dma_wait3A_93 = tpu.memref_slice %arg6[%dma_wait3A_91, %dma_wait3A_92] : memref<80x125xi32, #tpu.memory_space<vmem>> -> memref<1x125xi32, #tpu.memory_space<vmem>>
    %dma_wait3A_94 = tpu.memref_squeeze %dma_wait3A_93 : memref<1x125xi32, #tpu.memory_space<vmem>> -> memref<125xi32, #tpu.memory_space<vmem>>
    %dma_wait3A_95 = arith.constant 0 : i32
    %dma_wait3A_96 = arith.constant 0 : i32
    %dma_wait3A_97 = tpu.memref_slice %arg2[%dma_wait3A_95, %dma_wait3A_96] : memref<10000x128xf32, #tpu.memory_space<hbm>> -> memref<10000x128xf32, #tpu.memory_space<hbm>>
    tpu.wait_indirect_dma semaphore(%arg15 : memref<!tpu.dma_semaphore, #tpu.memory_space<semaphore_mem>>) src(%dma_wait3A_97 : memref<10000x128xf32, #tpu.memory_space<hbm>>) dst(%arg10 : memref<125x128xf32, #tpu.memory_space<vmem>>)
    %run_scoped3A_98 = arith.constant 3 : i32
    "tpu.region"() ({
      %run_scoped3A_312 = tpu.sem_alloc : memref<!tpu.dma_semaphore, #tpu.memory_space<semaphore_mem>>
      %dma_start3A_313 = arith.constant 0 : i32
      %dma_start3A_314 = tpu.memref_slice %arg7[%run_scoped3A_98, %dma_start3A_313] : memref<8x125xi32, #tpu.memory_space<vmem>> -> memref<1x125xi32, #tpu.memory_space<vmem>>
      %dma_start3A_315 = tpu.memref_squeeze %dma_start3A_314 : memref<1x125xi32, #tpu.memory_space<vmem>> -> memref<125xi32, #tpu.memory_space<vmem>>
      %dma_start3A_316 = arith.constant 0 : i32
      %dma_start3A_317 = arith.constant 0 : i32
      %dma_start3A_318 = tpu.memref_slice %arg11[%dma_start3A_316, %dma_start3A_317] : memref<10240x128xf32, #tpu.memory_space<vmem_shared>> -> memref<10240x128xf32, #tpu.memory_space<vmem_shared>>
      tpu.enqueue_indirect_dma source(%arg10 : memref<125x128xf32, #tpu.memory_space<vmem>>) target(%dma_start3A_318 : memref<10240x128xf32, #tpu.memory_space<vmem_shared>>) offsets(%dma_start3A_315 : memref<125xi32, #tpu.memory_space<vmem>>) semaphore(%run_scoped3A_312 : memref<!tpu.dma_semaphore, #tpu.memory_space<semaphore_mem>>) {add = true}
      %dma_wait3A_319 = arith.constant 0 : i32
      %dma_wait3A_320 = tpu.memref_slice %arg7[%run_scoped3A_98, %dma_wait3A_319] : memref<8x125xi32, #tpu.memory_space<vmem>> -> memref<1x125xi32, #tpu.memory_space<vmem>>
      %dma_wait3A_321 = tpu.memref_squeeze %dma_wait3A_320 : memref<1x125xi32, #tpu.memory_space<vmem>> -> memref<125xi32, #tpu.memory_space<vmem>>
      %dma_wait3A_322 = arith.constant 0 : i32
      %dma_wait3A_323 = arith.constant 0 : i32
      %dma_wait3A_324 = tpu.memref_slice %arg11[%dma_wait3A_322, %dma_wait3A_323] : memref<10240x128xf32, #tpu.memory_space<vmem_shared>> -> memref<10240x128xf32, #tpu.memory_space<vmem_shared>>
      tpu.wait_indirect_dma semaphore(%run_scoped3A_312 : memref<!tpu.dma_semaphore, #tpu.memory_space<semaphore_mem>>) src(%arg10 : memref<125x128xf32, #tpu.memory_space<vmem>>) dst(%dma_wait3A_324 : memref<10240x128xf32, #tpu.memory_space<vmem_shared>>)
      tpu.yield
    }) : () -> ()
    %dma_start3A_99 = arith.constant 69 : i32
    %dma_start3A_100 = arith.constant 0 : i32
    %dma_start3A_101 = tpu.memref_slice %arg6[%dma_start3A_99, %dma_start3A_100] : memref<80x125xi32, #tpu.memory_space<vmem>> -> memref<1x125xi32, #tpu.memory_space<vmem>>
    %dma_start3A_102 = tpu.memref_squeeze %dma_start3A_101 : memref<1x125xi32, #tpu.memory_space<vmem>> -> memref<125xi32, #tpu.memory_space<vmem>>
    %dma_start3A_103 = arith.constant 0 : i32
    %dma_start3A_104 = arith.constant 0 : i32
    %dma_start3A_105 = tpu.memref_slice %arg2[%dma_start3A_103, %dma_start3A_104] : memref<10000x128xf32, #tpu.memory_space<hbm>> -> memref<10000x128xf32, #tpu.memory_space<hbm>>
    tpu.enqueue_indirect_dma source(%dma_start3A_105 : memref<10000x128xf32, #tpu.memory_space<hbm>>) target(%arg10 : memref<125x128xf32, #tpu.memory_space<vmem>>) offsets(%dma_start3A_102 : memref<125xi32, #tpu.memory_space<vmem>>) semaphore(%arg15 : memref<!tpu.dma_semaphore, #tpu.memory_space<semaphore_mem>>)
    %dma_wait3A_106 = arith.constant 68 : i32
    %dma_wait3A_107 = arith.constant 0 : i32
    %dma_wait3A_108 = tpu.memref_slice %arg6[%dma_wait3A_106, %dma_wait3A_107] : memref<80x125xi32, #tpu.memory_space<vmem>> -> memref<1x125xi32, #tpu.memory_space<vmem>>
    %dma_wait3A_109 = tpu.memref_squeeze %dma_wait3A_108 : memref<1x125xi32, #tpu.memory_space<vmem>> -> memref<125xi32, #tpu.memory_space<vmem>>
    %dma_wait3A_110 = arith.constant 0 : i32
    %dma_wait3A_111 = arith.constant 0 : i32
    %dma_wait3A_112 = tpu.memref_slice %arg2[%dma_wait3A_110, %dma_wait3A_111] : memref<10000x128xf32, #tpu.memory_space<hbm>> -> memref<10000x128xf32, #tpu.memory_space<hbm>>
    tpu.wait_indirect_dma semaphore(%arg14 : memref<!tpu.dma_semaphore, #tpu.memory_space<semaphore_mem>>) src(%dma_wait3A_112 : memref<10000x128xf32, #tpu.memory_space<hbm>>) dst(%arg9 : memref<125x128xf32, #tpu.memory_space<vmem>>)
    %run_scoped3A_113 = arith.constant 4 : i32
    "tpu.region"() ({
      %run_scoped3A_312 = tpu.sem_alloc : memref<!tpu.dma_semaphore, #tpu.memory_space<semaphore_mem>>
      %dma_start3A_313 = arith.constant 0 : i32
      %dma_start3A_314 = tpu.memref_slice %arg7[%run_scoped3A_113, %dma_start3A_313] : memref<8x125xi32, #tpu.memory_space<vmem>> -> memref<1x125xi32, #tpu.memory_space<vmem>>
      %dma_start3A_315 = tpu.memref_squeeze %dma_start3A_314 : memref<1x125xi32, #tpu.memory_space<vmem>> -> memref<125xi32, #tpu.memory_space<vmem>>
      %dma_start3A_316 = arith.constant 0 : i32
      %dma_start3A_317 = arith.constant 0 : i32
      %dma_start3A_318 = tpu.memref_slice %arg11[%dma_start3A_316, %dma_start3A_317] : memref<10240x128xf32, #tpu.memory_space<vmem_shared>> -> memref<10240x128xf32, #tpu.memory_space<vmem_shared>>
      tpu.enqueue_indirect_dma source(%arg9 : memref<125x128xf32, #tpu.memory_space<vmem>>) target(%dma_start3A_318 : memref<10240x128xf32, #tpu.memory_space<vmem_shared>>) offsets(%dma_start3A_315 : memref<125xi32, #tpu.memory_space<vmem>>) semaphore(%run_scoped3A_312 : memref<!tpu.dma_semaphore, #tpu.memory_space<semaphore_mem>>) {add = true}
      %dma_wait3A_319 = arith.constant 0 : i32
      %dma_wait3A_320 = tpu.memref_slice %arg7[%run_scoped3A_113, %dma_wait3A_319] : memref<8x125xi32, #tpu.memory_space<vmem>> -> memref<1x125xi32, #tpu.memory_space<vmem>>
      %dma_wait3A_321 = tpu.memref_squeeze %dma_wait3A_320 : memref<1x125xi32, #tpu.memory_space<vmem>> -> memref<125xi32, #tpu.memory_space<vmem>>
      %dma_wait3A_322 = arith.constant 0 : i32
      %dma_wait3A_323 = arith.constant 0 : i32
      %dma_wait3A_324 = tpu.memref_slice %arg11[%dma_wait3A_322, %dma_wait3A_323] : memref<10240x128xf32, #tpu.memory_space<vmem_shared>> -> memref<10240x128xf32, #tpu.memory_space<vmem_shared>>
      tpu.wait_indirect_dma semaphore(%run_scoped3A_312 : memref<!tpu.dma_semaphore, #tpu.memory_space<semaphore_mem>>) src(%arg9 : memref<125x128xf32, #tpu.memory_space<vmem>>) dst(%dma_wait3A_324 : memref<10240x128xf32, #tpu.memory_space<vmem_shared>>)
      tpu.yield
    }) : () -> ()
    %dma_start3A_114 = arith.constant 70 : i32
    %dma_start3A_115 = arith.constant 0 : i32
    %dma_start3A_116 = tpu.memref_slice %arg6[%dma_start3A_114, %dma_start3A_115] : memref<80x125xi32, #tpu.memory_space<vmem>> -> memref<1x125xi32, #tpu.memory_space<vmem>>
    %dma_start3A_117 = tpu.memref_squeeze %dma_start3A_116 : memref<1x125xi32, #tpu.memory_space<vmem>> -> memref<125xi32, #tpu.memory_space<vmem>>
    %dma_start3A_118 = arith.constant 0 : i32
    %dma_start3A_119 = arith.constant 0 : i32
    %dma_start3A_120 = tpu.memref_slice %arg2[%dma_start3A_118, %dma_start3A_119] : memref<10000x128xf32, #tpu.memory_space<hbm>> -> memref<10000x128xf32, #tpu.memory_space<hbm>>
    tpu.enqueue_indirect_dma source(%dma_start3A_120 : memref<10000x128xf32, #tpu.memory_space<hbm>>) target(%arg9 : memref<125x128xf32, #tpu.memory_space<vmem>>) offsets(%dma_start3A_117 : memref<125xi32, #tpu.memory_space<vmem>>) semaphore(%arg14 : memref<!tpu.dma_semaphore, #tpu.memory_space<semaphore_mem>>)
    %dma_wait3A_121 = arith.constant 69 : i32
    %dma_wait3A_122 = arith.constant 0 : i32
    %dma_wait3A_123 = tpu.memref_slice %arg6[%dma_wait3A_121, %dma_wait3A_122] : memref<80x125xi32, #tpu.memory_space<vmem>> -> memref<1x125xi32, #tpu.memory_space<vmem>>
    %dma_wait3A_124 = tpu.memref_squeeze %dma_wait3A_123 : memref<1x125xi32, #tpu.memory_space<vmem>> -> memref<125xi32, #tpu.memory_space<vmem>>
    %dma_wait3A_125 = arith.constant 0 : i32
    %dma_wait3A_126 = arith.constant 0 : i32
    %dma_wait3A_127 = tpu.memref_slice %arg2[%dma_wait3A_125, %dma_wait3A_126] : memref<10000x128xf32, #tpu.memory_space<hbm>> -> memref<10000x128xf32, #tpu.memory_space<hbm>>
    tpu.wait_indirect_dma semaphore(%arg15 : memref<!tpu.dma_semaphore, #tpu.memory_space<semaphore_mem>>) src(%dma_wait3A_127 : memref<10000x128xf32, #tpu.memory_space<hbm>>) dst(%arg10 : memref<125x128xf32, #tpu.memory_space<vmem>>)
    %run_scoped3A_128 = arith.constant 5 : i32
    "tpu.region"() ({
      %run_scoped3A_312 = tpu.sem_alloc : memref<!tpu.dma_semaphore, #tpu.memory_space<semaphore_mem>>
      %dma_start3A_313 = arith.constant 0 : i32
      %dma_start3A_314 = tpu.memref_slice %arg7[%run_scoped3A_128, %dma_start3A_313] : memref<8x125xi32, #tpu.memory_space<vmem>> -> memref<1x125xi32, #tpu.memory_space<vmem>>
      %dma_start3A_315 = tpu.memref_squeeze %dma_start3A_314 : memref<1x125xi32, #tpu.memory_space<vmem>> -> memref<125xi32, #tpu.memory_space<vmem>>
      %dma_start3A_316 = arith.constant 0 : i32
      %dma_start3A_317 = arith.constant 0 : i32
      %dma_start3A_318 = tpu.memref_slice %arg11[%dma_start3A_316, %dma_start3A_317] : memref<10240x128xf32, #tpu.memory_space<vmem_shared>> -> memref<10240x128xf32, #tpu.memory_space<vmem_shared>>
      tpu.enqueue_indirect_dma source(%arg10 : memref<125x128xf32, #tpu.memory_space<vmem>>) target(%dma_start3A_318 : memref<10240x128xf32, #tpu.memory_space<vmem_shared>>) offsets(%dma_start3A_315 : memref<125xi32, #tpu.memory_space<vmem>>) semaphore(%run_scoped3A_312 : memref<!tpu.dma_semaphore, #tpu.memory_space<semaphore_mem>>) {add = true}
      %dma_wait3A_319 = arith.constant 0 : i32
      %dma_wait3A_320 = tpu.memref_slice %arg7[%run_scoped3A_128, %dma_wait3A_319] : memref<8x125xi32, #tpu.memory_space<vmem>> -> memref<1x125xi32, #tpu.memory_space<vmem>>
      %dma_wait3A_321 = tpu.memref_squeeze %dma_wait3A_320 : memref<1x125xi32, #tpu.memory_space<vmem>> -> memref<125xi32, #tpu.memory_space<vmem>>
      %dma_wait3A_322 = arith.constant 0 : i32
      %dma_wait3A_323 = arith.constant 0 : i32
      %dma_wait3A_324 = tpu.memref_slice %arg11[%dma_wait3A_322, %dma_wait3A_323] : memref<10240x128xf32, #tpu.memory_space<vmem_shared>> -> memref<10240x128xf32, #tpu.memory_space<vmem_shared>>
      tpu.wait_indirect_dma semaphore(%run_scoped3A_312 : memref<!tpu.dma_semaphore, #tpu.memory_space<semaphore_mem>>) src(%arg10 : memref<125x128xf32, #tpu.memory_space<vmem>>) dst(%dma_wait3A_324 : memref<10240x128xf32, #tpu.memory_space<vmem_shared>>)
      tpu.yield
    }) : () -> ()
    %dma_start3A_129 = arith.constant 71 : i32
    %dma_start3A_130 = arith.constant 0 : i32
    %dma_start3A_131 = tpu.memref_slice %arg6[%dma_start3A_129, %dma_start3A_130] : memref<80x125xi32, #tpu.memory_space<vmem>> -> memref<1x125xi32, #tpu.memory_space<vmem>>
    %dma_start3A_132 = tpu.memref_squeeze %dma_start3A_131 : memref<1x125xi32, #tpu.memory_space<vmem>> -> memref<125xi32, #tpu.memory_space<vmem>>
    %dma_start3A_133 = arith.constant 0 : i32
    %dma_start3A_134 = arith.constant 0 : i32
    %dma_start3A_135 = tpu.memref_slice %arg2[%dma_start3A_133, %dma_start3A_134] : memref<10000x128xf32, #tpu.memory_space<hbm>> -> memref<10000x128xf32, #tpu.memory_space<hbm>>
    tpu.enqueue_indirect_dma source(%dma_start3A_135 : memref<10000x128xf32, #tpu.memory_space<hbm>>) target(%arg10 : memref<125x128xf32, #tpu.memory_space<vmem>>) offsets(%dma_start3A_132 : memref<125xi32, #tpu.memory_space<vmem>>) semaphore(%arg15 : memref<!tpu.dma_semaphore, #tpu.memory_space<semaphore_mem>>)
    %dma_wait3A_136 = arith.constant 70 : i32
    %dma_wait3A_137 = arith.constant 0 : i32
    %dma_wait3A_138 = tpu.memref_slice %arg6[%dma_wait3A_136, %dma_wait3A_137] : memref<80x125xi32, #tpu.memory_space<vmem>> -> memref<1x125xi32, #tpu.memory_space<vmem>>
    %dma_wait3A_139 = tpu.memref_squeeze %dma_wait3A_138 : memref<1x125xi32, #tpu.memory_space<vmem>> -> memref<125xi32, #tpu.memory_space<vmem>>
    %dma_wait3A_140 = arith.constant 0 : i32
    %dma_wait3A_141 = arith.constant 0 : i32
    %dma_wait3A_142 = tpu.memref_slice %arg2[%dma_wait3A_140, %dma_wait3A_141] : memref<10000x128xf32, #tpu.memory_space<hbm>> -> memref<10000x128xf32, #tpu.memory_space<hbm>>
    tpu.wait_indirect_dma semaphore(%arg14 : memref<!tpu.dma_semaphore, #tpu.memory_space<semaphore_mem>>) src(%dma_wait3A_142 : memref<10000x128xf32, #tpu.memory_space<hbm>>) dst(%arg9 : memref<125x128xf32, #tpu.memory_space<vmem>>)
    %run_scoped3A_143 = arith.constant 6 : i32
    "tpu.region"() ({
      %run_scoped3A_312 = tpu.sem_alloc : memref<!tpu.dma_semaphore, #tpu.memory_space<semaphore_mem>>
      %dma_start3A_313 = arith.constant 0 : i32
      %dma_start3A_314 = tpu.memref_slice %arg7[%run_scoped3A_143, %dma_start3A_313] : memref<8x125xi32, #tpu.memory_space<vmem>> -> memref<1x125xi32, #tpu.memory_space<vmem>>
      %dma_start3A_315 = tpu.memref_squeeze %dma_start3A_314 : memref<1x125xi32, #tpu.memory_space<vmem>> -> memref<125xi32, #tpu.memory_space<vmem>>
      %dma_start3A_316 = arith.constant 0 : i32
      %dma_start3A_317 = arith.constant 0 : i32
      %dma_start3A_318 = tpu.memref_slice %arg11[%dma_start3A_316, %dma_start3A_317] : memref<10240x128xf32, #tpu.memory_space<vmem_shared>> -> memref<10240x128xf32, #tpu.memory_space<vmem_shared>>
      tpu.enqueue_indirect_dma source(%arg9 : memref<125x128xf32, #tpu.memory_space<vmem>>) target(%dma_start3A_318 : memref<10240x128xf32, #tpu.memory_space<vmem_shared>>) offsets(%dma_start3A_315 : memref<125xi32, #tpu.memory_space<vmem>>) semaphore(%run_scoped3A_312 : memref<!tpu.dma_semaphore, #tpu.memory_space<semaphore_mem>>) {add = true}
      %dma_wait3A_319 = arith.constant 0 : i32
      %dma_wait3A_320 = tpu.memref_slice %arg7[%run_scoped3A_143, %dma_wait3A_319] : memref<8x125xi32, #tpu.memory_space<vmem>> -> memref<1x125xi32, #tpu.memory_space<vmem>>
      %dma_wait3A_321 = tpu.memref_squeeze %dma_wait3A_320 : memref<1x125xi32, #tpu.memory_space<vmem>> -> memref<125xi32, #tpu.memory_space<vmem>>
      %dma_wait3A_322 = arith.constant 0 : i32
      %dma_wait3A_323 = arith.constant 0 : i32
      %dma_wait3A_324 = tpu.memref_slice %arg11[%dma_wait3A_322, %dma_wait3A_323] : memref<10240x128xf32, #tpu.memory_space<vmem_shared>> -> memref<10240x128xf32, #tpu.memory_space<vmem_shared>>
      tpu.wait_indirect_dma semaphore(%run_scoped3A_312 : memref<!tpu.dma_semaphore, #tpu.memory_space<semaphore_mem>>) src(%arg9 : memref<125x128xf32, #tpu.memory_space<vmem>>) dst(%dma_wait3A_324 : memref<10240x128xf32, #tpu.memory_space<vmem_shared>>)
      tpu.yield
    }) : () -> ()
    %dma_start3A_144 = arith.constant 72 : i32
    %dma_start3A_145 = arith.constant 0 : i32
    %dma_start3A_146 = tpu.memref_slice %arg6[%dma_start3A_144, %dma_start3A_145] : memref<80x125xi32, #tpu.memory_space<vmem>> -> memref<1x125xi32, #tpu.memory_space<vmem>>
    %dma_start3A_147 = tpu.memref_squeeze %dma_start3A_146 : memref<1x125xi32, #tpu.memory_space<vmem>> -> memref<125xi32, #tpu.memory_space<vmem>>
    %dma_start3A_148 = arith.constant 0 : i32
    %dma_start3A_149 = arith.constant 0 : i32
    %dma_start3A_150 = tpu.memref_slice %arg2[%dma_start3A_148, %dma_start3A_149] : memref<10000x128xf32, #tpu.memory_space<hbm>> -> memref<10000x128xf32, #tpu.memory_space<hbm>>
    tpu.enqueue_indirect_dma source(%dma_start3A_150 : memref<10000x128xf32, #tpu.memory_space<hbm>>) target(%arg9 : memref<125x128xf32, #tpu.memory_space<vmem>>) offsets(%dma_start3A_147 : memref<125xi32, #tpu.memory_space<vmem>>) semaphore(%arg14 : memref<!tpu.dma_semaphore, #tpu.memory_space<semaphore_mem>>)
    %dma_wait3A_151 = arith.constant 71 : i32
    %dma_wait3A_152 = arith.constant 0 : i32
    %dma_wait3A_153 = tpu.memref_slice %arg6[%dma_wait3A_151, %dma_wait3A_152] : memref<80x125xi32, #tpu.memory_space<vmem>> -> memref<1x125xi32, #tpu.memory_space<vmem>>
    %dma_wait3A_154 = tpu.memref_squeeze %dma_wait3A_153 : memref<1x125xi32, #tpu.memory_space<vmem>> -> memref<125xi32, #tpu.memory_space<vmem>>
    %dma_wait3A_155 = arith.constant 0 : i32
    %dma_wait3A_156 = arith.constant 0 : i32
    %dma_wait3A_157 = tpu.memref_slice %arg2[%dma_wait3A_155, %dma_wait3A_156] : memref<10000x128xf32, #tpu.memory_space<hbm>> -> memref<10000x128xf32, #tpu.memory_space<hbm>>
    tpu.wait_indirect_dma semaphore(%arg15 : memref<!tpu.dma_semaphore, #tpu.memory_space<semaphore_mem>>) src(%dma_wait3A_157 : memref<10000x128xf32, #tpu.memory_space<hbm>>) dst(%arg10 : memref<125x128xf32, #tpu.memory_space<vmem>>)
    %run_scoped3A_158 = arith.constant 7 : i32
    "tpu.region"() ({
      %run_scoped3A_312 = tpu.sem_alloc : memref<!tpu.dma_semaphore, #tpu.memory_space<semaphore_mem>>
      %dma_start3A_313 = arith.constant 0 : i32
      %dma_start3A_314 = tpu.memref_slice %arg7[%run_scoped3A_158, %dma_start3A_313] : memref<8x125xi32, #tpu.memory_space<vmem>> -> memref<1x125xi32, #tpu.memory_space<vmem>>
      %dma_start3A_315 = tpu.memref_squeeze %dma_start3A_314 : memref<1x125xi32, #tpu.memory_space<vmem>> -> memref<125xi32, #tpu.memory_space<vmem>>
      %dma_start3A_316 = arith.constant 0 : i32
      %dma_start3A_317 = arith.constant 0 : i32
      %dma_start3A_318 = tpu.memref_slice %arg11[%dma_start3A_316, %dma_start3A_317] : memref<10240x128xf32, #tpu.memory_space<vmem_shared>> -> memref<10240x128xf32, #tpu.memory_space<vmem_shared>>
      tpu.enqueue_indirect_dma source(%arg10 : memref<125x128xf32, #tpu.memory_space<vmem>>) target(%dma_start3A_318 : memref<10240x128xf32, #tpu.memory_space<vmem_shared>>) offsets(%dma_start3A_315 : memref<125xi32, #tpu.memory_space<vmem>>) semaphore(%run_scoped3A_312 : memref<!tpu.dma_semaphore, #tpu.memory_space<semaphore_mem>>) {add = true}
      %dma_wait3A_319 = arith.constant 0 : i32
      %dma_wait3A_320 = tpu.memref_slice %arg7[%run_scoped3A_158, %dma_wait3A_319] : memref<8x125xi32, #tpu.memory_space<vmem>> -> memref<1x125xi32, #tpu.memory_space<vmem>>
      %dma_wait3A_321 = tpu.memref_squeeze %dma_wait3A_320 : memref<1x125xi32, #tpu.memory_space<vmem>> -> memref<125xi32, #tpu.memory_space<vmem>>
      %dma_wait3A_322 = arith.constant 0 : i32
      %dma_wait3A_323 = arith.constant 0 : i32
      %dma_wait3A_324 = tpu.memref_slice %arg11[%dma_wait3A_322, %dma_wait3A_323] : memref<10240x128xf32, #tpu.memory_space<vmem_shared>> -> memref<10240x128xf32, #tpu.memory_space<vmem_shared>>
      tpu.wait_indirect_dma semaphore(%run_scoped3A_312 : memref<!tpu.dma_semaphore, #tpu.memory_space<semaphore_mem>>) src(%arg10 : memref<125x128xf32, #tpu.memory_space<vmem>>) dst(%dma_wait3A_324 : memref<10240x128xf32, #tpu.memory_space<vmem_shared>>)
      tpu.yield
    }) : () -> ()
    %dma_start3A_159 = arith.constant 73 : i32
    %dma_start3A_160 = arith.constant 0 : i32
    %dma_start3A_161 = tpu.memref_slice %arg6[%dma_start3A_159, %dma_start3A_160] : memref<80x125xi32, #tpu.memory_space<vmem>> -> memref<1x125xi32, #tpu.memory_space<vmem>>
    %dma_start3A_162 = tpu.memref_squeeze %dma_start3A_161 : memref<1x125xi32, #tpu.memory_space<vmem>> -> memref<125xi32, #tpu.memory_space<vmem>>
    %dma_start3A_163 = arith.constant 0 : i32
    %dma_start3A_164 = arith.constant 0 : i32
    %dma_start3A_165 = tpu.memref_slice %arg2[%dma_start3A_163, %dma_start3A_164] : memref<10000x128xf32, #tpu.memory_space<hbm>> -> memref<10000x128xf32, #tpu.memory_space<hbm>>
    tpu.enqueue_indirect_dma source(%dma_start3A_165 : memref<10000x128xf32, #tpu.memory_space<hbm>>) target(%arg10 : memref<125x128xf32, #tpu.memory_space<vmem>>) offsets(%dma_start3A_162 : memref<125xi32, #tpu.memory_space<vmem>>) semaphore(%arg15 : memref<!tpu.dma_semaphore, #tpu.memory_space<semaphore_mem>>)
    %dma_wait3A_166 = arith.constant 1 : i32
    %dma_wait3A_167 = arith.constant 0 : i32
    %dma_wait3A_168 = arith.constant 0 : i32
    %dma_wait3A_169 = tpu.memref_slice %arg3[%dma_wait3A_166, %add3A, %dma_wait3A_167, %dma_wait3A_168] : memref<2x32x80x125xi32, #tpu.memory_space<hbm>> -> memref<1x1x8x125xi32, #tpu.memory_space<hbm>>
    %dma_wait3A_170 = tpu.memref_squeeze %dma_wait3A_169 : memref<1x1x8x125xi32, #tpu.memory_space<hbm>> -> memref<8x125xi32, #tpu.memory_space<hbm>>
    %dma_wait3A_171 = arith.constant 0 : i32
    %dma_wait3A_172 = arith.constant 0 : i32
    %dma_wait3A_173 = tpu.memref_slice %arg3[%dma_wait3A_166, %add3A, %dma_wait3A_171, %dma_wait3A_172] : memref<2x32x80x125xi32, #tpu.memory_space<hbm>> -> memref<1x1x8x125xi32, #tpu.memory_space<hbm>>
    %dma_wait3A_174 = tpu.memref_squeeze %dma_wait3A_173 : memref<1x1x8x125xi32, #tpu.memory_space<hbm>> -> memref<8x125xi32, #tpu.memory_space<hbm>>
    tpu.wait_dma2 semaphore(%arg13 : memref<!tpu.dma_semaphore, #tpu.memory_space<semaphore_mem>>) src(%dma_wait3A_174 : memref<8x125xi32, #tpu.memory_space<hbm>>) dst(%arg8 : memref<8x125xi32, #tpu.memory_space<vmem>>)
    %dma_wait3A_175 = arith.constant 72 : i32
    %dma_wait3A_176 = arith.constant 0 : i32
    %dma_wait3A_177 = tpu.memref_slice %arg6[%dma_wait3A_175, %dma_wait3A_176] : memref<80x125xi32, #tpu.memory_space<vmem>> -> memref<1x125xi32, #tpu.memory_space<vmem>>
    %dma_wait3A_178 = tpu.memref_squeeze %dma_wait3A_177 : memref<1x125xi32, #tpu.memory_space<vmem>> -> memref<125xi32, #tpu.memory_space<vmem>>
    %dma_wait3A_179 = arith.constant 0 : i32
    %dma_wait3A_180 = arith.constant 0 : i32
    %dma_wait3A_181 = tpu.memref_slice %arg2[%dma_wait3A_179, %dma_wait3A_180] : memref<10000x128xf32, #tpu.memory_space<hbm>> -> memref<10000x128xf32, #tpu.memory_space<hbm>>
    tpu.wait_indirect_dma semaphore(%arg14 : memref<!tpu.dma_semaphore, #tpu.memory_space<semaphore_mem>>) src(%dma_wait3A_181 : memref<10000x128xf32, #tpu.memory_space<hbm>>) dst(%arg9 : memref<125x128xf32, #tpu.memory_space<vmem>>)
    %run_scoped3A_182 = arith.constant 0 : i32
    "tpu.region"() ({
      %run_scoped3A_312 = tpu.sem_alloc : memref<!tpu.dma_semaphore, #tpu.memory_space<semaphore_mem>>
      %dma_start3A_313 = arith.constant 0 : i32
      %dma_start3A_314 = tpu.memref_slice %arg8[%run_scoped3A_182, %dma_start3A_313] : memref<8x125xi32, #tpu.memory_space<vmem>> -> memref<1x125xi32, #tpu.memory_space<vmem>>
      %dma_start3A_315 = tpu.memref_squeeze %dma_start3A_314 : memref<1x125xi32, #tpu.memory_space<vmem>> -> memref<125xi32, #tpu.memory_space<vmem>>
      %dma_start3A_316 = arith.constant 0 : i32
      %dma_start3A_317 = arith.constant 0 : i32
      %dma_start3A_318 = tpu.memref_slice %arg11[%dma_start3A_316, %dma_start3A_317] : memref<10240x128xf32, #tpu.memory_space<vmem_shared>> -> memref<10240x128xf32, #tpu.memory_space<vmem_shared>>
      tpu.enqueue_indirect_dma source(%arg9 : memref<125x128xf32, #tpu.memory_space<vmem>>) target(%dma_start3A_318 : memref<10240x128xf32, #tpu.memory_space<vmem_shared>>) offsets(%dma_start3A_315 : memref<125xi32, #tpu.memory_space<vmem>>) semaphore(%run_scoped3A_312 : memref<!tpu.dma_semaphore, #tpu.memory_space<semaphore_mem>>) {add = true}
      %dma_wait3A_319 = arith.constant 0 : i32
      %dma_wait3A_320 = tpu.memref_slice %arg8[%run_scoped3A_182, %dma_wait3A_319] : memref<8x125xi32, #tpu.memory_space<vmem>> -> memref<1x125xi32, #tpu.memory_space<vmem>>
      %dma_wait3A_321 = tpu.memref_squeeze %dma_wait3A_320 : memref<1x125xi32, #tpu.memory_space<vmem>> -> memref<125xi32, #tpu.memory_space<vmem>>
      %dma_wait3A_322 = arith.constant 0 : i32
      %dma_wait3A_323 = arith.constant 0 : i32
      %dma_wait3A_324 = tpu.memref_slice %arg11[%dma_wait3A_322, %dma_wait3A_323] : memref<10240x128xf32, #tpu.memory_space<vmem_shared>> -> memref<10240x128xf32, #tpu.memory_space<vmem_shared>>
      tpu.wait_indirect_dma semaphore(%run_scoped3A_312 : memref<!tpu.dma_semaphore, #tpu.memory_space<semaphore_mem>>) src(%arg9 : memref<125x128xf32, #tpu.memory_space<vmem>>) dst(%dma_wait3A_324 : memref<10240x128xf32, #tpu.memory_space<vmem_shared>>)
      tpu.yield
    }) : () -> ()
    %dma_start3A_183 = arith.constant 74 : i32
    %dma_start3A_184 = arith.constant 0 : i32
    %dma_start3A_185 = tpu.memref_slice %arg6[%dma_start3A_183, %dma_start3A_184] : memref<80x125xi32, #tpu.memory_space<vmem>> -> memref<1x125xi32, #tpu.memory_space<vmem>>
    %dma_start3A_186 = tpu.memref_squeeze %dma_start3A_185 : memref<1x125xi32, #tpu.memory_space<vmem>> -> memref<125xi32, #tpu.memory_space<vmem>>
    %dma_start3A_187 = arith.constant 0 : i32
    %dma_start3A_188 = arith.constant 0 : i32
    %dma_start3A_189 = tpu.memref_slice %arg2[%dma_start3A_187, %dma_start3A_188] : memref<10000x128xf32, #tpu.memory_space<hbm>> -> memref<10000x128xf32, #tpu.memory_space<hbm>>
    tpu.enqueue_indirect_dma source(%dma_start3A_189 : memref<10000x128xf32, #tpu.memory_space<hbm>>) target(%arg9 : memref<125x128xf32, #tpu.memory_space<vmem>>) offsets(%dma_start3A_186 : memref<125xi32, #tpu.memory_space<vmem>>) semaphore(%arg14 : memref<!tpu.dma_semaphore, #tpu.memory_space<semaphore_mem>>)
    %dma_wait3A_190 = arith.constant 73 : i32
    %dma_wait3A_191 = arith.constant 0 : i32
    %dma_wait3A_192 = tpu.memref_slice %arg6[%dma_wait3A_190, %dma_wait3A_191] : memref<80x125xi32, #tpu.memory_space<vmem>> -> memref<1x125xi32, #tpu.memory_space<vmem>>
    %dma_wait3A_193 = tpu.memref_squeeze %dma_wait3A_192 : memref<1x125xi32, #tpu.memory_space<vmem>> -> memref<125xi32, #tpu.memory_space<vmem>>
    %dma_wait3A_194 = arith.constant 0 : i32
    %dma_wait3A_195 = arith.constant 0 : i32
    %dma_wait3A_196 = tpu.memref_slice %arg2[%dma_wait3A_194, %dma_wait3A_195] : memref<10000x128xf32, #tpu.memory_space<hbm>> -> memref<10000x128xf32, #tpu.memory_space<hbm>>
    tpu.wait_indirect_dma semaphore(%arg15 : memref<!tpu.dma_semaphore, #tpu.memory_space<semaphore_mem>>) src(%dma_wait3A_196 : memref<10000x128xf32, #tpu.memory_space<hbm>>) dst(%arg10 : memref<125x128xf32, #tpu.memory_space<vmem>>)
    %run_scoped3A_197 = arith.constant 1 : i32
    "tpu.region"() ({
      %run_scoped3A_312 = tpu.sem_alloc : memref<!tpu.dma_semaphore, #tpu.memory_space<semaphore_mem>>
      %dma_start3A_313 = arith.constant 0 : i32
      %dma_start3A_314 = tpu.memref_slice %arg8[%run_scoped3A_197, %dma_start3A_313] : memref<8x125xi32, #tpu.memory_space<vmem>> -> memref<1x125xi32, #tpu.memory_space<vmem>>
      %dma_start3A_315 = tpu.memref_squeeze %dma_start3A_314 : memref<1x125xi32, #tpu.memory_space<vmem>> -> memref<125xi32, #tpu.memory_space<vmem>>
      %dma_start3A_316 = arith.constant 0 : i32
      %dma_start3A_317 = arith.constant 0 : i32
      %dma_start3A_318 = tpu.memref_slice %arg11[%dma_start3A_316, %dma_start3A_317] : memref<10240x128xf32, #tpu.memory_space<vmem_shared>> -> memref<10240x128xf32, #tpu.memory_space<vmem_shared>>
      tpu.enqueue_indirect_dma source(%arg10 : memref<125x128xf32, #tpu.memory_space<vmem>>) target(%dma_start3A_318 : memref<10240x128xf32, #tpu.memory_space<vmem_shared>>) offsets(%dma_start3A_315 : memref<125xi32, #tpu.memory_space<vmem>>) semaphore(%run_scoped3A_312 : memref<!tpu.dma_semaphore, #tpu.memory_space<semaphore_mem>>) {add = true}
      %dma_wait3A_319 = arith.constant 0 : i32
      %dma_wait3A_320 = tpu.memref_slice %arg8[%run_scoped3A_197, %dma_wait3A_319] : memref<8x125xi32, #tpu.memory_space<vmem>> -> memref<1x125xi32, #tpu.memory_space<vmem>>
      %dma_wait3A_321 = tpu.memref_squeeze %dma_wait3A_320 : memref<1x125xi32, #tpu.memory_space<vmem>> -> memref<125xi32, #tpu.memory_space<vmem>>
      %dma_wait3A_322 = arith.constant 0 : i32
      %dma_wait3A_323 = arith.constant 0 : i32
      %dma_wait3A_324 = tpu.memref_slice %arg11[%dma_wait3A_322, %dma_wait3A_323] : memref<10240x128xf32, #tpu.memory_space<vmem_shared>> -> memref<10240x128xf32, #tpu.memory_space<vmem_shared>>
      tpu.wait_indirect_dma semaphore(%run_scoped3A_312 : memref<!tpu.dma_semaphore, #tpu.memory_space<semaphore_mem>>) src(%arg10 : memref<125x128xf32, #tpu.memory_space<vmem>>) dst(%dma_wait3A_324 : memref<10240x128xf32, #tpu.memory_space<vmem_shared>>)
      tpu.yield
    }) : () -> ()
    %dma_start3A_198 = arith.constant 75 : i32
    %dma_start3A_199 = arith.constant 0 : i32
    %dma_start3A_200 = tpu.memref_slice %arg6[%dma_start3A_198, %dma_start3A_199] : memref<80x125xi32, #tpu.memory_space<vmem>> -> memref<1x125xi32, #tpu.memory_space<vmem>>
    %dma_start3A_201 = tpu.memref_squeeze %dma_start3A_200 : memref<1x125xi32, #tpu.memory_space<vmem>> -> memref<125xi32, #tpu.memory_space<vmem>>
    %dma_start3A_202 = arith.constant 0 : i32
    %dma_start3A_203 = arith.constant 0 : i32
    %dma_start3A_204 = tpu.memref_slice %arg2[%dma_start3A_202, %dma_start3A_203] : memref<10000x128xf32, #tpu.memory_space<hbm>> -> memref<10000x128xf32, #tpu.memory_space<hbm>>
    tpu.enqueue_indirect_dma source(%dma_start3A_204 : memref<10000x128xf32, #tpu.memory_space<hbm>>) target(%arg10 : memref<125x128xf32, #tpu.memory_space<vmem>>) offsets(%dma_start3A_201 : memref<125xi32, #tpu.memory_space<vmem>>) semaphore(%arg15 : memref<!tpu.dma_semaphore, #tpu.memory_space<semaphore_mem>>)
    %dma_wait3A_205 = arith.constant 74 : i32
    %dma_wait3A_206 = arith.constant 0 : i32
    %dma_wait3A_207 = tpu.memref_slice %arg6[%dma_wait3A_205, %dma_wait3A_206] : memref<80x125xi32, #tpu.memory_space<vmem>> -> memref<1x125xi32, #tpu.memory_space<vmem>>
    %dma_wait3A_208 = tpu.memref_squeeze %dma_wait3A_207 : memref<1x125xi32, #tpu.memory_space<vmem>> -> memref<125xi32, #tpu.memory_space<vmem>>
    %dma_wait3A_209 = arith.constant 0 : i32
    %dma_wait3A_210 = arith.constant 0 : i32
    %dma_wait3A_211 = tpu.memref_slice %arg2[%dma_wait3A_209, %dma_wait3A_210] : memref<10000x128xf32, #tpu.memory_space<hbm>> -> memref<10000x128xf32, #tpu.memory_space<hbm>>
    tpu.wait_indirect_dma semaphore(%arg14 : memref<!tpu.dma_semaphore, #tpu.memory_space<semaphore_mem>>) src(%dma_wait3A_211 : memref<10000x128xf32, #tpu.memory_space<hbm>>) dst(%arg9 : memref<125x128xf32, #tpu.memory_space<vmem>>)
    %run_scoped3A_212 = arith.constant 2 : i32
    "tpu.region"() ({
      %run_scoped3A_312 = tpu.sem_alloc : memref<!tpu.dma_semaphore, #tpu.memory_space<semaphore_mem>>
      %dma_start3A_313 = arith.constant 0 : i32
      %dma_start3A_314 = tpu.memref_slice %arg8[%run_scoped3A_212, %dma_start3A_313] : memref<8x125xi32, #tpu.memory_space<vmem>> -> memref<1x125xi32, #tpu.memory_space<vmem>>
      %dma_start3A_315 = tpu.memref_squeeze %dma_start3A_314 : memref<1x125xi32, #tpu.memory_space<vmem>> -> memref<125xi32, #tpu.memory_space<vmem>>
      %dma_start3A_316 = arith.constant 0 : i32
      %dma_start3A_317 = arith.constant 0 : i32
      %dma_start3A_318 = tpu.memref_slice %arg11[%dma_start3A_316, %dma_start3A_317] : memref<10240x128xf32, #tpu.memory_space<vmem_shared>> -> memref<10240x128xf32, #tpu.memory_space<vmem_shared>>
      tpu.enqueue_indirect_dma source(%arg9 : memref<125x128xf32, #tpu.memory_space<vmem>>) target(%dma_start3A_318 : memref<10240x128xf32, #tpu.memory_space<vmem_shared>>) offsets(%dma_start3A_315 : memref<125xi32, #tpu.memory_space<vmem>>) semaphore(%run_scoped3A_312 : memref<!tpu.dma_semaphore, #tpu.memory_space<semaphore_mem>>) {add = true}
      %dma_wait3A_319 = arith.constant 0 : i32
      %dma_wait3A_320 = tpu.memref_slice %arg8[%run_scoped3A_212, %dma_wait3A_319] : memref<8x125xi32, #tpu.memory_space<vmem>> -> memref<1x125xi32, #tpu.memory_space<vmem>>
      %dma_wait3A_321 = tpu.memref_squeeze %dma_wait3A_320 : memref<1x125xi32, #tpu.memory_space<vmem>> -> memref<125xi32, #tpu.memory_space<vmem>>
      %dma_wait3A_322 = arith.constant 0 : i32
      %dma_wait3A_323 = arith.constant 0 : i32
      %dma_wait3A_324 = tpu.memref_slice %arg11[%dma_wait3A_322, %dma_wait3A_323] : memref<10240x128xf32, #tpu.memory_space<vmem_shared>> -> memref<10240x128xf32, #tpu.memory_space<vmem_shared>>
      tpu.wait_indirect_dma semaphore(%run_scoped3A_312 : memref<!tpu.dma_semaphore, #tpu.memory_space<semaphore_mem>>) src(%arg9 : memref<125x128xf32, #tpu.memory_space<vmem>>) dst(%dma_wait3A_324 : memref<10240x128xf32, #tpu.memory_space<vmem_shared>>)
      tpu.yield
    }) : () -> ()
    %dma_start3A_213 = arith.constant 76 : i32
    %dma_start3A_214 = arith.constant 0 : i32
    %dma_start3A_215 = tpu.memref_slice %arg6[%dma_start3A_213, %dma_start3A_214] : memref<80x125xi32, #tpu.memory_space<vmem>> -> memref<1x125xi32, #tpu.memory_space<vmem>>
    %dma_start3A_216 = tpu.memref_squeeze %dma_start3A_215 : memref<1x125xi32, #tpu.memory_space<vmem>> -> memref<125xi32, #tpu.memory_space<vmem>>
    %dma_start3A_217 = arith.constant 0 : i32
    %dma_start3A_218 = arith.constant 0 : i32
    %dma_start3A_219 = tpu.memref_slice %arg2[%dma_start3A_217, %dma_start3A_218] : memref<10000x128xf32, #tpu.memory_space<hbm>> -> memref<10000x128xf32, #tpu.memory_space<hbm>>
    tpu.enqueue_indirect_dma source(%dma_start3A_219 : memref<10000x128xf32, #tpu.memory_space<hbm>>) target(%arg9 : memref<125x128xf32, #tpu.memory_space<vmem>>) offsets(%dma_start3A_216 : memref<125xi32, #tpu.memory_space<vmem>>) semaphore(%arg14 : memref<!tpu.dma_semaphore, #tpu.memory_space<semaphore_mem>>)
    %dma_wait3A_220 = arith.constant 75 : i32
    %dma_wait3A_221 = arith.constant 0 : i32
    %dma_wait3A_222 = tpu.memref_slice %arg6[%dma_wait3A_220, %dma_wait3A_221] : memref<80x125xi32, #tpu.memory_space<vmem>> -> memref<1x125xi32, #tpu.memory_space<vmem>>
    %dma_wait3A_223 = tpu.memref_squeeze %dma_wait3A_222 : memref<1x125xi32, #tpu.memory_space<vmem>> -> memref<125xi32, #tpu.memory_space<vmem>>
    %dma_wait3A_224 = arith.constant 0 : i32
    %dma_wait3A_225 = arith.constant 0 : i32
    %dma_wait3A_226 = tpu.memref_slice %arg2[%dma_wait3A_224, %dma_wait3A_225] : memref<10000x128xf32, #tpu.memory_space<hbm>> -> memref<10000x128xf32, #tpu.memory_space<hbm>>
    tpu.wait_indirect_dma semaphore(%arg15 : memref<!tpu.dma_semaphore, #tpu.memory_space<semaphore_mem>>) src(%dma_wait3A_226 : memref<10000x128xf32, #tpu.memory_space<hbm>>) dst(%arg10 : memref<125x128xf32, #tpu.memory_space<vmem>>)
    %run_scoped3A_227 = arith.constant 3 : i32
    "tpu.region"() ({
      %run_scoped3A_312 = tpu.sem_alloc : memref<!tpu.dma_semaphore, #tpu.memory_space<semaphore_mem>>
      %dma_start3A_313 = arith.constant 0 : i32
      %dma_start3A_314 = tpu.memref_slice %arg8[%run_scoped3A_227, %dma_start3A_313] : memref<8x125xi32, #tpu.memory_space<vmem>> -> memref<1x125xi32, #tpu.memory_space<vmem>>
      %dma_start3A_315 = tpu.memref_squeeze %dma_start3A_314 : memref<1x125xi32, #tpu.memory_space<vmem>> -> memref<125xi32, #tpu.memory_space<vmem>>
      %dma_start3A_316 = arith.constant 0 : i32
      %dma_start3A_317 = arith.constant 0 : i32
      %dma_start3A_318 = tpu.memref_slice %arg11[%dma_start3A_316, %dma_start3A_317] : memref<10240x128xf32, #tpu.memory_space<vmem_shared>> -> memref<10240x128xf32, #tpu.memory_space<vmem_shared>>
      tpu.enqueue_indirect_dma source(%arg10 : memref<125x128xf32, #tpu.memory_space<vmem>>) target(%dma_start3A_318 : memref<10240x128xf32, #tpu.memory_space<vmem_shared>>) offsets(%dma_start3A_315 : memref<125xi32, #tpu.memory_space<vmem>>) semaphore(%run_scoped3A_312 : memref<!tpu.dma_semaphore, #tpu.memory_space<semaphore_mem>>) {add = true}
      %dma_wait3A_319 = arith.constant 0 : i32
      %dma_wait3A_320 = tpu.memref_slice %arg8[%run_scoped3A_227, %dma_wait3A_319] : memref<8x125xi32, #tpu.memory_space<vmem>> -> memref<1x125xi32, #tpu.memory_space<vmem>>
      %dma_wait3A_321 = tpu.memref_squeeze %dma_wait3A_320 : memref<1x125xi32, #tpu.memory_space<vmem>> -> memref<125xi32, #tpu.memory_space<vmem>>
      %dma_wait3A_322 = arith.constant 0 : i32
      %dma_wait3A_323 = arith.constant 0 : i32
      %dma_wait3A_324 = tpu.memref_slice %arg11[%dma_wait3A_322, %dma_wait3A_323] : memref<10240x128xf32, #tpu.memory_space<vmem_shared>> -> memref<10240x128xf32, #tpu.memory_space<vmem_shared>>
      tpu.wait_indirect_dma semaphore(%run_scoped3A_312 : memref<!tpu.dma_semaphore, #tpu.memory_space<semaphore_mem>>) src(%arg10 : memref<125x128xf32, #tpu.memory_space<vmem>>) dst(%dma_wait3A_324 : memref<10240x128xf32, #tpu.memory_space<vmem_shared>>)
      tpu.yield
    }) : () -> ()
    %dma_start3A_228 = arith.constant 77 : i32
    %dma_start3A_229 = arith.constant 0 : i32
    %dma_start3A_230 = tpu.memref_slice %arg6[%dma_start3A_228, %dma_start3A_229] : memref<80x125xi32, #tpu.memory_space<vmem>> -> memref<1x125xi32, #tpu.memory_space<vmem>>
    %dma_start3A_231 = tpu.memref_squeeze %dma_start3A_230 : memref<1x125xi32, #tpu.memory_space<vmem>> -> memref<125xi32, #tpu.memory_space<vmem>>
    %dma_start3A_232 = arith.constant 0 : i32
    %dma_start3A_233 = arith.constant 0 : i32
    %dma_start3A_234 = tpu.memref_slice %arg2[%dma_start3A_232, %dma_start3A_233] : memref<10000x128xf32, #tpu.memory_space<hbm>> -> memref<10000x128xf32, #tpu.memory_space<hbm>>
    tpu.enqueue_indirect_dma source(%dma_start3A_234 : memref<10000x128xf32, #tpu.memory_space<hbm>>) target(%arg10 : memref<125x128xf32, #tpu.memory_space<vmem>>) offsets(%dma_start3A_231 : memref<125xi32, #tpu.memory_space<vmem>>) semaphore(%arg15 : memref<!tpu.dma_semaphore, #tpu.memory_space<semaphore_mem>>)
    %dma_wait3A_235 = arith.constant 76 : i32
    %dma_wait3A_236 = arith.constant 0 : i32
    %dma_wait3A_237 = tpu.memref_slice %arg6[%dma_wait3A_235, %dma_wait3A_236] : memref<80x125xi32, #tpu.memory_space<vmem>> -> memref<1x125xi32, #tpu.memory_space<vmem>>
    %dma_wait3A_238 = tpu.memref_squeeze %dma_wait3A_237 : memref<1x125xi32, #tpu.memory_space<vmem>> -> memref<125xi32, #tpu.memory_space<vmem>>
    %dma_wait3A_239 = arith.constant 0 : i32
    %dma_wait3A_240 = arith.constant 0 : i32
    %dma_wait3A_241 = tpu.memref_slice %arg2[%dma_wait3A_239, %dma_wait3A_240] : memref<10000x128xf32, #tpu.memory_space<hbm>> -> memref<10000x128xf32, #tpu.memory_space<hbm>>
    tpu.wait_indirect_dma semaphore(%arg14 : memref<!tpu.dma_semaphore, #tpu.memory_space<semaphore_mem>>) src(%dma_wait3A_241 : memref<10000x128xf32, #tpu.memory_space<hbm>>) dst(%arg9 : memref<125x128xf32, #tpu.memory_space<vmem>>)
    %run_scoped3A_242 = arith.constant 4 : i32
    "tpu.region"() ({
      %run_scoped3A_312 = tpu.sem_alloc : memref<!tpu.dma_semaphore, #tpu.memory_space<semaphore_mem>>
      %dma_start3A_313 = arith.constant 0 : i32
      %dma_start3A_314 = tpu.memref_slice %arg8[%run_scoped3A_242, %dma_start3A_313] : memref<8x125xi32, #tpu.memory_space<vmem>> -> memref<1x125xi32, #tpu.memory_space<vmem>>
      %dma_start3A_315 = tpu.memref_squeeze %dma_start3A_314 : memref<1x125xi32, #tpu.memory_space<vmem>> -> memref<125xi32, #tpu.memory_space<vmem>>
      %dma_start3A_316 = arith.constant 0 : i32
      %dma_start3A_317 = arith.constant 0 : i32
      %dma_start3A_318 = tpu.memref_slice %arg11[%dma_start3A_316, %dma_start3A_317] : memref<10240x128xf32, #tpu.memory_space<vmem_shared>> -> memref<10240x128xf32, #tpu.memory_space<vmem_shared>>
      tpu.enqueue_indirect_dma source(%arg9 : memref<125x128xf32, #tpu.memory_space<vmem>>) target(%dma_start3A_318 : memref<10240x128xf32, #tpu.memory_space<vmem_shared>>) offsets(%dma_start3A_315 : memref<125xi32, #tpu.memory_space<vmem>>) semaphore(%run_scoped3A_312 : memref<!tpu.dma_semaphore, #tpu.memory_space<semaphore_mem>>) {add = true}
      %dma_wait3A_319 = arith.constant 0 : i32
      %dma_wait3A_320 = tpu.memref_slice %arg8[%run_scoped3A_242, %dma_wait3A_319] : memref<8x125xi32, #tpu.memory_space<vmem>> -> memref<1x125xi32, #tpu.memory_space<vmem>>
      %dma_wait3A_321 = tpu.memref_squeeze %dma_wait3A_320 : memref<1x125xi32, #tpu.memory_space<vmem>> -> memref<125xi32, #tpu.memory_space<vmem>>
      %dma_wait3A_322 = arith.constant 0 : i32
      %dma_wait3A_323 = arith.constant 0 : i32
      %dma_wait3A_324 = tpu.memref_slice %arg11[%dma_wait3A_322, %dma_wait3A_323] : memref<10240x128xf32, #tpu.memory_space<vmem_shared>> -> memref<10240x128xf32, #tpu.memory_space<vmem_shared>>
      tpu.wait_indirect_dma semaphore(%run_scoped3A_312 : memref<!tpu.dma_semaphore, #tpu.memory_space<semaphore_mem>>) src(%arg9 : memref<125x128xf32, #tpu.memory_space<vmem>>) dst(%dma_wait3A_324 : memref<10240x128xf32, #tpu.memory_space<vmem_shared>>)
      tpu.yield
    }) : () -> ()
    %dma_start3A_243 = arith.constant 78 : i32
    %dma_start3A_244 = arith.constant 0 : i32
    %dma_start3A_245 = tpu.memref_slice %arg6[%dma_start3A_243, %dma_start3A_244] : memref<80x125xi32, #tpu.memory_space<vmem>> -> memref<1x125xi32, #tpu.memory_space<vmem>>
    %dma_start3A_246 = tpu.memref_squeeze %dma_start3A_245 : memref<1x125xi32, #tpu.memory_space<vmem>> -> memref<125xi32, #tpu.memory_space<vmem>>
    %dma_start3A_247 = arith.constant 0 : i32
    %dma_start3A_248 = arith.constant 0 : i32
    %dma_start3A_249 = tpu.memref_slice %arg2[%dma_start3A_247, %dma_start3A_248] : memref<10000x128xf32, #tpu.memory_space<hbm>> -> memref<10000x128xf32, #tpu.memory_space<hbm>>
    tpu.enqueue_indirect_dma source(%dma_start3A_249 : memref<10000x128xf32, #tpu.memory_space<hbm>>) target(%arg9 : memref<125x128xf32, #tpu.memory_space<vmem>>) offsets(%dma_start3A_246 : memref<125xi32, #tpu.memory_space<vmem>>) semaphore(%arg14 : memref<!tpu.dma_semaphore, #tpu.memory_space<semaphore_mem>>)
    %dma_wait3A_250 = arith.constant 77 : i32
    %dma_wait3A_251 = arith.constant 0 : i32
    %dma_wait3A_252 = tpu.memref_slice %arg6[%dma_wait3A_250, %dma_wait3A_251] : memref<80x125xi32, #tpu.memory_space<vmem>> -> memref<1x125xi32, #tpu.memory_space<vmem>>
    %dma_wait3A_253 = tpu.memref_squeeze %dma_wait3A_252 : memref<1x125xi32, #tpu.memory_space<vmem>> -> memref<125xi32, #tpu.memory_space<vmem>>
    %dma_wait3A_254 = arith.constant 0 : i32
    %dma_wait3A_255 = arith.constant 0 : i32
    %dma_wait3A_256 = tpu.memref_slice %arg2[%dma_wait3A_254, %dma_wait3A_255] : memref<10000x128xf32, #tpu.memory_space<hbm>> -> memref<10000x128xf32, #tpu.memory_space<hbm>>
    tpu.wait_indirect_dma semaphore(%arg15 : memref<!tpu.dma_semaphore, #tpu.memory_space<semaphore_mem>>) src(%dma_wait3A_256 : memref<10000x128xf32, #tpu.memory_space<hbm>>) dst(%arg10 : memref<125x128xf32, #tpu.memory_space<vmem>>)
    %run_scoped3A_257 = arith.constant 5 : i32
    "tpu.region"() ({
      %run_scoped3A_312 = tpu.sem_alloc : memref<!tpu.dma_semaphore, #tpu.memory_space<semaphore_mem>>
      %dma_start3A_313 = arith.constant 0 : i32
      %dma_start3A_314 = tpu.memref_slice %arg8[%run_scoped3A_257, %dma_start3A_313] : memref<8x125xi32, #tpu.memory_space<vmem>> -> memref<1x125xi32, #tpu.memory_space<vmem>>
      %dma_start3A_315 = tpu.memref_squeeze %dma_start3A_314 : memref<1x125xi32, #tpu.memory_space<vmem>> -> memref<125xi32, #tpu.memory_space<vmem>>
      %dma_start3A_316 = arith.constant 0 : i32
      %dma_start3A_317 = arith.constant 0 : i32
      %dma_start3A_318 = tpu.memref_slice %arg11[%dma_start3A_316, %dma_start3A_317] : memref<10240x128xf32, #tpu.memory_space<vmem_shared>> -> memref<10240x128xf32, #tpu.memory_space<vmem_shared>>
      tpu.enqueue_indirect_dma source(%arg10 : memref<125x128xf32, #tpu.memory_space<vmem>>) target(%dma_start3A_318 : memref<10240x128xf32, #tpu.memory_space<vmem_shared>>) offsets(%dma_start3A_315 : memref<125xi32, #tpu.memory_space<vmem>>) semaphore(%run_scoped3A_312 : memref<!tpu.dma_semaphore, #tpu.memory_space<semaphore_mem>>) {add = true}
      %dma_wait3A_319 = arith.constant 0 : i32
      %dma_wait3A_320 = tpu.memref_slice %arg8[%run_scoped3A_257, %dma_wait3A_319] : memref<8x125xi32, #tpu.memory_space<vmem>> -> memref<1x125xi32, #tpu.memory_space<vmem>>
      %dma_wait3A_321 = tpu.memref_squeeze %dma_wait3A_320 : memref<1x125xi32, #tpu.memory_space<vmem>> -> memref<125xi32, #tpu.memory_space<vmem>>
      %dma_wait3A_322 = arith.constant 0 : i32
      %dma_wait3A_323 = arith.constant 0 : i32
      %dma_wait3A_324 = tpu.memref_slice %arg11[%dma_wait3A_322, %dma_wait3A_323] : memref<10240x128xf32, #tpu.memory_space<vmem_shared>> -> memref<10240x128xf32, #tpu.memory_space<vmem_shared>>
      tpu.wait_indirect_dma semaphore(%run_scoped3A_312 : memref<!tpu.dma_semaphore, #tpu.memory_space<semaphore_mem>>) src(%arg10 : memref<125x128xf32, #tpu.memory_space<vmem>>) dst(%dma_wait3A_324 : memref<10240x128xf32, #tpu.memory_space<vmem_shared>>)
      tpu.yield
    }) : () -> ()
    %dma_start3A_258 = arith.constant 79 : i32
    %dma_start3A_259 = arith.constant 0 : i32
    %dma_start3A_260 = tpu.memref_slice %arg6[%dma_start3A_258, %dma_start3A_259] : memref<80x125xi32, #tpu.memory_space<vmem>> -> memref<1x125xi32, #tpu.memory_space<vmem>>
    %dma_start3A_261 = tpu.memref_squeeze %dma_start3A_260 : memref<1x125xi32, #tpu.memory_space<vmem>> -> memref<125xi32, #tpu.memory_space<vmem>>
    %dma_start3A_262 = arith.constant 0 : i32
    %dma_start3A_263 = arith.constant 0 : i32
    %dma_start3A_264 = tpu.memref_slice %arg2[%dma_start3A_262, %dma_start3A_263] : memref<10000x128xf32, #tpu.memory_space<hbm>> -> memref<10000x128xf32, #tpu.memory_space<hbm>>
    tpu.enqueue_indirect_dma source(%dma_start3A_264 : memref<10000x128xf32, #tpu.memory_space<hbm>>) target(%arg10 : memref<125x128xf32, #tpu.memory_space<vmem>>) offsets(%dma_start3A_261 : memref<125xi32, #tpu.memory_space<vmem>>) semaphore(%arg15 : memref<!tpu.dma_semaphore, #tpu.memory_space<semaphore_mem>>)
    %dma_wait3A_265 = arith.constant 78 : i32
    %dma_wait3A_266 = arith.constant 0 : i32
    %dma_wait3A_267 = tpu.memref_slice %arg6[%dma_wait3A_265, %dma_wait3A_266] : memref<80x125xi32, #tpu.memory_space<vmem>> -> memref<1x125xi32, #tpu.memory_space<vmem>>
    %dma_wait3A_268 = tpu.memref_squeeze %dma_wait3A_267 : memref<1x125xi32, #tpu.memory_space<vmem>> -> memref<125xi32, #tpu.memory_space<vmem>>
    %dma_wait3A_269 = arith.constant 0 : i32
    %dma_wait3A_270 = arith.constant 0 : i32
    %dma_wait3A_271 = tpu.memref_slice %arg2[%dma_wait3A_269, %dma_wait3A_270] : memref<10000x128xf32, #tpu.memory_space<hbm>> -> memref<10000x128xf32, #tpu.memory_space<hbm>>
    tpu.wait_indirect_dma semaphore(%arg14 : memref<!tpu.dma_semaphore, #tpu.memory_space<semaphore_mem>>) src(%dma_wait3A_271 : memref<10000x128xf32, #tpu.memory_space<hbm>>) dst(%arg9 : memref<125x128xf32, #tpu.memory_space<vmem>>)
    %dma_start3A_272 = arith.constant 6 : i32
    %dma_start3A_273 = arith.constant 0 : i32
    %dma_start3A_274 = tpu.memref_slice %arg8[%dma_start3A_272, %dma_start3A_273] : memref<8x125xi32, #tpu.memory_space<vmem>> -> memref<1x125xi32, #tpu.memory_space<vmem>>
    %dma_start3A_275 = tpu.memref_squeeze %dma_start3A_274 : memref<1x125xi32, #tpu.memory_space<vmem>> -> memref<125xi32, #tpu.memory_space<vmem>>
    %dma_start3A_276 = arith.constant 0 : i32
    %dma_start3A_277 = arith.constant 0 : i32
    %dma_start3A_278 = tpu.memref_slice %arg11[%dma_start3A_276, %dma_start3A_277] : memref<10240x128xf32, #tpu.memory_space<vmem_shared>> -> memref<10240x128xf32, #tpu.memory_space<vmem_shared>>
    tpu.enqueue_indirect_dma source(%arg9 : memref<125x128xf32, #tpu.memory_space<vmem>>) target(%dma_start3A_278 : memref<10240x128xf32, #tpu.memory_space<vmem_shared>>) offsets(%dma_start3A_275 : memref<125xi32, #tpu.memory_space<vmem>>) semaphore(%arg13 : memref<!tpu.dma_semaphore, #tpu.memory_space<semaphore_mem>>) {add = true}
    %dma_wait3A_279 = arith.constant 79 : i32
    %dma_wait3A_280 = arith.constant 0 : i32
    %dma_wait3A_281 = tpu.memref_slice %arg6[%dma_wait3A_279, %dma_wait3A_280] : memref<80x125xi32, #tpu.memory_space<vmem>> -> memref<1x125xi32, #tpu.memory_space<vmem>>
    %dma_wait3A_282 = tpu.memref_squeeze %dma_wait3A_281 : memref<1x125xi32, #tpu.memory_space<vmem>> -> memref<125xi32, #tpu.memory_space<vmem>>
    %dma_wait3A_283 = arith.constant 0 : i32
    %dma_wait3A_284 = arith.constant 0 : i32
    %dma_wait3A_285 = tpu.memref_slice %arg2[%dma_wait3A_283, %dma_wait3A_284] : memref<10000x128xf32, #tpu.memory_space<hbm>> -> memref<10000x128xf32, #tpu.memory_space<hbm>>
    tpu.wait_indirect_dma semaphore(%arg15 : memref<!tpu.dma_semaphore, #tpu.memory_space<semaphore_mem>>) src(%dma_wait3A_285 : memref<10000x128xf32, #tpu.memory_space<hbm>>) dst(%arg10 : memref<125x128xf32, #tpu.memory_space<vmem>>)
    %dma_start3A_286 = arith.constant 7 : i32
    %dma_start3A_287 = arith.constant 0 : i32
    %dma_start3A_288 = tpu.memref_slice %arg8[%dma_start3A_286, %dma_start3A_287] : memref<8x125xi32, #tpu.memory_space<vmem>> -> memref<1x125xi32, #tpu.memory_space<vmem>>
    %dma_start3A_289 = tpu.memref_squeeze %dma_start3A_288 : memref<1x125xi32, #tpu.memory_space<vmem>> -> memref<125xi32, #tpu.memory_space<vmem>>
    %dma_start3A_290 = arith.constant 0 : i32
    %dma_start3A_291 = arith.constant 0 : i32
    %dma_start3A_292 = tpu.memref_slice %arg11[%dma_start3A_290, %dma_start3A_291] : memref<10240x128xf32, #tpu.memory_space<vmem_shared>> -> memref<10240x128xf32, #tpu.memory_space<vmem_shared>>
    tpu.enqueue_indirect_dma source(%arg10 : memref<125x128xf32, #tpu.memory_space<vmem>>) target(%dma_start3A_292 : memref<10240x128xf32, #tpu.memory_space<vmem_shared>>) offsets(%dma_start3A_289 : memref<125xi32, #tpu.memory_space<vmem>>) semaphore(%arg13 : memref<!tpu.dma_semaphore, #tpu.memory_space<semaphore_mem>>) {add = true}
    %dma_wait3A_293 = arith.constant 6 : i32
    %dma_wait3A_294 = arith.constant 0 : i32
    %dma_wait3A_295 = tpu.memref_slice %arg8[%dma_wait3A_293, %dma_wait3A_294] : memref<8x125xi32, #tpu.memory_space<vmem>> -> memref<1x125xi32, #tpu.memory_space<vmem>>
    %dma_wait3A_296 = tpu.memref_squeeze %dma_wait3A_295 : memref<1x125xi32, #tpu.memory_space<vmem>> -> memref<125xi32, #tpu.memory_space<vmem>>
    %dma_wait3A_297 = arith.constant 0 : i32
    %dma_wait3A_298 = arith.constant 0 : i32
    %dma_wait3A_299 = tpu.memref_slice %arg11[%dma_wait3A_297, %dma_wait3A_298] : memref<10240x128xf32, #tpu.memory_space<vmem_shared>> -> memref<10240x128xf32, #tpu.memory_space<vmem_shared>>
    tpu.wait_indirect_dma semaphore(%arg13 : memref<!tpu.dma_semaphore, #tpu.memory_space<semaphore_mem>>) src(%arg9 : memref<125x128xf32, #tpu.memory_space<vmem>>) dst(%dma_wait3A_299 : memref<10240x128xf32, #tpu.memory_space<vmem_shared>>)
    %dma_wait3A_300 = arith.constant 7 : i32
    %dma_wait3A_301 = arith.constant 0 : i32
    %dma_wait3A_302 = tpu.memref_slice %arg8[%dma_wait3A_300, %dma_wait3A_301] : memref<8x125xi32, #tpu.memory_space<vmem>> -> memref<1x125xi32, #tpu.memory_space<vmem>>
    %dma_wait3A_303 = tpu.memref_squeeze %dma_wait3A_302 : memref<1x125xi32, #tpu.memory_space<vmem>> -> memref<125xi32, #tpu.memory_space<vmem>>
    %dma_wait3A_304 = arith.constant 0 : i32
    %dma_wait3A_305 = arith.constant 0 : i32
    %dma_wait3A_306 = tpu.memref_slice %arg11[%dma_wait3A_304, %dma_wait3A_305] : memref<10240x128xf32, #tpu.memory_space<vmem_shared>> -> memref<10240x128xf32, #tpu.memory_space<vmem_shared>>
    tpu.wait_indirect_dma semaphore(%arg13 : memref<!tpu.dma_semaphore, #tpu.memory_space<semaphore_mem>>) src(%arg10 : memref<125x128xf32, #tpu.memory_space<vmem>>) dst(%dma_wait3A_306 : memref<10240x128xf32, #tpu.memory_space<vmem_shared>>)
    %barrier3A_307 = arith.constant 0 : index
    tpu.barrier barrier_id(%barrier3A_307)
    %mul3A_308 = arith.constant 640 : i32
    %mul3A_309 = arith.muli %arg1, %mul3A_308 : i32
    %mul3A_310 = arith.constant 640 : i32
    %mul3A_311 = arith.muli %arg1, %mul3A_310 : i32
    "tpu.region"() ({
      %run_scoped3A_312 = tpu.sem_alloc : memref<!tpu.dma_semaphore, #tpu.memory_space<semaphore_mem>>
      %dma_start3A_313 = arith.constant 0 : i32
      %dma_start3A_314 = tpu.memref_slice %arg5[%arg0, %mul3A_311, %dma_start3A_313] : memref<2x10240x128xf32, #tpu.memory_space<hbm>> -> memref<1x640x128xf32, #tpu.memory_space<hbm>>
      %dma_start3A_315 = tpu.memref_squeeze %dma_start3A_314 : memref<1x640x128xf32, #tpu.memory_space<hbm>> -> memref<640x128xf32, #tpu.memory_space<hbm>>
      %dma_start3A_316 = arith.constant 0 : i32
      %dma_start3A_317 = tpu.memref_slice %arg11[%mul3A_309, %dma_start3A_316] : memref<10240x128xf32, #tpu.memory_space<vmem_shared>> -> memref<640x128xf32, #tpu.memory_space<vmem_shared>>
      tpu.enqueue_dma source(%dma_start3A_317 : memref<640x128xf32, #tpu.memory_space<vmem_shared>>) target(%dma_start3A_315 : memref<640x128xf32, #tpu.memory_space<hbm>>) target_semaphore(%run_scoped3A_312 : memref<!tpu.dma_semaphore, #tpu.memory_space<semaphore_mem>>)
      %dma_wait3A_318 = arith.constant 0 : i32
      %dma_wait3A_319 = tpu.memref_slice %arg5[%arg0, %mul3A_311, %dma_wait3A_318] : memref<2x10240x128xf32, #tpu.memory_space<hbm>> -> memref<1x640x128xf32, #tpu.memory_space<hbm>>
      %dma_wait3A_320 = tpu.memref_squeeze %dma_wait3A_319 : memref<1x640x128xf32, #tpu.memory_space<hbm>> -> memref<640x128xf32, #tpu.memory_space<hbm>>
      %dma_wait3A_321 = arith.constant 0 : i32
      %dma_wait3A_322 = tpu.memref_slice %arg11[%mul3A_309, %dma_wait3A_321] : memref<10240x128xf32, #tpu.memory_space<vmem_shared>> -> memref<640x128xf32, #tpu.memory_space<vmem_shared>>
      tpu.wait_dma2 semaphore(%run_scoped3A_312 : memref<!tpu.dma_semaphore, #tpu.memory_space<semaphore_mem>>) src(%dma_wait3A_322 : memref<640x128xf32, #tpu.memory_space<vmem_shared>>) dst(%dma_wait3A_320 : memref<640x128xf32, #tpu.memory_space<hbm>>)
      tpu.yield
    }) : () -> ()
    return
  }
}

module attributes {stable_mosaic.version = 14 : i64} {
  func.func @_mlp2_body(%arg0: i32, %arg1: memref<2000x128xf32, #tpu.memory_space<vmem>>, %arg2: memref<2x2000x128xf32, #tpu.memory_space<vmem>>, %arg3: memref<128x256xf32, #tpu.memory_space<vmem>>, %arg4: memref<1x256xf32, #tpu.memory_space<vmem>>, %arg5: memref<256x256xf32, #tpu.memory_space<vmem>>, %arg6: memref<1x256xf32, #tpu.memory_space<vmem>>, %arg7: memref<256x128xf32, #tpu.memory_space<vmem>>, %arg8: memref<1x128xf32, #tpu.memory_space<vmem>>, %arg9: memref<2000x128xf32, #tpu.memory_space<vmem>>) attributes {dimension_semantics = [#tpu.dimension_semantics<arbitrary>], iteration_bounds = array<i64: 5>, scalar_prefetch = 0 : i64, scratch_operands = 0 : i64, tpu.core_type = #tpu.core_type<tc>, window_params = [{transform_indices = @transform_0, window_bounds = array<i64: 2000, 128>}, {transform_indices = @transform_1, window_bounds = array<i64: 2, 2000, 128>}, {pipeline_mode = #tpu.pipeline_mode<synchronous>, transform_indices = @transform_2, window_bounds = array<i64: 128, 256>}, {pipeline_mode = #tpu.pipeline_mode<synchronous>, transform_indices = @transform_3, window_bounds = array<i64: 1, 256>}, {pipeline_mode = #tpu.pipeline_mode<synchronous>, transform_indices = @transform_4, window_bounds = array<i64: 256, 256>}, {pipeline_mode = #tpu.pipeline_mode<synchronous>, transform_indices = @transform_5, window_bounds = array<i64: 1, 256>}, {pipeline_mode = #tpu.pipeline_mode<synchronous>, transform_indices = @transform_6, window_bounds = array<i64: 256, 128>}, {pipeline_mode = #tpu.pipeline_mode<synchronous>, transform_indices = @transform_7, window_bounds = array<i64: 1, 128>}, {transform_indices = @transform_8, window_bounds = array<i64: 2000, 128>}]} {
    %get3A = arith.constant 0 : index
    %get3A_0 = arith.constant 0 : index
    %get3A_1 = vector.load %arg1[%get3A, %get3A_0] : memref<2000x128xf32, #tpu.memory_space<vmem>>, vector<2000x128xf32>
    %get3A_2 = arith.constant 0 : index
    %get3A_3 = arith.constant 0 : index
    %get3A_4 = arith.constant 0 : index
    %get3A_5 = vector.load %arg2[%get3A_2, %get3A_3, %get3A_4] : memref<2x2000x128xf32, #tpu.memory_space<vmem>>, vector<1x2000x128xf32>
    %get3A_6 = vector.shape_cast %get3A_5 : vector<1x2000x128xf32> to vector<2000x128xf32>
    %add3A = arith.addf %get3A_1, %get3A_6 : vector<2000x128xf32>
    %get3A_7 = arith.constant 1 : index
    %get3A_8 = arith.constant 0 : index
    %get3A_9 = arith.constant 0 : index
    %get3A_10 = vector.load %arg2[%get3A_7, %get3A_8, %get3A_9] : memref<2x2000x128xf32, #tpu.memory_space<vmem>>, vector<1x2000x128xf32>
    %get3A_11 = vector.shape_cast %get3A_10 : vector<1x2000x128xf32> to vector<2000x128xf32>
    %add3A_12 = arith.addf %add3A, %get3A_11 : vector<2000x128xf32>
    %get3A_13 = arith.constant 0 : index
    %get3A_14 = arith.constant 0 : index
    %get3A_15 = vector.load %arg3[%get3A_13, %get3A_14] : memref<128x256xf32, #tpu.memory_space<vmem>>, vector<128x256xf32>
    %dot_general3A = arith.constant dense<0.000000e+00> : vector<2000x256xf32>
    %dot_general3A_16 = tpu.matmul %add3A_12, %get3A_15, %dot_general3A {dimension_numbers = #tpu.dot_dimension_numbers<[1], [0], [0], [1], [0, 0, 1, 1], [], []>, transpose_lhs_hint = false} : vector<2000x128xf32>, vector<128x256xf32>, vector<2000x256xf32> -> vector<2000x256xf32>
    %get3A_17 = arith.constant 0 : index
    %get3A_18 = arith.constant 0 : index
    %get3A_19 = vector.load %arg4[%get3A_17, %get3A_18] : memref<1x256xf32, #tpu.memory_space<vmem>>, vector<1x256xf32>
    %add3A_20 = vector.broadcast %get3A_19 : vector<1x256xf32> to vector<2000x256xf32>
    %add3A_21 = arith.addf %dot_general3A_16, %add3A_20 : vector<2000x256xf32>
    %max3A = arith.constant 0.000000e+00 : f32
    %max3A_22 = vector.broadcast %max3A : f32 to vector<2000x256xf32>
    %max3A_23 = arith.maximumf %add3A_21, %max3A_22 : vector<2000x256xf32>
    %get3A_24 = arith.constant 0 : index
    %get3A_25 = arith.constant 0 : index
    %get3A_26 = vector.load %arg5[%get3A_24, %get3A_25] : memref<256x256xf32, #tpu.memory_space<vmem>>, vector<256x256xf32>
    %dot_general3A_27 = arith.constant dense<0.000000e+00> : vector<2000x256xf32>
    %dot_general3A_28 = tpu.matmul %max3A_23, %get3A_26, %dot_general3A_27 {dimension_numbers = #tpu.dot_dimension_numbers<[1], [0], [0], [1], [0, 0, 1, 1], [], []>, transpose_lhs_hint = false} : vector<2000x256xf32>, vector<256x256xf32>, vector<2000x256xf32> -> vector<2000x256xf32>
    %get3A_29 = arith.constant 0 : index
    %get3A_30 = arith.constant 0 : index
    %get3A_31 = vector.load %arg6[%get3A_29, %get3A_30] : memref<1x256xf32, #tpu.memory_space<vmem>>, vector<1x256xf32>
    %add3A_32 = vector.broadcast %get3A_31 : vector<1x256xf32> to vector<2000x256xf32>
    %add3A_33 = arith.addf %dot_general3A_28, %add3A_32 : vector<2000x256xf32>
    %max3A_34 = arith.constant 0.000000e+00 : f32
    %max3A_35 = vector.broadcast %max3A_34 : f32 to vector<2000x256xf32>
    %max3A_36 = arith.maximumf %add3A_33, %max3A_35 : vector<2000x256xf32>
    %get3A_37 = arith.constant 0 : index
    %get3A_38 = arith.constant 0 : index
    %get3A_39 = vector.load %arg7[%get3A_37, %get3A_38] : memref<256x128xf32, #tpu.memory_space<vmem>>, vector<256x128xf32>
    %dot_general3A_40 = arith.constant dense<0.000000e+00> : vector<2000x128xf32>
    %dot_general3A_41 = tpu.matmul %max3A_36, %get3A_39, %dot_general3A_40 {dimension_numbers = #tpu.dot_dimension_numbers<[1], [0], [0], [1], [0, 0, 1, 1], [], []>, transpose_lhs_hint = false} : vector<2000x256xf32>, vector<256x128xf32>, vector<2000x128xf32> -> vector<2000x128xf32>
    %get3A_42 = arith.constant 0 : index
    %get3A_43 = arith.constant 0 : index
    %get3A_44 = vector.load %arg8[%get3A_42, %get3A_43] : memref<1x128xf32, #tpu.memory_space<vmem>>, vector<1x128xf32>
    %add3A_45 = vector.broadcast %get3A_44 : vector<1x128xf32> to vector<2000x128xf32>
    %add3A_46 = arith.addf %dot_general3A_41, %add3A_45 : vector<2000x128xf32>
    %swap3A = arith.constant 0 : index
    %swap3A_47 = arith.constant 0 : index
    %swap3A_48 = vector.load %arg9[%swap3A, %swap3A_47] : memref<2000x128xf32, #tpu.memory_space<vmem>>, vector<2000x128xf32>
    tpu.vector_store %arg9[%swap3A, %swap3A_47], %add3A_46 {strides = array<i32>} : memref<2000x128xf32, #tpu.memory_space<vmem>>, vector<2000x128xf32>,
    return
  }
  func.func @transform_0(%arg0: i32) -> (i32, i32) {
    %c0_i32 = arith.constant 0 : i32
    %c0_i32_0 = arith.constant 0 : i32
    return %arg0, %c0_i32 : i32, i32
  }
  func.func @transform_1(%arg0: i32) -> (i32, i32, i32) {
    %c0_i32 = arith.constant 0 : i32
    %c0_i32_0 = arith.constant 0 : i32
    %c0_i32_1 = arith.constant 0 : i32
    return %c0_i32, %arg0, %c0_i32_0 : i32, i32, i32
  }
  func.func @transform_2(%arg0: i32) -> (i32, i32) {
    %c0_i32 = arith.constant 0 : i32
    %c0_i32_0 = arith.constant 0 : i32
    %c0_i32_1 = arith.constant 0 : i32
    return %c0_i32, %c0_i32_0 : i32, i32
  }
  func.func @transform_3(%arg0: i32) -> (i32, i32) {
    %c0_i32 = arith.constant 0 : i32
    %c0_i32_0 = arith.constant 0 : i32
    %c0_i32_1 = arith.constant 0 : i32
    return %c0_i32, %c0_i32_0 : i32, i32
  }
  func.func @transform_4(%arg0: i32) -> (i32, i32) {
    %c0_i32 = arith.constant 0 : i32
    %c0_i32_0 = arith.constant 0 : i32
    %c0_i32_1 = arith.constant 0 : i32
    return %c0_i32, %c0_i32_0 : i32, i32
  }
  func.func @transform_5(%arg0: i32) -> (i32, i32) {
    %c0_i32 = arith.constant 0 : i32
    %c0_i32_0 = arith.constant 0 : i32
    %c0_i32_1 = arith.constant 0 : i32
    return %c0_i32, %c0_i32_0 : i32, i32
  }
  func.func @transform_6(%arg0: i32) -> (i32, i32) {
    %c0_i32 = arith.constant 0 : i32
    %c0_i32_0 = arith.constant 0 : i32
    %c0_i32_1 = arith.constant 0 : i32
    return %c0_i32, %c0_i32_0 : i32, i32
  }
  func.func @transform_7(%arg0: i32) -> (i32, i32) {
    %c0_i32 = arith.constant 0 : i32
    %c0_i32_0 = arith.constant 0 : i32
    %c0_i32_1 = arith.constant 0 : i32
    return %c0_i32, %c0_i32_0 : i32, i32
  }
  func.func @transform_8(%arg0: i32) -> (i32, i32) {
    %c0_i32 = arith.constant 0 : i32
    %c0_i32_0 = arith.constant 0 : i32
    return %arg0, %c0_i32 : i32, i32
  }
}

module attributes {stable_mosaic.version = 14 : i64} {
  func.func @_mlp1_body(%arg0: i32, %arg1: memref<2000x128xf32, #tpu.memory_space<vmem>>, %arg2: memref<2x2000x128xf32, #tpu.memory_space<vmem>>, %arg3: memref<128x128xf32, #tpu.memory_space<vmem>>, %arg4: memref<1x128xf32, #tpu.memory_space<vmem>>, %arg5: memref<128x128xf32, #tpu.memory_space<vmem>>, %arg6: memref<1x128xf32, #tpu.memory_space<vmem>>, %arg7: memref<2000x128xf32, #tpu.memory_space<vmem>>) attributes {dimension_semantics = [#tpu.dimension_semantics<arbitrary>], iteration_bounds = array<i64: 5>, scalar_prefetch = 0 : i64, scratch_operands = 0 : i64, tpu.core_type = #tpu.core_type<tc>, window_params = [{transform_indices = @transform_0, window_bounds = array<i64: 2000, 128>}, {transform_indices = @transform_1, window_bounds = array<i64: 2, 2000, 128>}, {pipeline_mode = #tpu.pipeline_mode<synchronous>, transform_indices = @transform_2, window_bounds = array<i64: 128, 128>}, {pipeline_mode = #tpu.pipeline_mode<synchronous>, transform_indices = @transform_3, window_bounds = array<i64: 1, 128>}, {pipeline_mode = #tpu.pipeline_mode<synchronous>, transform_indices = @transform_4, window_bounds = array<i64: 128, 128>}, {pipeline_mode = #tpu.pipeline_mode<synchronous>, transform_indices = @transform_5, window_bounds = array<i64: 1, 128>}, {transform_indices = @transform_6, window_bounds = array<i64: 2000, 128>}]} {
    %get3A = arith.constant 0 : index
    %get3A_0 = arith.constant 0 : index
    %get3A_1 = vector.load %arg1[%get3A, %get3A_0] : memref<2000x128xf32, #tpu.memory_space<vmem>>, vector<2000x128xf32>
    %get3A_2 = arith.constant 0 : index
    %get3A_3 = arith.constant 0 : index
    %get3A_4 = arith.constant 0 : index
    %get3A_5 = vector.load %arg2[%get3A_2, %get3A_3, %get3A_4] : memref<2x2000x128xf32, #tpu.memory_space<vmem>>, vector<1x2000x128xf32>
    %get3A_6 = vector.shape_cast %get3A_5 : vector<1x2000x128xf32> to vector<2000x128xf32>
    %add3A = arith.addf %get3A_1, %get3A_6 : vector<2000x128xf32>
    %get3A_7 = arith.constant 1 : index
    %get3A_8 = arith.constant 0 : index
    %get3A_9 = arith.constant 0 : index
    %get3A_10 = vector.load %arg2[%get3A_7, %get3A_8, %get3A_9] : memref<2x2000x128xf32, #tpu.memory_space<vmem>>, vector<1x2000x128xf32>
    %get3A_11 = vector.shape_cast %get3A_10 : vector<1x2000x128xf32> to vector<2000x128xf32>
    %add3A_12 = arith.addf %add3A, %get3A_11 : vector<2000x128xf32>
    %get3A_13 = arith.constant 0 : index
    %get3A_14 = arith.constant 0 : index
    %get3A_15 = vector.load %arg3[%get3A_13, %get3A_14] : memref<128x128xf32, #tpu.memory_space<vmem>>, vector<128x128xf32>
    %dot_general3A = arith.constant dense<0.000000e+00> : vector<2000x128xf32>
    %dot_general3A_16 = tpu.matmul %add3A_12, %get3A_15, %dot_general3A {dimension_numbers = #tpu.dot_dimension_numbers<[1], [0], [0], [1], [0, 0, 1, 1], [], []>, transpose_lhs_hint = false} : vector<2000x128xf32>, vector<128x128xf32>, vector<2000x128xf32> -> vector<2000x128xf32>
    %get3A_17 = arith.constant 0 : index
    %get3A_18 = arith.constant 0 : index
    %get3A_19 = vector.load %arg4[%get3A_17, %get3A_18] : memref<1x128xf32, #tpu.memory_space<vmem>>, vector<1x128xf32>
    %add3A_20 = vector.broadcast %get3A_19 : vector<1x128xf32> to vector<2000x128xf32>
    %add3A_21 = arith.addf %dot_general3A_16, %add3A_20 : vector<2000x128xf32>
    %max3A = arith.constant 0.000000e+00 : f32
    %max3A_22 = vector.broadcast %max3A : f32 to vector<2000x128xf32>
    %max3A_23 = arith.maximumf %add3A_21, %max3A_22 : vector<2000x128xf32>
    %get3A_24 = arith.constant 0 : index
    %get3A_25 = arith.constant 0 : index
    %get3A_26 = vector.load %arg5[%get3A_24, %get3A_25] : memref<128x128xf32, #tpu.memory_space<vmem>>, vector<128x128xf32>
    %dot_general3A_27 = arith.constant dense<0.000000e+00> : vector<2000x128xf32>
    %dot_general3A_28 = tpu.matmul %max3A_23, %get3A_26, %dot_general3A_27 {dimension_numbers = #tpu.dot_dimension_numbers<[1], [0], [0], [1], [0, 0, 1, 1], [], []>, transpose_lhs_hint = false} : vector<2000x128xf32>, vector<128x128xf32>, vector<2000x128xf32> -> vector<2000x128xf32>
    %get3A_29 = arith.constant 0 : index
    %get3A_30 = arith.constant 0 : index
    %get3A_31 = vector.load %arg6[%get3A_29, %get3A_30] : memref<1x128xf32, #tpu.memory_space<vmem>>, vector<1x128xf32>
    %add3A_32 = vector.broadcast %get3A_31 : vector<1x128xf32> to vector<2000x128xf32>
    %add3A_33 = arith.addf %dot_general3A_28, %add3A_32 : vector<2000x128xf32>
    %max3A_34 = arith.constant 0.000000e+00 : f32
    %max3A_35 = vector.broadcast %max3A_34 : f32 to vector<2000x128xf32>
    %max3A_36 = arith.maximumf %add3A_33, %max3A_35 : vector<2000x128xf32>
    %swap3A = arith.constant 0 : index
    %swap3A_37 = arith.constant 0 : index
    %swap3A_38 = vector.load %arg7[%swap3A, %swap3A_37] : memref<2000x128xf32, #tpu.memory_space<vmem>>, vector<2000x128xf32>
    tpu.vector_store %arg7[%swap3A, %swap3A_37], %max3A_36 {strides = array<i32>} : memref<2000x128xf32, #tpu.memory_space<vmem>>, vector<2000x128xf32>,
    return
  }
  func.func @transform_0(%arg0: i32) -> (i32, i32) {
    %c0_i32 = arith.constant 0 : i32
    %c0_i32_0 = arith.constant 0 : i32
    return %arg0, %c0_i32 : i32, i32
  }
  func.func @transform_1(%arg0: i32) -> (i32, i32, i32) {
    %c0_i32 = arith.constant 0 : i32
    %c0_i32_0 = arith.constant 0 : i32
    %c0_i32_1 = arith.constant 0 : i32
    return %c0_i32, %arg0, %c0_i32_0 : i32, i32, i32
  }
  func.func @transform_2(%arg0: i32) -> (i32, i32) {
    %c0_i32 = arith.constant 0 : i32
    %c0_i32_0 = arith.constant 0 : i32
    %c0_i32_1 = arith.constant 0 : i32
    return %c0_i32, %c0_i32_0 : i32, i32
  }
  func.func @transform_3(%arg0: i32) -> (i32, i32) {
    %c0_i32 = arith.constant 0 : i32
    %c0_i32_0 = arith.constant 0 : i32
    %c0_i32_1 = arith.constant 0 : i32
    return %c0_i32, %c0_i32_0 : i32, i32
  }
  func.func @transform_4(%arg0: i32) -> (i32, i32) {
    %c0_i32 = arith.constant 0 : i32
    %c0_i32_0 = arith.constant 0 : i32
    %c0_i32_1 = arith.constant 0 : i32
    return %c0_i32, %c0_i32_0 : i32, i32
  }
  func.func @transform_5(%arg0: i32) -> (i32, i32) {
    %c0_i32 = arith.constant 0 : i32
    %c0_i32_0 = arith.constant 0 : i32
    %c0_i32_1 = arith.constant 0 : i32
    return %c0_i32, %c0_i32_0 : i32, i32
  }
  func.func @transform_6(%arg0: i32) -> (i32, i32) {
    %c0_i32 = arith.constant 0 : i32
    %c0_i32_0 = arith.constant 0 : i32
    return %arg0, %c0_i32 : i32, i32
  }
}

</mosaic_0001>

<sc_bundles>
// kernel: kernel.6.cloned.1.call-start
scs
__scs_entry_jumppad:
0x0: {  	(pc) =	sbr.rel $0x88, $3  }
0x1: {  	(tag) =	ssettag $0x0;
	lr =	simm.s32 $0x1  }
0x2: {  	[smem:$0x3F95] =	sst lr;
	_ =	strace $0xD0000000  }
0x3: {  	_ = 	snop  }
0x4: {  	_ = 	snop  }
0x5: {  	_ = 	snop  }
0x6: {  	_ = 	snop  }
0x7: {  	_ = 	snop  }
__scs_overlays_trampoline_lowered:
0x8: {  	[smem:$0x3FA4] =	sst s0  }
0x9: {  	[smem:$0x3FA5] =	sst s1  }
0xa: {  	[smem:$0x3FA6] =	sst s2  }
0xb: {  	[smem:$0x3FA7] =	sst s3  }
0xc: {  	[smem:$0x3FA8] =	sst s4  }
0xd: {  	[smem:$0x3FA9] =	sst s5  }
0xe: {  	[smem:$0x3FAA] =	sst s6  }
0xf: {  	[smem:$0x3FAB] =	sst s7  }
0x10: {  	[smem:$0x3FAC] =	sst s8  }
0x11: {  	[smem:$0x3FAD] =	sst s9;
	s0 =	simm.s32 @!p0 $0x0  }
0x12: {  	s1 =	sld [smem:$0x3F93];
	s0 =	simm.s32 @p0 $0x1  }
0x13: {  	[smem:$0x3FAE] =	sst s0;
	s0 =	simm.s32 @!p1 $0x0  }
0x14: {  	s2 =	sld [smem:$0x3F92];
	s0 =	simm.s32 @p1 $0x1  }
0x15: {  	[smem:$0x3FAF] =	sst s0;
	s0 =	simm.s32 @!p2 $0x0  }
0x16: {  	s3 =	sld [smem:$0x3FDB];
	s0 =	simm.s32 @p2 $0x1  }
0x17: {  	s4 =	simm.s32 $0x1BF5;
	[smem:$0x3FB1] =	sst s0  }
0x18: {  	s0 =	sld [smem:$0x3F94];
	_ =	swait.ge [sflag:s4], $0x0  }
0x19: {  	s7 =	sld [smem:$0x3F95]  }
0x1a: {  	s8 =	sadd.s32 $0xFFFFE003, lr  }
0x1b: {  	s9 =	sadd.s32 $0xFFFFFEF7, lr;
	s5 =	simm.s32 $0xFFFFFFFF;
	p2 =	slt.u32 s8, $0xFFFFF086  }
0x1c: {  	p1 =	slt.u32 s9, $0xF7A;
	s5 =	simm.s32 @!p2 $0x0  }
0x1d: {  	s5 =	simm.s32 @p1 $0x1;
	p0 =	seq.s32 s7, s2  }
0x1e: {  	s7 =	smul.u32 @!p0 $0xF7A, s2;
	p2 =	seq.s32 @!p0 s5, $0x0  }
0x1f: {  	s9 =	smul.u32 $0xF7A, s1;
	s8 =	simm.s32 @!p0 $0x1BF5;
	p2 =	por !p2, p0  }
0x20: {  	[sflag:s8] =	ssyncset.s32 @!p0 $0xFFFFF086;
	s6 =	sadd.s32 @!p0 s3, s7;
	s7 =	simm.s32 @!p0 $0x108  }
0x21: {  	s3 =	sadd.s32 s3, s9;
	s6 =	sadd.s32 @!p0 $0x88, s6;
	s7 =	simm.s32 @p2 $0x1082  }
0x22: {  	[simem:s7], [sflag:s8] =	dma.local @!p0 [hbm:s6], $0xF7A  }
0x23: {  	s9 =	sor.u32 $0xD0000000, s2;
	s6 =	simm.s32 $0x108;
	_ =	swait.ge @!p0 [sflag:s8], $0x0  }
0x24: {  	s3 =	sadd.s32 $0x88, s3;
	s6 =	simm.s32 @!p1 $0x1082;
	[sflag:s4] =	ssyncset.s32 $0xFFFFF086  }
0x25: {  	[simem:s6], [sflag:s4] =	dma.local [hbm:s3], $0xF7A  }
0x26: {  	[smem:$0x3F95] =	sst s1;
	(tag) =	ssettag s2;
	_ =	strace s9  }
0x27: {  	s1 =	sld [smem:$0x3FA5]  }
0x28: {  	s2 =	sld [smem:$0x3FA6]  }
0x29: {  	s4 =	sld [smem:$0x3FA8]  }
0x2a: {  	p0 =	seq.s32 s5, $0x0;
	s5 =	sld [smem:$0x3FA9]  }
0x2b: {  	s6 =	sld [smem:$0x3FAA]  }
0x2c: {  	s7 =	sld [smem:$0x3FAB]  }
0x2d: {  	s3 =	simm.s32 $0x108;
	s8 =	sld [smem:$0x3FAC]  }
0x2e: {  	s3 =	simm.s32 @!p0 $0x1082;
	s9 =	sld [smem:$0x3FAD]  }
0x2f: {  	lr =	sadd.s32 s0, s3;
	s0 =	sld [smem:$0x3FA4]  }
0x30: {  	s3 =	sld [smem:$0x3FA7]  }
0x31: {  	[smem:$0x3FB0] =	sst s10  }
0x32: {  	s10 =	sld [smem:$0x3FAE];
	_ =	sdelay $0x3  }
0x33: {  	p0 =	seq.s32 s10, $0x1;
	s10 =	sld [smem:$0x3FB0];
	_ =	sdelay $0x3  }
0x34: {  	[smem:$0x3FB0] =	sst s10  }
0x35: {  	s10 =	sld [smem:$0x3FAF];
	_ =	sdelay $0x3  }
0x36: {  	p1 =	seq.s32 s10, $0x1;
	s10 =	sld [smem:$0x3FB0];
	_ =	sdelay $0x3  }
0x37: {  	[smem:$0x3FB0] =	sst s10  }
0x38: {  	s10 =	sld [smem:$0x3FB1]  }
0x39: {  	_ = 	snop;
	(pc) =	sbr.ind lr, $3  }
0x3a: {  	_ = 	snop  }
0x3b: {  	_ = 	snop  }
0x3c: {  	p2 =	seq.s32 s10, $0x1;
	s10 =	sld [smem:$0x3FB0]  }
0x3d: {  	_ =	shalt  }
0x3e: {  	_ =	shalt  }
0x3f: {  	_ =	shalt  }
0x40: {  	_ =	shalt  }
0x41: {  	_ =	shalt  }
0x42: {  	_ =	shalt  }
0x43: {  	_ =	shalt  }
0x44: {  	_ =	shalt  }
0x45: {  	_ =	shalt  }
0x46: {  	_ =	shalt  }
0x47: {  	_ =	shalt  }
0x48: {  	_ =	shalt  }
0x49: {  	_ =	shalt  }
0x4a: {  	_ =	shalt  }
0x4b: {  	_ =	shalt  }
0x4c: {  	_ =	shalt  }
0x4d: {  	_ =	shalt  }
0x4e: {  	_ =	shalt  }
0x4f: {  	_ =	shalt  }
0x50: {  	_ =	shalt  }
0x51: {  	_ =	shalt  }
0x52: {  	_ =	shalt  }
0x53: {  	_ =	shalt  }
0x54: {  	_ =	shalt  }
0x55: {  	_ =	shalt  }
0x56: {  	_ =	shalt  }
0x57: {  	_ =	shalt  }
0x58: {  	_ =	shalt  }
0x59: {  	_ =	shalt  }
0x5a: {  	_ =	shalt  }
0x5b: {  	_ =	shalt  }
0x5c: {  	_ =	shalt  }
0x5d: {  	_ =	shalt  }
0x5e: {  	_ =	shalt  }
0x5f: {  	_ =	shalt  }
0x60: {  	_ =	shalt  }
0x61: {  	_ =	shalt  }
0x62: {  	_ =	shalt  }
0x63: {  	_ =	shalt  }
0x64: {  	_ =	shalt  }
0x65: {  	_ =	shalt  }
0x66: {  	_ =	shalt  }
0x67: {  	_ =	shalt  }
0x68: {  	_ =	shalt  }
0x69: {  	_ =	shalt  }
0x6a: {  	_ =	shalt  }
0x6b: {  	_ =	shalt  }
0x6c: {  	_ =	shalt  }
0x6d: {  	_ =	shalt  }
0x6e: {  	_ =	shalt  }
0x6f: {  	_ =	shalt  }
0x70: {  	_ =	shalt  }
0x71: {  	_ =	shalt  }
0x72: {  	_ =	shalt  }
0x73: {  	_ =	shalt  }
0x74: {  	_ =	shalt  }
0x75: {  	_ =	shalt  }
0x76: {  	_ =	shalt  }
0x77: {  	_ =	shalt  }
0x78: {  	_ =	shalt  }
0x79: {  	_ =	shalt  }
0x7a: {  	_ =	shalt  }
0x7b: {  	_ =	shalt  }
0x7c: {  	_ =	shalt  }
0x7d: {  	_ =	shalt  }
0x7e: {  	_ =	shalt  }
0x7f: {  	_ =	shalt  }
0x80: {  	_ =	shalt  }
0x81: {  	_ =	shalt  }
0x82: {  	_ =	shalt  }
0x83: {  	_ =	shalt  }
0x84: {  	_ =	shalt  }
0x85: {  	_ =	shalt  }
0x86: {  	_ =	shalt  }
0x87: {  	_ =	shalt  }
.Lfunc_end0:
.L_simem_size_0:
called_computation_lowered:
.L_overlay_start_0:
0x88: {  	s2 =	sld [smem:$0x3FD9]  }
0x89: {  	s3 =	sld [smem:$0x3FFE];
	_ =	sdelay $0x1  }
0x8a: {  	s1 =	srdreg.scid  }
0x8b: {  	s0 =	sand.u32 $0x1, s1  }
0x8c: {  	s17 =	sshll.u32 s0, $0xA;
	s2 =	sadd.s32 s3, s2  }
0x8d: {  	s2 =	sadd.s32 s2, s17  }
0x8e: {  	[smem:$0x3FBC] =	sst s2  }
0x8f: {  	_ = 	snop  }
0x90: {  	s2 =	sld [smem:$0x3FC9];
	(tm) =	ssettm $0x1  }
0x91: {  	s18 =	sld [smem:$0x3FFB];
	_ =	sdelay $0x3  }
0x92: {  	_ =	strace s18  }
0x93: {  	s3 =	sld [smem:$0x3FFC];
	_ =	sdelay $0x3  }
0x94: {  	_ =	strace s3  }
0x95: {  	s3 =	sld [smem:$0x3FFD];
	_ =	sdelay $0x3  }
0x96: {  	_ =	strace s3  }
0x97: {  	_ =	strace $0x8FFFFFFF  }
0x98: {  	s19 =	sld [smem:$0x3FDB];
	_ =	sdelay $0x1  }
0x99: {  	s4 =	simm.s32 $_scs_section_size  }
0x9a: {  	s5 =	simm.s32 $_size__tile_overlayer_lowered;
	s6 =	simm.s32 $_tile_overlayer_lowered  }
0x9b: {  	s22 =	simm.s32 $0x1BFF;
	s21 =	sshll.u32 s6, $0x1;
	s3 =	sadd.s32 s4, s19  }
0x9c: {  	s7 =	simm.s32 $0x0;
	s20 =	sshll.u32 s5, $0x1;
	s5 =	sadd.s32 s21, s3  }
0x9d: {  	[timem:s7], [sflag:s22] =	dma.local [hbm:s5], s20  }
0x9e: {  	_ =	swait.ge [sflag:s22], s20  }
0x9f: {  	s4 =	ssub.s32 $0x0, s20;
	[sflag:s22] =	ssyncset.done $0x0  }
0xa0: {  	[sflag:s22] =	ssyncadd.s32 s4;
	_ =	sdelay $0x1  }
0xa1: {  	s23 =	simm.s32 $0x1B8B  }
0xa2: {  	_ =	swait.ge [sflag:s23], $0x1  }
0xa3: {  	[sflag:s23] =	ssyncset.done $0x0  }
0xa4: {  	s25 =	simm.s32 $0x1B8E;
	s24 =	sld [smem:$0x3FFE];
	[sflag:s23] =	ssyncadd.s32 $0xFFFFFFFF  }
0xa5: {  	s26 =	simm.s32 $execute0_lowered;
	[smem:$0x3FD2] =	sst s25  }
0xa6: {  	s5 =	sshll.u32 s26, $0x1;
	_ =	strace $0x80000046;
	[dreg:$0x1] =	wrdreg $0xFFFFFFFF  }
0xa7: {  	s28 =	simm.s32 $_size_execute0_lowered;
	s3 =	sadd.s32 s3, s5;
	[dreg:$0x0] =	wrdreg $0x0  }
0xa8: {  	s5 =	sshll.u32 s28, $0x1;
	[dreg:$0x2] =	wrdreg s3  }
0xa9: {  	[dreg:$0x3] =	wrdreg s5  }
0xaa: {  	[dreg:$0x4] =	wrdreg $0xC0  }
0xab: {  	_ =	task [dreg:s7], $0x5FFFF  }
0xac: {  	[dreg:$0x1] =	wrdreg $0xFFFFFFFF  }
0xad: {  	[dreg:$0x0] =	wrdreg $0x60  }
0xae: {  	[dreg:$0x2] =	wrdreg s2  }
0xaf: {  	[dreg:$0x3] =	wrdreg s24  }
0xb0: {  	[dreg:$0x4] =	wrdreg $0xB0000  }
0xb1: {  	[dreg:$0x5] =	wrdreg $0x9  }
0xb2: {  	_ =	task.clear_ibuf [dreg:s7], $0x6FFFF;
	_ =	strace $0x90000046  }
0xb3: {  	s29 =	simm.s32 $0x9;
	_ =	strace $0x80000048  }
0xb4: {  	_ =	swait.ge [sflag:s29], $0x1  }
0xb5: {  	[sflag:s29] =	ssyncadd.s32 $0xFFFFFFFF  }
0xb6: {  	_ =	strace $0x90000048  }
0xb7: {  	_ =	sfence  }
0xb8: {  	s30 =	sld [smem:$0x0];
	_ =	sdelay $0x2  }
0xb9: {  	s31 =	sshll.u32 s1, $0xD;
	s1 =	sshrl.u32 s1, $0x2  }
0xba: {  	s3 =	sand.u32 $0x4000, s31;
	s1 =	sadd.s32 s1, s30  }
0xbb: {  	s0 =	sor.u32 s3, s0;
	s1 =	sshll.u32 s1, $0x11  }
0xbc: {  	s0 =	sor.u32 s1, s0  }
0xbd: {  	s0 =	sadd.s32 $0x8F2B, s0  }
0xbe: {  	[sflag:s0] =	ssyncadd.remote.s32 $0x1  }
0xbf: {  	_ =	sfence.sel $0xFFFF  }
0xc0: {  	[dreg:$0x0] =	wrdreg $0xFFFFFFFF;
	(pc) =	sbr.abs _section_cstart, $3  }
0xc1: {  	[dreg:$0x1] =	wrdreg $0xFFFFFFFF  }
0xc2: {  	_ =	task.clear_ibuf [dreg:s7], $0x2FFFF;
	_ =	strace $0x9FFFFFFF  }
0xc3: {  	(tm) =	ssettm $0x7FFFFFFF  }
tec
execute0_lowered:
.L_overlay_start_1:
0x0: {  	(tag) =	ssettag $0x1  }
0x1: {  	s0 =	rddreg [dreg:$0x0]  }
0x2: {  	s1 =	rddreg [dreg:$0x1];
	s2 =	srdreg.scid  }
0x3: {  	s3 =	rddreg [dreg:$0x2];
	s11 =	stileid.u32  }
0x4: {  	s4 =	simm.s32 $0x0;
	s13 =	simm.s32 $0x5;
	s14 =	simm.s32 $0x2800  }
0x5: {  	s15 =	simm.s32 $0x7D;
	s16 =	simm.s32 $0x3000;
	s28 =	simm.s32 $0x2980  }
0x6: {  	s29 =	simm.s32 $0x2A00;
	s30 =	simm.s32 $0x2A80;
	s31 =	simm.s32 $0x2B00  }
0x7: {  	s2 =	sand.u32 $0x1, s2;
	s6 =	smul.u32 $0x14000, s11;
	[smem:$0x7FF] =	sst s4  }
0x8: {  	s7 =	sshll.u32 s11, $0x1;
	s18 =	sadd.s32 $0x2C00, s1;
	s19 =	smul.u32 $0x50000, s11  }
0x9: {  	s8 =	sadd.s32 $0x16C00, s1;
	s9 =	smul.u32 $0x5000, s11;
	s26 =	sshll.u32 s11, $0x6  }
0xa: {  	s5 =	smul.u32 $0x140000, s2;
	_ =	strace $0x80000047;
	s17 =	sor.u32 s2, s7  }
0xb: {  	[dreg:$0x4] =	wrdreg s8;
	s20 =	ssub.s32 $0x2, s2;
	s2 =	smul.u32 $0x2800, s2  }
0xc: {  	s7 =	simm.s32 $0x2D80;
	s8 =	simm.s32 $0x2E00;
	s10 =	sshrl.u32 s20, $0x1  }
0xd: {  	s5 =	sadd.s32 s6, s5;
	s6 =	smul.u32 $0x2800, s17;
	s21 =	ssub.s32 s20, s10  }
0xe: {  	s2 =	sadd.s32 s2, s9;
	s17 =	simm.s32 $0x2C80;
	s9 =	simm.s32 $0x2E80  }
0xf: {  	s10 =	simm.s32 $0x2F00;
	s20 =	simm.s32 $0x0;
	s5 =	sshrl.u32 s5, $0x3  }
0x10: {  	s24 =	sadd.s32 $0x50800, s2;
	s2 =	sadd.s32 $0x50400, s2;
	s1 =	sadd.s32 s5, s1  }
0x11: {  	s6 =	sshrl.u32 s6, $0x3;
	s5 =	sshrl.u32 s19, $0x2;
	s2 =	sshrl.u32 s2, $0x3  }
0x12: {  	s12 =	sadd.s32 s18, s6;
	s5 =	sadd.s32 s5, s3;
	s1 =	sadd.s32 $0x19400, s1  }
0x13: {  	s6 =	smax.u32 s21, $0x1;
	s25 =	sadd.s32 s2, s18;
	[dreg:$0x5] =	wrdreg s12  }
0x14: {  	s21 =	simm.s32 $0x2C00;
	s2 =	simm.s32 $0x2;
	[dreg:$0x8] =	wrdreg s1  }
0x15: {  	s22 =	sadd.s32 $0xA000, s12;
	s23 =	sadd.s32 $0xA480, s12;
	[dreg:$0x9] =	wrdreg s6  }
0x16: {  	s1 =	sshrl.u32 s24, $0x3;
	[dreg:$0xb] =	wrdreg s25;
	s12 =	sor.u32 $0x1C05, s26  }
0x17: {  	s19 =	sshrl.u32 s5, $0x3;
	s24 =	simm.s32 $0x4;
	[dreg:$0x6] =	wrdreg s22  }
0x18: {  	s26 =	simm.s32 $0x2900;
	s5 =	simm.s32 $0x2D00;
	[dreg:$0x7] =	wrdreg s23  }
0x19: {  	s6 =	simm.s32 $0x2F80;
	s1 =	sadd.s32 s1, s18;
	[dreg:$0xc] =	wrdreg s12  }
0x1a: {  	s18 =	simm.s32 $0x7000;
	s22 =	simm.s32 $0x1;
	[dreg:$0xd] =	wrdreg s19  }
0x1b: {  	s23 =	simm.s32 $0x3;
	[dreg:$0xa] =	wrdreg s1;
	s1 =	simm.s32 $0x2B80  }
.LBB2_1:
0x1c: {  	[dreg:$0xe] =	wrdreg s20  }
0x1d: {  	s11 =	rddreg [dreg:$0x5]  }
0x1e: {  	[tilespmem:s4], [sflag:$0x5] =	stream.linear.gather [hbm4b:s11+s4], $0x2800, $0x38;
	[tilespmem:$0x1F000] =	vst v63  }
0x1f: {  	_ =	swait.ge [sflag:s13], $0x2800  }
0x20: {  	[sflag:s13] =	ssyncset.done $0x0  }
0x21: {  	s20 =	rddreg [dreg:$0x6];
	[sflag:s13] =	ssyncadd.s32 $0xFFFFD800  }
0x22: {  	[tilespmem:s14], [sflag:$0x1] =	stream.linear.gather [hbm4b:s20+s4], $0x400, $0x38;
	[tilespmem:$0x1F000] =	vst v63  }
0x23: {  	_ = 	snop  }
0x24: {  	[tilespmem:s16], [sflag:$0x3] =	stream.indirect.gather [hbm4b:s0+s15], $0x80, s4, s15, $0xb8;
	[tilespmem:$0x1F000] =	vst v63  }
0x25: {  	s25 =	simm.s32 $0x80;
	s20 =	rddreg [dreg:$0x4]  }
0x26: {  	[tilespmem:s18], [sflag:$0x4] =	stream.indirect.gather [hbm4b:s0+s15], $0x80, s25, s15, $0xb8;
	[tilespmem:$0x1F000] =	vst v63  }
0x27: {  	[spmem:s19], [sflag:s12] =	dma.local [hbm:s20], $0x2800  }
0x28: {  	_ =	swait.ge [sflag:s13], $0x2800  }
0x29: {  	[sflag:s13] =	ssyncset.done $0x0  }
0x2a: {  	[sflag:s13] =	ssyncadd.s32 $0xFFFFD800  }
0x2b: {  	[bflag:$0x0] =	sbarrier.arrive $0xFFFF  }
0x2c: {  	s19 =	rddreg [dreg:$0xb]  }
0x2d: {  	[tilespmem:s21], [sflag:$0x2] =	stream.linear.gather [hbm4b:s19+s4], $0x400, $0x38;
	[tilespmem:$0x1F000] =	vst v63  }
0x2e: {  	_ =	swait.ge [sflag:s22], $0x400  }
0x2f: {  	[sflag:s22] =	ssyncset.done $0x0  }
0x30: {  	[sflag:s22] =	ssyncadd.s32 $0xFFFFFC00  }
0x31: {  	_ =	swait.ge [sflag:s23], $0x3E80  }
0x32: {  	[sflag:s23] =	ssyncset.done $0x0  }
0x33: {  	[sflag:s23] =	ssyncadd.s32 $0xFFFFC180  }
0x34: {  	[spmem:s3] =	stream.indirect.scatter.add.f32 [tilespmem:s16], [sflag:$0x5], $0x80, s14, s15, $0xb8;
	[tilespmem:$0x1F000] =	vst v63  }
0x35: {  	_ =	swait.ge [sflag:s13], $0x3E80  }
0x36: {  	[sflag:s13] =	ssyncset.done $0x0  }
0x37: {  	s25 =	simm.s32 $0x100;
	[sflag:s13] =	ssyncadd.s32 $0xFFFFC180  }
0x38: {  	[tilespmem:s16], [sflag:$0x3] =	stream.indirect.gather [hbm4b:s0+s15], $0x80, s25, s15, $0xb8;
	[tilespmem:$0x1F000] =	vst v63  }
0x39: {  	_ =	swait.ge [sflag:s24], $0x3E80  }
0x3a: {  	[sflag:s24] =	ssyncset.done $0x0  }
0x3b: {  	s12 =	simm.s32 $0x2880;
	[sflag:s24] =	ssyncadd.s32 $0xFFFFC180  }
0x3c: {  	[spmem:s3] =	stream.indirect.scatter.add.f32 [tilespmem:s18], [sflag:$0x5], $0x80, s12, s15, $0xb8;
	[tilespmem:$0x1F000] =	vst v63  }
0x3d: {  	_ =	swait.ge [sflag:s13], $0x3E80  }
0x3e: {  	[sflag:s13] =	ssyncset.done $0x0  }
0x3f: {  	s20 =	simm.s32 $0x180;
	[sflag:s13] =	ssyncadd.s32 $0xFFFFC180  }
0x40: {  	[tilespmem:s18], [sflag:$0x4] =	stream.indirect.gather [hbm4b:s0+s15], $0x80, s20, s15, $0xb8;
	[tilespmem:$0x1F000] =	vst v63  }
0x41: {  	_ =	swait.ge [sflag:s23], $0x3E80  }
0x42: {  	[sflag:s23] =	ssyncset.done $0x0  }
0x43: {  	[sflag:s23] =	ssyncadd.s32 $0xFFFFC180  }
0x44: {  	[spmem:s3] =	stream.indirect.scatter.add.f32 [tilespmem:s16], [sflag:$0x5], $0x80, s26, s15, $0xb8;
	[tilespmem:$0x1F000] =	vst v63  }
0x45: {  	_ =	swait.ge [sflag:s13], $0x3E80  }
0x46: {  	[sflag:s13] =	ssyncset.done $0x0  }
0x47: {  	s25 =	simm.s32 $0x200;
	[sflag:s13] =	ssyncadd.s32 $0xFFFFC180  }
0x48: {  	[tilespmem:s16], [sflag:$0x3] =	stream.indirect.gather [hbm4b:s0+s15], $0x80, s25, s15, $0xb8;
	[tilespmem:$0x1F000] =	vst v63  }
0x49: {  	_ =	swait.ge [sflag:s24], $0x3E80  }
0x4a: {  	[sflag:s24] =	ssyncset.done $0x0  }
0x4b: {  	[sflag:s24] =	ssyncadd.s32 $0xFFFFC180  }
0x4c: {  	[spmem:s3] =	stream.indirect.scatter.add.f32 [tilespmem:s18], [sflag:$0x5], $0x80, s28, s15, $0xb8;
	[tilespmem:$0x1F000] =	vst v63  }
0x4d: {  	_ =	swait.ge [sflag:s13], $0x3E80  }
0x4e: {  	[sflag:s13] =	ssyncset.done $0x0  }
0x4f: {  	s12 =	simm.s32 $0x280;
	[sflag:s13] =	ssyncadd.s32 $0xFFFFC180  }
0x50: {  	[tilespmem:s18], [sflag:$0x4] =	stream.indirect.gather [hbm4b:s0+s15], $0x80, s12, s15, $0xb8;
	[tilespmem:$0x1F000] =	vst v63  }
0x51: {  	_ =	swait.ge [sflag:s23], $0x3E80  }
0x52: {  	[sflag:s23] =	ssyncset.done $0x0  }
0x53: {  	[sflag:s23] =	ssyncadd.s32 $0xFFFFC180  }
0x54: {  	[spmem:s3] =	stream.indirect.scatter.add.f32 [tilespmem:s16], [sflag:$0x5], $0x80, s29, s15, $0xb8;
	[tilespmem:$0x1F000] =	vst v63  }
0x55: {  	_ =	swait.ge [sflag:s13], $0x3E80  }
0x56: {  	[sflag:s13] =	ssyncset.done $0x0  }
0x57: {  	s20 =	simm.s32 $0x300;
	[sflag:s13] =	ssyncadd.s32 $0xFFFFC180  }
0x58: {  	[tilespmem:s16], [sflag:$0x3] =	stream.indirect.gather [hbm4b:s0+s15], $0x80, s20, s15, $0xb8;
	[tilespmem:$0x1F000] =	vst v63  }
0x59: {  	_ =	swait.ge [sflag:s24], $0x3E80  }
0x5a: {  	[sflag:s24] =	ssyncset.done $0x0  }
0x5b: {  	[sflag:s24] =	ssyncadd.s32 $0xFFFFC180  }
0x5c: {  	[spmem:s3] =	stream.indirect.scatter.add.f32 [tilespmem:s18], [sflag:$0x5], $0x80, s30, s15, $0xb8;
	[tilespmem:$0x1F000] =	vst v63  }
0x5d: {  	_ =	swait.ge [sflag:s13], $0x3E80  }
0x5e: {  	[sflag:s13] =	ssyncset.done $0x0  }
0x5f: {  	s25 =	simm.s32 $0x380;
	[sflag:s13] =	ssyncadd.s32 $0xFFFFC180  }
0x60: {  	[tilespmem:s18], [sflag:$0x4] =	stream.indirect.gather [hbm4b:s0+s15], $0x80, s25, s15, $0xb8;
	[tilespmem:$0x1F000] =	vst v63  }
0x61: {  	_ =	swait.ge [sflag:s23], $0x3E80  }
0x62: {  	[sflag:s23] =	ssyncset.done $0x0  }
0x63: {  	[sflag:s23] =	ssyncadd.s32 $0xFFFFC180  }
0x64: {  	[spmem:s3] =	stream.indirect.scatter.add.f32 [tilespmem:s16], [sflag:$0x5], $0x80, s31, s15, $0xb8;
	[tilespmem:$0x1F000] =	vst v63  }
0x65: {  	_ =	swait.ge [sflag:s13], $0x3E80  }
0x66: {  	[sflag:s13] =	ssyncset.done $0x0  }
0x67: {  	s12 =	simm.s32 $0x400;
	[sflag:s13] =	ssyncadd.s32 $0xFFFFC180  }
0x68: {  	[tilespmem:s16], [sflag:$0x3] =	stream.indirect.gather [hbm4b:s0+s15], $0x80, s12, s15, $0xb8;
	[tilespmem:$0x1F000] =	vst v63  }
0x69: {  	_ =	swait.ge [sflag:s24], $0x3E80  }
0x6a: {  	[sflag:s24] =	ssyncset.done $0x0  }
0x6b: {  	[sflag:s24] =	ssyncadd.s32 $0xFFFFC180  }
0x6c: {  	[spmem:s3] =	stream.indirect.scatter.add.f32 [tilespmem:s18], [sflag:$0x5], $0x80, s1, s15, $0xb8;
	[tilespmem:$0x1F000] =	vst v63  }
0x6d: {  	_ =	swait.ge [sflag:s13], $0x3E80  }
0x6e: {  	[sflag:s13] =	ssyncset.done $0x0  }
0x6f: {  	s20 =	simm.s32 $0x480;
	[sflag:s13] =	ssyncadd.s32 $0xFFFFC180  }
0x70: {  	[tilespmem:s18], [sflag:$0x4] =	stream.indirect.gather [hbm4b:s0+s15], $0x80, s20, s15, $0xb8;
	[tilespmem:$0x1F000] =	vst v63  }
0x71: {  	s20 =	rddreg [dreg:$0xa]  }
0x72: {  	[tilespmem:s14], [sflag:$0x1] =	stream.linear.gather [hbm4b:s20+s4], $0x400, $0x38;
	[tilespmem:$0x1F000] =	vst v63  }
0x73: {  	_ =	swait.ge [sflag:s2], $0x400  }
0x74: {  	[sflag:s2] =	ssyncset.done $0x0  }
0x75: {  	[sflag:s2] =	ssyncadd.s32 $0xFFFFFC00  }
0x76: {  	_ =	swait.ge [sflag:s23], $0x3E80  }
0x77: {  	[sflag:s23] =	ssyncset.done $0x0  }
0x78: {  	[sflag:s23] =	ssyncadd.s32 $0xFFFFC180  }
0x79: {  	[spmem:s3] =	stream.indirect.scatter.add.f32 [tilespmem:s16], [sflag:$0x5], $0x80, s21, s15, $0xb8;
	[tilespmem:$0x1F000] =	vst v63  }
0x7a: {  	_ =	swait.ge [sflag:s13], $0x3E80  }
0x7b: {  	[sflag:s13] =	ssyncset.done $0x0  }
0x7c: {  	s25 =	simm.s32 $0x500;
	[sflag:s13] =	ssyncadd.s32 $0xFFFFC180  }
0x7d: {  	[tilespmem:s16], [sflag:$0x3] =	stream.indirect.gather [hbm4b:s0+s15], $0x80, s25, s15, $0xb8;
	[tilespmem:$0x1F000] =	vst v63  }
0x7e: {  	_ =	swait.ge [sflag:s24], $0x3E80  }
0x7f: {  	[sflag:s24] =	ssyncset.done $0x0  }
0x80: {  	[sflag:s24] =	ssyncadd.s32 $0xFFFFC180  }
0x81: {  	[spmem:s3] =	stream.indirect.scatter.add.f32 [tilespmem:s18], [sflag:$0x5], $0x80, s17, s15, $0xb8;
	[tilespmem:$0x1F000] =	vst v63  }
0x82: {  	_ =	swait.ge [sflag:s13], $0x3E80  }
0x83: {  	[sflag:s13] =	ssyncset.done $0x0  }
0x84: {  	s12 =	simm.s32 $0x580;
	[sflag:s13] =	ssyncadd.s32 $0xFFFFC180  }
0x85: {  	[tilespmem:s18], [sflag:$0x4] =	stream.indirect.gather [hbm4b:s0+s15], $0x80, s12, s15, $0xb8;
	[tilespmem:$0x1F000] =	vst v63  }
0x86: {  	_ =	swait.ge [sflag:s23], $0x3E80  }
0x87: {  	[sflag:s23] =	ssyncset.done $0x0  }
0x88: {  	[sflag:s23] =	ssyncadd.s32 $0xFFFFC180  }
0x89: {  	[spmem:s3] =	stream.indirect.scatter.add.f32 [tilespmem:s16], [sflag:$0x5], $0x80, s5, s15, $0xb8;
	[tilespmem:$0x1F000] =	vst v63  }
0x8a: {  	_ =	swait.ge [sflag:s13], $0x3E80  }
0x8b: {  	[sflag:s13] =	ssyncset.done $0x0  }
0x8c: {  	s25 =	simm.s32 $0x600;
	[sflag:s13] =	ssyncadd.s32 $0xFFFFC180  }
0x8d: {  	[tilespmem:s16], [sflag:$0x3] =	stream.indirect.gather [hbm4b:s0+s15], $0x80, s25, s15, $0xb8;
	[tilespmem:$0x1F000] =	vst v63  }
0x8e: {  	_ =	swait.ge [sflag:s24], $0x3E80  }
0x8f: {  	[sflag:s24] =	ssyncset.done $0x0  }
0x90: {  	[sflag:s24] =	ssyncadd.s32 $0xFFFFC180  }
0x91: {  	[spmem:s3] =	stream.indirect.scatter.add.f32 [tilespmem:s18], [sflag:$0x5], $0x80, s7, s15, $0xb8;
	[tilespmem:$0x1F000] =	vst v63  }
0x92: {  	_ =	swait.ge [sflag:s13], $0x3E80  }
0x93: {  	[sflag:s13] =	ssyncset.done $0x0  }
0x94: {  	s12 =	simm.s32 $0x680;
	[sflag:s13] =	ssyncadd.s32 $0xFFFFC180  }
0x95: {  	[tilespmem:s18], [sflag:$0x4] =	stream.indirect.gather [hbm4b:s0+s15], $0x80, s12, s15, $0xb8;
	[tilespmem:$0x1F000] =	vst v63  }
0x96: {  	_ =	swait.ge [sflag:s23], $0x3E80  }
0x97: {  	[sflag:s23] =	ssyncset.done $0x0  }
0x98: {  	[sflag:s23] =	ssyncadd.s32 $0xFFFFC180  }
0x99: {  	[spmem:s3] =	stream.indirect.scatter.add.f32 [tilespmem:s16], [sflag:$0x5], $0x80, s8, s15, $0xb8;
	[tilespmem:$0x1F000] =	vst v63  }
0x9a: {  	_ =	swait.ge [sflag:s13], $0x3E80  }
0x9b: {  	[sflag:s13] =	ssyncset.done $0x0  }
0x9c: {  	s25 =	simm.s32 $0x700;
	[sflag:s13] =	ssyncadd.s32 $0xFFFFC180  }
0x9d: {  	[tilespmem:s16], [sflag:$0x3] =	stream.indirect.gather [hbm4b:s0+s15], $0x80, s25, s15, $0xb8;
	[tilespmem:$0x1F000] =	vst v63  }
0x9e: {  	_ =	swait.ge [sflag:s24], $0x3E80  }
0x9f: {  	[sflag:s24] =	ssyncset.done $0x0  }
0xa0: {  	[sflag:s24] =	ssyncadd.s32 $0xFFFFC180  }
0xa1: {  	[spmem:s3] =	stream.indirect.scatter.add.f32 [tilespmem:s18], [sflag:$0x5], $0x80, s9, s15, $0xb8;
	[tilespmem:$0x1F000] =	vst v63  }
0xa2: {  	_ =	swait.ge [sflag:s13], $0x3E80  }
0xa3: {  	[sflag:s13] =	ssyncset.done $0x0  }
0xa4: {  	s12 =	simm.s32 $0x780;
	[sflag:s13] =	ssyncadd.s32 $0xFFFFC180  }
0xa5: {  	[tilespmem:s18], [sflag:$0x4] =	stream.indirect.gather [hbm4b:s0+s15], $0x80, s12, s15, $0xb8;
	[tilespmem:$0x1F000] =	vst v63  }
0xa6: {  	_ =	swait.ge [sflag:s23], $0x3E80  }
0xa7: {  	[sflag:s23] =	ssyncset.done $0x0  }
0xa8: {  	[sflag:s23] =	ssyncadd.s32 $0xFFFFC180  }
0xa9: {  	[spmem:s3] =	stream.indirect.scatter.add.f32 [tilespmem:s16], [sflag:$0x5], $0x80, s10, s15, $0xb8;
	[tilespmem:$0x1F000] =	vst v63  }
0xaa: {  	_ =	swait.ge [sflag:s13], $0x3E80  }
0xab: {  	[sflag:s13] =	ssyncset.done $0x0  }
0xac: {  	s25 =	simm.s32 $0x800;
	[sflag:s13] =	ssyncadd.s32 $0xFFFFC180  }
0xad: {  	[tilespmem:s16], [sflag:$0x3] =	stream.indirect.gather [hbm4b:s0+s15], $0x80, s25, s15, $0xb8;
	[tilespmem:$0x1F000] =	vst v63  }
0xae: {  	_ =	swait.ge [sflag:s24], $0x3E80  }
0xaf: {  	[sflag:s24] =	ssyncset.done $0x0  }
0xb0: {  	[sflag:s24] =	ssyncadd.s32 $0xFFFFC180  }
0xb1: {  	[spmem:s3] =	stream.indirect.scatter.add.f32 [tilespmem:s18], [sflag:$0x5], $0x80, s6, s15, $0xb8;
	[tilespmem:$0x1F000] =	vst v63  }
0xb2: {  	_ =	swait.ge [sflag:s13], $0x3E80  }
0xb3: {  	s11 =	simm.s32 $0x880;
	s19 =	sadd.s32 $0x100, s19;
	[sflag:s13] =	ssyncset.done $0x0  }
0xb4: {  	s20 =	sadd.s32 $0x100, s20;
	s12 =	simm.s32 $0x2000;
	[sflag:s13] =	ssyncadd.s32 $0xFFFFC180  }
.LBB2_2:
0xb5: {  	[tilespmem:s18], [sflag:$0x4] =	stream.indirect.gather [hbm4b:s0+s15], $0x80, s11, s15, $0xb8;
	[tilespmem:$0x1F000] =	vst v63  }
0xb6: {  	p0 =	sne.s32 s12, $0x6000;
	s11 =	smov.u32 s12;
	s12 =	sadd.s32 $0x2000, s12  }
0xb7: {  	[tilespmem:s21], [sflag:$0x2] =	stream.linear.gather [hbm4b:s19+s4], $0x400, $0x38;
	[tilespmem:$0x1F000] =	vst v63  }
0xb8: {  	_ =	swait.ge [sflag:s22], $0x400  }
0xb9: {  	[sflag:s22] =	ssyncset.done $0x0  }
0xba: {  	[sflag:s22] =	ssyncadd.s32 $0xFFFFFC00  }
0xbb: {  	_ =	swait.ge [sflag:s23], $0x3E80  }
0xbc: {  	[sflag:s23] =	ssyncset.done $0x0  }
0xbd: {  	[sflag:s23] =	ssyncadd.s32 $0xFFFFC180  }
0xbe: {  	[spmem:s3] =	stream.indirect.scatter.add.f32 [tilespmem:s16], [sflag:$0x5], $0x80, s14, s15, $0xb8;
	[tilespmem:$0x1F000] =	vst v63  }
0xbf: {  	_ =	swait.ge [sflag:s13], $0x3E80  }
0xc0: {  	s11 =	sshra.s32 s11, $0x2;
	[sflag:s13] =	ssyncset.done $0x0  }
0xc1: {  	s25 =	sadd.s32 $0x100, s11;
	[sflag:s13] =	ssyncadd.s32 $0xFFFFC180  }
0xc2: {  	[tilespmem:s16], [sflag:$0x3] =	stream.indirect.gather [hbm4b:s0+s15], $0x80, s25, s15, $0xb8;
	[tilespmem:$0x1F000] =	vst v63  }
0xc3: {  	_ =	swait.ge [sflag:s24], $0x3E80  }
0xc4: {  	[sflag:s24] =	ssyncset.done $0x0  }
0xc5: {  	s25 =	simm.s32 $0x2880;
	[sflag:s24] =	ssyncadd.s32 $0xFFFFC180  }
0xc6: {  	[spmem:s3] =	stream.indirect.scatter.add.f32 [tilespmem:s18], [sflag:$0x5], $0x80, s25, s15, $0xb8;
	[tilespmem:$0x1F000] =	vst v63  }
0xc7: {  	_ =	swait.ge [sflag:s13], $0x3E80  }
0xc8: {  	[sflag:s13] =	ssyncset.done $0x0  }
0xc9: {  	s25 =	sadd.s32 $0x180, s11;
	[sflag:s13] =	ssyncadd.s32 $0xFFFFC180  }
0xca: {  	[tilespmem:s18], [sflag:$0x4] =	stream.indirect.gather [hbm4b:s0+s15], $0x80, s25, s15, $0xb8;
	[tilespmem:$0x1F000] =	vst v63  }
0xcb: {  	_ =	swait.ge [sflag:s23], $0x3E80  }
0xcc: {  	[sflag:s23] =	ssyncset.done $0x0  }
0xcd: {  	[sflag:s23] =	ssyncadd.s32 $0xFFFFC180  }
0xce: {  	[spmem:s3] =	stream.indirect.scatter.add.f32 [tilespmem:s16], [sflag:$0x5], $0x80, s26, s15, $0xb8;
	[tilespmem:$0x1F000] =	vst v63  }
0xcf: {  	_ =	swait.ge [sflag:s13], $0x3E80  }
0xd0: {  	[sflag:s13] =	ssyncset.done $0x0  }
0xd1: {  	s25 =	sadd.s32 $0x200, s11;
	[sflag:s13] =	ssyncadd.s32 $0xFFFFC180  }
0xd2: {  	[tilespmem:s16], [sflag:$0x3] =	stream.indirect.gather [hbm4b:s0+s15], $0x80, s25, s15, $0xb8;
	[tilespmem:$0x1F000] =	vst v63  }
0xd3: {  	_ =	swait.ge [sflag:s24], $0x3E80  }
0xd4: {  	[sflag:s24] =	ssyncset.done $0x0  }
0xd5: {  	[sflag:s24] =	ssyncadd.s32 $0xFFFFC180  }
0xd6: {  	[spmem:s3] =	stream.indirect.scatter.add.f32 [tilespmem:s18], [sflag:$0x5], $0x80, s28, s15, $0xb8;
	[tilespmem:$0x1F000] =	vst v63  }
0xd7: {  	_ =	swait.ge [sflag:s13], $0x3E80  }
0xd8: {  	[sflag:s13] =	ssyncset.done $0x0  }
0xd9: {  	s25 =	sadd.s32 $0x280, s11;
	[sflag:s13] =	ssyncadd.s32 $0xFFFFC180  }
0xda: {  	[tilespmem:s18], [sflag:$0x4] =	stream.indirect.gather [hbm4b:s0+s15], $0x80, s25, s15, $0xb8;
	[tilespmem:$0x1F000] =	vst v63  }
0xdb: {  	_ =	swait.ge [sflag:s23], $0x3E80  }
0xdc: {  	[sflag:s23] =	ssyncset.done $0x0  }
0xdd: {  	[sflag:s23] =	ssyncadd.s32 $0xFFFFC180  }
0xde: {  	[spmem:s3] =	stream.indirect.scatter.add.f32 [tilespmem:s16], [sflag:$0x5], $0x80, s29, s15, $0xb8;
	[tilespmem:$0x1F000] =	vst v63  }
0xdf: {  	_ =	swait.ge [sflag:s13], $0x3E80  }
0xe0: {  	[sflag:s13] =	ssyncset.done $0x0  }
0xe1: {  	s25 =	sadd.s32 $0x300, s11;
	[sflag:s13] =	ssyncadd.s32 $0xFFFFC180  }
0xe2: {  	[tilespmem:s16], [sflag:$0x3] =	stream.indirect.gather [hbm4b:s0+s15], $0x80, s25, s15, $0xb8;
	[tilespmem:$0x1F000] =	vst v63  }
0xe3: {  	_ =	swait.ge [sflag:s24], $0x3E80  }
0xe4: {  	[sflag:s24] =	ssyncset.done $0x0  }
0xe5: {  	[sflag:s24] =	ssyncadd.s32 $0xFFFFC180  }
0xe6: {  	[spmem:s3] =	stream.indirect.scatter.add.f32 [tilespmem:s18], [sflag:$0x5], $0x80, s30, s15, $0xb8;
	[tilespmem:$0x1F000] =	vst v63  }
0xe7: {  	_ =	swait.ge [sflag:s13], $0x3E80  }
0xe8: {  	[sflag:s13] =	ssyncset.done $0x0  }
0xe9: {  	s25 =	sadd.s32 $0x380, s11;
	[sflag:s13] =	ssyncadd.s32 $0xFFFFC180  }
0xea: {  	[tilespmem:s18], [sflag:$0x4] =	stream.indirect.gather [hbm4b:s0+s15], $0x80, s25, s15, $0xb8;
	[tilespmem:$0x1F000] =	vst v63  }
0xeb: {  	_ =	swait.ge [sflag:s23], $0x3E80  }
0xec: {  	[sflag:s23] =	ssyncset.done $0x0  }
0xed: {  	[sflag:s23] =	ssyncadd.s32 $0xFFFFC180  }
0xee: {  	[spmem:s3] =	stream.indirect.scatter.add.f32 [tilespmem:s16], [sflag:$0x5], $0x80, s31, s15, $0xb8;
	[tilespmem:$0x1F000] =	vst v63  }
0xef: {  	_ =	swait.ge [sflag:s13], $0x3E80  }
0xf0: {  	[sflag:s13] =	ssyncset.done $0x0  }
0xf1: {  	s25 =	sadd.s32 $0x400, s11;
	[sflag:s13] =	ssyncadd.s32 $0xFFFFC180  }
0xf2: {  	[tilespmem:s16], [sflag:$0x3] =	stream.indirect.gather [hbm4b:s0+s15], $0x80, s25, s15, $0xb8;
	[tilespmem:$0x1F000] =	vst v63  }
0xf3: {  	_ =	swait.ge [sflag:s24], $0x3E80  }
0xf4: {  	[sflag:s24] =	ssyncset.done $0x0  }
0xf5: {  	[sflag:s24] =	ssyncadd.s32 $0xFFFFC180  }
0xf6: {  	[spmem:s3] =	stream.indirect.scatter.add.f32 [tilespmem:s18], [sflag:$0x5], $0x80, s1, s15, $0xb8;
	[tilespmem:$0x1F000] =	vst v63  }
0xf7: {  	_ =	swait.ge [sflag:s13], $0x3E80  }
0xf8: {  	[sflag:s13] =	ssyncset.done $0x0  }
0xf9: {  	s25 =	sadd.s32 $0x480, s11;
	[sflag:s13] =	ssyncadd.s32 $0xFFFFC180  }
0xfa: {  	[tilespmem:s18], [sflag:$0x4] =	stream.indirect.gather [hbm4b:s0+s15], $0x80, s25, s15, $0xb8;
	[tilespmem:$0x1F000] =	vst v63  }
0xfb: {  	_ = 	snop  }
0xfc: {  	[tilespmem:s14], [sflag:$0x1] =	stream.linear.gather [hbm4b:s20+s4], $0x400, $0x38;
	[tilespmem:$0x1F000] =	vst v63  }
0xfd: {  	_ =	swait.ge [sflag:s2], $0x400  }
0xfe: {  	[sflag:s2] =	ssyncset.done $0x0  }
0xff: {  	[sflag:s2] =	ssyncadd.s32 $0xFFFFFC00  }
0x100: {  	_ =	swait.ge [sflag:s23], $0x3E80  }
0x101: {  	[sflag:s23] =	ssyncset.done $0x0  }
0x102: {  	[sflag:s23] =	ssyncadd.s32 $0xFFFFC180  }
0x103: {  	[spmem:s3] =	stream.indirect.scatter.add.f32 [tilespmem:s16], [sflag:$0x5], $0x80, s21, s15, $0xb8;
	[tilespmem:$0x1F000] =	vst v63  }
0x104: {  	_ =	swait.ge [sflag:s13], $0x3E80  }
0x105: {  	[sflag:s13] =	ssyncset.done $0x0  }
0x106: {  	s25 =	sadd.s32 $0x500, s11;
	[sflag:s13] =	ssyncadd.s32 $0xFFFFC180  }
0x107: {  	[tilespmem:s16], [sflag:$0x3] =	stream.indirect.gather [hbm4b:s0+s15], $0x80, s25, s15, $0xb8;
	[tilespmem:$0x1F000] =	vst v63  }
0x108: {  	_ =	swait.ge [sflag:s24], $0x3E80  }
0x109: {  	[sflag:s24] =	ssyncset.done $0x0  }
0x10a: {  	[sflag:s24] =	ssyncadd.s32 $0xFFFFC180  }
0x10b: {  	[spmem:s3] =	stream.indirect.scatter.add.f32 [tilespmem:s18], [sflag:$0x5], $0x80, s17, s15, $0xb8;
	[tilespmem:$0x1F000] =	vst v63  }
0x10c: {  	_ =	swait.ge [sflag:s13], $0x3E80  }
0x10d: {  	[sflag:s13] =	ssyncset.done $0x0  }
0x10e: {  	s25 =	sadd.s32 $0x580, s11;
	[sflag:s13] =	ssyncadd.s32 $0xFFFFC180  }
0x10f: {  	[tilespmem:s18], [sflag:$0x4] =	stream.indirect.gather [hbm4b:s0+s15], $0x80, s25, s15, $0xb8;
	[tilespmem:$0x1F000] =	vst v63  }
0x110: {  	_ =	swait.ge [sflag:s23], $0x3E80  }
0x111: {  	[sflag:s23] =	ssyncset.done $0x0  }
0x112: {  	[sflag:s23] =	ssyncadd.s32 $0xFFFFC180  }
0x113: {  	[spmem:s3] =	stream.indirect.scatter.add.f32 [tilespmem:s16], [sflag:$0x5], $0x80, s5, s15, $0xb8;
	[tilespmem:$0x1F000] =	vst v63  }
0x114: {  	_ =	swait.ge [sflag:s13], $0x3E80  }
0x115: {  	[sflag:s13] =	ssyncset.done $0x0  }
0x116: {  	s25 =	sadd.s32 $0x600, s11;
	[sflag:s13] =	ssyncadd.s32 $0xFFFFC180  }
0x117: {  	[tilespmem:s16], [sflag:$0x3] =	stream.indirect.gather [hbm4b:s0+s15], $0x80, s25, s15, $0xb8;
	[tilespmem:$0x1F000] =	vst v63  }
0x118: {  	_ =	swait.ge [sflag:s24], $0x3E80  }
0x119: {  	[sflag:s24] =	ssyncset.done $0x0  }
0x11a: {  	[sflag:s24] =	ssyncadd.s32 $0xFFFFC180  }
0x11b: {  	[spmem:s3] =	stream.indirect.scatter.add.f32 [tilespmem:s18], [sflag:$0x5], $0x80, s7, s15, $0xb8;
	[tilespmem:$0x1F000] =	vst v63  }
0x11c: {  	_ =	swait.ge [sflag:s13], $0x3E80  }
0x11d: {  	[sflag:s13] =	ssyncset.done $0x0  }
0x11e: {  	s25 =	sadd.s32 $0x680, s11;
	[sflag:s13] =	ssyncadd.s32 $0xFFFFC180  }
0x11f: {  	[tilespmem:s18], [sflag:$0x4] =	stream.indirect.gather [hbm4b:s0+s15], $0x80, s25, s15, $0xb8;
	[tilespmem:$0x1F000] =	vst v63  }
0x120: {  	_ =	swait.ge [sflag:s23], $0x3E80  }
0x121: {  	[sflag:s23] =	ssyncset.done $0x0  }
0x122: {  	[sflag:s23] =	ssyncadd.s32 $0xFFFFC180  }
0x123: {  	[spmem:s3] =	stream.indirect.scatter.add.f32 [tilespmem:s16], [sflag:$0x5], $0x80, s8, s15, $0xb8;
	[tilespmem:$0x1F000] =	vst v63  }
0x124: {  	_ =	swait.ge [sflag:s13], $0x3E80  }
0x125: {  	[sflag:s13] =	ssyncset.done $0x0  }
0x126: {  	s25 =	sadd.s32 $0x700, s11;
	[sflag:s13] =	ssyncadd.s32 $0xFFFFC180  }
0x127: {  	[tilespmem:s16], [sflag:$0x3] =	stream.indirect.gather [hbm4b:s0+s15], $0x80, s25, s15, $0xb8;
	[tilespmem:$0x1F000] =	vst v63  }
0x128: {  	_ =	swait.ge [sflag:s24], $0x3E80  }
0x129: {  	[sflag:s24] =	ssyncset.done $0x0  }
0x12a: {  	[sflag:s24] =	ssyncadd.s32 $0xFFFFC180  }
0x12b: {  	[spmem:s3] =	stream.indirect.scatter.add.f32 [tilespmem:s18], [sflag:$0x5], $0x80, s9, s15, $0xb8;
	[tilespmem:$0x1F000] =	vst v63  }
0x12c: {  	_ =	swait.ge [sflag:s13], $0x3E80  }
0x12d: {  	[sflag:s13] =	ssyncset.done $0x0  }
0x12e: {  	s25 =	sadd.s32 $0x780, s11;
	[sflag:s13] =	ssyncadd.s32 $0xFFFFC180  }
0x12f: {  	[tilespmem:s18], [sflag:$0x4] =	stream.indirect.gather [hbm4b:s0+s15], $0x80, s25, s15, $0xb8;
	[tilespmem:$0x1F000] =	vst v63  }
0x130: {  	_ =	swait.ge [sflag:s23], $0x3E80  }
0x131: {  	[sflag:s23] =	ssyncset.done $0x0  }
0x132: {  	[sflag:s23] =	ssyncadd.s32 $0xFFFFC180  }
0x133: {  	[spmem:s3] =	stream.indirect.scatter.add.f32 [tilespmem:s16], [sflag:$0x5], $0x80, s10, s15, $0xb8;
	[tilespmem:$0x1F000] =	vst v63  }
0x134: {  	_ =	swait.ge [sflag:s13], $0x3E80  }
0x135: {  	[sflag:s13] =	ssyncset.done $0x0  }
0x136: {  	s25 =	sadd.s32 $0x800, s11;
	[sflag:s13] =	ssyncadd.s32 $0xFFFFC180  }
0x137: {  	[tilespmem:s16], [sflag:$0x3] =	stream.indirect.gather [hbm4b:s0+s15], $0x80, s25, s15, $0xb8;
	[tilespmem:$0x1F000] =	vst v63  }
0x138: {  	_ =	swait.ge [sflag:s24], $0x3E80  }
0x139: {  	[sflag:s24] =	ssyncset.done $0x0  }
.Ltmp0:
0x13a: {  	[sflag:s24] =	ssyncadd.s32 $0xFFFFC180;
	(pc) =	sbr.rel @p0 .LBB2_2-.Ltmp0, $4  }
0x13b: {  	[spmem:s3] =	stream.indirect.scatter.add.f32 [tilespmem:s18], [sflag:$0x5], $0x80, s6, s15, $0xb8;
	[tilespmem:$0x1F000] =	vst v63  }
0x13c: {  	_ =	swait.ge [sflag:s13], $0x3E80  }
0x13d: {  	s19 =	sadd.s32 $0x100, s19;
	[sflag:s13] =	ssyncset.done $0x0  }
0x13e: {  	s20 =	sadd.s32 $0x100, s20;
	s11 =	sadd.s32 $0x880, s11;
	[sflag:s13] =	ssyncadd.s32 $0xFFFFC180  }
0x13f: {  	[tilespmem:s18], [sflag:$0x4] =	stream.indirect.gather [hbm4b:s0+s15], $0x80, s11, s15, $0xb8;
	[tilespmem:$0x1F000] =	vst v63  }
0x140: {  	s20 =	rddreg [dreg:$0x7]  }
0x141: {  	[tilespmem:s21], [sflag:$0x2] =	stream.linear.gather [hbm4b:s20+s4], $0x400, $0x38;
	[tilespmem:$0x1F000] =	vst v63  }
0x142: {  	_ =	swait.ge [sflag:s22], $0x400  }
0x143: {  	[sflag:s22] =	ssyncset.done $0x0  }
0x144: {  	[sflag:s22] =	ssyncadd.s32 $0xFFFFFC00  }
0x145: {  	_ =	swait.ge [sflag:s23], $0x3E80  }
0x146: {  	[sflag:s23] =	ssyncset.done $0x0  }
0x147: {  	[sflag:s23] =	ssyncadd.s32 $0xFFFFC180  }
0x148: {  	[spmem:s3] =	stream.indirect.scatter.add.f32 [tilespmem:s16], [sflag:$0x5], $0x80, s14, s15, $0xb8;
	[tilespmem:$0x1F000] =	vst v63  }
0x149: {  	_ =	swait.ge [sflag:s13], $0x3E80  }
0x14a: {  	[sflag:s13] =	ssyncset.done $0x0  }
0x14b: {  	s25 =	simm.s32 $0x2100;
	[sflag:s13] =	ssyncadd.s32 $0xFFFFC180  }
0x14c: {  	[tilespmem:s16], [sflag:$0x3] =	stream.indirect.gather [hbm4b:s0+s15], $0x80, s25, s15, $0xb8;
	[tilespmem:$0x1F000] =	vst v63  }
0x14d: {  	_ =	swait.ge [sflag:s24], $0x3E80  }
0x14e: {  	[sflag:s24] =	ssyncset.done $0x0  }
0x14f: {  	s12 =	simm.s32 $0x2880;
	[sflag:s24] =	ssyncadd.s32 $0xFFFFC180  }
0x150: {  	[spmem:s3] =	stream.indirect.scatter.add.f32 [tilespmem:s18], [sflag:$0x5], $0x80, s12, s15, $0xb8;
	[tilespmem:$0x1F000] =	vst v63  }
0x151: {  	_ =	swait.ge [sflag:s13], $0x3E80  }
0x152: {  	[sflag:s13] =	ssyncset.done $0x0  }
0x153: {  	s19 =	simm.s32 $0x2180;
	[sflag:s13] =	ssyncadd.s32 $0xFFFFC180  }
0x154: {  	[tilespmem:s18], [sflag:$0x4] =	stream.indirect.gather [hbm4b:s0+s15], $0x80, s19, s15, $0xb8;
	[tilespmem:$0x1F000] =	vst v63  }
0x155: {  	_ =	swait.ge [sflag:s23], $0x3E80  }
0x156: {  	[sflag:s23] =	ssyncset.done $0x0  }
0x157: {  	[sflag:s23] =	ssyncadd.s32 $0xFFFFC180  }
0x158: {  	[spmem:s3] =	stream.indirect.scatter.add.f32 [tilespmem:s16], [sflag:$0x5], $0x80, s26, s15, $0xb8;
	[tilespmem:$0x1F000] =	vst v63  }
0x159: {  	_ =	swait.ge [sflag:s13], $0x3E80  }
0x15a: {  	[sflag:s13] =	ssyncset.done $0x0  }
0x15b: {  	s20 =	simm.s32 $0x2200;
	[sflag:s13] =	ssyncadd.s32 $0xFFFFC180  }
0x15c: {  	[tilespmem:s16], [sflag:$0x3] =	stream.indirect.gather [hbm4b:s0+s15], $0x80, s20, s15, $0xb8;
	[tilespmem:$0x1F000] =	vst v63  }
0x15d: {  	_ =	swait.ge [sflag:s24], $0x3E80  }
0x15e: {  	[sflag:s24] =	ssyncset.done $0x0  }
0x15f: {  	[sflag:s24] =	ssyncadd.s32 $0xFFFFC180  }
0x160: {  	[spmem:s3] =	stream.indirect.scatter.add.f32 [tilespmem:s18], [sflag:$0x5], $0x80, s28, s15, $0xb8;
	[tilespmem:$0x1F000] =	vst v63  }
0x161: {  	_ =	swait.ge [sflag:s13], $0x3E80  }
0x162: {  	[sflag:s13] =	ssyncset.done $0x0  }
0x163: {  	s25 =	simm.s32 $0x2280;
	[sflag:s13] =	ssyncadd.s32 $0xFFFFC180  }
0x164: {  	[tilespmem:s18], [sflag:$0x4] =	stream.indirect.gather [hbm4b:s0+s15], $0x80, s25, s15, $0xb8;
	[tilespmem:$0x1F000] =	vst v63  }
0x165: {  	_ =	swait.ge [sflag:s23], $0x3E80  }
0x166: {  	[sflag:s23] =	ssyncset.done $0x0  }
0x167: {  	[sflag:s23] =	ssyncadd.s32 $0xFFFFC180  }
0x168: {  	[spmem:s3] =	stream.indirect.scatter.add.f32 [tilespmem:s16], [sflag:$0x5], $0x80, s29, s15, $0xb8;
	[tilespmem:$0x1F000] =	vst v63  }
0x169: {  	_ =	swait.ge [sflag:s13], $0x3E80  }
0x16a: {  	[sflag:s13] =	ssyncset.done $0x0  }
0x16b: {  	s12 =	simm.s32 $0x2300;
	[sflag:s13] =	ssyncadd.s32 $0xFFFFC180  }
0x16c: {  	[tilespmem:s16], [sflag:$0x3] =	stream.indirect.gather [hbm4b:s0+s15], $0x80, s12, s15, $0xb8;
	[tilespmem:$0x1F000] =	vst v63  }
0x16d: {  	_ =	swait.ge [sflag:s24], $0x3E80  }
0x16e: {  	[sflag:s24] =	ssyncset.done $0x0  }
0x16f: {  	[sflag:s24] =	ssyncadd.s32 $0xFFFFC180  }
0x170: {  	[spmem:s3] =	stream.indirect.scatter.add.f32 [tilespmem:s18], [sflag:$0x5], $0x80, s30, s15, $0xb8;
	[tilespmem:$0x1F000] =	vst v63  }
0x171: {  	_ =	swait.ge [sflag:s13], $0x3E80  }
0x172: {  	[sflag:s13] =	ssyncset.done $0x0  }
0x173: {  	s19 =	simm.s32 $0x2380;
	[sflag:s13] =	ssyncadd.s32 $0xFFFFC180  }
0x174: {  	[tilespmem:s18], [sflag:$0x4] =	stream.indirect.gather [hbm4b:s0+s15], $0x80, s19, s15, $0xb8;
	[tilespmem:$0x1F000] =	vst v63  }
0x175: {  	_ =	swait.ge [sflag:s23], $0x3E80  }
0x176: {  	[sflag:s23] =	ssyncset.done $0x0  }
0x177: {  	[sflag:s23] =	ssyncadd.s32 $0xFFFFC180  }
0x178: {  	[spmem:s3] =	stream.indirect.scatter.add.f32 [tilespmem:s16], [sflag:$0x5], $0x80, s31, s15, $0xb8;
	[tilespmem:$0x1F000] =	vst v63  }
0x179: {  	_ =	swait.ge [sflag:s13], $0x3E80  }
0x17a: {  	[sflag:s13] =	ssyncset.done $0x0  }
0x17b: {  	s20 =	simm.s32 $0x2400;
	[sflag:s13] =	ssyncadd.s32 $0xFFFFC180  }
0x17c: {  	[tilespmem:s16], [sflag:$0x3] =	stream.indirect.gather [hbm4b:s0+s15], $0x80, s20, s15, $0xb8;
	[tilespmem:$0x1F000] =	vst v63  }
0x17d: {  	_ =	swait.ge [sflag:s24], $0x3E80  }
0x17e: {  	[sflag:s24] =	ssyncset.done $0x0  }
0x17f: {  	[sflag:s24] =	ssyncadd.s32 $0xFFFFC180  }
0x180: {  	[spmem:s3] =	stream.indirect.scatter.add.f32 [tilespmem:s18], [sflag:$0x5], $0x80, s1, s15, $0xb8;
	[tilespmem:$0x1F000] =	vst v63  }
0x181: {  	_ =	swait.ge [sflag:s13], $0x3E80  }
0x182: {  	[sflag:s13] =	ssyncset.done $0x0  }
0x183: {  	s25 =	simm.s32 $0x2480;
	[sflag:s13] =	ssyncadd.s32 $0xFFFFC180  }
0x184: {  	[tilespmem:s18], [sflag:$0x4] =	stream.indirect.gather [hbm4b:s0+s15], $0x80, s25, s15, $0xb8;
	[tilespmem:$0x1F000] =	vst v63  }
0x185: {  	_ =	swait.ge [sflag:s2], $0x400  }
0x186: {  	[sflag:s2] =	ssyncset.done $0x0  }
0x187: {  	[sflag:s2] =	ssyncadd.s32 $0xFFFFFC00  }
0x188: {  	_ =	swait.ge [sflag:s23], $0x3E80  }
0x189: {  	[sflag:s23] =	ssyncset.done $0x0  }
0x18a: {  	[sflag:s23] =	ssyncadd.s32 $0xFFFFC180  }
0x18b: {  	[spmem:s3] =	stream.indirect.scatter.add.f32 [tilespmem:s16], [sflag:$0x5], $0x80, s21, s15, $0xb8;
	[tilespmem:$0x1F000] =	vst v63  }
0x18c: {  	_ =	swait.ge [sflag:s13], $0x3E80  }
0x18d: {  	[sflag:s13] =	ssyncset.done $0x0  }
0x18e: {  	s12 =	simm.s32 $0x2500;
	[sflag:s13] =	ssyncadd.s32 $0xFFFFC180  }
0x18f: {  	[tilespmem:s16], [sflag:$0x3] =	stream.indirect.gather [hbm4b:s0+s15], $0x80, s12, s15, $0xb8;
	[tilespmem:$0x1F000] =	vst v63  }
0x190: {  	_ =	swait.ge [sflag:s24], $0x3E80  }
0x191: {  	[sflag:s24] =	ssyncset.done $0x0  }
0x192: {  	[sflag:s24] =	ssyncadd.s32 $0xFFFFC180  }
0x193: {  	[spmem:s3] =	stream.indirect.scatter.add.f32 [tilespmem:s18], [sflag:$0x5], $0x80, s17, s15, $0xb8;
	[tilespmem:$0x1F000] =	vst v63  }
0x194: {  	_ =	swait.ge [sflag:s13], $0x3E80  }
0x195: {  	[sflag:s13] =	ssyncset.done $0x0  }
0x196: {  	s19 =	simm.s32 $0x2580;
	[sflag:s13] =	ssyncadd.s32 $0xFFFFC180  }
0x197: {  	[tilespmem:s18], [sflag:$0x4] =	stream.indirect.gather [hbm4b:s0+s15], $0x80, s19, s15, $0xb8;
	[tilespmem:$0x1F000] =	vst v63  }
0x198: {  	_ =	swait.ge [sflag:s23], $0x3E80  }
0x199: {  	[sflag:s23] =	ssyncset.done $0x0  }
0x19a: {  	[sflag:s23] =	ssyncadd.s32 $0xFFFFC180  }
0x19b: {  	[spmem:s3] =	stream.indirect.scatter.add.f32 [tilespmem:s16], [sflag:$0x5], $0x80, s5, s15, $0xb8;
	[tilespmem:$0x1F000] =	vst v63  }
0x19c: {  	_ =	swait.ge [sflag:s13], $0x3E80  }
0x19d: {  	[sflag:s13] =	ssyncset.done $0x0  }
0x19e: {  	s20 =	simm.s32 $0x2600;
	[sflag:s13] =	ssyncadd.s32 $0xFFFFC180  }
0x19f: {  	[tilespmem:s16], [sflag:$0x3] =	stream.indirect.gather [hbm4b:s0+s15], $0x80, s20, s15, $0xb8;
	[tilespmem:$0x1F000] =	vst v63  }
0x1a0: {  	_ =	swait.ge [sflag:s24], $0x3E80  }
0x1a1: {  	[sflag:s24] =	ssyncset.done $0x0  }
0x1a2: {  	[sflag:s24] =	ssyncadd.s32 $0xFFFFC180  }
0x1a3: {  	[spmem:s3] =	stream.indirect.scatter.add.f32 [tilespmem:s18], [sflag:$0x5], $0x80, s7, s15, $0xb8;
	[tilespmem:$0x1F000] =	vst v63  }
0x1a4: {  	_ =	swait.ge [sflag:s13], $0x3E80  }
0x1a5: {  	[sflag:s13] =	ssyncset.done $0x0  }
0x1a6: {  	s25 =	simm.s32 $0x2680;
	[sflag:s13] =	ssyncadd.s32 $0xFFFFC180  }
0x1a7: {  	[tilespmem:s18], [sflag:$0x4] =	stream.indirect.gather [hbm4b:s0+s15], $0x80, s25, s15, $0xb8;
	[tilespmem:$0x1F000] =	vst v63  }
0x1a8: {  	_ =	swait.ge [sflag:s23], $0x3E80  }
0x1a9: {  	[sflag:s23] =	ssyncset.done $0x0  }
0x1aa: {  	[sflag:s23] =	ssyncadd.s32 $0xFFFFC180  }
0x1ab: {  	[spmem:s3] =	stream.indirect.scatter.add.f32 [tilespmem:s16], [sflag:$0x5], $0x80, s8, s15, $0xb8;
	[tilespmem:$0x1F000] =	vst v63  }
0x1ac: {  	_ =	swait.ge [sflag:s13], $0x3E80  }
0x1ad: {  	[sflag:s13] =	ssyncset.done $0x0  }
0x1ae: {  	s12 =	simm.s32 $0x2700;
	[sflag:s13] =	ssyncadd.s32 $0xFFFFC180  }
0x1af: {  	[tilespmem:s16], [sflag:$0x3] =	stream.indirect.gather [hbm4b:s0+s15], $0x80, s12, s15, $0xb8;
	[tilespmem:$0x1F000] =	vst v63  }
0x1b0: {  	_ =	swait.ge [sflag:s24], $0x3E80  }
0x1b1: {  	[sflag:s24] =	ssyncset.done $0x0  }
0x1b2: {  	[sflag:s24] =	ssyncadd.s32 $0xFFFFC180  }
0x1b3: {  	[spmem:s3] =	stream.indirect.scatter.add.f32 [tilespmem:s18], [sflag:$0x5], $0x80, s9, s15, $0xb8;
	[tilespmem:$0x1F000] =	vst v63  }
0x1b4: {  	_ =	swait.ge [sflag:s13], $0x3E80  }
0x1b5: {  	[sflag:s13] =	ssyncset.done $0x0  }
0x1b6: {  	s19 =	simm.s32 $0x2780;
	[sflag:s13] =	ssyncadd.s32 $0xFFFFC180  }
0x1b7: {  	[tilespmem:s18], [sflag:$0x4] =	stream.indirect.gather [hbm4b:s0+s15], $0x80, s19, s15, $0xb8;
	[tilespmem:$0x1F000] =	vst v63  }
0x1b8: {  	_ =	swait.ge [sflag:s23], $0x3E80  }
0x1b9: {  	[sflag:s23] =	ssyncset.done $0x0  }
0x1ba: {  	[sflag:s23] =	ssyncadd.s32 $0xFFFFC180  }
0x1bb: {  	[spmem:s3] =	stream.indirect.scatter.add.f32 [tilespmem:s16], [sflag:$0x2], $0x80, s10, s15, $0xb8;
	[tilespmem:$0x1F000] =	vst v63  }
0x1bc: {  	_ =	swait.ge [sflag:s24], $0x3E80  }
0x1bd: {  	[sflag:s24] =	ssyncset.done $0x0  }
0x1be: {  	[sflag:s24] =	ssyncadd.s32 $0xFFFFC180  }
0x1bf: {  	[spmem:s3] =	stream.indirect.scatter.add.f32 [tilespmem:s18], [sflag:$0x2], $0x80, s6, s15, $0xb8;
	[tilespmem:$0x1F000] =	vst v63  }
0x1c0: {  	_ =	swait.ge [sflag:s2], $0x3E80  }
0x1c1: {  	[sflag:s2] =	ssyncset.done $0x0  }
0x1c2: {  	[sflag:s2] =	ssyncadd.s32 $0xFFFFC180  }
0x1c3: {  	_ =	swait.ge [sflag:s2], $0x3E80  }
0x1c4: {  	[sflag:s2] =	ssyncset.done $0x0  }
0x1c5: {  	[sflag:s2] =	ssyncadd.s32 $0xFFFFC180  }
0x1c6: {  	[bflag:$0x0] =	sbarrier.arrive $0xFFFF  }
0x1c7: {  	s20 =	rddreg [dreg:$0x8]  }
0x1c8: {  	s12 =	rddreg [dreg:$0xc]  }
0x1c9: {  	s19 =	rddreg [dreg:$0xd]  }
0x1ca: {  	[hbm:s20], [sflag:s12] =	dma.local [spmem:s19], $0x2800  }
0x1cb: {  	_ =	swait.ge [sflag:s13], $0x2800  }
0x1cc: {  	s20 =	rddreg [dreg:$0xe]  }
0x1cd: {  	s25 =	rddreg [dreg:$0x9];
	s20 =	sadd.s32 $0x1, s20  }
0x1ce: {  	p0 =	sne.s32 s20, s25  }
.Ltmp1:
0x1cf: {  	_ = 	snop;
	(pc) =	sbr.rel @p0 .LBB2_1-.Ltmp1, $3  }
0x1d0: {  	_ =	sdelay $0x1  }
0x1d1: {  	[sflag:s13] =	ssyncset.done $0x0  }
0x1d2: {  	[sflag:s13] =	ssyncadd.s32 $0xFFFFD800  }
0x1d3: {  	_ =	sfence.sel $0x180000  }
0x1d4: {  	[bflag:$0x0] =	sbarrier.arrive $0xFFFF  }
0x1d5: {  	_ =	strace $0x90000047  }
0x1d6: {  	s0 =	stileid.u32;
	[bflag:$0x2] =	sbarrier.arrive $0xFFFF  }
0x1d7: {  	p0 =	sne.s32 s0, $0x0;
	s0 =	rddreg [dreg:$0x3]  }
0x1d8: {  	s0 =	sadd.s32 @!p0 $0x100000, s0  }
0x1d9: {  	[sflag:s0] =	ssyncadd.tile.s32 @!p0 $0x1;
	_ =	shalt  }
.Lfunc_end2:
_tile_overlayer_lowered:
.L_overlay_start_2:
0x1da: {  	(tag) =	ssettag $0x2  }
0x1db: {  	s0 =	rddreg [dreg:$0x0];
	s2 =	stileid.u32  }
0x1dc: {  	s1 =	rddreg [dreg:$0x1];
	p0 =	sne.s32 s2, $0x0  }
0x1dd: {  	s3 =	rddreg [dreg:$0x2];
	[bflag:$0x3] =	sbarrier.arrive $0xFFFF;
	s2 =	simm.s32 @!p0 $0x1C05  }
0x1de: {  	[timem:s3], [sflag:s2] =	dma.local @!p0 [hbm:s0], s1  }
0x1df: {  	s0 =	simm.s32 @!p0 $0x5  }
0x1e0: {  	_ =	swait.ge @!p0 [sflag:s0], s1  }
0x1e1: {  	s1 =	ssub.s32 @!p0 $0x0, s1;
	[sflag:s0] =	ssyncset.done @!p0 $0x0  }
0x1e2: {  	[sflag:s0] =	ssyncadd.s32 @!p0 s1  }
0x1e3: {  	[bflag:$0x3] =	sbarrier.arrive $0xFFFF  }
0x1e4: {  	_ =	shalt  }

// kernel: kernel.9.cloned.1.call-start
scs
__scs_entry_jumppad:
0x0: {  	(pc) =	sbr.rel $0x88, $3  }
0x1: {  	(tag) =	ssettag $0x0;
	lr =	simm.s32 $0x1  }
0x2: {  	[smem:$0x3F95] =	sst lr;
	_ =	strace $0xD0000000  }
0x3: {  	_ = 	snop  }
0x4: {  	_ = 	snop  }
0x5: {  	_ = 	snop  }
0x6: {  	_ = 	snop  }
0x7: {  	_ = 	snop  }
__scs_overlays_trampoline_lowered:
0x8: {  	[smem:$0x3FA4] =	sst s0  }
0x9: {  	[smem:$0x3FA5] =	sst s1  }
0xa: {  	[smem:$0x3FA6] =	sst s2  }
0xb: {  	[smem:$0x3FA7] =	sst s3  }
0xc: {  	[smem:$0x3FA8] =	sst s4  }
0xd: {  	[smem:$0x3FA9] =	sst s5  }
0xe: {  	[smem:$0x3FAA] =	sst s6  }
0xf: {  	[smem:$0x3FAB] =	sst s7  }
0x10: {  	[smem:$0x3FAC] =	sst s8  }
0x11: {  	[smem:$0x3FAD] =	sst s9;
	s0 =	simm.s32 @!p0 $0x0  }
0x12: {  	s1 =	sld [smem:$0x3F93];
	s0 =	simm.s32 @p0 $0x1  }
0x13: {  	[smem:$0x3FAE] =	sst s0;
	s0 =	simm.s32 @!p1 $0x0  }
0x14: {  	s2 =	sld [smem:$0x3F92];
	s0 =	simm.s32 @p1 $0x1  }
0x15: {  	[smem:$0x3FAF] =	sst s0;
	s0 =	simm.s32 @!p2 $0x0  }
0x16: {  	s3 =	sld [smem:$0x3FDB];
	s0 =	simm.s32 @p2 $0x1  }
0x17: {  	s4 =	simm.s32 $0x1BF5;
	[smem:$0x3FB1] =	sst s0  }
0x18: {  	s0 =	sld [smem:$0x3F94];
	_ =	swait.ge [sflag:s4], $0x0  }
0x19: {  	s7 =	sld [smem:$0x3F95]  }
0x1a: {  	s8 =	sadd.s32 $0xFFFFE003, lr  }
0x1b: {  	s9 =	sadd.s32 $0xFFFFFEF7, lr;
	s5 =	simm.s32 $0xFFFFFFFF;
	p2 =	slt.u32 s8, $0xFFFFF086  }
0x1c: {  	p1 =	slt.u32 s9, $0xF7A;
	s5 =	simm.s32 @!p2 $0x0  }
0x1d: {  	s5 =	simm.s32 @p1 $0x1;
	p0 =	seq.s32 s7, s2  }
0x1e: {  	s7 =	smul.u32 @!p0 $0xF7A, s2;
	p2 =	seq.s32 @!p0 s5, $0x0  }
0x1f: {  	s9 =	smul.u32 $0xF7A, s1;
	s8 =	simm.s32 @!p0 $0x1BF5;
	p2 =	por !p2, p0  }
0x20: {  	[sflag:s8] =	ssyncset.s32 @!p0 $0xFFFFF086;
	s6 =	sadd.s32 @!p0 s3, s7;
	s7 =	simm.s32 @!p0 $0x108  }
0x21: {  	s3 =	sadd.s32 s3, s9;
	s6 =	sadd.s32 @!p0 $0x88, s6;
	s7 =	simm.s32 @p2 $0x1082  }
0x22: {  	[simem:s7], [sflag:s8] =	dma.local @!p0 [hbm:s6], $0xF7A  }
0x23: {  	s9 =	sor.u32 $0xD0000000, s2;
	s6 =	simm.s32 $0x108;
	_ =	swait.ge @!p0 [sflag:s8], $0x0  }
0x24: {  	s3 =	sadd.s32 $0x88, s3;
	s6 =	simm.s32 @!p1 $0x1082;
	[sflag:s4] =	ssyncset.s32 $0xFFFFF086  }
0x25: {  	[simem:s6], [sflag:s4] =	dma.local [hbm:s3], $0xF7A  }
0x26: {  	[smem:$0x3F95] =	sst s1;
	(tag) =	ssettag s2;
	_ =	strace s9  }
0x27: {  	s1 =	sld [smem:$0x3FA5]  }
0x28: {  	s2 =	sld [smem:$0x3FA6]  }
0x29: {  	s4 =	sld [smem:$0x3FA8]  }
0x2a: {  	p0 =	seq.s32 s5, $0x0;
	s5 =	sld [smem:$0x3FA9]  }
0x2b: {  	s6 =	sld [smem:$0x3FAA]  }
0x2c: {  	s7 =	sld [smem:$0x3FAB]  }
0x2d: {  	s3 =	simm.s32 $0x108;
	s8 =	sld [smem:$0x3FAC]  }
0x2e: {  	s3 =	simm.s32 @!p0 $0x1082;
	s9 =	sld [smem:$0x3FAD]  }
0x2f: {  	lr =	sadd.s32 s0, s3;
	s0 =	sld [smem:$0x3FA4]  }
0x30: {  	s3 =	sld [smem:$0x3FA7]  }
0x31: {  	[smem:$0x3FB0] =	sst s10  }
0x32: {  	s10 =	sld [smem:$0x3FAE];
	_ =	sdelay $0x3  }
0x33: {  	p0 =	seq.s32 s10, $0x1;
	s10 =	sld [smem:$0x3FB0];
	_ =	sdelay $0x3  }
0x34: {  	[smem:$0x3FB0] =	sst s10  }
0x35: {  	s10 =	sld [smem:$0x3FAF];
	_ =	sdelay $0x3  }
0x36: {  	p1 =	seq.s32 s10, $0x1;
	s10 =	sld [smem:$0x3FB0];
	_ =	sdelay $0x3  }
0x37: {  	[smem:$0x3FB0] =	sst s10  }
0x38: {  	s10 =	sld [smem:$0x3FB1]  }
0x39: {  	_ = 	snop;
	(pc) =	sbr.ind lr, $3  }
0x3a: {  	_ = 	snop  }
0x3b: {  	_ = 	snop  }
0x3c: {  	p2 =	seq.s32 s10, $0x1;
	s10 =	sld [smem:$0x3FB0]  }
0x3d: {  	_ =	shalt  }
0x3e: {  	_ =	shalt  }
0x3f: {  	_ =	shalt  }
0x40: {  	_ =	shalt  }
0x41: {  	_ =	shalt  }
0x42: {  	_ =	shalt  }
0x43: {  	_ =	shalt  }
0x44: {  	_ =	shalt  }
0x45: {  	_ =	shalt  }
0x46: {  	_ =	shalt  }
0x47: {  	_ =	shalt  }
0x48: {  	_ =	shalt  }
0x49: {  	_ =	shalt  }
0x4a: {  	_ =	shalt  }
0x4b: {  	_ =	shalt  }
0x4c: {  	_ =	shalt  }
0x4d: {  	_ =	shalt  }
0x4e: {  	_ =	shalt  }
0x4f: {  	_ =	shalt  }
0x50: {  	_ =	shalt  }
0x51: {  	_ =	shalt  }
0x52: {  	_ =	shalt  }
0x53: {  	_ =	shalt  }
0x54: {  	_ =	shalt  }
0x55: {  	_ =	shalt  }
0x56: {  	_ =	shalt  }
0x57: {  	_ =	shalt  }
0x58: {  	_ =	shalt  }
0x59: {  	_ =	shalt  }
0x5a: {  	_ =	shalt  }
0x5b: {  	_ =	shalt  }
0x5c: {  	_ =	shalt  }
0x5d: {  	_ =	shalt  }
0x5e: {  	_ =	shalt  }
0x5f: {  	_ =	shalt  }
0x60: {  	_ =	shalt  }
0x61: {  	_ =	shalt  }
0x62: {  	_ =	shalt  }
0x63: {  	_ =	shalt  }
0x64: {  	_ =	shalt  }
0x65: {  	_ =	shalt  }
0x66: {  	_ =	shalt  }
0x67: {  	_ =	shalt  }
0x68: {  	_ =	shalt  }
0x69: {  	_ =	shalt  }
0x6a: {  	_ =	shalt  }
0x6b: {  	_ =	shalt  }
0x6c: {  	_ =	shalt  }
0x6d: {  	_ =	shalt  }
0x6e: {  	_ =	shalt  }
0x6f: {  	_ =	shalt  }
0x70: {  	_ =	shalt  }
0x71: {  	_ =	shalt  }
0x72: {  	_ =	shalt  }
0x73: {  	_ =	shalt  }
0x74: {  	_ =	shalt  }
0x75: {  	_ =	shalt  }
0x76: {  	_ =	shalt  }
0x77: {  	_ =	shalt  }
0x78: {  	_ =	shalt  }
0x79: {  	_ =	shalt  }
0x7a: {  	_ =	shalt  }
0x7b: {  	_ =	shalt  }
0x7c: {  	_ =	shalt  }
0x7d: {  	_ =	shalt  }
0x7e: {  	_ =	shalt  }
0x7f: {  	_ =	shalt  }
0x80: {  	_ =	shalt  }
0x81: {  	_ =	shalt  }
0x82: {  	_ =	shalt  }
0x83: {  	_ =	shalt  }
0x84: {  	_ =	shalt  }
0x85: {  	_ =	shalt  }
0x86: {  	_ =	shalt  }
0x87: {  	_ =	shalt  }
.Lfunc_end0:
.L_simem_size_0:
called_computation.1_lowered:
.L_overlay_start_0:
0x88: {  	s2 =	sld [smem:$0x3FD9]  }
0x89: {  	s3 =	sld [smem:$0x3FFE];
	_ =	sdelay $0x1  }
0x8a: {  	s1 =	srdreg.scid  }
0x8b: {  	s0 =	sand.u32 $0x1, s1  }
0x8c: {  	s17 =	sshll.u32 s0, $0xA;
	s2 =	sadd.s32 s3, s2  }
0x8d: {  	s2 =	sadd.s32 s2, s17  }
0x8e: {  	[smem:$0x3FBC] =	sst s2  }
0x8f: {  	_ = 	snop  }
0x90: {  	s2 =	sld [smem:$0x3FD0];
	(tm) =	ssettm $0x1  }
0x91: {  	s18 =	sld [smem:$0x3FFB];
	_ =	sdelay $0x3  }
0x92: {  	_ =	strace s18  }
0x93: {  	s3 =	sld [smem:$0x3FFC];
	_ =	sdelay $0x3  }
0x94: {  	_ =	strace s3  }
0x95: {  	s3 =	sld [smem:$0x3FFD];
	_ =	sdelay $0x3  }
0x96: {  	_ =	strace s3  }
0x97: {  	_ =	strace $0x8FFFFFFF  }
0x98: {  	s19 =	sld [smem:$0x3FDB];
	_ =	sdelay $0x1  }
0x99: {  	s4 =	simm.s32 $_scs_section_size  }
0x9a: {  	s5 =	simm.s32 $_size__tile_overlayer_lowered;
	s6 =	simm.s32 $_tile_overlayer_lowered  }
0x9b: {  	s22 =	simm.s32 $0x1BFF;
	s21 =	sshll.u32 s6, $0x1;
	s3 =	sadd.s32 s4, s19  }
0x9c: {  	s7 =	simm.s32 $0x0;
	s20 =	sshll.u32 s5, $0x1;
	s5 =	sadd.s32 s21, s3  }
0x9d: {  	[timem:s7], [sflag:s22] =	dma.local [hbm:s5], s20  }
0x9e: {  	_ =	swait.ge [sflag:s22], s20  }
0x9f: {  	s4 =	ssub.s32 $0x0, s20;
	[sflag:s22] =	ssyncset.done $0x0  }
0xa0: {  	[sflag:s22] =	ssyncadd.s32 s4;
	_ =	sdelay $0x1  }
0xa1: {  	s23 =	simm.s32 $0x1B8B  }
0xa2: {  	_ =	swait.ge [sflag:s23], $0x1  }
0xa3: {  	[sflag:s23] =	ssyncset.done $0x0  }
0xa4: {  	s25 =	simm.s32 $0x1B8E;
	s24 =	sld [smem:$0x3FFE];
	[sflag:s23] =	ssyncadd.s32 $0xFFFFFFFF  }
0xa5: {  	s26 =	simm.s32 $execute0_lowered;
	[smem:$0x3FD2] =	sst s25  }
0xa6: {  	s5 =	sshll.u32 s26, $0x1;
	_ =	strace $0x80000049;
	[dreg:$0x1] =	wrdreg $0xFFFFFFFF  }
0xa7: {  	s28 =	simm.s32 $_size_execute0_lowered;
	s3 =	sadd.s32 s3, s5;
	[dreg:$0x0] =	wrdreg $0x0  }
0xa8: {  	s5 =	sshll.u32 s28, $0x1;
	[dreg:$0x2] =	wrdreg s3  }
0xa9: {  	[dreg:$0x3] =	wrdreg s5  }
0xaa: {  	[dreg:$0x4] =	wrdreg $0xC0  }
0xab: {  	_ =	task [dreg:s7], $0x5FFFF  }
0xac: {  	[dreg:$0x1] =	wrdreg $0xFFFFFFFF  }
0xad: {  	[dreg:$0x0] =	wrdreg $0x60  }
0xae: {  	[dreg:$0x2] =	wrdreg s2  }
0xaf: {  	[dreg:$0x3] =	wrdreg s24  }
0xb0: {  	[dreg:$0x4] =	wrdreg $0xB0000  }
0xb1: {  	[dreg:$0x5] =	wrdreg $0x9  }
0xb2: {  	_ =	task.clear_ibuf [dreg:s7], $0x6FFFF;
	_ =	strace $0x90000049  }
0xb3: {  	s29 =	simm.s32 $0x9;
	_ =	strace $0x8000004B  }
0xb4: {  	_ =	swait.ge [sflag:s29], $0x1  }
0xb5: {  	[sflag:s29] =	ssyncadd.s32 $0xFFFFFFFF  }
0xb6: {  	_ =	strace $0x9000004B  }
0xb7: {  	_ =	sfence  }
0xb8: {  	s30 =	sld [smem:$0x0];
	_ =	sdelay $0x2  }
0xb9: {  	s31 =	sshll.u32 s1, $0xD;
	s1 =	sshrl.u32 s1, $0x2  }
0xba: {  	s3 =	sand.u32 $0x4000, s31;
	s1 =	sadd.s32 s1, s30  }
0xbb: {  	s0 =	sor.u32 s3, s0;
	s1 =	sshll.u32 s1, $0x11  }
0xbc: {  	s0 =	sor.u32 s1, s0  }
0xbd: {  	s0 =	sadd.s32 $0x8F2B, s0  }
0xbe: {  	[sflag:s0] =	ssyncadd.remote.s32 $0x1  }
0xbf: {  	_ =	sfence.sel $0xFFFF  }
0xc0: {  	[dreg:$0x0] =	wrdreg $0xFFFFFFFF;
	(pc) =	sbr.abs _section_cstart, $3  }
0xc1: {  	[dreg:$0x1] =	wrdreg $0xFFFFFFFF  }
0xc2: {  	_ =	task.clear_ibuf [dreg:s7], $0x2FFFF;
	_ =	strace $0x9FFFFFFF  }
0xc3: {  	(tm) =	ssettm $0x7FFFFFFF  }
tec
execute0_lowered:
.L_overlay_start_1:
0x0: {  	(tag) =	ssettag $0x1  }
0x1: {  	s0 =	rddreg [dreg:$0x0]  }
0x2: {  	s1 =	rddreg [dreg:$0x1];
	s2 =	srdreg.scid  }
0x3: {  	s3 =	rddreg [dreg:$0x2];
	s11 =	stileid.u32  }
0x4: {  	s4 =	simm.s32 $0x0;
	s13 =	simm.s32 $0x5;
	s14 =	simm.s32 $0x2800  }
0x5: {  	s15 =	simm.s32 $0x7D;
	s16 =	simm.s32 $0x3000;
	s28 =	simm.s32 $0x2980  }
0x6: {  	s29 =	simm.s32 $0x2A00;
	s30 =	simm.s32 $0x2A80;
	s31 =	simm.s32 $0x2B00  }
0x7: {  	s2 =	sand.u32 $0x1, s2;
	s6 =	smul.u32 $0x14000, s11;
	[smem:$0x7FF] =	sst s4  }
0x8: {  	s7 =	sshll.u32 s11, $0x1;
	s18 =	sadd.s32 $0x2C00, s1;
	s19 =	smul.u32 $0x50000, s11  }
0x9: {  	s8 =	sadd.s32 $0x16C00, s1;
	s9 =	smul.u32 $0x5000, s11;
	s26 =	sshll.u32 s11, $0x6  }
0xa: {  	s5 =	smul.u32 $0x140000, s2;
	_ =	strace $0x8000004A;
	s17 =	sor.u32 s2, s7  }
0xb: {  	[dreg:$0x4] =	wrdreg s8;
	s20 =	ssub.s32 $0x2, s2;
	s2 =	smul.u32 $0x2800, s2  }
0xc: {  	s7 =	simm.s32 $0x2D80;
	s8 =	simm.s32 $0x2E00;
	s10 =	sshrl.u32 s20, $0x1  }
0xd: {  	s5 =	sadd.s32 s6, s5;
	s6 =	smul.u32 $0x2800, s17;
	s21 =	ssub.s32 s20, s10  }
0xe: {  	s2 =	sadd.s32 s2, s9;
	s17 =	simm.s32 $0x2C80;
	s9 =	simm.s32 $0x2E80  }
0xf: {  	s10 =	simm.s32 $0x2F00;
	s20 =	simm.s32 $0x0;
	s5 =	sshrl.u32 s5, $0x3  }
0x10: {  	s24 =	sadd.s32 $0x50800, s2;
	s2 =	sadd.s32 $0x50400, s2;
	s1 =	sadd.s32 s5, s1  }
0x11: {  	s6 =	sshrl.u32 s6, $0x3;
	s5 =	sshrl.u32 s19, $0x2;
	s2 =	sshrl.u32 s2, $0x3  }
0x12: {  	s12 =	sadd.s32 s18, s6;
	s5 =	sadd.s32 s5, s3;
	s1 =	sadd.s32 $0x19400, s1  }
0x13: {  	s6 =	smax.u32 s21, $0x1;
	s25 =	sadd.s32 s2, s18;
	[dreg:$0x5] =	wrdreg s12  }
0x14: {  	s21 =	simm.s32 $0x2C00;
	s2 =	simm.s32 $0x2;
	[dreg:$0x8] =	wrdreg s1  }
0x15: {  	s22 =	sadd.s32 $0xA000, s12;
	s23 =	sadd.s32 $0xA480, s12;
	[dreg:$0x9] =	wrdreg s6  }
0x16: {  	s1 =	sshrl.u32 s24, $0x3;
	[dreg:$0xb] =	wrdreg s25;
	s12 =	sor.u32 $0x1C05, s26  }
0x17: {  	s19 =	sshrl.u32 s5, $0x3;
	s24 =	simm.s32 $0x4;
	[dreg:$0x6] =	wrdreg s22  }
0x18: {  	s26 =	simm.s32 $0x2900;
	s5 =	simm.s32 $0x2D00;
	[dreg:$0x7] =	wrdreg s23  }
0x19: {  	s6 =	simm.s32 $0x2F80;
	s1 =	sadd.s32 s1, s18;
	[dreg:$0xc] =	wrdreg s12  }
0x1a: {  	s18 =	simm.s32 $0x7000;
	s22 =	simm.s32 $0x1;
	[dreg:$0xd] =	wrdreg s19  }
0x1b: {  	s23 =	simm.s32 $0x3;
	[dreg:$0xa] =	wrdreg s1;
	s1 =	simm.s32 $0x2B80  }
.LBB2_1:
0x1c: {  	[dreg:$0xe] =	wrdreg s20  }
0x1d: {  	s11 =	rddreg [dreg:$0x5]  }
0x1e: {  	[tilespmem:s4], [sflag:$0x5] =	stream.linear.gather [hbm4b:s11+s4], $0x2800, $0x38;
	[tilespmem:$0x1F000] =	vst v63  }
0x1f: {  	_ =	swait.ge [sflag:s13], $0x2800  }
0x20: {  	[sflag:s13] =	ssyncset.done $0x0  }
0x21: {  	s20 =	rddreg [dreg:$0x6];
	[sflag:s13] =	ssyncadd.s32 $0xFFFFD800  }
0x22: {  	[tilespmem:s14], [sflag:$0x1] =	stream.linear.gather [hbm4b:s20+s4], $0x400, $0x38;
	[tilespmem:$0x1F000] =	vst v63  }
0x23: {  	_ = 	snop  }
0x24: {  	[tilespmem:s16], [sflag:$0x3] =	stream.indirect.gather [hbm4b:s0+s15], $0x80, s4, s15, $0xb8;
	[tilespmem:$0x1F000] =	vst v63  }
0x25: {  	s25 =	simm.s32 $0x80;
	s20 =	rddreg [dreg:$0x4]  }
0x26: {  	[tilespmem:s18], [sflag:$0x4] =	stream.indirect.gather [hbm4b:s0+s15], $0x80, s25, s15, $0xb8;
	[tilespmem:$0x1F000] =	vst v63  }
0x27: {  	[spmem:s19], [sflag:s12] =	dma.local [hbm:s20], $0x2800  }
0x28: {  	_ =	swait.ge [sflag:s13], $0x2800  }
0x29: {  	[sflag:s13] =	ssyncset.done $0x0  }
0x2a: {  	[sflag:s13] =	ssyncadd.s32 $0xFFFFD800  }
0x2b: {  	[bflag:$0x0] =	sbarrier.arrive $0xFFFF  }
0x2c: {  	s19 =	rddreg [dreg:$0xb]  }
0x2d: {  	[tilespmem:s21], [sflag:$0x2] =	stream.linear.gather [hbm4b:s19+s4], $0x400, $0x38;
	[tilespmem:$0x1F000] =	vst v63  }
0x2e: {  	_ =	swait.ge [sflag:s22], $0x400  }
0x2f: {  	[sflag:s22] =	ssyncset.done $0x0  }
0x30: {  	[sflag:s22] =	ssyncadd.s32 $0xFFFFFC00  }
0x31: {  	_ =	swait.ge [sflag:s23], $0x3E80  }
0x32: {  	[sflag:s23] =	ssyncset.done $0x0  }
0x33: {  	[sflag:s23] =	ssyncadd.s32 $0xFFFFC180  }
0x34: {  	[spmem:s3] =	stream.indirect.scatter.add.f32 [tilespmem:s16], [sflag:$0x5], $0x80, s14, s15, $0xb8;
	[tilespmem:$0x1F000] =	vst v63  }
0x35: {  	_ =	swait.ge [sflag:s13], $0x3E80  }
0x36: {  	[sflag:s13] =	ssyncset.done $0x0  }
0x37: {  	s25 =	simm.s32 $0x100;
	[sflag:s13] =	ssyncadd.s32 $0xFFFFC180  }
0x38: {  	[tilespmem:s16], [sflag:$0x3] =	stream.indirect.gather [hbm4b:s0+s15], $0x80, s25, s15, $0xb8;
	[tilespmem:$0x1F000] =	vst v63  }
0x39: {  	_ =	swait.ge [sflag:s24], $0x3E80  }
0x3a: {  	[sflag:s24] =	ssyncset.done $0x0  }
0x3b: {  	s12 =	simm.s32 $0x2880;
	[sflag:s24] =	ssyncadd.s32 $0xFFFFC180  }
0x3c: {  	[spmem:s3] =	stream.indirect.scatter.add.f32 [tilespmem:s18], [sflag:$0x5], $0x80, s12, s15, $0xb8;
	[tilespmem:$0x1F000] =	vst v63  }
0x3d: {  	_ =	swait.ge [sflag:s13], $0x3E80  }
0x3e: {  	[sflag:s13] =	ssyncset.done $0x0  }
0x3f: {  	s20 =	simm.s32 $0x180;
	[sflag:s13] =	ssyncadd.s32 $0xFFFFC180  }
0x40: {  	[tilespmem:s18], [sflag:$0x4] =	stream.indirect.gather [hbm4b:s0+s15], $0x80, s20, s15, $0xb8;
	[tilespmem:$0x1F000] =	vst v63  }
0x41: {  	_ =	swait.ge [sflag:s23], $0x3E80  }
0x42: {  	[sflag:s23] =	ssyncset.done $0x0  }
0x43: {  	[sflag:s23] =	ssyncadd.s32 $0xFFFFC180  }
0x44: {  	[spmem:s3] =	stream.indirect.scatter.add.f32 [tilespmem:s16], [sflag:$0x5], $0x80, s26, s15, $0xb8;
	[tilespmem:$0x1F000] =	vst v63  }
0x45: {  	_ =	swait.ge [sflag:s13], $0x3E80  }
0x46: {  	[sflag:s13] =	ssyncset.done $0x0  }
0x47: {  	s25 =	simm.s32 $0x200;
	[sflag:s13] =	ssyncadd.s32 $0xFFFFC180  }
0x48: {  	[tilespmem:s16], [sflag:$0x3] =	stream.indirect.gather [hbm4b:s0+s15], $0x80, s25, s15, $0xb8;
	[tilespmem:$0x1F000] =	vst v63  }
0x49: {  	_ =	swait.ge [sflag:s24], $0x3E80  }
0x4a: {  	[sflag:s24] =	ssyncset.done $0x0  }
0x4b: {  	[sflag:s24] =	ssyncadd.s32 $0xFFFFC180  }
0x4c: {  	[spmem:s3] =	stream.indirect.scatter.add.f32 [tilespmem:s18], [sflag:$0x5], $0x80, s28, s15, $0xb8;
	[tilespmem:$0x1F000] =	vst v63  }
0x4d: {  	_ =	swait.ge [sflag:s13], $0x3E80  }
0x4e: {  	[sflag:s13] =	ssyncset.done $0x0  }
0x4f: {  	s12 =	simm.s32 $0x280;
	[sflag:s13] =	ssyncadd.s32 $0xFFFFC180  }
0x50: {  	[tilespmem:s18], [sflag:$0x4] =	stream.indirect.gather [hbm4b:s0+s15], $0x80, s12, s15, $0xb8;
	[tilespmem:$0x1F000] =	vst v63  }
0x51: {  	_ =	swait.ge [sflag:s23], $0x3E80  }
0x52: {  	[sflag:s23] =	ssyncset.done $0x0  }
0x53: {  	[sflag:s23] =	ssyncadd.s32 $0xFFFFC180  }
0x54: {  	[spmem:s3] =	stream.indirect.scatter.add.f32 [tilespmem:s16], [sflag:$0x5], $0x80, s29, s15, $0xb8;
	[tilespmem:$0x1F000] =	vst v63  }
0x55: {  	_ =	swait.ge [sflag:s13], $0x3E80  }
0x56: {  	[sflag:s13] =	ssyncset.done $0x0  }
0x57: {  	s20 =	simm.s32 $0x300;
	[sflag:s13] =	ssyncadd.s32 $0xFFFFC180  }
0x58: {  	[tilespmem:s16], [sflag:$0x3] =	stream.indirect.gather [hbm4b:s0+s15], $0x80, s20, s15, $0xb8;
	[tilespmem:$0x1F000] =	vst v63  }
0x59: {  	_ =	swait.ge [sflag:s24], $0x3E80  }
0x5a: {  	[sflag:s24] =	ssyncset.done $0x0  }
0x5b: {  	[sflag:s24] =	ssyncadd.s32 $0xFFFFC180  }
0x5c: {  	[spmem:s3] =	stream.indirect.scatter.add.f32 [tilespmem:s18], [sflag:$0x5], $0x80, s30, s15, $0xb8;
	[tilespmem:$0x1F000] =	vst v63  }
0x5d: {  	_ =	swait.ge [sflag:s13], $0x3E80  }
0x5e: {  	[sflag:s13] =	ssyncset.done $0x0  }
0x5f: {  	s25 =	simm.s32 $0x380;
	[sflag:s13] =	ssyncadd.s32 $0xFFFFC180  }
0x60: {  	[tilespmem:s18], [sflag:$0x4] =	stream.indirect.gather [hbm4b:s0+s15], $0x80, s25, s15, $0xb8;
	[tilespmem:$0x1F000] =	vst v63  }
0x61: {  	_ =	swait.ge [sflag:s23], $0x3E80  }
0x62: {  	[sflag:s23] =	ssyncset.done $0x0  }
0x63: {  	[sflag:s23] =	ssyncadd.s32 $0xFFFFC180  }
0x64: {  	[spmem:s3] =	stream.indirect.scatter.add.f32 [tilespmem:s16], [sflag:$0x5], $0x80, s31, s15, $0xb8;
	[tilespmem:$0x1F000] =	vst v63  }
0x65: {  	_ =	swait.ge [sflag:s13], $0x3E80  }
0x66: {  	[sflag:s13] =	ssyncset.done $0x0  }
0x67: {  	s12 =	simm.s32 $0x400;
	[sflag:s13] =	ssyncadd.s32 $0xFFFFC180  }
0x68: {  	[tilespmem:s16], [sflag:$0x3] =	stream.indirect.gather [hbm4b:s0+s15], $0x80, s12, s15, $0xb8;
	[tilespmem:$0x1F000] =	vst v63  }
0x69: {  	_ =	swait.ge [sflag:s24], $0x3E80  }
0x6a: {  	[sflag:s24] =	ssyncset.done $0x0  }
0x6b: {  	[sflag:s24] =	ssyncadd.s32 $0xFFFFC180  }
0x6c: {  	[spmem:s3] =	stream.indirect.scatter.add.f32 [tilespmem:s18], [sflag:$0x5], $0x80, s1, s15, $0xb8;
	[tilespmem:$0x1F000] =	vst v63  }
0x6d: {  	_ =	swait.ge [sflag:s13], $0x3E80  }
0x6e: {  	[sflag:s13] =	ssyncset.done $0x0  }
0x6f: {  	s20 =	simm.s32 $0x480;
	[sflag:s13] =	ssyncadd.s32 $0xFFFFC180  }
0x70: {  	[tilespmem:s18], [sflag:$0x4] =	stream.indirect.gather [hbm4b:s0+s15], $0x80, s20, s15, $0xb8;
	[tilespmem:$0x1F000] =	vst v63  }
0x71: {  	s20 =	rddreg [dreg:$0xa]  }
0x72: {  	[tilespmem:s14], [sflag:$0x1] =	stream.linear.gather [hbm4b:s20+s4], $0x400, $0x38;
	[tilespmem:$0x1F000] =	vst v63  }
0x73: {  	_ =	swait.ge [sflag:s2], $0x400  }
0x74: {  	[sflag:s2] =	ssyncset.done $0x0  }
0x75: {  	[sflag:s2] =	ssyncadd.s32 $0xFFFFFC00  }
0x76: {  	_ =	swait.ge [sflag:s23], $0x3E80  }
0x77: {  	[sflag:s23] =	ssyncset.done $0x0  }
0x78: {  	[sflag:s23] =	ssyncadd.s32 $0xFFFFC180  }
0x79: {  	[spmem:s3] =	stream.indirect.scatter.add.f32 [tilespmem:s16], [sflag:$0x5], $0x80, s21, s15, $0xb8;
	[tilespmem:$0x1F000] =	vst v63  }
0x7a: {  	_ =	swait.ge [sflag:s13], $0x3E80  }
0x7b: {  	[sflag:s13] =	ssyncset.done $0x0  }
0x7c: {  	s25 =	simm.s32 $0x500;
	[sflag:s13] =	ssyncadd.s32 $0xFFFFC180  }
0x7d: {  	[tilespmem:s16], [sflag:$0x3] =	stream.indirect.gather [hbm4b:s0+s15], $0x80, s25, s15, $0xb8;
	[tilespmem:$0x1F000] =	vst v63  }
0x7e: {  	_ =	swait.ge [sflag:s24], $0x3E80  }
0x7f: {  	[sflag:s24] =	ssyncset.done $0x0  }
0x80: {  	[sflag:s24] =	ssyncadd.s32 $0xFFFFC180  }
0x81: {  	[spmem:s3] =	stream.indirect.scatter.add.f32 [tilespmem:s18], [sflag:$0x5], $0x80, s17, s15, $0xb8;
	[tilespmem:$0x1F000] =	vst v63  }
0x82: {  	_ =	swait.ge [sflag:s13], $0x3E80  }
0x83: {  	[sflag:s13] =	ssyncset.done $0x0  }
0x84: {  	s12 =	simm.s32 $0x580;
	[sflag:s13] =	ssyncadd.s32 $0xFFFFC180  }
0x85: {  	[tilespmem:s18], [sflag:$0x4] =	stream.indirect.gather [hbm4b:s0+s15], $0x80, s12, s15, $0xb8;
	[tilespmem:$0x1F000] =	vst v63  }
0x86: {  	_ =	swait.ge [sflag:s23], $0x3E80  }
0x87: {  	[sflag:s23] =	ssyncset.done $0x0  }
0x88: {  	[sflag:s23] =	ssyncadd.s32 $0xFFFFC180  }
0x89: {  	[spmem:s3] =	stream.indirect.scatter.add.f32 [tilespmem:s16], [sflag:$0x5], $0x80, s5, s15, $0xb8;
	[tilespmem:$0x1F000] =	vst v63  }
0x8a: {  	_ =	swait.ge [sflag:s13], $0x3E80  }
0x8b: {  	[sflag:s13] =	ssyncset.done $0x0  }
0x8c: {  	s25 =	simm.s32 $0x600;
	[sflag:s13] =	ssyncadd.s32 $0xFFFFC180  }
0x8d: {  	[tilespmem:s16], [sflag:$0x3] =	stream.indirect.gather [hbm4b:s0+s15], $0x80, s25, s15, $0xb8;
	[tilespmem:$0x1F000] =	vst v63  }
0x8e: {  	_ =	swait.ge [sflag:s24], $0x3E80  }
0x8f: {  	[sflag:s24] =	ssyncset.done $0x0  }
0x90: {  	[sflag:s24] =	ssyncadd.s32 $0xFFFFC180  }
0x91: {  	[spmem:s3] =	stream.indirect.scatter.add.f32 [tilespmem:s18], [sflag:$0x5], $0x80, s7, s15, $0xb8;
	[tilespmem:$0x1F000] =	vst v63  }
0x92: {  	_ =	swait.ge [sflag:s13], $0x3E80  }
0x93: {  	[sflag:s13] =	ssyncset.done $0x0  }
0x94: {  	s12 =	simm.s32 $0x680;
	[sflag:s13] =	ssyncadd.s32 $0xFFFFC180  }
0x95: {  	[tilespmem:s18], [sflag:$0x4] =	stream.indirect.gather [hbm4b:s0+s15], $0x80, s12, s15, $0xb8;
	[tilespmem:$0x1F000] =	vst v63  }
0x96: {  	_ =	swait.ge [sflag:s23], $0x3E80  }
0x97: {  	[sflag:s23] =	ssyncset.done $0x0  }
0x98: {  	[sflag:s23] =	ssyncadd.s32 $0xFFFFC180  }
0x99: {  	[spmem:s3] =	stream.indirect.scatter.add.f32 [tilespmem:s16], [sflag:$0x5], $0x80, s8, s15, $0xb8;
	[tilespmem:$0x1F000] =	vst v63  }
0x9a: {  	_ =	swait.ge [sflag:s13], $0x3E80  }
0x9b: {  	[sflag:s13] =	ssyncset.done $0x0  }
0x9c: {  	s25 =	simm.s32 $0x700;
	[sflag:s13] =	ssyncadd.s32 $0xFFFFC180  }
0x9d: {  	[tilespmem:s16], [sflag:$0x3] =	stream.indirect.gather [hbm4b:s0+s15], $0x80, s25, s15, $0xb8;
	[tilespmem:$0x1F000] =	vst v63  }
0x9e: {  	_ =	swait.ge [sflag:s24], $0x3E80  }
0x9f: {  	[sflag:s24] =	ssyncset.done $0x0  }
0xa0: {  	[sflag:s24] =	ssyncadd.s32 $0xFFFFC180  }
0xa1: {  	[spmem:s3] =	stream.indirect.scatter.add.f32 [tilespmem:s18], [sflag:$0x5], $0x80, s9, s15, $0xb8;
	[tilespmem:$0x1F000] =	vst v63  }
0xa2: {  	_ =	swait.ge [sflag:s13], $0x3E80  }
0xa3: {  	[sflag:s13] =	ssyncset.done $0x0  }
0xa4: {  	s12 =	simm.s32 $0x780;
	[sflag:s13] =	ssyncadd.s32 $0xFFFFC180  }
0xa5: {  	[tilespmem:s18], [sflag:$0x4] =	stream.indirect.gather [hbm4b:s0+s15], $0x80, s12, s15, $0xb8;
	[tilespmem:$0x1F000] =	vst v63  }
0xa6: {  	_ =	swait.ge [sflag:s23], $0x3E80  }
0xa7: {  	[sflag:s23] =	ssyncset.done $0x0  }
0xa8: {  	[sflag:s23] =	ssyncadd.s32 $0xFFFFC180  }
0xa9: {  	[spmem:s3] =	stream.indirect.scatter.add.f32 [tilespmem:s16], [sflag:$0x5], $0x80, s10, s15, $0xb8;
	[tilespmem:$0x1F000] =	vst v63  }
0xaa: {  	_ =	swait.ge [sflag:s13], $0x3E80  }
0xab: {  	[sflag:s13] =	ssyncset.done $0x0  }
0xac: {  	s25 =	simm.s32 $0x800;
	[sflag:s13] =	ssyncadd.s32 $0xFFFFC180  }
0xad: {  	[tilespmem:s16], [sflag:$0x3] =	stream.indirect.gather [hbm4b:s0+s15], $0x80, s25, s15, $0xb8;
	[tilespmem:$0x1F000] =	vst v63  }
0xae: {  	_ =	swait.ge [sflag:s24], $0x3E80  }
0xaf: {  	[sflag:s24] =	ssyncset.done $0x0  }
0xb0: {  	[sflag:s24] =	ssyncadd.s32 $0xFFFFC180  }
0xb1: {  	[spmem:s3] =	stream.indirect.scatter.add.f32 [tilespmem:s18], [sflag:$0x5], $0x80, s6, s15, $0xb8;
	[tilespmem:$0x1F000] =	vst v63  }
0xb2: {  	_ =	swait.ge [sflag:s13], $0x3E80  }
0xb3: {  	s11 =	simm.s32 $0x880;
	s19 =	sadd.s32 $0x100, s19;
	[sflag:s13] =	ssyncset.done $0x0  }
0xb4: {  	s20 =	sadd.s32 $0x100, s20;
	s12 =	simm.s32 $0x2000;
	[sflag:s13] =	ssyncadd.s32 $0xFFFFC180  }
.LBB2_2:
0xb5: {  	[tilespmem:s18], [sflag:$0x4] =	stream.indirect.gather [hbm4b:s0+s15], $0x80, s11, s15, $0xb8;
	[tilespmem:$0x1F000] =	vst v63  }
0xb6: {  	p0 =	sne.s32 s12, $0x6000;
	s11 =	smov.u32 s12;
	s12 =	sadd.s32 $0x2000, s12  }
0xb7: {  	[tilespmem:s21], [sflag:$0x2] =	stream.linear.gather [hbm4b:s19+s4], $0x400, $0x38;
	[tilespmem:$0x1F000] =	vst v63  }
0xb8: {  	_ =	swait.ge [sflag:s22], $0x400  }
0xb9: {  	[sflag:s22] =	ssyncset.done $0x0  }
0xba: {  	[sflag:s22] =	ssyncadd.s32 $0xFFFFFC00  }
0xbb: {  	_ =	swait.ge [sflag:s23], $0x3E80  }
0xbc: {  	[sflag:s23] =	ssyncset.done $0x0  }
0xbd: {  	[sflag:s23] =	ssyncadd.s32 $0xFFFFC180  }
0xbe: {  	[spmem:s3] =	stream.indirect.scatter.add.f32 [tilespmem:s16], [sflag:$0x5], $0x80, s14, s15, $0xb8;
	[tilespmem:$0x1F000] =	vst v63  }
0xbf: {  	_ =	swait.ge [sflag:s13], $0x3E80  }
0xc0: {  	s11 =	sshra.s32 s11, $0x2;
	[sflag:s13] =	ssyncset.done $0x0  }
0xc1: {  	s25 =	sadd.s32 $0x100, s11;
	[sflag:s13] =	ssyncadd.s32 $0xFFFFC180  }
0xc2: {  	[tilespmem:s16], [sflag:$0x3] =	stream.indirect.gather [hbm4b:s0+s15], $0x80, s25, s15, $0xb8;
	[tilespmem:$0x1F000] =	vst v63  }
0xc3: {  	_ =	swait.ge [sflag:s24], $0x3E80  }
0xc4: {  	[sflag:s24] =	ssyncset.done $0x0  }
0xc5: {  	s25 =	simm.s32 $0x2880;
	[sflag:s24] =	ssyncadd.s32 $0xFFFFC180  }
0xc6: {  	[spmem:s3] =	stream.indirect.scatter.add.f32 [tilespmem:s18], [sflag:$0x5], $0x80, s25, s15, $0xb8;
	[tilespmem:$0x1F000] =	vst v63  }
0xc7: {  	_ =	swait.ge [sflag:s13], $0x3E80  }
0xc8: {  	[sflag:s13] =	ssyncset.done $0x0  }
0xc9: {  	s25 =	sadd.s32 $0x180, s11;
	[sflag:s13] =	ssyncadd.s32 $0xFFFFC180  }
0xca: {  	[tilespmem:s18], [sflag:$0x4] =	stream.indirect.gather [hbm4b:s0+s15], $0x80, s25, s15, $0xb8;
	[tilespmem:$0x1F000] =	vst v63  }
0xcb: {  	_ =	swait.ge [sflag:s23], $0x3E80  }
0xcc: {  	[sflag:s23] =	ssyncset.done $0x0  }
0xcd: {  	[sflag:s23] =	ssyncadd.s32 $0xFFFFC180  }
0xce: {  	[spmem:s3] =	stream.indirect.scatter.add.f32 [tilespmem:s16], [sflag:$0x5], $0x80, s26, s15, $0xb8;
	[tilespmem:$0x1F000] =	vst v63  }
0xcf: {  	_ =	swait.ge [sflag:s13], $0x3E80  }
0xd0: {  	[sflag:s13] =	ssyncset.done $0x0  }
0xd1: {  	s25 =	sadd.s32 $0x200, s11;
	[sflag:s13] =	ssyncadd.s32 $0xFFFFC180  }
0xd2: {  	[tilespmem:s16], [sflag:$0x3] =	stream.indirect.gather [hbm4b:s0+s15], $0x80, s25, s15, $0xb8;
	[tilespmem:$0x1F000] =	vst v63  }
0xd3: {  	_ =	swait.ge [sflag:s24], $0x3E80  }
0xd4: {  	[sflag:s24] =	ssyncset.done $0x0  }
0xd5: {  	[sflag:s24] =	ssyncadd.s32 $0xFFFFC180  }
0xd6: {  	[spmem:s3] =	stream.indirect.scatter.add.f32 [tilespmem:s18], [sflag:$0x5], $0x80, s28, s15, $0xb8;
	[tilespmem:$0x1F000] =	vst v63  }
0xd7: {  	_ =	swait.ge [sflag:s13], $0x3E80  }
0xd8: {  	[sflag:s13] =	ssyncset.done $0x0  }
0xd9: {  	s25 =	sadd.s32 $0x280, s11;
	[sflag:s13] =	ssyncadd.s32 $0xFFFFC180  }
0xda: {  	[tilespmem:s18], [sflag:$0x4] =	stream.indirect.gather [hbm4b:s0+s15], $0x80, s25, s15, $0xb8;
	[tilespmem:$0x1F000] =	vst v63  }
0xdb: {  	_ =	swait.ge [sflag:s23], $0x3E80  }
0xdc: {  	[sflag:s23] =	ssyncset.done $0x0  }
0xdd: {  	[sflag:s23] =	ssyncadd.s32 $0xFFFFC180  }
0xde: {  	[spmem:s3] =	stream.indirect.scatter.add.f32 [tilespmem:s16], [sflag:$0x5], $0x80, s29, s15, $0xb8;
	[tilespmem:$0x1F000] =	vst v63  }
0xdf: {  	_ =	swait.ge [sflag:s13], $0x3E80  }
0xe0: {  	[sflag:s13] =	ssyncset.done $0x0  }
0xe1: {  	s25 =	sadd.s32 $0x300, s11;
	[sflag:s13] =	ssyncadd.s32 $0xFFFFC180  }
0xe2: {  	[tilespmem:s16], [sflag:$0x3] =	stream.indirect.gather [hbm4b:s0+s15], $0x80, s25, s15, $0xb8;
	[tilespmem:$0x1F000] =	vst v63  }
0xe3: {  	_ =	swait.ge [sflag:s24], $0x3E80  }
0xe4: {  	[sflag:s24] =	ssyncset.done $0x0  }
0xe5: {  	[sflag:s24] =	ssyncadd.s32 $0xFFFFC180  }
0xe6: {  	[spmem:s3] =	stream.indirect.scatter.add.f32 [tilespmem:s18], [sflag:$0x5], $0x80, s30, s15, $0xb8;
	[tilespmem:$0x1F000] =	vst v63  }
0xe7: {  	_ =	swait.ge [sflag:s13], $0x3E80  }
0xe8: {  	[sflag:s13] =	ssyncset.done $0x0  }
0xe9: {  	s25 =	sadd.s32 $0x380, s11;
	[sflag:s13] =	ssyncadd.s32 $0xFFFFC180  }
0xea: {  	[tilespmem:s18], [sflag:$0x4] =	stream.indirect.gather [hbm4b:s0+s15], $0x80, s25, s15, $0xb8;
	[tilespmem:$0x1F000] =	vst v63  }
0xeb: {  	_ =	swait.ge [sflag:s23], $0x3E80  }
0xec: {  	[sflag:s23] =	ssyncset.done $0x0  }
0xed: {  	[sflag:s23] =	ssyncadd.s32 $0xFFFFC180  }
0xee: {  	[spmem:s3] =	stream.indirect.scatter.add.f32 [tilespmem:s16], [sflag:$0x5], $0x80, s31, s15, $0xb8;
	[tilespmem:$0x1F000] =	vst v63  }
0xef: {  	_ =	swait.ge [sflag:s13], $0x3E80  }
0xf0: {  	[sflag:s13] =	ssyncset.done $0x0  }
0xf1: {  	s25 =	sadd.s32 $0x400, s11;
	[sflag:s13] =	ssyncadd.s32 $0xFFFFC180  }
0xf2: {  	[tilespmem:s16], [sflag:$0x3] =	stream.indirect.gather [hbm4b:s0+s15], $0x80, s25, s15, $0xb8;
	[tilespmem:$0x1F000] =	vst v63  }
0xf3: {  	_ =	swait.ge [sflag:s24], $0x3E80  }
0xf4: {  	[sflag:s24] =	ssyncset.done $0x0  }
0xf5: {  	[sflag:s24] =	ssyncadd.s32 $0xFFFFC180  }
0xf6: {  	[spmem:s3] =	stream.indirect.scatter.add.f32 [tilespmem:s18], [sflag:$0x5], $0x80, s1, s15, $0xb8;
	[tilespmem:$0x1F000] =	vst v63  }
0xf7: {  	_ =	swait.ge [sflag:s13], $0x3E80  }
0xf8: {  	[sflag:s13] =	ssyncset.done $0x0  }
0xf9: {  	s25 =	sadd.s32 $0x480, s11;
	[sflag:s13] =	ssyncadd.s32 $0xFFFFC180  }
0xfa: {  	[tilespmem:s18], [sflag:$0x4] =	stream.indirect.gather [hbm4b:s0+s15], $0x80, s25, s15, $0xb8;
	[tilespmem:$0x1F000] =	vst v63  }
0xfb: {  	_ = 	snop  }
0xfc: {  	[tilespmem:s14], [sflag:$0x1] =	stream.linear.gather [hbm4b:s20+s4], $0x400, $0x38;
	[tilespmem:$0x1F000] =	vst v63  }
0xfd: {  	_ =	swait.ge [sflag:s2], $0x400  }
0xfe: {  	[sflag:s2] =	ssyncset.done $0x0  }
0xff: {  	[sflag:s2] =	ssyncadd.s32 $0xFFFFFC00  }
0x100: {  	_ =	swait.ge [sflag:s23], $0x3E80  }
0x101: {  	[sflag:s23] =	ssyncset.done $0x0  }
0x102: {  	[sflag:s23] =	ssyncadd.s32 $0xFFFFC180  }
0x103: {  	[spmem:s3] =	stream.indirect.scatter.add.f32 [tilespmem:s16], [sflag:$0x5], $0x80, s21, s15, $0xb8;
	[tilespmem:$0x1F000] =	vst v63  }
0x104: {  	_ =	swait.ge [sflag:s13], $0x3E80  }
0x105: {  	[sflag:s13] =	ssyncset.done $0x0  }
0x106: {  	s25 =	sadd.s32 $0x500, s11;
	[sflag:s13] =	ssyncadd.s32 $0xFFFFC180  }
0x107: {  	[tilespmem:s16], [sflag:$0x3] =	stream.indirect.gather [hbm4b:s0+s15], $0x80, s25, s15, $0xb8;
	[tilespmem:$0x1F000] =	vst v63  }
0x108: {  	_ =	swait.ge [sflag:s24], $0x3E80  }
0x109: {  	[sflag:s24] =	ssyncset.done $0x0  }
0x10a: {  	[sflag:s24] =	ssyncadd.s32 $0xFFFFC180  }
0x10b: {  	[spmem:s3] =	stream.indirect.scatter.add.f32 [tilespmem:s18], [sflag:$0x5], $0x80, s17, s15, $0xb8;
	[tilespmem:$0x1F000] =	vst v63  }
0x10c: {  	_ =	swait.ge [sflag:s13], $0x3E80  }
0x10d: {  	[sflag:s13] =	ssyncset.done $0x0  }
0x10e: {  	s25 =	sadd.s32 $0x580, s11;
	[sflag:s13] =	ssyncadd.s32 $0xFFFFC180  }
0x10f: {  	[tilespmem:s18], [sflag:$0x4] =	stream.indirect.gather [hbm4b:s0+s15], $0x80, s25, s15, $0xb8;
	[tilespmem:$0x1F000] =	vst v63  }
0x110: {  	_ =	swait.ge [sflag:s23], $0x3E80  }
0x111: {  	[sflag:s23] =	ssyncset.done $0x0  }
0x112: {  	[sflag:s23] =	ssyncadd.s32 $0xFFFFC180  }
0x113: {  	[spmem:s3] =	stream.indirect.scatter.add.f32 [tilespmem:s16], [sflag:$0x5], $0x80, s5, s15, $0xb8;
	[tilespmem:$0x1F000] =	vst v63  }
0x114: {  	_ =	swait.ge [sflag:s13], $0x3E80  }
0x115: {  	[sflag:s13] =	ssyncset.done $0x0  }
0x116: {  	s25 =	sadd.s32 $0x600, s11;
	[sflag:s13] =	ssyncadd.s32 $0xFFFFC180  }
0x117: {  	[tilespmem:s16], [sflag:$0x3] =	stream.indirect.gather [hbm4b:s0+s15], $0x80, s25, s15, $0xb8;
	[tilespmem:$0x1F000] =	vst v63  }
0x118: {  	_ =	swait.ge [sflag:s24], $0x3E80  }
0x119: {  	[sflag:s24] =	ssyncset.done $0x0  }
0x11a: {  	[sflag:s24] =	ssyncadd.s32 $0xFFFFC180  }
0x11b: {  	[spmem:s3] =	stream.indirect.scatter.add.f32 [tilespmem:s18], [sflag:$0x5], $0x80, s7, s15, $0xb8;
	[tilespmem:$0x1F000] =	vst v63  }
0x11c: {  	_ =	swait.ge [sflag:s13], $0x3E80  }
0x11d: {  	[sflag:s13] =	ssyncset.done $0x0  }
0x11e: {  	s25 =	sadd.s32 $0x680, s11;
	[sflag:s13] =	ssyncadd.s32 $0xFFFFC180  }
0x11f: {  	[tilespmem:s18], [sflag:$0x4] =	stream.indirect.gather [hbm4b:s0+s15], $0x80, s25, s15, $0xb8;
	[tilespmem:$0x1F000] =	vst v63  }
0x120: {  	_ =	swait.ge [sflag:s23], $0x3E80  }
0x121: {  	[sflag:s23] =	ssyncset.done $0x0  }
0x122: {  	[sflag:s23] =	ssyncadd.s32 $0xFFFFC180  }
0x123: {  	[spmem:s3] =	stream.indirect.scatter.add.f32 [tilespmem:s16], [sflag:$0x5], $0x80, s8, s15, $0xb8;
	[tilespmem:$0x1F000] =	vst v63  }
0x124: {  	_ =	swait.ge [sflag:s13], $0x3E80  }
0x125: {  	[sflag:s13] =	ssyncset.done $0x0  }
0x126: {  	s25 =	sadd.s32 $0x700, s11;
	[sflag:s13] =	ssyncadd.s32 $0xFFFFC180  }
0x127: {  	[tilespmem:s16], [sflag:$0x3] =	stream.indirect.gather [hbm4b:s0+s15], $0x80, s25, s15, $0xb8;
	[tilespmem:$0x1F000] =	vst v63  }
0x128: {  	_ =	swait.ge [sflag:s24], $0x3E80  }
0x129: {  	[sflag:s24] =	ssyncset.done $0x0  }
0x12a: {  	[sflag:s24] =	ssyncadd.s32 $0xFFFFC180  }
0x12b: {  	[spmem:s3] =	stream.indirect.scatter.add.f32 [tilespmem:s18], [sflag:$0x5], $0x80, s9, s15, $0xb8;
	[tilespmem:$0x1F000] =	vst v63  }
0x12c: {  	_ =	swait.ge [sflag:s13], $0x3E80  }
0x12d: {  	[sflag:s13] =	ssyncset.done $0x0  }
0x12e: {  	s25 =	sadd.s32 $0x780, s11;
	[sflag:s13] =	ssyncadd.s32 $0xFFFFC180  }
0x12f: {  	[tilespmem:s18], [sflag:$0x4] =	stream.indirect.gather [hbm4b:s0+s15], $0x80, s25, s15, $0xb8;
	[tilespmem:$0x1F000] =	vst v63  }
0x130: {  	_ =	swait.ge [sflag:s23], $0x3E80  }
0x131: {  	[sflag:s23] =	ssyncset.done $0x0  }
0x132: {  	[sflag:s23] =	ssyncadd.s32 $0xFFFFC180  }
0x133: {  	[spmem:s3] =	stream.indirect.scatter.add.f32 [tilespmem:s16], [sflag:$0x5], $0x80, s10, s15, $0xb8;
	[tilespmem:$0x1F000] =	vst v63  }
0x134: {  	_ =	swait.ge [sflag:s13], $0x3E80  }
0x135: {  	[sflag:s13] =	ssyncset.done $0x0  }
0x136: {  	s25 =	sadd.s32 $0x800, s11;
	[sflag:s13] =	ssyncadd.s32 $0xFFFFC180  }
0x137: {  	[tilespmem:s16], [sflag:$0x3] =	stream.indirect.gather [hbm4b:s0+s15], $0x80, s25, s15, $0xb8;
	[tilespmem:$0x1F000] =	vst v63  }
0x138: {  	_ =	swait.ge [sflag:s24], $0x3E80  }
0x139: {  	[sflag:s24] =	ssyncset.done $0x0  }
.Ltmp0:
0x13a: {  	[sflag:s24] =	ssyncadd.s32 $0xFFFFC180;
	(pc) =	sbr.rel @p0 .LBB2_2-.Ltmp0, $4  }
0x13b: {  	[spmem:s3] =	stream.indirect.scatter.add.f32 [tilespmem:s18], [sflag:$0x5], $0x80, s6, s15, $0xb8;
	[tilespmem:$0x1F000] =	vst v63  }
0x13c: {  	_ =	swait.ge [sflag:s13], $0x3E80  }
0x13d: {  	s19 =	sadd.s32 $0x100, s19;
	[sflag:s13] =	ssyncset.done $0x0  }
0x13e: {  	s20 =	sadd.s32 $0x100, s20;
	s11 =	sadd.s32 $0x880, s11;
	[sflag:s13] =	ssyncadd.s32 $0xFFFFC180  }
0x13f: {  	[tilespmem:s18], [sflag:$0x4] =	stream.indirect.gather [hbm4b:s0+s15], $0x80, s11, s15, $0xb8;
	[tilespmem:$0x1F000] =	vst v63  }
0x140: {  	s20 =	rddreg [dreg:$0x7]  }
0x141: {  	[tilespmem:s21], [sflag:$0x2] =	stream.linear.gather [hbm4b:s20+s4], $0x400, $0x38;
	[tilespmem:$0x1F000] =	vst v63  }
0x142: {  	_ =	swait.ge [sflag:s22], $0x400  }
0x143: {  	[sflag:s22] =	ssyncset.done $0x0  }
0x144: {  	[sflag:s22] =	ssyncadd.s32 $0xFFFFFC00  }
0x145: {  	_ =	swait.ge [sflag:s23], $0x3E80  }
0x146: {  	[sflag:s23] =	ssyncset.done $0x0  }
0x147: {  	[sflag:s23] =	ssyncadd.s32 $0xFFFFC180  }
0x148: {  	[spmem:s3] =	stream.indirect.scatter.add.f32 [tilespmem:s16], [sflag:$0x5], $0x80, s14, s15, $0xb8;
	[tilespmem:$0x1F000] =	vst v63  }
0x149: {  	_ =	swait.ge [sflag:s13], $0x3E80  }
0x14a: {  	[sflag:s13] =	ssyncset.done $0x0  }
0x14b: {  	s25 =	simm.s32 $0x2100;
	[sflag:s13] =	ssyncadd.s32 $0xFFFFC180  }
0x14c: {  	[tilespmem:s16], [sflag:$0x3] =	stream.indirect.gather [hbm4b:s0+s15], $0x80, s25, s15, $0xb8;
	[tilespmem:$0x1F000] =	vst v63  }
0x14d: {  	_ =	swait.ge [sflag:s24], $0x3E80  }
0x14e: {  	[sflag:s24] =	ssyncset.done $0x0  }
0x14f: {  	s12 =	simm.s32 $0x2880;
	[sflag:s24] =	ssyncadd.s32 $0xFFFFC180  }
0x150: {  	[spmem:s3] =	stream.indirect.scatter.add.f32 [tilespmem:s18], [sflag:$0x5], $0x80, s12, s15, $0xb8;
	[tilespmem:$0x1F000] =	vst v63  }
0x151: {  	_ =	swait.ge [sflag:s13], $0x3E80  }
0x152: {  	[sflag:s13] =	ssyncset.done $0x0  }
0x153: {  	s19 =	simm.s32 $0x2180;
	[sflag:s13] =	ssyncadd.s32 $0xFFFFC180  }
0x154: {  	[tilespmem:s18], [sflag:$0x4] =	stream.indirect.gather [hbm4b:s0+s15], $0x80, s19, s15, $0xb8;
	[tilespmem:$0x1F000] =	vst v63  }
0x155: {  	_ =	swait.ge [sflag:s23], $0x3E80  }
0x156: {  	[sflag:s23] =	ssyncset.done $0x0  }
0x157: {  	[sflag:s23] =	ssyncadd.s32 $0xFFFFC180  }
0x158: {  	[spmem:s3] =	stream.indirect.scatter.add.f32 [tilespmem:s16], [sflag:$0x5], $0x80, s26, s15, $0xb8;
	[tilespmem:$0x1F000] =	vst v63  }
0x159: {  	_ =	swait.ge [sflag:s13], $0x3E80  }
0x15a: {  	[sflag:s13] =	ssyncset.done $0x0  }
0x15b: {  	s20 =	simm.s32 $0x2200;
	[sflag:s13] =	ssyncadd.s32 $0xFFFFC180  }
0x15c: {  	[tilespmem:s16], [sflag:$0x3] =	stream.indirect.gather [hbm4b:s0+s15], $0x80, s20, s15, $0xb8;
	[tilespmem:$0x1F000] =	vst v63  }
0x15d: {  	_ =	swait.ge [sflag:s24], $0x3E80  }
0x15e: {  	[sflag:s24] =	ssyncset.done $0x0  }
0x15f: {  	[sflag:s24] =	ssyncadd.s32 $0xFFFFC180  }
0x160: {  	[spmem:s3] =	stream.indirect.scatter.add.f32 [tilespmem:s18], [sflag:$0x5], $0x80, s28, s15, $0xb8;
	[tilespmem:$0x1F000] =	vst v63  }
0x161: {  	_ =	swait.ge [sflag:s13], $0x3E80  }
0x162: {  	[sflag:s13] =	ssyncset.done $0x0  }
0x163: {  	s25 =	simm.s32 $0x2280;
	[sflag:s13] =	ssyncadd.s32 $0xFFFFC180  }
0x164: {  	[tilespmem:s18], [sflag:$0x4] =	stream.indirect.gather [hbm4b:s0+s15], $0x80, s25, s15, $0xb8;
	[tilespmem:$0x1F000] =	vst v63  }
0x165: {  	_ =	swait.ge [sflag:s23], $0x3E80  }
0x166: {  	[sflag:s23] =	ssyncset.done $0x0  }
0x167: {  	[sflag:s23] =	ssyncadd.s32 $0xFFFFC180  }
0x168: {  	[spmem:s3] =	stream.indirect.scatter.add.f32 [tilespmem:s16], [sflag:$0x5], $0x80, s29, s15, $0xb8;
	[tilespmem:$0x1F000] =	vst v63  }
0x169: {  	_ =	swait.ge [sflag:s13], $0x3E80  }
0x16a: {  	[sflag:s13] =	ssyncset.done $0x0  }
0x16b: {  	s12 =	simm.s32 $0x2300;
	[sflag:s13] =	ssyncadd.s32 $0xFFFFC180  }
0x16c: {  	[tilespmem:s16], [sflag:$0x3] =	stream.indirect.gather [hbm4b:s0+s15], $0x80, s12, s15, $0xb8;
	[tilespmem:$0x1F000] =	vst v63  }
0x16d: {  	_ =	swait.ge [sflag:s24], $0x3E80  }
0x16e: {  	[sflag:s24] =	ssyncset.done $0x0  }
0x16f: {  	[sflag:s24] =	ssyncadd.s32 $0xFFFFC180  }
0x170: {  	[spmem:s3] =	stream.indirect.scatter.add.f32 [tilespmem:s18], [sflag:$0x5], $0x80, s30, s15, $0xb8;
	[tilespmem:$0x1F000] =	vst v63  }
0x171: {  	_ =	swait.ge [sflag:s13], $0x3E80  }
0x172: {  	[sflag:s13] =	ssyncset.done $0x0  }
0x173: {  	s19 =	simm.s32 $0x2380;
	[sflag:s13] =	ssyncadd.s32 $0xFFFFC180  }
0x174: {  	[tilespmem:s18], [sflag:$0x4] =	stream.indirect.gather [hbm4b:s0+s15], $0x80, s19, s15, $0xb8;
	[tilespmem:$0x1F000] =	vst v63  }
0x175: {  	_ =	swait.ge [sflag:s23], $0x3E80  }
0x176: {  	[sflag:s23] =	ssyncset.done $0x0  }
0x177: {  	[sflag:s23] =	ssyncadd.s32 $0xFFFFC180  }
0x178: {  	[spmem:s3] =	stream.indirect.scatter.add.f32 [tilespmem:s16], [sflag:$0x5], $0x80, s31, s15, $0xb8;
	[tilespmem:$0x1F000] =	vst v63  }
0x179: {  	_ =	swait.ge [sflag:s13], $0x3E80  }
0x17a: {  	[sflag:s13] =	ssyncset.done $0x0  }
0x17b: {  	s20 =	simm.s32 $0x2400;
	[sflag:s13] =	ssyncadd.s32 $0xFFFFC180  }
0x17c: {  	[tilespmem:s16], [sflag:$0x3] =	stream.indirect.gather [hbm4b:s0+s15], $0x80, s20, s15, $0xb8;
	[tilespmem:$0x1F000] =	vst v63  }
0x17d: {  	_ =	swait.ge [sflag:s24], $0x3E80  }
0x17e: {  	[sflag:s24] =	ssyncset.done $0x0  }
0x17f: {  	[sflag:s24] =	ssyncadd.s32 $0xFFFFC180  }
0x180: {  	[spmem:s3] =	stream.indirect.scatter.add.f32 [tilespmem:s18], [sflag:$0x5], $0x80, s1, s15, $0xb8;
	[tilespmem:$0x1F000] =	vst v63  }
0x181: {  	_ =	swait.ge [sflag:s13], $0x3E80  }
0x182: {  	[sflag:s13] =	ssyncset.done $0x0  }
0x183: {  	s25 =	simm.s32 $0x2480;
	[sflag:s13] =	ssyncadd.s32 $0xFFFFC180  }
0x184: {  	[tilespmem:s18], [sflag:$0x4] =	stream.indirect.gather [hbm4b:s0+s15], $0x80, s25, s15, $0xb8;
	[tilespmem:$0x1F000] =	vst v63  }
0x185: {  	_ =	swait.ge [sflag:s2], $0x400  }
0x186: {  	[sflag:s2] =	ssyncset.done $0x0  }
0x187: {  	[sflag:s2] =	ssyncadd.s32 $0xFFFFFC00  }
0x188: {  	_ =	swait.ge [sflag:s23], $0x3E80  }
0x189: {  	[sflag:s23] =	ssyncset.done $0x0  }
0x18a: {  	[sflag:s23] =	ssyncadd.s32 $0xFFFFC180  }
0x18b: {  	[spmem:s3] =	stream.indirect.scatter.add.f32 [tilespmem:s16], [sflag:$0x5], $0x80, s21, s15, $0xb8;
	[tilespmem:$0x1F000] =	vst v63  }
0x18c: {  	_ =	swait.ge [sflag:s13], $0x3E80  }
0x18d: {  	[sflag:s13] =	ssyncset.done $0x0  }
0x18e: {  	s12 =	simm.s32 $0x2500;
	[sflag:s13] =	ssyncadd.s32 $0xFFFFC180  }
0x18f: {  	[tilespmem:s16], [sflag:$0x3] =	stream.indirect.gather [hbm4b:s0+s15], $0x80, s12, s15, $0xb8;
	[tilespmem:$0x1F000] =	vst v63  }
0x190: {  	_ =	swait.ge [sflag:s24], $0x3E80  }
0x191: {  	[sflag:s24] =	ssyncset.done $0x0  }
0x192: {  	[sflag:s24] =	ssyncadd.s32 $0xFFFFC180  }
0x193: {  	[spmem:s3] =	stream.indirect.scatter.add.f32 [tilespmem:s18], [sflag:$0x5], $0x80, s17, s15, $0xb8;
	[tilespmem:$0x1F000] =	vst v63  }
0x194: {  	_ =	swait.ge [sflag:s13], $0x3E80  }
0x195: {  	[sflag:s13] =	ssyncset.done $0x0  }
0x196: {  	s19 =	simm.s32 $0x2580;
	[sflag:s13] =	ssyncadd.s32 $0xFFFFC180  }
0x197: {  	[tilespmem:s18], [sflag:$0x4] =	stream.indirect.gather [hbm4b:s0+s15], $0x80, s19, s15, $0xb8;
	[tilespmem:$0x1F000] =	vst v63  }
0x198: {  	_ =	swait.ge [sflag:s23], $0x3E80  }
0x199: {  	[sflag:s23] =	ssyncset.done $0x0  }
0x19a: {  	[sflag:s23] =	ssyncadd.s32 $0xFFFFC180  }
0x19b: {  	[spmem:s3] =	stream.indirect.scatter.add.f32 [tilespmem:s16], [sflag:$0x5], $0x80, s5, s15, $0xb8;
	[tilespmem:$0x1F000] =	vst v63  }
0x19c: {  	_ =	swait.ge [sflag:s13], $0x3E80  }
0x19d: {  	[sflag:s13] =	ssyncset.done $0x0  }
0x19e: {  	s20 =	simm.s32 $0x2600;
	[sflag:s13] =	ssyncadd.s32 $0xFFFFC180  }
0x19f: {  	[tilespmem:s16], [sflag:$0x3] =	stream.indirect.gather [hbm4b:s0+s15], $0x80, s20, s15, $0xb8;
	[tilespmem:$0x1F000] =	vst v63  }
0x1a0: {  	_ =	swait.ge [sflag:s24], $0x3E80  }
0x1a1: {  	[sflag:s24] =	ssyncset.done $0x0  }
0x1a2: {  	[sflag:s24] =	ssyncadd.s32 $0xFFFFC180  }
0x1a3: {  	[spmem:s3] =	stream.indirect.scatter.add.f32 [tilespmem:s18], [sflag:$0x5], $0x80, s7, s15, $0xb8;
	[tilespmem:$0x1F000] =	vst v63  }
0x1a4: {  	_ =	swait.ge [sflag:s13], $0x3E80  }
0x1a5: {  	[sflag:s13] =	ssyncset.done $0x0  }
0x1a6: {  	s25 =	simm.s32 $0x2680;
	[sflag:s13] =	ssyncadd.s32 $0xFFFFC180  }
0x1a7: {  	[tilespmem:s18], [sflag:$0x4] =	stream.indirect.gather [hbm4b:s0+s15], $0x80, s25, s15, $0xb8;
	[tilespmem:$0x1F000] =	vst v63  }
0x1a8: {  	_ =	swait.ge [sflag:s23], $0x3E80  }
0x1a9: {  	[sflag:s23] =	ssyncset.done $0x0  }
0x1aa: {  	[sflag:s23] =	ssyncadd.s32 $0xFFFFC180  }
0x1ab: {  	[spmem:s3] =	stream.indirect.scatter.add.f32 [tilespmem:s16], [sflag:$0x5], $0x80, s8, s15, $0xb8;
	[tilespmem:$0x1F000] =	vst v63  }
0x1ac: {  	_ =	swait.ge [sflag:s13], $0x3E80  }
0x1ad: {  	[sflag:s13] =	ssyncset.done $0x0  }
0x1ae: {  	s12 =	simm.s32 $0x2700;
	[sflag:s13] =	ssyncadd.s32 $0xFFFFC180  }
0x1af: {  	[tilespmem:s16], [sflag:$0x3] =	stream.indirect.gather [hbm4b:s0+s15], $0x80, s12, s15, $0xb8;
	[tilespmem:$0x1F000] =	vst v63  }
0x1b0: {  	_ =	swait.ge [sflag:s24], $0x3E80  }
0x1b1: {  	[sflag:s24] =	ssyncset.done $0x0  }
0x1b2: {  	[sflag:s24] =	ssyncadd.s32 $0xFFFFC180  }
0x1b3: {  	[spmem:s3] =	stream.indirect.scatter.add.f32 [tilespmem:s18], [sflag:$0x5], $0x80, s9, s15, $0xb8;
	[tilespmem:$0x1F000] =	vst v63  }
0x1b4: {  	_ =	swait.ge [sflag:s13], $0x3E80  }
0x1b5: {  	[sflag:s13] =	ssyncset.done $0x0  }
0x1b6: {  	s19 =	simm.s32 $0x2780;
	[sflag:s13] =	ssyncadd.s32 $0xFFFFC180  }
0x1b7: {  	[tilespmem:s18], [sflag:$0x4] =	stream.indirect.gather [hbm4b:s0+s15], $0x80, s19, s15, $0xb8;
	[tilespmem:$0x1F000] =	vst v63  }
0x1b8: {  	_ =	swait.ge [sflag:s23], $0x3E80  }
0x1b9: {  	[sflag:s23] =	ssyncset.done $0x0  }
0x1ba: {  	[sflag:s23] =	ssyncadd.s32 $0xFFFFC180  }
0x1bb: {  	[spmem:s3] =	stream.indirect.scatter.add.f32 [tilespmem:s16], [sflag:$0x2], $0x80, s10, s15, $0xb8;
	[tilespmem:$0x1F000] =	vst v63  }
0x1bc: {  	_ =	swait.ge [sflag:s24], $0x3E80  }
0x1bd: {  	[sflag:s24] =	ssyncset.done $0x0  }
0x1be: {  	[sflag:s24] =	ssyncadd.s32 $0xFFFFC180  }
0x1bf: {  	[spmem:s3] =	stream.indirect.scatter.add.f32 [tilespmem:s18], [sflag:$0x2], $0x80, s6, s15, $0xb8;
	[tilespmem:$0x1F000] =	vst v63  }
0x1c0: {  	_ =	swait.ge [sflag:s2], $0x3E80  }
0x1c1: {  	[sflag:s2] =	ssyncset.done $0x0  }
0x1c2: {  	[sflag:s2] =	ssyncadd.s32 $0xFFFFC180  }
0x1c3: {  	_ =	swait.ge [sflag:s2], $0x3E80  }
0x1c4: {  	[sflag:s2] =	ssyncset.done $0x0  }
0x1c5: {  	[sflag:s2] =	ssyncadd.s32 $0xFFFFC180  }
0x1c6: {  	[bflag:$0x0] =	sbarrier.arrive $0xFFFF  }
0x1c7: {  	s20 =	rddreg [dreg:$0x8]  }
0x1c8: {  	s12 =	rddreg [dreg:$0xc]  }
0x1c9: {  	s19 =	rddreg [dreg:$0xd]  }
0x1ca: {  	[hbm:s20], [sflag:s12] =	dma.local [spmem:s19], $0x2800  }
0x1cb: {  	_ =	swait.ge [sflag:s13], $0x2800  }
0x1cc: {  	s20 =	rddreg [dreg:$0xe]  }
0x1cd: {  	s25 =	rddreg [dreg:$0x9];
	s20 =	sadd.s32 $0x1, s20  }
0x1ce: {  	p0 =	sne.s32 s20, s25  }
.Ltmp1:
0x1cf: {  	_ = 	snop;
	(pc) =	sbr.rel @p0 .LBB2_1-.Ltmp1, $3  }
0x1d0: {  	_ =	sdelay $0x1  }
0x1d1: {  	[sflag:s13] =	ssyncset.done $0x0  }
0x1d2: {  	[sflag:s13] =	ssyncadd.s32 $0xFFFFD800  }
0x1d3: {  	_ =	sfence.sel $0x180000  }
0x1d4: {  	[bflag:$0x0] =	sbarrier.arrive $0xFFFF  }
0x1d5: {  	_ =	strace $0x9000004A  }
0x1d6: {  	s0 =	stileid.u32;
	[bflag:$0x2] =	sbarrier.arrive $0xFFFF  }
0x1d7: {  	p0 =	sne.s32 s0, $0x0;
	s0 =	rddreg [dreg:$0x3]  }
0x1d8: {  	s0 =	sadd.s32 @!p0 $0x100000, s0  }
0x1d9: {  	[sflag:s0] =	ssyncadd.tile.s32 @!p0 $0x1;
	_ =	shalt  }
.Lfunc_end2:
_tile_overlayer_lowered:
.L_overlay_start_2:
0x1da: {  	(tag) =	ssettag $0x2  }
0x1db: {  	s0 =	rddreg [dreg:$0x0];
	s2 =	stileid.u32  }
0x1dc: {  	s1 =	rddreg [dreg:$0x1];
	p0 =	sne.s32 s2, $0x0  }
0x1dd: {  	s3 =	rddreg [dreg:$0x2];
	[bflag:$0x3] =	sbarrier.arrive $0xFFFF;
	s2 =	simm.s32 @!p0 $0x1C05  }
0x1de: {  	[timem:s3], [sflag:s2] =	dma.local @!p0 [hbm:s0], s1  }
0x1df: {  	s0 =	simm.s32 @!p0 $0x5  }
0x1e0: {  	_ =	swait.ge @!p0 [sflag:s0], s1  }
0x1e1: {  	s1 =	ssub.s32 @!p0 $0x0, s1;
	[sflag:s0] =	ssyncset.done @!p0 $0x0  }
0x1e2: {  	[sflag:s0] =	ssyncadd.s32 @!p0 s1  }
0x1e3: {  	[bflag:$0x3] =	sbarrier.arrive $0xFFFF  }
0x1e4: {  	_ =	shalt  }

</sc_bundles>
